<compile_context>
chip_gen: v7x
topology: tpu7x:2x2x1
jax: 0.10.2.dev20260603
libtpu: 0.0.44.dev20260713+nightly
codegen_flags: <defaults>
</compile_context>

<pallas_src>
import functools

import jax
import jax.numpy as jnp
from jax import lax
from jax.experimental import pallas as pl
from jax.experimental.pallas import tpu as pltpu
from jax.experimental.pallas import tpu_sc as plsc

N = 10000
D = 128
E = 320000
NC = 2
NS = 16
NW = NC * NS
CH = 80
NCHUNK = 125
EP = NCHUNK * CH
NBUF = 2
NP = 10240
RPT = NP // NS
RCH = RPT // CH


def _fill_const_2d(ref, nrows, ncols, value):
    vec = jnp.full((16,), value, dtype=jnp.float32)

    def row(r, _):
        def col(c, _):
            ref[r, pl.ds(c * 16, 16)] = vec
            return 0
        return lax.fori_loop(0, ncols // 16, col, 0)

    lax.fori_loop(0, nrows, row, 0)


@functools.lru_cache(maxsize=None)
def _make_sc_conv(with_deg):
    mesh = plsc.VectorSubcoreMesh(core_axis_name="c", subcore_axis_name="s",
                                  num_cores=NC, num_subcores=NS)
    out_type = [jax.ShapeDtypeStruct((NC * NP, D), jnp.float32)]
    if with_deg:
        out_type.append(jax.ShapeDtypeStruct((NC * NP, D), jnp.float32))
    scratch = (
        [pltpu.VMEM((NCHUNK, CH), jnp.int32)]
        + [pltpu.VMEM((CH,), jnp.int32) for _ in range(NBUF)]
        + [pltpu.VMEM((CH, D), jnp.float32) for _ in range(NBUF)]
        + [pltpu.SemaphoreType.DMA for _ in range(NBUF)]
        + [pltpu.VMEM_SHARED((NP, D), jnp.float32)]
    )

    def body(h_hbm, src_hbm, dst_hbm, *rest):
        if with_deg:
            (p_out, degp_out, dst_v, *rs, acc_sh) = rest
        else:
            (p_out, dst_v, *rs, acc_sh) = rest
        srcs = rs[:NBUF]
        rows = rs[NBUF:2 * NBUF]
        sems = rs[2 * NBUF:]
        cid = lax.axis_index("c")
        sid = lax.axis_index("s")
        wid = sid * NC + cid
        r0 = sid * RPT
        obase = cid * NP

        def zero_acc():
            def zstep(i, _):
                pltpu.sync_copy(rows[0], acc_sh.at[pl.ds(r0 + i * CH, CH)])
                return 0

            lax.fori_loop(0, RCH, zstep, 0)

        def dump_acc(out):
            def dstep(i, _):
                off = r0 + i * CH
                pltpu.sync_copy(acc_sh.at[pl.ds(off, CH)], rows[0])
                pltpu.sync_copy(rows[0], out.at[pl.ds(obase + off, CH)])
                return 0

            lax.fori_loop(0, RCH, dstep, 0)

        pltpu.sync_copy(dst_hbm.at[wid], dst_v)

        _fill_const_2d(rows[0], CH, D, 0.0)
        zero_acc()
        plsc.subcore_barrier()

        for b in range(NBUF):
            pltpu.sync_copy(src_hbm.at[wid, b], srcs[b])
            pltpu.async_copy(h_hbm.at[srcs[b]], rows[b], sems[b])

        def estep(j, _):
            for b in range(NBUF):
                k = j * NBUF + b
                pltpu.make_async_copy(h_hbm.at[srcs[b]], rows[b],
                                      sems[b]).wait()
                pltpu.sync_copy(rows[b], acc_sh.at[dst_v.at[k]], add=True)

                @pl.when(k + NBUF < NCHUNK)
                def _():
                    pltpu.sync_copy(src_hbm.at[wid, k + NBUF], srcs[b])
                    pltpu.async_copy(h_hbm.at[srcs[b]], rows[b], sems[b])
            return 0

        lax.fori_loop(0, NCHUNK // NBUF, estep, 0)
        for b in range(NCHUNK % NBUF):
            k = (NCHUNK // NBUF) * NBUF + b
            pltpu.make_async_copy(h_hbm.at[srcs[b]], rows[b], sems[b]).wait()
            pltpu.sync_copy(rows[b], acc_sh.at[dst_v.at[k]], add=True)
        plsc.subcore_barrier()

        dump_acc(p_out)

        if with_deg:
            _fill_const_2d(rows[0], CH, D, 0.0)
            zero_acc()
            plsc.subcore_barrier()
            _fill_const_2d(rows[1], CH, D, 1.0)

            def gstep(k, _):
                pltpu.sync_copy(rows[1], acc_sh.at[dst_v.at[k]], add=True)
                return 0

            lax.fori_loop(0, NCHUNK, gstep, 0)
            plsc.subcore_barrier()
            dump_acc(degp_out)

    return pl.kernel(body, out_type=out_type, mesh=mesh,
                     scratch_types=scratch)



_R = 2000


def _proj_kernel(x_ref, w_ref, o_ref):
    o_ref[...] = jnp.maximum(
        jnp.dot(x_ref[...], w_ref[...], preferred_element_type=jnp.float32),
        0.0)


def _proj_relu(x, w):
    return pl.pallas_call(
        _proj_kernel,
        grid=(N // _R,),
        in_specs=[pl.BlockSpec((_R, D), lambda i: (i, 0)),
                  pl.BlockSpec((D, D), lambda i: (0, 0))],
        out_specs=pl.BlockSpec((_R, D), lambda i: (i, 0)),
        out_shape=jax.ShapeDtypeStruct((N, D), jnp.float32),
    )(x, w)


def _mid_kernel(coeff_ref, p_ref, degp_ref, basis_ref, h_ref, inv_ref):
    w = coeff_ref[0, 0] * basis_ref[0] + coeff_ref[0, 1] * basis_ref[1]
    agg = p_ref[0] + p_ref[1]
    deg = degp_ref[0] + degp_ref[1]
    inv = 1.0 / jnp.maximum(deg, 1.0)
    inv_ref[...] = inv
    m = jnp.dot(agg, w, preferred_element_type=jnp.float32) * inv
    h_ref[...] = jnp.maximum(m, 0.0)


def _mid(p, degp, basis, coeff_row):
    return pl.pallas_call(
        _mid_kernel,
        grid=(N // _R,),
        in_specs=[pl.BlockSpec(memory_space=pltpu.SMEM),
                  pl.BlockSpec((NC, _R, D), lambda i: (0, i, 0)),
                  pl.BlockSpec((NC, _R, D), lambda i: (0, i, 0)),
                  pl.BlockSpec((2, D, D), lambda i: (0, 0, 0))],
        out_specs=[pl.BlockSpec((_R, D), lambda i: (i, 0)),
                   pl.BlockSpec((_R, D), lambda i: (i, 0))],
        out_shape=[jax.ShapeDtypeStruct((N, D), jnp.float32),
                   jax.ShapeDtypeStruct((N, D), jnp.float32)],
    )(coeff_row, p, degp, basis)


def _final_kernel(coeff_ref, p_ref, inv_ref, basis_ref, wdec_ref, bdec_ref,
                  feat_ref, h_ref, loss_ref):
    w = coeff_ref[0, 0] * basis_ref[0] + coeff_ref[0, 1] * basis_ref[1]
    agg = p_ref[0] + p_ref[1]
    h = jnp.dot(agg, w, preferred_element_type=jnp.float32) * inv_ref[...]
    h_ref[...] = h
    rec = (jnp.dot(h, wdec_ref[...], preferred_element_type=jnp.float32)
           + bdec_ref[...])
    dlt = rec - feat_ref[...]
    part = jnp.sum(dlt * dlt) / (N * D)

    @pl.when(pl.program_id(0) == 0)
    def _():
        loss_ref[0, 0] = 0.0

    loss_ref[0, 0] += part


def _final(p, inv, basis, coeff_row, wdec, bdec, feat):
    return pl.pallas_call(
        _final_kernel,
        grid=(N // _R,),
        in_specs=[pl.BlockSpec(memory_space=pltpu.SMEM),
                  pl.BlockSpec((NC, _R, D), lambda i: (0, i, 0)),
                  pl.BlockSpec((_R, D), lambda i: (i, 0)),
                  pl.BlockSpec((2, D, D), lambda i: (0, 0, 0)),
                  pl.BlockSpec((D, D), lambda i: (0, 0)),
                  pl.BlockSpec((1, D), lambda i: (0, 0)),
                  pl.BlockSpec((_R, D), lambda i: (i, 0))],
        out_specs=[pl.BlockSpec((_R, D), lambda i: (i, 0)),
                   pl.BlockSpec(memory_space=pltpu.SMEM)],
        out_shape=[jax.ShapeDtypeStruct((N, D), jnp.float32),
                   jax.ShapeDtypeStruct((1, 1), jnp.float32)],
    )(coeff_row, p, inv, basis, wdec, bdec.reshape(1, D), feat)


def kernel(feat_user, feat_item, edge_u2i, edge_i2u,
           W_in_user, W_in_item, basis1, coeff1, basis2, coeff2,
           W_dec_user, b_dec_user, W_dec_item, b_dec_item):
    def pad_edges(idx, fill):
        idx = idx.astype(jnp.int32)
        pad = jnp.full((NW * EP - E,), fill, jnp.int32)
        return jnp.concatenate([idx, pad]).reshape(NW, NCHUNK, CH)

    su = pad_edges(edge_u2i[0], 0)
    du = pad_edges(edge_u2i[1], N)
    si = pad_edges(edge_i2u[0], 0)
    di = pad_edges(edge_i2u[1], N)

    h_u = _proj_relu(feat_user, W_in_user)
    h_i = _proj_relu(feat_item, W_in_item)

    _sc_conv_deg = _make_sc_conv(True)
    _sc_conv = _make_sc_conv(False)

    p_item, degp_item = _sc_conv_deg(h_u, su, du)
    p_user, degp_user = _sc_conv_deg(h_i, si, di)
    p_item = p_item.reshape(NC, NP, D)
    p_user = p_user.reshape(NC, NP, D)
    degp_item = degp_item.reshape(NC, NP, D)
    degp_user = degp_user.reshape(NC, NP, D)
    h_i1, inv_i = _mid(p_item, degp_item, basis1, coeff1[0:1])
    h_u1, inv_u = _mid(p_user, degp_user, basis1, coeff1[1:2])

    (p_item2,) = _sc_conv(h_u1, su, du)
    (p_user2,) = _sc_conv(h_i1, si, di)
    p_item2 = p_item2.reshape(NC, NP, D)
    p_user2 = p_user2.reshape(NC, NP, D)
    h_i2, loss_i = _final(p_item2, inv_i, basis2, coeff2[0:1],
                          W_dec_item, b_dec_item, feat_item)
    h_u2, loss_u = _final(p_user2, inv_u, basis2, coeff2[1:2],
                          W_dec_user, b_dec_user, feat_user)

    loss = loss_u[0, 0] + loss_i[0, 0]
    return (loss, h_u2, h_i2)

# --- scband reference (transcript-rebuilt; emitter-appended) ---
"""Pipeline reference for scband-pan-rep-rgcnhetero-90323162235584 (READ-ONLY COPY).

The authoritative reference and input builder live on the scoring server;
editing this copy changes nothing except your own understanding.
"""

import jax, jax.numpy as jnp
import numpy as np

N_USER = 10000
N_ITEM = 10000
D_FEAT = 128
H_DIM = 128
OUT_DIM = 128
E = 320000
NUM_BASES = 2
NUM_RELS = 2


def setup_inputs(seed: int = 0) -> dict:
    key = jax.random.key(seed)
    ks = jax.random.split(key, 16)
    feat_user = jax.random.normal(ks[0], (N_USER, D_FEAT), dtype=jnp.float32)
    feat_item = jax.random.normal(ks[1], (N_ITEM, D_FEAT), dtype=jnp.float32)
    edge_u2i = jax.random.randint(ks[2], (2, E), 0, N_USER, dtype=jnp.int32).astype(jnp.int64)
    edge_i2u = jax.random.randint(ks[3], (2, E), 0, N_ITEM, dtype=jnp.int32).astype(jnp.int64)
    s_in = 1.0 / np.sqrt(D_FEAT)
    s_h = 1.0 / np.sqrt(H_DIM)
    W_in_user = jax.random.normal(ks[4], (D_FEAT, H_DIM), dtype=jnp.float32) * s_in
    W_in_item = jax.random.normal(ks[5], (D_FEAT, H_DIM), dtype=jnp.float32) * s_in
    basis1 = jax.random.normal(ks[6], (NUM_BASES, H_DIM, H_DIM), dtype=jnp.float32) * s_h
    coeff1 = jax.random.normal(ks[7], (NUM_RELS, NUM_BASES), dtype=jnp.float32)
    basis2 = jax.random.normal(ks[8], (NUM_BASES, H_DIM, OUT_DIM), dtype=jnp.float32) * s_h
    coeff2 = jax.random.normal(ks[9], (NUM_RELS, NUM_BASES), dtype=jnp.float32)
    W_dec_user = jax.random.normal(ks[10], (OUT_DIM, D_FEAT), dtype=jnp.float32) * s_h
    b_dec_user = jnp.zeros((D_FEAT,), dtype=jnp.float32)
    W_dec_item = jax.random.normal(ks[11], (OUT_DIM, D_FEAT), dtype=jnp.float32) * s_h
    b_dec_item = jnp.zeros((D_FEAT,), dtype=jnp.float32)
    return {
        'feat_user': feat_user, 'feat_item': feat_item,
        'edge_u2i': edge_u2i, 'edge_i2u': edge_i2u,
        'W_in_user': W_in_user, 'W_in_item': W_in_item,
        'basis1': basis1, 'coeff1': coeff1,
        'basis2': basis2, 'coeff2': coeff2,
        'W_dec_user': W_dec_user, 'b_dec_user': b_dec_user,
        'W_dec_item': W_dec_item, 'b_dec_item': b_dec_item,
    }


def _rel_conv(h_src, src, dst, W, n_dst):
    # RelGraphConv message + mean aggregation (right norm): gather, matmul, scatter-add
    msg = jnp.take(h_src, src, axis=0) @ W
    agg = jax.ops.segment_sum(msg, dst, num_segments=n_dst)
    deg = jax.ops.segment_sum(jnp.ones((src.shape[0], 1), dtype=h_src.dtype), dst, num_segments=n_dst)
    return agg / jnp.clip(deg, 1.0, None)


def reference(feat_user, feat_item, edge_u2i, edge_i2u,
              W_in_user, W_in_item, basis1, coeff1, basis2, coeff2,
              W_dec_user, b_dec_user, W_dec_item, b_dec_item):
    # Encoder: per-ntype input projection (embed layer)
    h_user = jax.nn.relu(feat_user @ W_in_user)
    h_item = jax.nn.relu(feat_item @ W_in_item)
    # Hidden RGCN layer with basis decomposition (rel 0: user->item, rel 1: item->user)
    W_r1 = jnp.einsum('rb,bij->rij', coeff1, basis1)
    m_item = _rel_conv(h_user, edge_u2i[0], edge_u2i[1], W_r1[0], N_ITEM)
    m_user = _rel_conv(h_item, edge_i2u[0], edge_i2u[1], W_r1[1], N_USER)
    h_user = jax.nn.relu(m_user)
    h_item = jax.nn.relu(m_item)
    # Output RGCN layer (h_dim -> out_dim), no activation
    W_r2 = jnp.einsum('rb,bij->rij', coeff2, basis2)
    h_item2 = _rel_conv(h_user, edge_u2i[0], edge_u2i[1], W_r2[0], N_ITEM)
    h_user2 = _rel_conv(h_item, edge_i2u[0], edge_i2u[1], W_r2[1], N_USER)
    h_user, h_item = h_user2, h_item2
    # MultipleAttributeDecoder: per-ntype linear reconstruction + MSE loss
    rec_user = h_user @ W_dec_user + b_dec_user
    rec_item = h_item @ W_dec_item + b_dec_item
    reconstruct_loss = jnp.mean((rec_user - feat_user) ** 2) + jnp.mean((rec_item - feat_item) ** 2)
    return (reconstruct_loss, h_user, h_item)

if __name__ == "__main__":
    import jax
    _d = setup_inputs()
    print(jax.jit(kernel)(*tuple(_d.values())))

</pallas_src>

<mosaic_0001>
#map = affine_map<(d0, d1) -> (0, 0)>
#map1 = affine_map<(d0, d1) -> (0, 0, 0)>
module attributes {stable_mosaic.version = 14 : i64} {
  func.func @body(%arg0: i32, %arg1: i32, %arg2: memref<10000x128xf32, #tpu.memory_space<hbm>>, %arg3: memref<32x125x80xi32, #tpu.memory_space<hbm>>, %arg4: memref<32x125x80xi32, #tpu.memory_space<hbm>>, %arg5: memref<20480x128xf32, #tpu.memory_space<hbm>>, %arg6: memref<125x80xi32, #tpu.memory_space<vmem>>, %arg7: memref<80xi32, #tpu.memory_space<vmem>>, %arg8: memref<80xi32, #tpu.memory_space<vmem>>, %arg9: memref<80x128xf32, #tpu.memory_space<vmem>>, %arg10: memref<80x128xf32, #tpu.memory_space<vmem>>, %arg11: memref<!tpu.dma_semaphore, #tpu.memory_space<semaphore_mem>>, %arg12: memref<!tpu.dma_semaphore, #tpu.memory_space<semaphore_mem>>, %arg13: memref<10240x128xf32, #tpu.memory_space<vmem_shared>>) attributes {dimension_semantics = [#tpu.dimension_semantics<core_parallel>, #tpu.dimension_semantics<subcore_parallel>], iteration_bounds = array<i64: 2, 16>, scalar_prefetch = 0 : i64, scratch_operands = 8 : i64, tpu.core_type = #tpu.core_type<sc_vector_subcore>, window_params = [{transform_indices = #map}, {transform_indices = #map1}, {transform_indices = #map1}, {transform_indices = #map}]} {
    %mul3A = arith.constant 2 : i32
    %mul3A_0 = arith.muli %arg1, %mul3A : i32
    %add3A = arith.addi %mul3A_0, %arg0 : i32
    %mul3A_1 = arith.constant 640 : i32
    %mul3A_2 = arith.muli %arg1, %mul3A_1 : i32
    %mul3A_3 = arith.constant 10240 : i32
    %mul3A_4 = arith.muli %arg0, %mul3A_3 : i32
    "tpu.region"() ({
      %run_scoped3A_43 = tpu.sem_alloc : memref<!tpu.dma_semaphore, #tpu.memory_space<semaphore_mem>>
      %dma_start3A_44 = arith.constant 0 : i32
      %dma_start3A_45 = arith.constant 0 : i32
      %dma_start3A_46 = tpu.memref_slice %arg4[%add3A, %dma_start3A_44, %dma_start3A_45] : memref<32x125x80xi32, #tpu.memory_space<hbm>> -> memref<1x125x80xi32, #tpu.memory_space<hbm>>
      %dma_start3A_47 = tpu.memref_squeeze %dma_start3A_46 : memref<1x125x80xi32, #tpu.memory_space<hbm>> -> memref<125x80xi32, #tpu.memory_space<hbm>>
      %dma_start3A_48 = arith.constant 0 : i32
      %dma_start3A_49 = arith.constant 0 : i32
      %dma_start3A_50 = tpu.memref_slice %arg4[%add3A, %dma_start3A_48, %dma_start3A_49] : memref<32x125x80xi32, #tpu.memory_space<hbm>> -> memref<1x125x80xi32, #tpu.memory_space<hbm>>
      %dma_start3A_51 = tpu.memref_squeeze %dma_start3A_50 : memref<1x125x80xi32, #tpu.memory_space<hbm>> -> memref<125x80xi32, #tpu.memory_space<hbm>>
      tpu.enqueue_dma source(%dma_start3A_51 : memref<125x80xi32, #tpu.memory_space<hbm>>) target(%arg6 : memref<125x80xi32, #tpu.memory_space<vmem>>) target_semaphore(%run_scoped3A_43 : memref<!tpu.dma_semaphore, #tpu.memory_space<semaphore_mem>>)
      %dma_wait3A_52 = arith.constant 0 : i32
      %dma_wait3A_53 = arith.constant 0 : i32
      %dma_wait3A_54 = tpu.memref_slice %arg4[%add3A, %dma_wait3A_52, %dma_wait3A_53] : memref<32x125x80xi32, #tpu.memory_space<hbm>> -> memref<1x125x80xi32, #tpu.memory_space<hbm>>
      %dma_wait3A_55 = tpu.memref_squeeze %dma_wait3A_54 : memref<1x125x80xi32, #tpu.memory_space<hbm>> -> memref<125x80xi32, #tpu.memory_space<hbm>>
      %dma_wait3A_56 = arith.constant 0 : i32
      %dma_wait3A_57 = arith.constant 0 : i32
      %dma_wait3A_58 = tpu.memref_slice %arg4[%add3A, %dma_wait3A_56, %dma_wait3A_57] : memref<32x125x80xi32, #tpu.memory_space<hbm>> -> memref<1x125x80xi32, #tpu.memory_space<hbm>>
      %dma_wait3A_59 = tpu.memref_squeeze %dma_wait3A_58 : memref<1x125x80xi32, #tpu.memory_space<hbm>> -> memref<125x80xi32, #tpu.memory_space<hbm>>
      tpu.wait_dma2 semaphore(%run_scoped3A_43 : memref<!tpu.dma_semaphore, #tpu.memory_space<semaphore_mem>>) src(%dma_wait3A_59 : memref<125x80xi32, #tpu.memory_space<hbm>>) dst(%arg6 : memref<125x80xi32, #tpu.memory_space<vmem>>)
      tpu.yield
    }) : () -> ()
    %broadcast_in_dim3A = arith.constant 0.000000e+00 : f32
    %broadcast_in_dim3A_5 = vector.broadcast %broadcast_in_dim3A : f32 to vector<16xf32>
    %scan3A = arith.constant 0 : i32
    %scan3A_6 = arith.constant 0 : i32
    %scan3A_7 = arith.constant 80 : i32
    %scan3A_8 = arith.addi %scan3A_6, %scan3A_7 : i32
    %scan3A_9 = arith.constant 1 : i32
    %scan3A_10 = scf.for %scan3A_43 = %scan3A_6 to %scan3A_8 step %scan3A_9 iter_args(%scan3A_44 = %scan3A) -> (i32)  : i32 {
      %scan3A_45 = arith.constant 0 : i32
      %scan3A_46 = arith.constant 0 : i32
      %scan3A_47 = arith.constant 8 : i32
      %scan3A_48 = arith.addi %scan3A_46, %scan3A_47 : i32
      %scan3A_49 = arith.constant 1 : i32
      %scan3A_50 = scf.for %scan3A_52 = %scan3A_46 to %scan3A_48 step %scan3A_49 iter_args(%scan3A_53 = %scan3A_45) -> (i32)  : i32 {
        %mul3A_54 = arith.constant 16 : i32
        %mul3A_55 = arith.muli %scan3A_52, %mul3A_54 : i32
        %swap3A = arith.index_cast %scan3A_43 : i32 to index
        %swap3A_56 = arith.index_cast %mul3A_55 : i32 to index
        %swap3A_57 = tpu.vector_load %arg9[%swap3A, %swap3A_56] {strides = array<i32>} : memref<80x128xf32, #tpu.memory_space<vmem>>, vector<1x16xf32>,
        %swap3A_58 = vector.shape_cast %swap3A_57 : vector<1x16xf32> to vector<16xf32>
        %swap3A_59 = vector.shape_cast %broadcast_in_dim3A_5 : vector<16xf32> to vector<1x16xf32>
        tpu.vector_store %arg9[%swap3A, %swap3A_56], %swap3A_59 {strides = array<i32>} : memref<80x128xf32, #tpu.memory_space<vmem>>, vector<1x16xf32>,
        %scan3A_60 = arith.constant 0 : i32
        scf.yield %scan3A_60 : i32
      }
      %scan3A_51 = arith.constant 8 : i32
      scf.yield %scan3A_50 : i32
    }
    %scan3A_11 = arith.constant 80 : i32
    %scan3A_12 = arith.constant 0 : i32
    %scan3A_13 = arith.constant 0 : i32
    %scan3A_14 = arith.constant 8 : i32
    %scan3A_15 = arith.addi %scan3A_13, %scan3A_14 : i32
    %scan3A_16 = arith.constant 1 : i32
    %scan3A_17 = scf.for %scan3A_43 = %scan3A_13 to %scan3A_15 step %scan3A_16 iter_args(%scan3A_44 = %scan3A_12) -> (i32)  : i32 {
      %mul3A_45 = arith.constant 80 : i32
      %mul3A_46 = arith.muli %scan3A_43, %mul3A_45 : i32
      %add3A_47 = arith.addi %mul3A_2, %mul3A_46 : i32
      "tpu.region"() ({
        %run_scoped3A_49 = tpu.sem_alloc : memref<!tpu.dma_semaphore, #tpu.memory_space<semaphore_mem>>
        %dma_start3A_50 = arith.constant 0 : i32
        %dma_start3A_51 = tpu.memref_slice %arg13[%add3A_47, %dma_start3A_50] : memref<10240x128xf32, #tpu.memory_space<vmem_shared>> -> memref<80x128xf32, #tpu.memory_space<vmem_shared>>
        %dma_start3A_52 = arith.constant 0 : i32
        %dma_start3A_53 = tpu.memref_slice %arg13[%add3A_47, %dma_start3A_52] : memref<10240x128xf32, #tpu.memory_space<vmem_shared>> -> memref<80x128xf32, #tpu.memory_space<vmem_shared>>
        tpu.enqueue_dma source(%arg9 : memref<80x128xf32, #tpu.memory_space<vmem>>) target(%dma_start3A_53 : memref<80x128xf32, #tpu.memory_space<vmem_shared>>) target_semaphore(%run_scoped3A_49 : memref<!tpu.dma_semaphore, #tpu.memory_space<semaphore_mem>>)
        %dma_wait3A_54 = arith.constant 0 : i32
        %dma_wait3A_55 = tpu.memref_slice %arg13[%add3A_47, %dma_wait3A_54] : memref<10240x128xf32, #tpu.memory_space<vmem_shared>> -> memref<80x128xf32, #tpu.memory_space<vmem_shared>>
        %dma_wait3A_56 = arith.constant 0 : i32
        %dma_wait3A_57 = tpu.memref_slice %arg13[%add3A_47, %dma_wait3A_56] : memref<10240x128xf32, #tpu.memory_space<vmem_shared>> -> memref<80x128xf32, #tpu.memory_space<vmem_shared>>
        tpu.wait_dma2 semaphore(%run_scoped3A_49 : memref<!tpu.dma_semaphore, #tpu.memory_space<semaphore_mem>>) src(%arg9 : memref<80x128xf32, #tpu.memory_space<vmem>>) dst(%dma_wait3A_57 : memref<80x128xf32, #tpu.memory_space<vmem_shared>>)
        tpu.yield
      }) : () -> ()
      %scan3A_48 = arith.constant 0 : i32
      scf.yield %scan3A_48 : i32
    }
    %scan3A_18 = arith.constant 8 : i32
    %barrier3A = arith.constant 0 : index
    tpu.barrier barrier_id(%barrier3A)
    %run_scoped3A = arith.constant 0 : i32
    "tpu.region"() ({
      %run_scoped3A_43 = tpu.sem_alloc : memref<!tpu.dma_semaphore, #tpu.memory_space<semaphore_mem>>
      %dma_start3A_44 = arith.constant 0 : i32
      %dma_start3A_45 = tpu.memref_slice %arg3[%add3A, %run_scoped3A, %dma_start3A_44] : memref<32x125x80xi32, #tpu.memory_space<hbm>> -> memref<1x1x80xi32, #tpu.memory_space<hbm>>
      %dma_start3A_46 = tpu.memref_squeeze %dma_start3A_45 : memref<1x1x80xi32, #tpu.memory_space<hbm>> -> memref<80xi32, #tpu.memory_space<hbm>>
      %dma_start3A_47 = arith.constant 0 : i32
      %dma_start3A_48 = tpu.memref_slice %arg3[%add3A, %run_scoped3A, %dma_start3A_47] : memref<32x125x80xi32, #tpu.memory_space<hbm>> -> memref<1x1x80xi32, #tpu.memory_space<hbm>>
      %dma_start3A_49 = tpu.memref_squeeze %dma_start3A_48 : memref<1x1x80xi32, #tpu.memory_space<hbm>> -> memref<80xi32, #tpu.memory_space<hbm>>
      tpu.enqueue_dma source(%dma_start3A_49 : memref<80xi32, #tpu.memory_space<hbm>>) target(%arg7 : memref<80xi32, #tpu.memory_space<vmem>>) target_semaphore(%run_scoped3A_43 : memref<!tpu.dma_semaphore, #tpu.memory_space<semaphore_mem>>)
      %dma_wait3A_50 = arith.constant 0 : i32
      %dma_wait3A_51 = tpu.memref_slice %arg3[%add3A, %run_scoped3A, %dma_wait3A_50] : memref<32x125x80xi32, #tpu.memory_space<hbm>> -> memref<1x1x80xi32, #tpu.memory_space<hbm>>
      %dma_wait3A_52 = tpu.memref_squeeze %dma_wait3A_51 : memref<1x1x80xi32, #tpu.memory_space<hbm>> -> memref<80xi32, #tpu.memory_space<hbm>>
      %dma_wait3A_53 = arith.constant 0 : i32
      %dma_wait3A_54 = tpu.memref_slice %arg3[%add3A, %run_scoped3A, %dma_wait3A_53] : memref<32x125x80xi32, #tpu.memory_space<hbm>> -> memref<1x1x80xi32, #tpu.memory_space<hbm>>
      %dma_wait3A_55 = tpu.memref_squeeze %dma_wait3A_54 : memref<1x1x80xi32, #tpu.memory_space<hbm>> -> memref<80xi32, #tpu.memory_space<hbm>>
      tpu.wait_dma2 semaphore(%run_scoped3A_43 : memref<!tpu.dma_semaphore, #tpu.memory_space<semaphore_mem>>) src(%dma_wait3A_55 : memref<80xi32, #tpu.memory_space<hbm>>) dst(%arg7 : memref<80xi32, #tpu.memory_space<vmem>>)
      tpu.yield
    }) : () -> ()
    %dma_start3A = arith.constant 0 : i32
    %dma_start3A_19 = arith.constant 0 : i32
    %dma_start3A_20 = tpu.memref_slice %arg2[%dma_start3A, %dma_start3A_19] : memref<10000x128xf32, #tpu.memory_space<hbm>> -> memref<10000x128xf32, #tpu.memory_space<hbm>>
    tpu.enqueue_indirect_dma source(%dma_start3A_20 : memref<10000x128xf32, #tpu.memory_space<hbm>>) target(%arg9 : memref<80x128xf32, #tpu.memory_space<vmem>>) offsets(%arg7 : memref<80xi32, #tpu.memory_space<vmem>>) semaphore(%arg11 : memref<!tpu.dma_semaphore, #tpu.memory_space<semaphore_mem>>)
    %run_scoped3A_21 = arith.constant 1 : i32
    "tpu.region"() ({
      %run_scoped3A_43 = tpu.sem_alloc : memref<!tpu.dma_semaphore, #tpu.memory_space<semaphore_mem>>
      %dma_start3A_44 = arith.constant 0 : i32
      %dma_start3A_45 = tpu.memref_slice %arg3[%add3A, %run_scoped3A_21, %dma_start3A_44] : memref<32x125x80xi32, #tpu.memory_space<hbm>> -> memref<1x1x80xi32, #tpu.memory_space<hbm>>
      %dma_start3A_46 = tpu.memref_squeeze %dma_start3A_45 : memref<1x1x80xi32, #tpu.memory_space<hbm>> -> memref<80xi32, #tpu.memory_space<hbm>>
      %dma_start3A_47 = arith.constant 0 : i32
      %dma_start3A_48 = tpu.memref_slice %arg3[%add3A, %run_scoped3A_21, %dma_start3A_47] : memref<32x125x80xi32, #tpu.memory_space<hbm>> -> memref<1x1x80xi32, #tpu.memory_space<hbm>>
      %dma_start3A_49 = tpu.memref_squeeze %dma_start3A_48 : memref<1x1x80xi32, #tpu.memory_space<hbm>> -> memref<80xi32, #tpu.memory_space<hbm>>
      tpu.enqueue_dma source(%dma_start3A_49 : memref<80xi32, #tpu.memory_space<hbm>>) target(%arg8 : memref<80xi32, #tpu.memory_space<vmem>>) target_semaphore(%run_scoped3A_43 : memref<!tpu.dma_semaphore, #tpu.memory_space<semaphore_mem>>)
      %dma_wait3A_50 = arith.constant 0 : i32
      %dma_wait3A_51 = tpu.memref_slice %arg3[%add3A, %run_scoped3A_21, %dma_wait3A_50] : memref<32x125x80xi32, #tpu.memory_space<hbm>> -> memref<1x1x80xi32, #tpu.memory_space<hbm>>
      %dma_wait3A_52 = tpu.memref_squeeze %dma_wait3A_51 : memref<1x1x80xi32, #tpu.memory_space<hbm>> -> memref<80xi32, #tpu.memory_space<hbm>>
      %dma_wait3A_53 = arith.constant 0 : i32
      %dma_wait3A_54 = tpu.memref_slice %arg3[%add3A, %run_scoped3A_21, %dma_wait3A_53] : memref<32x125x80xi32, #tpu.memory_space<hbm>> -> memref<1x1x80xi32, #tpu.memory_space<hbm>>
      %dma_wait3A_55 = tpu.memref_squeeze %dma_wait3A_54 : memref<1x1x80xi32, #tpu.memory_space<hbm>> -> memref<80xi32, #tpu.memory_space<hbm>>
      tpu.wait_dma2 semaphore(%run_scoped3A_43 : memref<!tpu.dma_semaphore, #tpu.memory_space<semaphore_mem>>) src(%dma_wait3A_55 : memref<80xi32, #tpu.memory_space<hbm>>) dst(%arg8 : memref<80xi32, #tpu.memory_space<vmem>>)
      tpu.yield
    }) : () -> ()
    %dma_start3A_22 = arith.constant 0 : i32
    %dma_start3A_23 = arith.constant 0 : i32
    %dma_start3A_24 = tpu.memref_slice %arg2[%dma_start3A_22, %dma_start3A_23] : memref<10000x128xf32, #tpu.memory_space<hbm>> -> memref<10000x128xf32, #tpu.memory_space<hbm>>
    tpu.enqueue_indirect_dma source(%dma_start3A_24 : memref<10000x128xf32, #tpu.memory_space<hbm>>) target(%arg10 : memref<80x128xf32, #tpu.memory_space<vmem>>) offsets(%arg8 : memref<80xi32, #tpu.memory_space<vmem>>) semaphore(%arg12 : memref<!tpu.dma_semaphore, #tpu.memory_space<semaphore_mem>>)
    %scan3A_25 = arith.constant 0 : i32
    %scan3A_26 = arith.constant 0 : i32
    %scan3A_27 = arith.constant 62 : i32
    %scan3A_28 = arith.addi %scan3A_26, %scan3A_27 : i32
    %scan3A_29 = arith.constant 1 : i32
    %scan3A_30 = scf.for %scan3A_43 = %scan3A_26 to %scan3A_28 step %scan3A_29 iter_args(%scan3A_44 = %scan3A_25) -> (i32)  : i32 {
      %mul3A_45 = arith.constant 2 : i32
      %mul3A_46 = arith.muli %scan3A_43, %mul3A_45 : i32
      %add3A_47 = arith.constant 0 : i32
      %add3A_48 = arith.addi %mul3A_46, %add3A_47 : i32
      %dma_wait3A_49 = arith.constant 0 : i32
      %dma_wait3A_50 = arith.constant 0 : i32
      %dma_wait3A_51 = tpu.memref_slice %arg2[%dma_wait3A_49, %dma_wait3A_50] : memref<10000x128xf32, #tpu.memory_space<hbm>> -> memref<10000x128xf32, #tpu.memory_space<hbm>>
      tpu.wait_indirect_dma semaphore(%arg11 : memref<!tpu.dma_semaphore, #tpu.memory_space<semaphore_mem>>) src(%dma_wait3A_51 : memref<10000x128xf32, #tpu.memory_space<hbm>>) dst(%arg9 : memref<80x128xf32, #tpu.memory_space<vmem>>)
      "tpu.region"() ({
        %run_scoped3A_71 = tpu.sem_alloc : memref<!tpu.dma_semaphore, #tpu.memory_space<semaphore_mem>>
        %dma_start3A_72 = arith.constant 0 : i32
        %dma_start3A_73 = tpu.memref_slice %arg6[%add3A_48, %dma_start3A_72] : memref<125x80xi32, #tpu.memory_space<vmem>> -> memref<1x80xi32, #tpu.memory_space<vmem>>
        %dma_start3A_74 = tpu.memref_squeeze %dma_start3A_73 : memref<1x80xi32, #tpu.memory_space<vmem>> -> memref<80xi32, #tpu.memory_space<vmem>>
        %dma_start3A_75 = arith.constant 0 : i32
        %dma_start3A_76 = arith.constant 0 : i32
        %dma_start3A_77 = tpu.memref_slice %arg13[%dma_start3A_75, %dma_start3A_76] : memref<10240x128xf32, #tpu.memory_space<vmem_shared>> -> memref<10240x128xf32, #tpu.memory_space<vmem_shared>>
        tpu.enqueue_indirect_dma source(%arg9 : memref<80x128xf32, #tpu.memory_space<vmem>>) target(%dma_start3A_77 : memref<10240x128xf32, #tpu.memory_space<vmem_shared>>) offsets(%dma_start3A_74 : memref<80xi32, #tpu.memory_space<vmem>>) semaphore(%run_scoped3A_71 : memref<!tpu.dma_semaphore, #tpu.memory_space<semaphore_mem>>) {add = true}
        %dma_wait3A_78 = arith.constant 0 : i32
        %dma_wait3A_79 = tpu.memref_slice %arg6[%add3A_48, %dma_wait3A_78] : memref<125x80xi32, #tpu.memory_space<vmem>> -> memref<1x80xi32, #tpu.memory_space<vmem>>
        %dma_wait3A_80 = tpu.memref_squeeze %dma_wait3A_79 : memref<1x80xi32, #tpu.memory_space<vmem>> -> memref<80xi32, #tpu.memory_space<vmem>>
        %dma_wait3A_81 = arith.constant 0 : i32
        %dma_wait3A_82 = arith.constant 0 : i32
        %dma_wait3A_83 = tpu.memref_slice %arg13[%dma_wait3A_81, %dma_wait3A_82] : memref<10240x128xf32, #tpu.memory_space<vmem_shared>> -> memref<10240x128xf32, #tpu.memory_space<vmem_shared>>
        tpu.wait_indirect_dma semaphore(%run_scoped3A_71 : memref<!tpu.dma_semaphore, #tpu.memory_space<semaphore_mem>>) src(%arg9 : memref<80x128xf32, #tpu.memory_space<vmem>>) dst(%dma_wait3A_83 : memref<10240x128xf32, #tpu.memory_space<vmem_shared>>)
        tpu.yield
      }) : () -> ()
      %add3A_52 = arith.constant 2 : i32
      %add3A_53 = arith.addi %add3A_48, %add3A_52 : i32
      %lt3A = arith.constant 125 : i32
      %lt3A_54 = arith.cmpi slt, %add3A_53, %lt3A : i32
      %convert_element_type3A = arith.extui %lt3A_54 : i1 to i32
      %cond3A = arith.constant 0 : i32
      %cond3A_55 = arith.cmpi ne, %convert_element_type3A, %cond3A : i32
      scf.if %cond3A_55 {
        %add3A_71 = arith.constant 2 : i32
        %add3A_72 = arith.addi %add3A_48, %add3A_71 : i32
        "tpu.region"() ({
          %run_scoped3A_76 = tpu.sem_alloc : memref<!tpu.dma_semaphore, #tpu.memory_space<semaphore_mem>>
          %dma_start3A_77 = arith.constant 0 : i32
          %dma_start3A_78 = tpu.memref_slice %arg3[%add3A, %add3A_72, %dma_start3A_77] : memref<32x125x80xi32, #tpu.memory_space<hbm>> -> memref<1x1x80xi32, #tpu.memory_space<hbm>>
          %dma_start3A_79 = tpu.memref_squeeze %dma_start3A_78 : memref<1x1x80xi32, #tpu.memory_space<hbm>> -> memref<80xi32, #tpu.memory_space<hbm>>
          %dma_start3A_80 = arith.constant 0 : i32
          %dma_start3A_81 = tpu.memref_slice %arg3[%add3A, %add3A_72, %dma_start3A_80] : memref<32x125x80xi32, #tpu.memory_space<hbm>> -> memref<1x1x80xi32, #tpu.memory_space<hbm>>
          %dma_start3A_82 = tpu.memref_squeeze %dma_start3A_81 : memref<1x1x80xi32, #tpu.memory_space<hbm>> -> memref<80xi32, #tpu.memory_space<hbm>>
          tpu.enqueue_dma source(%dma_start3A_82 : memref<80xi32, #tpu.memory_space<hbm>>) target(%arg7 : memref<80xi32, #tpu.memory_space<vmem>>) target_semaphore(%run_scoped3A_76 : memref<!tpu.dma_semaphore, #tpu.memory_space<semaphore_mem>>)
          %dma_wait3A_83 = arith.constant 0 : i32
          %dma_wait3A_84 = tpu.memref_slice %arg3[%add3A, %add3A_72, %dma_wait3A_83] : memref<32x125x80xi32, #tpu.memory_space<hbm>> -> memref<1x1x80xi32, #tpu.memory_space<hbm>>
          %dma_wait3A_85 = tpu.memref_squeeze %dma_wait3A_84 : memref<1x1x80xi32, #tpu.memory_space<hbm>> -> memref<80xi32, #tpu.memory_space<hbm>>
          %dma_wait3A_86 = arith.constant 0 : i32
          %dma_wait3A_87 = tpu.memref_slice %arg3[%add3A, %add3A_72, %dma_wait3A_86] : memref<32x125x80xi32, #tpu.memory_space<hbm>> -> memref<1x1x80xi32, #tpu.memory_space<hbm>>
          %dma_wait3A_88 = tpu.memref_squeeze %dma_wait3A_87 : memref<1x1x80xi32, #tpu.memory_space<hbm>> -> memref<80xi32, #tpu.memory_space<hbm>>
          tpu.wait_dma2 semaphore(%run_scoped3A_76 : memref<!tpu.dma_semaphore, #tpu.memory_space<semaphore_mem>>) src(%dma_wait3A_88 : memref<80xi32, #tpu.memory_space<hbm>>) dst(%arg7 : memref<80xi32, #tpu.memory_space<vmem>>)
          tpu.yield
        }) : () -> ()
        %dma_start3A_73 = arith.constant 0 : i32
        %dma_start3A_74 = arith.constant 0 : i32
        %dma_start3A_75 = tpu.memref_slice %arg2[%dma_start3A_73, %dma_start3A_74] : memref<10000x128xf32, #tpu.memory_space<hbm>> -> memref<10000x128xf32, #tpu.memory_space<hbm>>
        tpu.enqueue_indirect_dma source(%dma_start3A_75 : memref<10000x128xf32, #tpu.memory_space<hbm>>) target(%arg9 : memref<80x128xf32, #tpu.memory_space<vmem>>) offsets(%arg7 : memref<80xi32, #tpu.memory_space<vmem>>) semaphore(%arg11 : memref<!tpu.dma_semaphore, #tpu.memory_space<semaphore_mem>>)
      } else {
      }
      %mul3A_56 = arith.constant 2 : i32
      %mul3A_57 = arith.muli %scan3A_43, %mul3A_56 : i32
      %add3A_58 = arith.constant 1 : i32
      %add3A_59 = arith.addi %mul3A_57, %add3A_58 : i32
      %dma_wait3A_60 = arith.constant 0 : i32
      %dma_wait3A_61 = arith.constant 0 : i32
      %dma_wait3A_62 = tpu.memref_slice %arg2[%dma_wait3A_60, %dma_wait3A_61] : memref<10000x128xf32, #tpu.memory_space<hbm>> -> memref<10000x128xf32, #tpu.memory_space<hbm>>
      tpu.wait_indirect_dma semaphore(%arg12 : memref<!tpu.dma_semaphore, #tpu.memory_space<semaphore_mem>>) src(%dma_wait3A_62 : memref<10000x128xf32, #tpu.memory_space<hbm>>) dst(%arg10 : memref<80x128xf32, #tpu.memory_space<vmem>>)
      "tpu.region"() ({
        %run_scoped3A_71 = tpu.sem_alloc : memref<!tpu.dma_semaphore, #tpu.memory_space<semaphore_mem>>
        %dma_start3A_72 = arith.constant 0 : i32
        %dma_start3A_73 = tpu.memref_slice %arg6[%add3A_59, %dma_start3A_72] : memref<125x80xi32, #tpu.memory_space<vmem>> -> memref<1x80xi32, #tpu.memory_space<vmem>>
        %dma_start3A_74 = tpu.memref_squeeze %dma_start3A_73 : memref<1x80xi32, #tpu.memory_space<vmem>> -> memref<80xi32, #tpu.memory_space<vmem>>
        %dma_start3A_75 = arith.constant 0 : i32
        %dma_start3A_76 = arith.constant 0 : i32
        %dma_start3A_77 = tpu.memref_slice %arg13[%dma_start3A_75, %dma_start3A_76] : memref<10240x128xf32, #tpu.memory_space<vmem_shared>> -> memref<10240x128xf32, #tpu.memory_space<vmem_shared>>
        tpu.enqueue_indirect_dma source(%arg10 : memref<80x128xf32, #tpu.memory_space<vmem>>) target(%dma_start3A_77 : memref<10240x128xf32, #tpu.memory_space<vmem_shared>>) offsets(%dma_start3A_74 : memref<80xi32, #tpu.memory_space<vmem>>) semaphore(%run_scoped3A_71 : memref<!tpu.dma_semaphore, #tpu.memory_space<semaphore_mem>>) {add = true}
        %dma_wait3A_78 = arith.constant 0 : i32
        %dma_wait3A_79 = tpu.memref_slice %arg6[%add3A_59, %dma_wait3A_78] : memref<125x80xi32, #tpu.memory_space<vmem>> -> memref<1x80xi32, #tpu.memory_space<vmem>>
        %dma_wait3A_80 = tpu.memref_squeeze %dma_wait3A_79 : memref<1x80xi32, #tpu.memory_space<vmem>> -> memref<80xi32, #tpu.memory_space<vmem>>
        %dma_wait3A_81 = arith.constant 0 : i32
        %dma_wait3A_82 = arith.constant 0 : i32
        %dma_wait3A_83 = tpu.memref_slice %arg13[%dma_wait3A_81, %dma_wait3A_82] : memref<10240x128xf32, #tpu.memory_space<vmem_shared>> -> memref<10240x128xf32, #tpu.memory_space<vmem_shared>>
        tpu.wait_indirect_dma semaphore(%run_scoped3A_71 : memref<!tpu.dma_semaphore, #tpu.memory_space<semaphore_mem>>) src(%arg10 : memref<80x128xf32, #tpu.memory_space<vmem>>) dst(%dma_wait3A_83 : memref<10240x128xf32, #tpu.memory_space<vmem_shared>>)
        tpu.yield
      }) : () -> ()
      %add3A_63 = arith.constant 2 : i32
      %add3A_64 = arith.addi %add3A_59, %add3A_63 : i32
      %lt3A_65 = arith.constant 125 : i32
      %lt3A_66 = arith.cmpi slt, %add3A_64, %lt3A_65 : i32
      %convert_element_type3A_67 = arith.extui %lt3A_66 : i1 to i32
      %cond3A_68 = arith.constant 0 : i32
      %cond3A_69 = arith.cmpi ne, %convert_element_type3A_67, %cond3A_68 : i32
      scf.if %cond3A_69 {
        %add3A_71 = arith.constant 2 : i32
        %add3A_72 = arith.addi %add3A_59, %add3A_71 : i32
        "tpu.region"() ({
          %run_scoped3A_76 = tpu.sem_alloc : memref<!tpu.dma_semaphore, #tpu.memory_space<semaphore_mem>>
          %dma_start3A_77 = arith.constant 0 : i32
          %dma_start3A_78 = tpu.memref_slice %arg3[%add3A, %add3A_72, %dma_start3A_77] : memref<32x125x80xi32, #tpu.memory_space<hbm>> -> memref<1x1x80xi32, #tpu.memory_space<hbm>>
          %dma_start3A_79 = tpu.memref_squeeze %dma_start3A_78 : memref<1x1x80xi32, #tpu.memory_space<hbm>> -> memref<80xi32, #tpu.memory_space<hbm>>
          %dma_start3A_80 = arith.constant 0 : i32
          %dma_start3A_81 = tpu.memref_slice %arg3[%add3A, %add3A_72, %dma_start3A_80] : memref<32x125x80xi32, #tpu.memory_space<hbm>> -> memref<1x1x80xi32, #tpu.memory_space<hbm>>
          %dma_start3A_82 = tpu.memref_squeeze %dma_start3A_81 : memref<1x1x80xi32, #tpu.memory_space<hbm>> -> memref<80xi32, #tpu.memory_space<hbm>>
          tpu.enqueue_dma source(%dma_start3A_82 : memref<80xi32, #tpu.memory_space<hbm>>) target(%arg8 : memref<80xi32, #tpu.memory_space<vmem>>) target_semaphore(%run_scoped3A_76 : memref<!tpu.dma_semaphore, #tpu.memory_space<semaphore_mem>>)
          %dma_wait3A_83 = arith.constant 0 : i32
          %dma_wait3A_84 = tpu.memref_slice %arg3[%add3A, %add3A_72, %dma_wait3A_83] : memref<32x125x80xi32, #tpu.memory_space<hbm>> -> memref<1x1x80xi32, #tpu.memory_space<hbm>>
          %dma_wait3A_85 = tpu.memref_squeeze %dma_wait3A_84 : memref<1x1x80xi32, #tpu.memory_space<hbm>> -> memref<80xi32, #tpu.memory_space<hbm>>
          %dma_wait3A_86 = arith.constant 0 : i32
          %dma_wait3A_87 = tpu.memref_slice %arg3[%add3A, %add3A_72, %dma_wait3A_86] : memref<32x125x80xi32, #tpu.memory_space<hbm>> -> memref<1x1x80xi32, #tpu.memory_space<hbm>>
          %dma_wait3A_88 = tpu.memref_squeeze %dma_wait3A_87 : memref<1x1x80xi32, #tpu.memory_space<hbm>> -> memref<80xi32, #tpu.memory_space<hbm>>
          tpu.wait_dma2 semaphore(%run_scoped3A_76 : memref<!tpu.dma_semaphore, #tpu.memory_space<semaphore_mem>>) src(%dma_wait3A_88 : memref<80xi32, #tpu.memory_space<hbm>>) dst(%arg8 : memref<80xi32, #tpu.memory_space<vmem>>)
          tpu.yield
        }) : () -> ()
        %dma_start3A_73 = arith.constant 0 : i32
        %dma_start3A_74 = arith.constant 0 : i32
        %dma_start3A_75 = tpu.memref_slice %arg2[%dma_start3A_73, %dma_start3A_74] : memref<10000x128xf32, #tpu.memory_space<hbm>> -> memref<10000x128xf32, #tpu.memory_space<hbm>>
        tpu.enqueue_indirect_dma source(%dma_start3A_75 : memref<10000x128xf32, #tpu.memory_space<hbm>>) target(%arg10 : memref<80x128xf32, #tpu.memory_space<vmem>>) offsets(%arg8 : memref<80xi32, #tpu.memory_space<vmem>>) semaphore(%arg12 : memref<!tpu.dma_semaphore, #tpu.memory_space<semaphore_mem>>)
      } else {
      }
      %scan3A_70 = arith.constant 0 : i32
      scf.yield %scan3A_70 : i32
    }
    %scan3A_31 = arith.constant 62 : i32
    %dma_wait3A = arith.constant 0 : i32
    %dma_wait3A_32 = arith.constant 0 : i32
    %dma_wait3A_33 = tpu.memref_slice %arg2[%dma_wait3A, %dma_wait3A_32] : memref<10000x128xf32, #tpu.memory_space<hbm>> -> memref<10000x128xf32, #tpu.memory_space<hbm>>
    tpu.wait_indirect_dma semaphore(%arg11 : memref<!tpu.dma_semaphore, #tpu.memory_space<semaphore_mem>>) src(%dma_wait3A_33 : memref<10000x128xf32, #tpu.memory_space<hbm>>) dst(%arg9 : memref<80x128xf32, #tpu.memory_space<vmem>>)
    %run_scoped3A_34 = arith.constant 124 : i32
    "tpu.region"() ({
      %run_scoped3A_43 = tpu.sem_alloc : memref<!tpu.dma_semaphore, #tpu.memory_space<semaphore_mem>>
      %dma_start3A_44 = arith.constant 0 : i32
      %dma_start3A_45 = tpu.memref_slice %arg6[%run_scoped3A_34, %dma_start3A_44] : memref<125x80xi32, #tpu.memory_space<vmem>> -> memref<1x80xi32, #tpu.memory_space<vmem>>
      %dma_start3A_46 = tpu.memref_squeeze %dma_start3A_45 : memref<1x80xi32, #tpu.memory_space<vmem>> -> memref<80xi32, #tpu.memory_space<vmem>>
      %dma_start3A_47 = arith.constant 0 : i32
      %dma_start3A_48 = arith.constant 0 : i32
      %dma_start3A_49 = tpu.memref_slice %arg13[%dma_start3A_47, %dma_start3A_48] : memref<10240x128xf32, #tpu.memory_space<vmem_shared>> -> memref<10240x128xf32, #tpu.memory_space<vmem_shared>>
      tpu.enqueue_indirect_dma source(%arg9 : memref<80x128xf32, #tpu.memory_space<vmem>>) target(%dma_start3A_49 : memref<10240x128xf32, #tpu.memory_space<vmem_shared>>) offsets(%dma_start3A_46 : memref<80xi32, #tpu.memory_space<vmem>>) semaphore(%run_scoped3A_43 : memref<!tpu.dma_semaphore, #tpu.memory_space<semaphore_mem>>) {add = true}
      %dma_wait3A_50 = arith.constant 0 : i32
      %dma_wait3A_51 = tpu.memref_slice %arg6[%run_scoped3A_34, %dma_wait3A_50] : memref<125x80xi32, #tpu.memory_space<vmem>> -> memref<1x80xi32, #tpu.memory_space<vmem>>
      %dma_wait3A_52 = tpu.memref_squeeze %dma_wait3A_51 : memref<1x80xi32, #tpu.memory_space<vmem>> -> memref<80xi32, #tpu.memory_space<vmem>>
      %dma_wait3A_53 = arith.constant 0 : i32
      %dma_wait3A_54 = arith.constant 0 : i32
      %dma_wait3A_55 = tpu.memref_slice %arg13[%dma_wait3A_53, %dma_wait3A_54] : memref<10240x128xf32, #tpu.memory_space<vmem_shared>> -> memref<10240x128xf32, #tpu.memory_space<vmem_shared>>
      tpu.wait_indirect_dma semaphore(%run_scoped3A_43 : memref<!tpu.dma_semaphore, #tpu.memory_space<semaphore_mem>>) src(%arg9 : memref<80x128xf32, #tpu.memory_space<vmem>>) dst(%dma_wait3A_55 : memref<10240x128xf32, #tpu.memory_space<vmem_shared>>)
      tpu.yield
    }) : () -> ()
    %barrier3A_35 = arith.constant 0 : index
    tpu.barrier barrier_id(%barrier3A_35)
    %scan3A_36 = arith.constant 0 : i32
    %scan3A_37 = arith.constant 0 : i32
    %scan3A_38 = arith.constant 8 : i32
    %scan3A_39 = arith.addi %scan3A_37, %scan3A_38 : i32
    %scan3A_40 = arith.constant 1 : i32
    %scan3A_41 = scf.for %scan3A_43 = %scan3A_37 to %scan3A_39 step %scan3A_40 iter_args(%scan3A_44 = %scan3A_36) -> (i32)  : i32 {
      %mul3A_45 = arith.constant 80 : i32
      %mul3A_46 = arith.muli %scan3A_43, %mul3A_45 : i32
      %add3A_47 = arith.addi %mul3A_2, %mul3A_46 : i32
      "tpu.region"() ({
        %run_scoped3A_50 = tpu.sem_alloc : memref<!tpu.dma_semaphore, #tpu.memory_space<semaphore_mem>>
        %dma_start3A_51 = arith.constant 0 : i32
        %dma_start3A_52 = tpu.memref_slice %arg13[%add3A_47, %dma_start3A_51] : memref<10240x128xf32, #tpu.memory_space<vmem_shared>> -> memref<80x128xf32, #tpu.memory_space<vmem_shared>>
        %dma_start3A_53 = arith.constant 0 : i32
        %dma_start3A_54 = tpu.memref_slice %arg13[%add3A_47, %dma_start3A_53] : memref<10240x128xf32, #tpu.memory_space<vmem_shared>> -> memref<80x128xf32, #tpu.memory_space<vmem_shared>>
        tpu.enqueue_dma source(%dma_start3A_54 : memref<80x128xf32, #tpu.memory_space<vmem_shared>>) target(%arg9 : memref<80x128xf32, #tpu.memory_space<vmem>>) target_semaphore(%run_scoped3A_50 : memref<!tpu.dma_semaphore, #tpu.memory_space<semaphore_mem>>)
        %dma_wait3A_55 = arith.constant 0 : i32
        %dma_wait3A_56 = tpu.memref_slice %arg13[%add3A_47, %dma_wait3A_55] : memref<10240x128xf32, #tpu.memory_space<vmem_shared>> -> memref<80x128xf32, #tpu.memory_space<vmem_shared>>
        %dma_wait3A_57 = arith.constant 0 : i32
        %dma_wait3A_58 = tpu.memref_slice %arg13[%add3A_47, %dma_wait3A_57] : memref<10240x128xf32, #tpu.memory_space<vmem_shared>> -> memref<80x128xf32, #tpu.memory_space<vmem_shared>>
        tpu.wait_dma2 semaphore(%run_scoped3A_50 : memref<!tpu.dma_semaphore, #tpu.memory_space<semaphore_mem>>) src(%dma_wait3A_58 : memref<80x128xf32, #tpu.memory_space<vmem_shared>>) dst(%arg9 : memref<80x128xf32, #tpu.memory_space<vmem>>)
        tpu.yield
      }) : () -> ()
      %add3A_48 = arith.addi %mul3A_4, %add3A_47 : i32
      "tpu.region"() ({
        %run_scoped3A_50 = tpu.sem_alloc : memref<!tpu.dma_semaphore, #tpu.memory_space<semaphore_mem>>
        %dma_start3A_51 = arith.constant 0 : i32
        %dma_start3A_52 = tpu.memref_slice %arg5[%add3A_48, %dma_start3A_51] : memref<20480x128xf32, #tpu.memory_space<hbm>> -> memref<80x128xf32, #tpu.memory_space<hbm>>
        %dma_start3A_53 = arith.constant 0 : i32
        %dma_start3A_54 = tpu.memref_slice %arg5[%add3A_48, %dma_start3A_53] : memref<20480x128xf32, #tpu.memory_space<hbm>> -> memref<80x128xf32, #tpu.memory_space<hbm>>
        tpu.enqueue_dma source(%arg9 : memref<80x128xf32, #tpu.memory_space<vmem>>) target(%dma_start3A_54 : memref<80x128xf32, #tpu.memory_space<hbm>>) target_semaphore(%run_scoped3A_50 : memref<!tpu.dma_semaphore, #tpu.memory_space<semaphore_mem>>)
        %dma_wait3A_55 = arith.constant 0 : i32
        %dma_wait3A_56 = tpu.memref_slice %arg5[%add3A_48, %dma_wait3A_55] : memref<20480x128xf32, #tpu.memory_space<hbm>> -> memref<80x128xf32, #tpu.memory_space<hbm>>
        %dma_wait3A_57 = arith.constant 0 : i32
        %dma_wait3A_58 = tpu.memref_slice %arg5[%add3A_48, %dma_wait3A_57] : memref<20480x128xf32, #tpu.memory_space<hbm>> -> memref<80x128xf32, #tpu.memory_space<hbm>>
        tpu.wait_dma2 semaphore(%run_scoped3A_50 : memref<!tpu.dma_semaphore, #tpu.memory_space<semaphore_mem>>) src(%arg9 : memref<80x128xf32, #tpu.memory_space<vmem>>) dst(%dma_wait3A_58 : memref<80x128xf32, #tpu.memory_space<hbm>>)
        tpu.yield
      }) : () -> ()
      %scan3A_49 = arith.constant 0 : i32
      scf.yield %scan3A_49 : i32
    }
    %scan3A_42 = arith.constant 8 : i32
    return
  }
}

#map = affine_map<(d0, d1) -> (0, 0)>
#map1 = affine_map<(d0, d1) -> (0, 0, 0)>
module attributes {stable_mosaic.version = 14 : i64} {
  func.func @body(%arg0: i32, %arg1: i32, %arg2: memref<10000x128xf32, #tpu.memory_space<hbm>>, %arg3: memref<32x125x80xi32, #tpu.memory_space<hbm>>, %arg4: memref<32x125x80xi32, #tpu.memory_space<hbm>>, %arg5: memref<20480x128xf32, #tpu.memory_space<hbm>>, %arg6: memref<20480x128xf32, #tpu.memory_space<hbm>>, %arg7: memref<125x80xi32, #tpu.memory_space<vmem>>, %arg8: memref<80xi32, #tpu.memory_space<vmem>>, %arg9: memref<80xi32, #tpu.memory_space<vmem>>, %arg10: memref<80x128xf32, #tpu.memory_space<vmem>>, %arg11: memref<80x128xf32, #tpu.memory_space<vmem>>, %arg12: memref<!tpu.dma_semaphore, #tpu.memory_space<semaphore_mem>>, %arg13: memref<!tpu.dma_semaphore, #tpu.memory_space<semaphore_mem>>, %arg14: memref<10240x128xf32, #tpu.memory_space<vmem_shared>>) attributes {dimension_semantics = [#tpu.dimension_semantics<core_parallel>, #tpu.dimension_semantics<subcore_parallel>], iteration_bounds = array<i64: 2, 16>, scalar_prefetch = 0 : i64, scratch_operands = 8 : i64, tpu.core_type = #tpu.core_type<sc_vector_subcore>, window_params = [{transform_indices = #map}, {transform_indices = #map1}, {transform_indices = #map1}, {transform_indices = #map}, {transform_indices = #map}]} {
    %mul3A = arith.constant 2 : i32
    %mul3A_0 = arith.muli %arg1, %mul3A : i32
    %add3A = arith.addi %mul3A_0, %arg0 : i32
    %mul3A_1 = arith.constant 640 : i32
    %mul3A_2 = arith.muli %arg1, %mul3A_1 : i32
    %mul3A_3 = arith.constant 10240 : i32
    %mul3A_4 = arith.muli %arg0, %mul3A_3 : i32
    "tpu.region"() ({
      %run_scoped3A_84 = tpu.sem_alloc : memref<!tpu.dma_semaphore, #tpu.memory_space<semaphore_mem>>
      %dma_start3A_85 = arith.constant 0 : i32
      %dma_start3A_86 = arith.constant 0 : i32
      %dma_start3A_87 = tpu.memref_slice %arg4[%add3A, %dma_start3A_85, %dma_start3A_86] : memref<32x125x80xi32, #tpu.memory_space<hbm>> -> memref<1x125x80xi32, #tpu.memory_space<hbm>>
      %dma_start3A_88 = tpu.memref_squeeze %dma_start3A_87 : memref<1x125x80xi32, #tpu.memory_space<hbm>> -> memref<125x80xi32, #tpu.memory_space<hbm>>
      %dma_start3A_89 = arith.constant 0 : i32
      %dma_start3A_90 = arith.constant 0 : i32
      %dma_start3A_91 = tpu.memref_slice %arg4[%add3A, %dma_start3A_89, %dma_start3A_90] : memref<32x125x80xi32, #tpu.memory_space<hbm>> -> memref<1x125x80xi32, #tpu.memory_space<hbm>>
      %dma_start3A_92 = tpu.memref_squeeze %dma_start3A_91 : memref<1x125x80xi32, #tpu.memory_space<hbm>> -> memref<125x80xi32, #tpu.memory_space<hbm>>
      tpu.enqueue_dma source(%dma_start3A_92 : memref<125x80xi32, #tpu.memory_space<hbm>>) target(%arg7 : memref<125x80xi32, #tpu.memory_space<vmem>>) target_semaphore(%run_scoped3A_84 : memref<!tpu.dma_semaphore, #tpu.memory_space<semaphore_mem>>)
      %dma_wait3A_93 = arith.constant 0 : i32
      %dma_wait3A_94 = arith.constant 0 : i32
      %dma_wait3A_95 = tpu.memref_slice %arg4[%add3A, %dma_wait3A_93, %dma_wait3A_94] : memref<32x125x80xi32, #tpu.memory_space<hbm>> -> memref<1x125x80xi32, #tpu.memory_space<hbm>>
      %dma_wait3A_96 = tpu.memref_squeeze %dma_wait3A_95 : memref<1x125x80xi32, #tpu.memory_space<hbm>> -> memref<125x80xi32, #tpu.memory_space<hbm>>
      %dma_wait3A_97 = arith.constant 0 : i32
      %dma_wait3A_98 = arith.constant 0 : i32
      %dma_wait3A_99 = tpu.memref_slice %arg4[%add3A, %dma_wait3A_97, %dma_wait3A_98] : memref<32x125x80xi32, #tpu.memory_space<hbm>> -> memref<1x125x80xi32, #tpu.memory_space<hbm>>
      %dma_wait3A_100 = tpu.memref_squeeze %dma_wait3A_99 : memref<1x125x80xi32, #tpu.memory_space<hbm>> -> memref<125x80xi32, #tpu.memory_space<hbm>>
      tpu.wait_dma2 semaphore(%run_scoped3A_84 : memref<!tpu.dma_semaphore, #tpu.memory_space<semaphore_mem>>) src(%dma_wait3A_100 : memref<125x80xi32, #tpu.memory_space<hbm>>) dst(%arg7 : memref<125x80xi32, #tpu.memory_space<vmem>>)
      tpu.yield
    }) : () -> ()
    %broadcast_in_dim3A = arith.constant 0.000000e+00 : f32
    %broadcast_in_dim3A_5 = vector.broadcast %broadcast_in_dim3A : f32 to vector<16xf32>
    %scan3A = arith.constant 0 : i32
    %scan3A_6 = arith.constant 0 : i32
    %scan3A_7 = arith.constant 80 : i32
    %scan3A_8 = arith.addi %scan3A_6, %scan3A_7 : i32
    %scan3A_9 = arith.constant 1 : i32
    %scan3A_10 = scf.for %scan3A_84 = %scan3A_6 to %scan3A_8 step %scan3A_9 iter_args(%scan3A_85 = %scan3A) -> (i32)  : i32 {
      %scan3A_86 = arith.constant 0 : i32
      %scan3A_87 = arith.constant 0 : i32
      %scan3A_88 = arith.constant 8 : i32
      %scan3A_89 = arith.addi %scan3A_87, %scan3A_88 : i32
      %scan3A_90 = arith.constant 1 : i32
      %scan3A_91 = scf.for %scan3A_93 = %scan3A_87 to %scan3A_89 step %scan3A_90 iter_args(%scan3A_94 = %scan3A_86) -> (i32)  : i32 {
        %mul3A_95 = arith.constant 16 : i32
        %mul3A_96 = arith.muli %scan3A_93, %mul3A_95 : i32
        %swap3A = arith.index_cast %scan3A_84 : i32 to index
        %swap3A_97 = arith.index_cast %mul3A_96 : i32 to index
        %swap3A_98 = tpu.vector_load %arg10[%swap3A, %swap3A_97] {strides = array<i32>} : memref<80x128xf32, #tpu.memory_space<vmem>>, vector<1x16xf32>,
        %swap3A_99 = vector.shape_cast %swap3A_98 : vector<1x16xf32> to vector<16xf32>
        %swap3A_100 = vector.shape_cast %broadcast_in_dim3A_5 : vector<16xf32> to vector<1x16xf32>
        tpu.vector_store %arg10[%swap3A, %swap3A_97], %swap3A_100 {strides = array<i32>} : memref<80x128xf32, #tpu.memory_space<vmem>>, vector<1x16xf32>,
        %scan3A_101 = arith.constant 0 : i32
        scf.yield %scan3A_101 : i32
      }
      %scan3A_92 = arith.constant 8 : i32
      scf.yield %scan3A_91 : i32
    }
    %scan3A_11 = arith.constant 80 : i32
    %scan3A_12 = arith.constant 0 : i32
    %scan3A_13 = arith.constant 0 : i32
    %scan3A_14 = arith.constant 8 : i32
    %scan3A_15 = arith.addi %scan3A_13, %scan3A_14 : i32
    %scan3A_16 = arith.constant 1 : i32
    %scan3A_17 = scf.for %scan3A_84 = %scan3A_13 to %scan3A_15 step %scan3A_16 iter_args(%scan3A_85 = %scan3A_12) -> (i32)  : i32 {
      %mul3A_86 = arith.constant 80 : i32
      %mul3A_87 = arith.muli %scan3A_84, %mul3A_86 : i32
      %add3A_88 = arith.addi %mul3A_2, %mul3A_87 : i32
      "tpu.region"() ({
        %run_scoped3A_90 = tpu.sem_alloc : memref<!tpu.dma_semaphore, #tpu.memory_space<semaphore_mem>>
        %dma_start3A_91 = arith.constant 0 : i32
        %dma_start3A_92 = tpu.memref_slice %arg14[%add3A_88, %dma_start3A_91] : memref<10240x128xf32, #tpu.memory_space<vmem_shared>> -> memref<80x128xf32, #tpu.memory_space<vmem_shared>>
        %dma_start3A_93 = arith.constant 0 : i32
        %dma_start3A_94 = tpu.memref_slice %arg14[%add3A_88, %dma_start3A_93] : memref<10240x128xf32, #tpu.memory_space<vmem_shared>> -> memref<80x128xf32, #tpu.memory_space<vmem_shared>>
        tpu.enqueue_dma source(%arg10 : memref<80x128xf32, #tpu.memory_space<vmem>>) target(%dma_start3A_94 : memref<80x128xf32, #tpu.memory_space<vmem_shared>>) target_semaphore(%run_scoped3A_90 : memref<!tpu.dma_semaphore, #tpu.memory_space<semaphore_mem>>)
        %dma_wait3A_95 = arith.constant 0 : i32
        %dma_wait3A_96 = tpu.memref_slice %arg14[%add3A_88, %dma_wait3A_95] : memref<10240x128xf32, #tpu.memory_space<vmem_shared>> -> memref<80x128xf32, #tpu.memory_space<vmem_shared>>
        %dma_wait3A_97 = arith.constant 0 : i32
        %dma_wait3A_98 = tpu.memref_slice %arg14[%add3A_88, %dma_wait3A_97] : memref<10240x128xf32, #tpu.memory_space<vmem_shared>> -> memref<80x128xf32, #tpu.memory_space<vmem_shared>>
        tpu.wait_dma2 semaphore(%run_scoped3A_90 : memref<!tpu.dma_semaphore, #tpu.memory_space<semaphore_mem>>) src(%arg10 : memref<80x128xf32, #tpu.memory_space<vmem>>) dst(%dma_wait3A_98 : memref<80x128xf32, #tpu.memory_space<vmem_shared>>)
        tpu.yield
      }) : () -> ()
      %scan3A_89 = arith.constant 0 : i32
      scf.yield %scan3A_89 : i32
    }
    %scan3A_18 = arith.constant 8 : i32
    %barrier3A = arith.constant 0 : index
    tpu.barrier barrier_id(%barrier3A)
    %run_scoped3A = arith.constant 0 : i32
    "tpu.region"() ({
      %run_scoped3A_84 = tpu.sem_alloc : memref<!tpu.dma_semaphore, #tpu.memory_space<semaphore_mem>>
      %dma_start3A_85 = arith.constant 0 : i32
      %dma_start3A_86 = tpu.memref_slice %arg3[%add3A, %run_scoped3A, %dma_start3A_85] : memref<32x125x80xi32, #tpu.memory_space<hbm>> -> memref<1x1x80xi32, #tpu.memory_space<hbm>>
      %dma_start3A_87 = tpu.memref_squeeze %dma_start3A_86 : memref<1x1x80xi32, #tpu.memory_space<hbm>> -> memref<80xi32, #tpu.memory_space<hbm>>
      %dma_start3A_88 = arith.constant 0 : i32
      %dma_start3A_89 = tpu.memref_slice %arg3[%add3A, %run_scoped3A, %dma_start3A_88] : memref<32x125x80xi32, #tpu.memory_space<hbm>> -> memref<1x1x80xi32, #tpu.memory_space<hbm>>
      %dma_start3A_90 = tpu.memref_squeeze %dma_start3A_89 : memref<1x1x80xi32, #tpu.memory_space<hbm>> -> memref<80xi32, #tpu.memory_space<hbm>>
      tpu.enqueue_dma source(%dma_start3A_90 : memref<80xi32, #tpu.memory_space<hbm>>) target(%arg8 : memref<80xi32, #tpu.memory_space<vmem>>) target_semaphore(%run_scoped3A_84 : memref<!tpu.dma_semaphore, #tpu.memory_space<semaphore_mem>>)
      %dma_wait3A_91 = arith.constant 0 : i32
      %dma_wait3A_92 = tpu.memref_slice %arg3[%add3A, %run_scoped3A, %dma_wait3A_91] : memref<32x125x80xi32, #tpu.memory_space<hbm>> -> memref<1x1x80xi32, #tpu.memory_space<hbm>>
      %dma_wait3A_93 = tpu.memref_squeeze %dma_wait3A_92 : memref<1x1x80xi32, #tpu.memory_space<hbm>> -> memref<80xi32, #tpu.memory_space<hbm>>
      %dma_wait3A_94 = arith.constant 0 : i32
      %dma_wait3A_95 = tpu.memref_slice %arg3[%add3A, %run_scoped3A, %dma_wait3A_94] : memref<32x125x80xi32, #tpu.memory_space<hbm>> -> memref<1x1x80xi32, #tpu.memory_space<hbm>>
      %dma_wait3A_96 = tpu.memref_squeeze %dma_wait3A_95 : memref<1x1x80xi32, #tpu.memory_space<hbm>> -> memref<80xi32, #tpu.memory_space<hbm>>
      tpu.wait_dma2 semaphore(%run_scoped3A_84 : memref<!tpu.dma_semaphore, #tpu.memory_space<semaphore_mem>>) src(%dma_wait3A_96 : memref<80xi32, #tpu.memory_space<hbm>>) dst(%arg8 : memref<80xi32, #tpu.memory_space<vmem>>)
      tpu.yield
    }) : () -> ()
    %dma_start3A = arith.constant 0 : i32
    %dma_start3A_19 = arith.constant 0 : i32
    %dma_start3A_20 = tpu.memref_slice %arg2[%dma_start3A, %dma_start3A_19] : memref<10000x128xf32, #tpu.memory_space<hbm>> -> memref<10000x128xf32, #tpu.memory_space<hbm>>
    tpu.enqueue_indirect_dma source(%dma_start3A_20 : memref<10000x128xf32, #tpu.memory_space<hbm>>) target(%arg10 : memref<80x128xf32, #tpu.memory_space<vmem>>) offsets(%arg8 : memref<80xi32, #tpu.memory_space<vmem>>) semaphore(%arg12 : memref<!tpu.dma_semaphore, #tpu.memory_space<semaphore_mem>>)
    %run_scoped3A_21 = arith.constant 1 : i32
    "tpu.region"() ({
      %run_scoped3A_84 = tpu.sem_alloc : memref<!tpu.dma_semaphore, #tpu.memory_space<semaphore_mem>>
      %dma_start3A_85 = arith.constant 0 : i32
      %dma_start3A_86 = tpu.memref_slice %arg3[%add3A, %run_scoped3A_21, %dma_start3A_85] : memref<32x125x80xi32, #tpu.memory_space<hbm>> -> memref<1x1x80xi32, #tpu.memory_space<hbm>>
      %dma_start3A_87 = tpu.memref_squeeze %dma_start3A_86 : memref<1x1x80xi32, #tpu.memory_space<hbm>> -> memref<80xi32, #tpu.memory_space<hbm>>
      %dma_start3A_88 = arith.constant 0 : i32
      %dma_start3A_89 = tpu.memref_slice %arg3[%add3A, %run_scoped3A_21, %dma_start3A_88] : memref<32x125x80xi32, #tpu.memory_space<hbm>> -> memref<1x1x80xi32, #tpu.memory_space<hbm>>
      %dma_start3A_90 = tpu.memref_squeeze %dma_start3A_89 : memref<1x1x80xi32, #tpu.memory_space<hbm>> -> memref<80xi32, #tpu.memory_space<hbm>>
      tpu.enqueue_dma source(%dma_start3A_90 : memref<80xi32, #tpu.memory_space<hbm>>) target(%arg9 : memref<80xi32, #tpu.memory_space<vmem>>) target_semaphore(%run_scoped3A_84 : memref<!tpu.dma_semaphore, #tpu.memory_space<semaphore_mem>>)
      %dma_wait3A_91 = arith.constant 0 : i32
      %dma_wait3A_92 = tpu.memref_slice %arg3[%add3A, %run_scoped3A_21, %dma_wait3A_91] : memref<32x125x80xi32, #tpu.memory_space<hbm>> -> memref<1x1x80xi32, #tpu.memory_space<hbm>>
      %dma_wait3A_93 = tpu.memref_squeeze %dma_wait3A_92 : memref<1x1x80xi32, #tpu.memory_space<hbm>> -> memref<80xi32, #tpu.memory_space<hbm>>
      %dma_wait3A_94 = arith.constant 0 : i32
      %dma_wait3A_95 = tpu.memref_slice %arg3[%add3A, %run_scoped3A_21, %dma_wait3A_94] : memref<32x125x80xi32, #tpu.memory_space<hbm>> -> memref<1x1x80xi32, #tpu.memory_space<hbm>>
      %dma_wait3A_96 = tpu.memref_squeeze %dma_wait3A_95 : memref<1x1x80xi32, #tpu.memory_space<hbm>> -> memref<80xi32, #tpu.memory_space<hbm>>
      tpu.wait_dma2 semaphore(%run_scoped3A_84 : memref<!tpu.dma_semaphore, #tpu.memory_space<semaphore_mem>>) src(%dma_wait3A_96 : memref<80xi32, #tpu.memory_space<hbm>>) dst(%arg9 : memref<80xi32, #tpu.memory_space<vmem>>)
      tpu.yield
    }) : () -> ()
    %dma_start3A_22 = arith.constant 0 : i32
    %dma_start3A_23 = arith.constant 0 : i32
    %dma_start3A_24 = tpu.memref_slice %arg2[%dma_start3A_22, %dma_start3A_23] : memref<10000x128xf32, #tpu.memory_space<hbm>> -> memref<10000x128xf32, #tpu.memory_space<hbm>>
    tpu.enqueue_indirect_dma source(%dma_start3A_24 : memref<10000x128xf32, #tpu.memory_space<hbm>>) target(%arg11 : memref<80x128xf32, #tpu.memory_space<vmem>>) offsets(%arg9 : memref<80xi32, #tpu.memory_space<vmem>>) semaphore(%arg13 : memref<!tpu.dma_semaphore, #tpu.memory_space<semaphore_mem>>)
    %scan3A_25 = arith.constant 0 : i32
    %scan3A_26 = arith.constant 0 : i32
    %scan3A_27 = arith.constant 62 : i32
    %scan3A_28 = arith.addi %scan3A_26, %scan3A_27 : i32
    %scan3A_29 = arith.constant 1 : i32
    %scan3A_30 = scf.for %scan3A_84 = %scan3A_26 to %scan3A_28 step %scan3A_29 iter_args(%scan3A_85 = %scan3A_25) -> (i32)  : i32 {
      %mul3A_86 = arith.constant 2 : i32
      %mul3A_87 = arith.muli %scan3A_84, %mul3A_86 : i32
      %add3A_88 = arith.constant 0 : i32
      %add3A_89 = arith.addi %mul3A_87, %add3A_88 : i32
      %dma_wait3A_90 = arith.constant 0 : i32
      %dma_wait3A_91 = arith.constant 0 : i32
      %dma_wait3A_92 = tpu.memref_slice %arg2[%dma_wait3A_90, %dma_wait3A_91] : memref<10000x128xf32, #tpu.memory_space<hbm>> -> memref<10000x128xf32, #tpu.memory_space<hbm>>
      tpu.wait_indirect_dma semaphore(%arg12 : memref<!tpu.dma_semaphore, #tpu.memory_space<semaphore_mem>>) src(%dma_wait3A_92 : memref<10000x128xf32, #tpu.memory_space<hbm>>) dst(%arg10 : memref<80x128xf32, #tpu.memory_space<vmem>>)
      "tpu.region"() ({
        %run_scoped3A_112 = tpu.sem_alloc : memref<!tpu.dma_semaphore, #tpu.memory_space<semaphore_mem>>
        %dma_start3A_113 = arith.constant 0 : i32
        %dma_start3A_114 = tpu.memref_slice %arg7[%add3A_89, %dma_start3A_113] : memref<125x80xi32, #tpu.memory_space<vmem>> -> memref<1x80xi32, #tpu.memory_space<vmem>>
        %dma_start3A_115 = tpu.memref_squeeze %dma_start3A_114 : memref<1x80xi32, #tpu.memory_space<vmem>> -> memref<80xi32, #tpu.memory_space<vmem>>
        %dma_start3A_116 = arith.constant 0 : i32
        %dma_start3A_117 = arith.constant 0 : i32
        %dma_start3A_118 = tpu.memref_slice %arg14[%dma_start3A_116, %dma_start3A_117] : memref<10240x128xf32, #tpu.memory_space<vmem_shared>> -> memref<10240x128xf32, #tpu.memory_space<vmem_shared>>
        tpu.enqueue_indirect_dma source(%arg10 : memref<80x128xf32, #tpu.memory_space<vmem>>) target(%dma_start3A_118 : memref<10240x128xf32, #tpu.memory_space<vmem_shared>>) offsets(%dma_start3A_115 : memref<80xi32, #tpu.memory_space<vmem>>) semaphore(%run_scoped3A_112 : memref<!tpu.dma_semaphore, #tpu.memory_space<semaphore_mem>>) {add = true}
        %dma_wait3A_119 = arith.constant 0 : i32
        %dma_wait3A_120 = tpu.memref_slice %arg7[%add3A_89, %dma_wait3A_119] : memref<125x80xi32, #tpu.memory_space<vmem>> -> memref<1x80xi32, #tpu.memory_space<vmem>>
        %dma_wait3A_121 = tpu.memref_squeeze %dma_wait3A_120 : memref<1x80xi32, #tpu.memory_space<vmem>> -> memref<80xi32, #tpu.memory_space<vmem>>
        %dma_wait3A_122 = arith.constant 0 : i32
        %dma_wait3A_123 = arith.constant 0 : i32
        %dma_wait3A_124 = tpu.memref_slice %arg14[%dma_wait3A_122, %dma_wait3A_123] : memref<10240x128xf32, #tpu.memory_space<vmem_shared>> -> memref<10240x128xf32, #tpu.memory_space<vmem_shared>>
        tpu.wait_indirect_dma semaphore(%run_scoped3A_112 : memref<!tpu.dma_semaphore, #tpu.memory_space<semaphore_mem>>) src(%arg10 : memref<80x128xf32, #tpu.memory_space<vmem>>) dst(%dma_wait3A_124 : memref<10240x128xf32, #tpu.memory_space<vmem_shared>>)
        tpu.yield
      }) : () -> ()
      %add3A_93 = arith.constant 2 : i32
      %add3A_94 = arith.addi %add3A_89, %add3A_93 : i32
      %lt3A = arith.constant 125 : i32
      %lt3A_95 = arith.cmpi slt, %add3A_94, %lt3A : i32
      %convert_element_type3A = arith.extui %lt3A_95 : i1 to i32
      %cond3A = arith.constant 0 : i32
      %cond3A_96 = arith.cmpi ne, %convert_element_type3A, %cond3A : i32
      scf.if %cond3A_96 {
        %add3A_112 = arith.constant 2 : i32
        %add3A_113 = arith.addi %add3A_89, %add3A_112 : i32
        "tpu.region"() ({
          %run_scoped3A_117 = tpu.sem_alloc : memref<!tpu.dma_semaphore, #tpu.memory_space<semaphore_mem>>
          %dma_start3A_118 = arith.constant 0 : i32
          %dma_start3A_119 = tpu.memref_slice %arg3[%add3A, %add3A_113, %dma_start3A_118] : memref<32x125x80xi32, #tpu.memory_space<hbm>> -> memref<1x1x80xi32, #tpu.memory_space<hbm>>
          %dma_start3A_120 = tpu.memref_squeeze %dma_start3A_119 : memref<1x1x80xi32, #tpu.memory_space<hbm>> -> memref<80xi32, #tpu.memory_space<hbm>>
          %dma_start3A_121 = arith.constant 0 : i32
          %dma_start3A_122 = tpu.memref_slice %arg3[%add3A, %add3A_113, %dma_start3A_121] : memref<32x125x80xi32, #tpu.memory_space<hbm>> -> memref<1x1x80xi32, #tpu.memory_space<hbm>>
          %dma_start3A_123 = tpu.memref_squeeze %dma_start3A_122 : memref<1x1x80xi32, #tpu.memory_space<hbm>> -> memref<80xi32, #tpu.memory_space<hbm>>
          tpu.enqueue_dma source(%dma_start3A_123 : memref<80xi32, #tpu.memory_space<hbm>>) target(%arg8 : memref<80xi32, #tpu.memory_space<vmem>>) target_semaphore(%run_scoped3A_117 : memref<!tpu.dma_semaphore, #tpu.memory_space<semaphore_mem>>)
          %dma_wait3A_124 = arith.constant 0 : i32
          %dma_wait3A_125 = tpu.memref_slice %arg3[%add3A, %add3A_113, %dma_wait3A_124] : memref<32x125x80xi32, #tpu.memory_space<hbm>> -> memref<1x1x80xi32, #tpu.memory_space<hbm>>
          %dma_wait3A_126 = tpu.memref_squeeze %dma_wait3A_125 : memref<1x1x80xi32, #tpu.memory_space<hbm>> -> memref<80xi32, #tpu.memory_space<hbm>>
          %dma_wait3A_127 = arith.constant 0 : i32
          %dma_wait3A_128 = tpu.memref_slice %arg3[%add3A, %add3A_113, %dma_wait3A_127] : memref<32x125x80xi32, #tpu.memory_space<hbm>> -> memref<1x1x80xi32, #tpu.memory_space<hbm>>
          %dma_wait3A_129 = tpu.memref_squeeze %dma_wait3A_128 : memref<1x1x80xi32, #tpu.memory_space<hbm>> -> memref<80xi32, #tpu.memory_space<hbm>>
          tpu.wait_dma2 semaphore(%run_scoped3A_117 : memref<!tpu.dma_semaphore, #tpu.memory_space<semaphore_mem>>) src(%dma_wait3A_129 : memref<80xi32, #tpu.memory_space<hbm>>) dst(%arg8 : memref<80xi32, #tpu.memory_space<vmem>>)
          tpu.yield
        }) : () -> ()
        %dma_start3A_114 = arith.constant 0 : i32
        %dma_start3A_115 = arith.constant 0 : i32
        %dma_start3A_116 = tpu.memref_slice %arg2[%dma_start3A_114, %dma_start3A_115] : memref<10000x128xf32, #tpu.memory_space<hbm>> -> memref<10000x128xf32, #tpu.memory_space<hbm>>
        tpu.enqueue_indirect_dma source(%dma_start3A_116 : memref<10000x128xf32, #tpu.memory_space<hbm>>) target(%arg10 : memref<80x128xf32, #tpu.memory_space<vmem>>) offsets(%arg8 : memref<80xi32, #tpu.memory_space<vmem>>) semaphore(%arg12 : memref<!tpu.dma_semaphore, #tpu.memory_space<semaphore_mem>>)
      } else {
      }
      %mul3A_97 = arith.constant 2 : i32
      %mul3A_98 = arith.muli %scan3A_84, %mul3A_97 : i32
      %add3A_99 = arith.constant 1 : i32
      %add3A_100 = arith.addi %mul3A_98, %add3A_99 : i32
      %dma_wait3A_101 = arith.constant 0 : i32
      %dma_wait3A_102 = arith.constant 0 : i32
      %dma_wait3A_103 = tpu.memref_slice %arg2[%dma_wait3A_101, %dma_wait3A_102] : memref<10000x128xf32, #tpu.memory_space<hbm>> -> memref<10000x128xf32, #tpu.memory_space<hbm>>
      tpu.wait_indirect_dma semaphore(%arg13 : memref<!tpu.dma_semaphore, #tpu.memory_space<semaphore_mem>>) src(%dma_wait3A_103 : memref<10000x128xf32, #tpu.memory_space<hbm>>) dst(%arg11 : memref<80x128xf32, #tpu.memory_space<vmem>>)
      "tpu.region"() ({
        %run_scoped3A_112 = tpu.sem_alloc : memref<!tpu.dma_semaphore, #tpu.memory_space<semaphore_mem>>
        %dma_start3A_113 = arith.constant 0 : i32
        %dma_start3A_114 = tpu.memref_slice %arg7[%add3A_100, %dma_start3A_113] : memref<125x80xi32, #tpu.memory_space<vmem>> -> memref<1x80xi32, #tpu.memory_space<vmem>>
        %dma_start3A_115 = tpu.memref_squeeze %dma_start3A_114 : memref<1x80xi32, #tpu.memory_space<vmem>> -> memref<80xi32, #tpu.memory_space<vmem>>
        %dma_start3A_116 = arith.constant 0 : i32
        %dma_start3A_117 = arith.constant 0 : i32
        %dma_start3A_118 = tpu.memref_slice %arg14[%dma_start3A_116, %dma_start3A_117] : memref<10240x128xf32, #tpu.memory_space<vmem_shared>> -> memref<10240x128xf32, #tpu.memory_space<vmem_shared>>
        tpu.enqueue_indirect_dma source(%arg11 : memref<80x128xf32, #tpu.memory_space<vmem>>) target(%dma_start3A_118 : memref<10240x128xf32, #tpu.memory_space<vmem_shared>>) offsets(%dma_start3A_115 : memref<80xi32, #tpu.memory_space<vmem>>) semaphore(%run_scoped3A_112 : memref<!tpu.dma_semaphore, #tpu.memory_space<semaphore_mem>>) {add = true}
        %dma_wait3A_119 = arith.constant 0 : i32
        %dma_wait3A_120 = tpu.memref_slice %arg7[%add3A_100, %dma_wait3A_119] : memref<125x80xi32, #tpu.memory_space<vmem>> -> memref<1x80xi32, #tpu.memory_space<vmem>>
        %dma_wait3A_121 = tpu.memref_squeeze %dma_wait3A_120 : memref<1x80xi32, #tpu.memory_space<vmem>> -> memref<80xi32, #tpu.memory_space<vmem>>
        %dma_wait3A_122 = arith.constant 0 : i32
        %dma_wait3A_123 = arith.constant 0 : i32
        %dma_wait3A_124 = tpu.memref_slice %arg14[%dma_wait3A_122, %dma_wait3A_123] : memref<10240x128xf32, #tpu.memory_space<vmem_shared>> -> memref<10240x128xf32, #tpu.memory_space<vmem_shared>>
        tpu.wait_indirect_dma semaphore(%run_scoped3A_112 : memref<!tpu.dma_semaphore, #tpu.memory_space<semaphore_mem>>) src(%arg11 : memref<80x128xf32, #tpu.memory_space<vmem>>) dst(%dma_wait3A_124 : memref<10240x128xf32, #tpu.memory_space<vmem_shared>>)
        tpu.yield
      }) : () -> ()
      %add3A_104 = arith.constant 2 : i32
      %add3A_105 = arith.addi %add3A_100, %add3A_104 : i32
      %lt3A_106 = arith.constant 125 : i32
      %lt3A_107 = arith.cmpi slt, %add3A_105, %lt3A_106 : i32
      %convert_element_type3A_108 = arith.extui %lt3A_107 : i1 to i32
      %cond3A_109 = arith.constant 0 : i32
      %cond3A_110 = arith.cmpi ne, %convert_element_type3A_108, %cond3A_109 : i32
      scf.if %cond3A_110 {
        %add3A_112 = arith.constant 2 : i32
        %add3A_113 = arith.addi %add3A_100, %add3A_112 : i32
        "tpu.region"() ({
          %run_scoped3A_117 = tpu.sem_alloc : memref<!tpu.dma_semaphore, #tpu.memory_space<semaphore_mem>>
          %dma_start3A_118 = arith.constant 0 : i32
          %dma_start3A_119 = tpu.memref_slice %arg3[%add3A, %add3A_113, %dma_start3A_118] : memref<32x125x80xi32, #tpu.memory_space<hbm>> -> memref<1x1x80xi32, #tpu.memory_space<hbm>>
          %dma_start3A_120 = tpu.memref_squeeze %dma_start3A_119 : memref<1x1x80xi32, #tpu.memory_space<hbm>> -> memref<80xi32, #tpu.memory_space<hbm>>
          %dma_start3A_121 = arith.constant 0 : i32
          %dma_start3A_122 = tpu.memref_slice %arg3[%add3A, %add3A_113, %dma_start3A_121] : memref<32x125x80xi32, #tpu.memory_space<hbm>> -> memref<1x1x80xi32, #tpu.memory_space<hbm>>
          %dma_start3A_123 = tpu.memref_squeeze %dma_start3A_122 : memref<1x1x80xi32, #tpu.memory_space<hbm>> -> memref<80xi32, #tpu.memory_space<hbm>>
          tpu.enqueue_dma source(%dma_start3A_123 : memref<80xi32, #tpu.memory_space<hbm>>) target(%arg9 : memref<80xi32, #tpu.memory_space<vmem>>) target_semaphore(%run_scoped3A_117 : memref<!tpu.dma_semaphore, #tpu.memory_space<semaphore_mem>>)
          %dma_wait3A_124 = arith.constant 0 : i32
          %dma_wait3A_125 = tpu.memref_slice %arg3[%add3A, %add3A_113, %dma_wait3A_124] : memref<32x125x80xi32, #tpu.memory_space<hbm>> -> memref<1x1x80xi32, #tpu.memory_space<hbm>>
          %dma_wait3A_126 = tpu.memref_squeeze %dma_wait3A_125 : memref<1x1x80xi32, #tpu.memory_space<hbm>> -> memref<80xi32, #tpu.memory_space<hbm>>
          %dma_wait3A_127 = arith.constant 0 : i32
          %dma_wait3A_128 = tpu.memref_slice %arg3[%add3A, %add3A_113, %dma_wait3A_127] : memref<32x125x80xi32, #tpu.memory_space<hbm>> -> memref<1x1x80xi32, #tpu.memory_space<hbm>>
          %dma_wait3A_129 = tpu.memref_squeeze %dma_wait3A_128 : memref<1x1x80xi32, #tpu.memory_space<hbm>> -> memref<80xi32, #tpu.memory_space<hbm>>
          tpu.wait_dma2 semaphore(%run_scoped3A_117 : memref<!tpu.dma_semaphore, #tpu.memory_space<semaphore_mem>>) src(%dma_wait3A_129 : memref<80xi32, #tpu.memory_space<hbm>>) dst(%arg9 : memref<80xi32, #tpu.memory_space<vmem>>)
          tpu.yield
        }) : () -> ()
        %dma_start3A_114 = arith.constant 0 : i32
        %dma_start3A_115 = arith.constant 0 : i32
        %dma_start3A_116 = tpu.memref_slice %arg2[%dma_start3A_114, %dma_start3A_115] : memref<10000x128xf32, #tpu.memory_space<hbm>> -> memref<10000x128xf32, #tpu.memory_space<hbm>>
        tpu.enqueue_indirect_dma source(%dma_start3A_116 : memref<10000x128xf32, #tpu.memory_space<hbm>>) target(%arg11 : memref<80x128xf32, #tpu.memory_space<vmem>>) offsets(%arg9 : memref<80xi32, #tpu.memory_space<vmem>>) semaphore(%arg13 : memref<!tpu.dma_semaphore, #tpu.memory_space<semaphore_mem>>)
      } else {
      }
      %scan3A_111 = arith.constant 0 : i32
      scf.yield %scan3A_111 : i32
    }
    %scan3A_31 = arith.constant 62 : i32
    %dma_wait3A = arith.constant 0 : i32
    %dma_wait3A_32 = arith.constant 0 : i32
    %dma_wait3A_33 = tpu.memref_slice %arg2[%dma_wait3A, %dma_wait3A_32] : memref<10000x128xf32, #tpu.memory_space<hbm>> -> memref<10000x128xf32, #tpu.memory_space<hbm>>
    tpu.wait_indirect_dma semaphore(%arg12 : memref<!tpu.dma_semaphore, #tpu.memory_space<semaphore_mem>>) src(%dma_wait3A_33 : memref<10000x128xf32, #tpu.memory_space<hbm>>) dst(%arg10 : memref<80x128xf32, #tpu.memory_space<vmem>>)
    %run_scoped3A_34 = arith.constant 124 : i32
    "tpu.region"() ({
      %run_scoped3A_84 = tpu.sem_alloc : memref<!tpu.dma_semaphore, #tpu.memory_space<semaphore_mem>>
      %dma_start3A_85 = arith.constant 0 : i32
      %dma_start3A_86 = tpu.memref_slice %arg7[%run_scoped3A_34, %dma_start3A_85] : memref<125x80xi32, #tpu.memory_space<vmem>> -> memref<1x80xi32, #tpu.memory_space<vmem>>
      %dma_start3A_87 = tpu.memref_squeeze %dma_start3A_86 : memref<1x80xi32, #tpu.memory_space<vmem>> -> memref<80xi32, #tpu.memory_space<vmem>>
      %dma_start3A_88 = arith.constant 0 : i32
      %dma_start3A_89 = arith.constant 0 : i32
      %dma_start3A_90 = tpu.memref_slice %arg14[%dma_start3A_88, %dma_start3A_89] : memref<10240x128xf32, #tpu.memory_space<vmem_shared>> -> memref<10240x128xf32, #tpu.memory_space<vmem_shared>>
      tpu.enqueue_indirect_dma source(%arg10 : memref<80x128xf32, #tpu.memory_space<vmem>>) target(%dma_start3A_90 : memref<10240x128xf32, #tpu.memory_space<vmem_shared>>) offsets(%dma_start3A_87 : memref<80xi32, #tpu.memory_space<vmem>>) semaphore(%run_scoped3A_84 : memref<!tpu.dma_semaphore, #tpu.memory_space<semaphore_mem>>) {add = true}
      %dma_wait3A_91 = arith.constant 0 : i32
      %dma_wait3A_92 = tpu.memref_slice %arg7[%run_scoped3A_34, %dma_wait3A_91] : memref<125x80xi32, #tpu.memory_space<vmem>> -> memref<1x80xi32, #tpu.memory_space<vmem>>
      %dma_wait3A_93 = tpu.memref_squeeze %dma_wait3A_92 : memref<1x80xi32, #tpu.memory_space<vmem>> -> memref<80xi32, #tpu.memory_space<vmem>>
      %dma_wait3A_94 = arith.constant 0 : i32
      %dma_wait3A_95 = arith.constant 0 : i32
      %dma_wait3A_96 = tpu.memref_slice %arg14[%dma_wait3A_94, %dma_wait3A_95] : memref<10240x128xf32, #tpu.memory_space<vmem_shared>> -> memref<10240x128xf32, #tpu.memory_space<vmem_shared>>
      tpu.wait_indirect_dma semaphore(%run_scoped3A_84 : memref<!tpu.dma_semaphore, #tpu.memory_space<semaphore_mem>>) src(%arg10 : memref<80x128xf32, #tpu.memory_space<vmem>>) dst(%dma_wait3A_96 : memref<10240x128xf32, #tpu.memory_space<vmem_shared>>)
      tpu.yield
    }) : () -> ()
    %barrier3A_35 = arith.constant 0 : index
    tpu.barrier barrier_id(%barrier3A_35)
    %scan3A_36 = arith.constant 0 : i32
    %scan3A_37 = arith.constant 0 : i32
    %scan3A_38 = arith.constant 8 : i32
    %scan3A_39 = arith.addi %scan3A_37, %scan3A_38 : i32
    %scan3A_40 = arith.constant 1 : i32
    %scan3A_41 = scf.for %scan3A_84 = %scan3A_37 to %scan3A_39 step %scan3A_40 iter_args(%scan3A_85 = %scan3A_36) -> (i32)  : i32 {
      %mul3A_86 = arith.constant 80 : i32
      %mul3A_87 = arith.muli %scan3A_84, %mul3A_86 : i32
      %add3A_88 = arith.addi %mul3A_2, %mul3A_87 : i32
      "tpu.region"() ({
        %run_scoped3A_91 = tpu.sem_alloc : memref<!tpu.dma_semaphore, #tpu.memory_space<semaphore_mem>>
        %dma_start3A_92 = arith.constant 0 : i32
        %dma_start3A_93 = tpu.memref_slice %arg14[%add3A_88, %dma_start3A_92] : memref<10240x128xf32, #tpu.memory_space<vmem_shared>> -> memref<80x128xf32, #tpu.memory_space<vmem_shared>>
        %dma_start3A_94 = arith.constant 0 : i32
        %dma_start3A_95 = tpu.memref_slice %arg14[%add3A_88, %dma_start3A_94] : memref<10240x128xf32, #tpu.memory_space<vmem_shared>> -> memref<80x128xf32, #tpu.memory_space<vmem_shared>>
        tpu.enqueue_dma source(%dma_start3A_95 : memref<80x128xf32, #tpu.memory_space<vmem_shared>>) target(%arg10 : memref<80x128xf32, #tpu.memory_space<vmem>>) target_semaphore(%run_scoped3A_91 : memref<!tpu.dma_semaphore, #tpu.memory_space<semaphore_mem>>)
        %dma_wait3A_96 = arith.constant 0 : i32
        %dma_wait3A_97 = tpu.memref_slice %arg14[%add3A_88, %dma_wait3A_96] : memref<10240x128xf32, #tpu.memory_space<vmem_shared>> -> memref<80x128xf32, #tpu.memory_space<vmem_shared>>
        %dma_wait3A_98 = arith.constant 0 : i32
        %dma_wait3A_99 = tpu.memref_slice %arg14[%add3A_88, %dma_wait3A_98] : memref<10240x128xf32, #tpu.memory_space<vmem_shared>> -> memref<80x128xf32, #tpu.memory_space<vmem_shared>>
        tpu.wait_dma2 semaphore(%run_scoped3A_91 : memref<!tpu.dma_semaphore, #tpu.memory_space<semaphore_mem>>) src(%dma_wait3A_99 : memref<80x128xf32, #tpu.memory_space<vmem_shared>>) dst(%arg10 : memref<80x128xf32, #tpu.memory_space<vmem>>)
        tpu.yield
      }) : () -> ()
      %add3A_89 = arith.addi %mul3A_4, %add3A_88 : i32
      "tpu.region"() ({
        %run_scoped3A_91 = tpu.sem_alloc : memref<!tpu.dma_semaphore, #tpu.memory_space<semaphore_mem>>
        %dma_start3A_92 = arith.constant 0 : i32
        %dma_start3A_93 = tpu.memref_slice %arg5[%add3A_89, %dma_start3A_92] : memref<20480x128xf32, #tpu.memory_space<hbm>> -> memref<80x128xf32, #tpu.memory_space<hbm>>
        %dma_start3A_94 = arith.constant 0 : i32
        %dma_start3A_95 = tpu.memref_slice %arg5[%add3A_89, %dma_start3A_94] : memref<20480x128xf32, #tpu.memory_space<hbm>> -> memref<80x128xf32, #tpu.memory_space<hbm>>
        tpu.enqueue_dma source(%arg10 : memref<80x128xf32, #tpu.memory_space<vmem>>) target(%dma_start3A_95 : memref<80x128xf32, #tpu.memory_space<hbm>>) target_semaphore(%run_scoped3A_91 : memref<!tpu.dma_semaphore, #tpu.memory_space<semaphore_mem>>)
        %dma_wait3A_96 = arith.constant 0 : i32
        %dma_wait3A_97 = tpu.memref_slice %arg5[%add3A_89, %dma_wait3A_96] : memref<20480x128xf32, #tpu.memory_space<hbm>> -> memref<80x128xf32, #tpu.memory_space<hbm>>
        %dma_wait3A_98 = arith.constant 0 : i32
        %dma_wait3A_99 = tpu.memref_slice %arg5[%add3A_89, %dma_wait3A_98] : memref<20480x128xf32, #tpu.memory_space<hbm>> -> memref<80x128xf32, #tpu.memory_space<hbm>>
        tpu.wait_dma2 semaphore(%run_scoped3A_91 : memref<!tpu.dma_semaphore, #tpu.memory_space<semaphore_mem>>) src(%arg10 : memref<80x128xf32, #tpu.memory_space<vmem>>) dst(%dma_wait3A_99 : memref<80x128xf32, #tpu.memory_space<hbm>>)
        tpu.yield
      }) : () -> ()
      %scan3A_90 = arith.constant 0 : i32
      scf.yield %scan3A_90 : i32
    }
    %scan3A_42 = arith.constant 8 : i32
    %broadcast_in_dim3A_43 = arith.constant 0.000000e+00 : f32
    %broadcast_in_dim3A_44 = vector.broadcast %broadcast_in_dim3A_43 : f32 to vector<16xf32>
    %scan3A_45 = arith.constant 0 : i32
    %scan3A_46 = arith.constant 0 : i32
    %scan3A_47 = arith.constant 80 : i32
    %scan3A_48 = arith.addi %scan3A_46, %scan3A_47 : i32
    %scan3A_49 = arith.constant 1 : i32
    %scan3A_50 = scf.for %scan3A_84 = %scan3A_46 to %scan3A_48 step %scan3A_49 iter_args(%scan3A_85 = %scan3A_45) -> (i32)  : i32 {
      %scan3A_86 = arith.constant 0 : i32
      %scan3A_87 = arith.constant 0 : i32
      %scan3A_88 = arith.constant 8 : i32
      %scan3A_89 = arith.addi %scan3A_87, %scan3A_88 : i32
      %scan3A_90 = arith.constant 1 : i32
      %scan3A_91 = scf.for %scan3A_93 = %scan3A_87 to %scan3A_89 step %scan3A_90 iter_args(%scan3A_94 = %scan3A_86) -> (i32)  : i32 {
        %mul3A_95 = arith.constant 16 : i32
        %mul3A_96 = arith.muli %scan3A_93, %mul3A_95 : i32
        %swap3A = arith.index_cast %scan3A_84 : i32 to index
        %swap3A_97 = arith.index_cast %mul3A_96 : i32 to index
        %swap3A_98 = tpu.vector_load %arg10[%swap3A, %swap3A_97] {strides = array<i32>} : memref<80x128xf32, #tpu.memory_space<vmem>>, vector<1x16xf32>,
        %swap3A_99 = vector.shape_cast %swap3A_98 : vector<1x16xf32> to vector<16xf32>
        %swap3A_100 = vector.shape_cast %broadcast_in_dim3A_44 : vector<16xf32> to vector<1x16xf32>
        tpu.vector_store %arg10[%swap3A, %swap3A_97], %swap3A_100 {strides = array<i32>} : memref<80x128xf32, #tpu.memory_space<vmem>>, vector<1x16xf32>,
        %scan3A_101 = arith.constant 0 : i32
        scf.yield %scan3A_101 : i32
      }
      %scan3A_92 = arith.constant 8 : i32
      scf.yield %scan3A_91 : i32
    }
    %scan3A_51 = arith.constant 80 : i32
    %scan3A_52 = arith.constant 0 : i32
    %scan3A_53 = arith.constant 0 : i32
    %scan3A_54 = arith.constant 8 : i32
    %scan3A_55 = arith.addi %scan3A_53, %scan3A_54 : i32
    %scan3A_56 = arith.constant 1 : i32
    %scan3A_57 = scf.for %scan3A_84 = %scan3A_53 to %scan3A_55 step %scan3A_56 iter_args(%scan3A_85 = %scan3A_52) -> (i32)  : i32 {
      %mul3A_86 = arith.constant 80 : i32
      %mul3A_87 = arith.muli %scan3A_84, %mul3A_86 : i32
      %add3A_88 = arith.addi %mul3A_2, %mul3A_87 : i32
      "tpu.region"() ({
        %run_scoped3A_90 = tpu.sem_alloc : memref<!tpu.dma_semaphore, #tpu.memory_space<semaphore_mem>>
        %dma_start3A_91 = arith.constant 0 : i32
        %dma_start3A_92 = tpu.memref_slice %arg14[%add3A_88, %dma_start3A_91] : memref<10240x128xf32, #tpu.memory_space<vmem_shared>> -> memref<80x128xf32, #tpu.memory_space<vmem_shared>>
        %dma_start3A_93 = arith.constant 0 : i32
        %dma_start3A_94 = tpu.memref_slice %arg14[%add3A_88, %dma_start3A_93] : memref<10240x128xf32, #tpu.memory_space<vmem_shared>> -> memref<80x128xf32, #tpu.memory_space<vmem_shared>>
        tpu.enqueue_dma source(%arg10 : memref<80x128xf32, #tpu.memory_space<vmem>>) target(%dma_start3A_94 : memref<80x128xf32, #tpu.memory_space<vmem_shared>>) target_semaphore(%run_scoped3A_90 : memref<!tpu.dma_semaphore, #tpu.memory_space<semaphore_mem>>)
        %dma_wait3A_95 = arith.constant 0 : i32
        %dma_wait3A_96 = tpu.memref_slice %arg14[%add3A_88, %dma_wait3A_95] : memref<10240x128xf32, #tpu.memory_space<vmem_shared>> -> memref<80x128xf32, #tpu.memory_space<vmem_shared>>
        %dma_wait3A_97 = arith.constant 0 : i32
        %dma_wait3A_98 = tpu.memref_slice %arg14[%add3A_88, %dma_wait3A_97] : memref<10240x128xf32, #tpu.memory_space<vmem_shared>> -> memref<80x128xf32, #tpu.memory_space<vmem_shared>>
        tpu.wait_dma2 semaphore(%run_scoped3A_90 : memref<!tpu.dma_semaphore, #tpu.memory_space<semaphore_mem>>) src(%arg10 : memref<80x128xf32, #tpu.memory_space<vmem>>) dst(%dma_wait3A_98 : memref<80x128xf32, #tpu.memory_space<vmem_shared>>)
        tpu.yield
      }) : () -> ()
      %scan3A_89 = arith.constant 0 : i32
      scf.yield %scan3A_89 : i32
    }
    %scan3A_58 = arith.constant 8 : i32
    %barrier3A_59 = arith.constant 0 : index
    tpu.barrier barrier_id(%barrier3A_59)
    %broadcast_in_dim3A_60 = arith.constant 1.000000e+00 : f32
    %broadcast_in_dim3A_61 = vector.broadcast %broadcast_in_dim3A_60 : f32 to vector<16xf32>
    %scan3A_62 = arith.constant 0 : i32
    %scan3A_63 = arith.constant 0 : i32
    %scan3A_64 = arith.constant 80 : i32
    %scan3A_65 = arith.addi %scan3A_63, %scan3A_64 : i32
    %scan3A_66 = arith.constant 1 : i32
    %scan3A_67 = scf.for %scan3A_84 = %scan3A_63 to %scan3A_65 step %scan3A_66 iter_args(%scan3A_85 = %scan3A_62) -> (i32)  : i32 {
      %scan3A_86 = arith.constant 0 : i32
      %scan3A_87 = arith.constant 0 : i32
      %scan3A_88 = arith.constant 8 : i32
      %scan3A_89 = arith.addi %scan3A_87, %scan3A_88 : i32
      %scan3A_90 = arith.constant 1 : i32
      %scan3A_91 = scf.for %scan3A_93 = %scan3A_87 to %scan3A_89 step %scan3A_90 iter_args(%scan3A_94 = %scan3A_86) -> (i32)  : i32 {
        %mul3A_95 = arith.constant 16 : i32
        %mul3A_96 = arith.muli %scan3A_93, %mul3A_95 : i32
        %swap3A = arith.index_cast %scan3A_84 : i32 to index
        %swap3A_97 = arith.index_cast %mul3A_96 : i32 to index
        %swap3A_98 = tpu.vector_load %arg11[%swap3A, %swap3A_97] {strides = array<i32>} : memref<80x128xf32, #tpu.memory_space<vmem>>, vector<1x16xf32>,
        %swap3A_99 = vector.shape_cast %swap3A_98 : vector<1x16xf32> to vector<16xf32>
        %swap3A_100 = vector.shape_cast %broadcast_in_dim3A_61 : vector<16xf32> to vector<1x16xf32>
        tpu.vector_store %arg11[%swap3A, %swap3A_97], %swap3A_100 {strides = array<i32>} : memref<80x128xf32, #tpu.memory_space<vmem>>, vector<1x16xf32>,
        %scan3A_101 = arith.constant 0 : i32
        scf.yield %scan3A_101 : i32
      }
      %scan3A_92 = arith.constant 8 : i32
      scf.yield %scan3A_91 : i32
    }
    %scan3A_68 = arith.constant 80 : i32
    %scan3A_69 = arith.constant 0 : i32
    %scan3A_70 = arith.constant 0 : i32
    %scan3A_71 = arith.constant 125 : i32
    %scan3A_72 = arith.addi %scan3A_70, %scan3A_71 : i32
    %scan3A_73 = arith.constant 1 : i32
    %scan3A_74 = scf.for %scan3A_84 = %scan3A_70 to %scan3A_72 step %scan3A_73 iter_args(%scan3A_85 = %scan3A_69) -> (i32)  : i32 {
      "tpu.region"() ({
        %run_scoped3A_87 = tpu.sem_alloc : memref<!tpu.dma_semaphore, #tpu.memory_space<semaphore_mem>>
        %dma_start3A_88 = arith.constant 0 : i32
        %dma_start3A_89 = tpu.memref_slice %arg7[%scan3A_84, %dma_start3A_88] : memref<125x80xi32, #tpu.memory_space<vmem>> -> memref<1x80xi32, #tpu.memory_space<vmem>>
        %dma_start3A_90 = tpu.memref_squeeze %dma_start3A_89 : memref<1x80xi32, #tpu.memory_space<vmem>> -> memref<80xi32, #tpu.memory_space<vmem>>
        %dma_start3A_91 = arith.constant 0 : i32
        %dma_start3A_92 = arith.constant 0 : i32
        %dma_start3A_93 = tpu.memref_slice %arg14[%dma_start3A_91, %dma_start3A_92] : memref<10240x128xf32, #tpu.memory_space<vmem_shared>> -> memref<10240x128xf32, #tpu.memory_space<vmem_shared>>
        tpu.enqueue_indirect_dma source(%arg11 : memref<80x128xf32, #tpu.memory_space<vmem>>) target(%dma_start3A_93 : memref<10240x128xf32, #tpu.memory_space<vmem_shared>>) offsets(%dma_start3A_90 : memref<80xi32, #tpu.memory_space<vmem>>) semaphore(%run_scoped3A_87 : memref<!tpu.dma_semaphore, #tpu.memory_space<semaphore_mem>>) {add = true}
        %dma_wait3A_94 = arith.constant 0 : i32
        %dma_wait3A_95 = tpu.memref_slice %arg7[%scan3A_84, %dma_wait3A_94] : memref<125x80xi32, #tpu.memory_space<vmem>> -> memref<1x80xi32, #tpu.memory_space<vmem>>
        %dma_wait3A_96 = tpu.memref_squeeze %dma_wait3A_95 : memref<1x80xi32, #tpu.memory_space<vmem>> -> memref<80xi32, #tpu.memory_space<vmem>>
        %dma_wait3A_97 = arith.constant 0 : i32
        %dma_wait3A_98 = arith.constant 0 : i32
        %dma_wait3A_99 = tpu.memref_slice %arg14[%dma_wait3A_97, %dma_wait3A_98] : memref<10240x128xf32, #tpu.memory_space<vmem_shared>> -> memref<10240x128xf32, #tpu.memory_space<vmem_shared>>
        tpu.wait_indirect_dma semaphore(%run_scoped3A_87 : memref<!tpu.dma_semaphore, #tpu.memory_space<semaphore_mem>>) src(%arg11 : memref<80x128xf32, #tpu.memory_space<vmem>>) dst(%dma_wait3A_99 : memref<10240x128xf32, #tpu.memory_space<vmem_shared>>)
        tpu.yield
      }) : () -> ()
      %scan3A_86 = arith.constant 0 : i32
      scf.yield %scan3A_86 : i32
    }
    %scan3A_75 = arith.constant 125 : i32
    %barrier3A_76 = arith.constant 0 : index
    tpu.barrier barrier_id(%barrier3A_76)
    %scan3A_77 = arith.constant 0 : i32
    %scan3A_78 = arith.constant 0 : i32
    %scan3A_79 = arith.constant 8 : i32
    %scan3A_80 = arith.addi %scan3A_78, %scan3A_79 : i32
    %scan3A_81 = arith.constant 1 : i32
    %scan3A_82 = scf.for %scan3A_84 = %scan3A_78 to %scan3A_80 step %scan3A_81 iter_args(%scan3A_85 = %scan3A_77) -> (i32)  : i32 {
      %mul3A_86 = arith.constant 80 : i32
      %mul3A_87 = arith.muli %scan3A_84, %mul3A_86 : i32
      %add3A_88 = arith.addi %mul3A_2, %mul3A_87 : i32
      "tpu.region"() ({
        %run_scoped3A_91 = tpu.sem_alloc : memref<!tpu.dma_semaphore, #tpu.memory_space<semaphore_mem>>
        %dma_start3A_92 = arith.constant 0 : i32
        %dma_start3A_93 = tpu.memref_slice %arg14[%add3A_88, %dma_start3A_92] : memref<10240x128xf32, #tpu.memory_space<vmem_shared>> -> memref<80x128xf32, #tpu.memory_space<vmem_shared>>
        %dma_start3A_94 = arith.constant 0 : i32
        %dma_start3A_95 = tpu.memref_slice %arg14[%add3A_88, %dma_start3A_94] : memref<10240x128xf32, #tpu.memory_space<vmem_shared>> -> memref<80x128xf32, #tpu.memory_space<vmem_shared>>
        tpu.enqueue_dma source(%dma_start3A_95 : memref<80x128xf32, #tpu.memory_space<vmem_shared>>) target(%arg10 : memref<80x128xf32, #tpu.memory_space<vmem>>) target_semaphore(%run_scoped3A_91 : memref<!tpu.dma_semaphore, #tpu.memory_space<semaphore_mem>>)
        %dma_wait3A_96 = arith.constant 0 : i32
        %dma_wait3A_97 = tpu.memref_slice %arg14[%add3A_88, %dma_wait3A_96] : memref<10240x128xf32, #tpu.memory_space<vmem_shared>> -> memref<80x128xf32, #tpu.memory_space<vmem_shared>>
        %dma_wait3A_98 = arith.constant 0 : i32
        %dma_wait3A_99 = tpu.memref_slice %arg14[%add3A_88, %dma_wait3A_98] : memref<10240x128xf32, #tpu.memory_space<vmem_shared>> -> memref<80x128xf32, #tpu.memory_space<vmem_shared>>
        tpu.wait_dma2 semaphore(%run_scoped3A_91 : memref<!tpu.dma_semaphore, #tpu.memory_space<semaphore_mem>>) src(%dma_wait3A_99 : memref<80x128xf32, #tpu.memory_space<vmem_shared>>) dst(%arg10 : memref<80x128xf32, #tpu.memory_space<vmem>>)
        tpu.yield
      }) : () -> ()
      %add3A_89 = arith.addi %mul3A_4, %add3A_88 : i32
      "tpu.region"() ({
        %run_scoped3A_91 = tpu.sem_alloc : memref<!tpu.dma_semaphore, #tpu.memory_space<semaphore_mem>>
        %dma_start3A_92 = arith.constant 0 : i32
        %dma_start3A_93 = tpu.memref_slice %arg6[%add3A_89, %dma_start3A_92] : memref<20480x128xf32, #tpu.memory_space<hbm>> -> memref<80x128xf32, #tpu.memory_space<hbm>>
        %dma_start3A_94 = arith.constant 0 : i32
        %dma_start3A_95 = tpu.memref_slice %arg6[%add3A_89, %dma_start3A_94] : memref<20480x128xf32, #tpu.memory_space<hbm>> -> memref<80x128xf32, #tpu.memory_space<hbm>>
        tpu.enqueue_dma source(%arg10 : memref<80x128xf32, #tpu.memory_space<vmem>>) target(%dma_start3A_95 : memref<80x128xf32, #tpu.memory_space<hbm>>) target_semaphore(%run_scoped3A_91 : memref<!tpu.dma_semaphore, #tpu.memory_space<semaphore_mem>>)
        %dma_wait3A_96 = arith.constant 0 : i32
        %dma_wait3A_97 = tpu.memref_slice %arg6[%add3A_89, %dma_wait3A_96] : memref<20480x128xf32, #tpu.memory_space<hbm>> -> memref<80x128xf32, #tpu.memory_space<hbm>>
        %dma_wait3A_98 = arith.constant 0 : i32
        %dma_wait3A_99 = tpu.memref_slice %arg6[%add3A_89, %dma_wait3A_98] : memref<20480x128xf32, #tpu.memory_space<hbm>> -> memref<80x128xf32, #tpu.memory_space<hbm>>
        tpu.wait_dma2 semaphore(%run_scoped3A_91 : memref<!tpu.dma_semaphore, #tpu.memory_space<semaphore_mem>>) src(%arg10 : memref<80x128xf32, #tpu.memory_space<vmem>>) dst(%dma_wait3A_99 : memref<80x128xf32, #tpu.memory_space<hbm>>)
        tpu.yield
      }) : () -> ()
      %scan3A_90 = arith.constant 0 : i32
      scf.yield %scan3A_90 : i32
    }
    %scan3A_83 = arith.constant 8 : i32
    return
  }
}

#map = affine_map<(d0, d1) -> (0, 0)>
#map1 = affine_map<(d0, d1) -> (0, 0, 0)>
module attributes {stable_mosaic.version = 14 : i64} {
  func.func @body(%arg0: i32, %arg1: i32, %arg2: memref<10000x128xf32, #tpu.memory_space<hbm>>, %arg3: memref<32x125x80xi32, #tpu.memory_space<hbm>>, %arg4: memref<32x125x80xi32, #tpu.memory_space<hbm>>, %arg5: memref<20480x128xf32, #tpu.memory_space<hbm>>, %arg6: memref<125x80xi32, #tpu.memory_space<vmem>>, %arg7: memref<80xi32, #tpu.memory_space<vmem>>, %arg8: memref<80xi32, #tpu.memory_space<vmem>>, %arg9: memref<80x128xf32, #tpu.memory_space<vmem>>, %arg10: memref<80x128xf32, #tpu.memory_space<vmem>>, %arg11: memref<!tpu.dma_semaphore, #tpu.memory_space<semaphore_mem>>, %arg12: memref<!tpu.dma_semaphore, #tpu.memory_space<semaphore_mem>>, %arg13: memref<10240x128xf32, #tpu.memory_space<vmem_shared>>) attributes {dimension_semantics = [#tpu.dimension_semantics<core_parallel>, #tpu.dimension_semantics<subcore_parallel>], iteration_bounds = array<i64: 2, 16>, scalar_prefetch = 0 : i64, scratch_operands = 8 : i64, tpu.core_type = #tpu.core_type<sc_vector_subcore>, window_params = [{transform_indices = #map}, {transform_indices = #map1}, {transform_indices = #map1}, {transform_indices = #map}]} {
    %mul3A = arith.constant 2 : i32
    %mul3A_0 = arith.muli %arg1, %mul3A : i32
    %add3A = arith.addi %mul3A_0, %arg0 : i32
    %mul3A_1 = arith.constant 640 : i32
    %mul3A_2 = arith.muli %arg1, %mul3A_1 : i32
    %mul3A_3 = arith.constant 10240 : i32
    %mul3A_4 = arith.muli %arg0, %mul3A_3 : i32
    "tpu.region"() ({
      %run_scoped3A_43 = tpu.sem_alloc : memref<!tpu.dma_semaphore, #tpu.memory_space<semaphore_mem>>
      %dma_start3A_44 = arith.constant 0 : i32
      %dma_start3A_45 = arith.constant 0 : i32
      %dma_start3A_46 = tpu.memref_slice %arg4[%add3A, %dma_start3A_44, %dma_start3A_45] : memref<32x125x80xi32, #tpu.memory_space<hbm>> -> memref<1x125x80xi32, #tpu.memory_space<hbm>>
      %dma_start3A_47 = tpu.memref_squeeze %dma_start3A_46 : memref<1x125x80xi32, #tpu.memory_space<hbm>> -> memref<125x80xi32, #tpu.memory_space<hbm>>
      %dma_start3A_48 = arith.constant 0 : i32
      %dma_start3A_49 = arith.constant 0 : i32
      %dma_start3A_50 = tpu.memref_slice %arg4[%add3A, %dma_start3A_48, %dma_start3A_49] : memref<32x125x80xi32, #tpu.memory_space<hbm>> -> memref<1x125x80xi32, #tpu.memory_space<hbm>>
      %dma_start3A_51 = tpu.memref_squeeze %dma_start3A_50 : memref<1x125x80xi32, #tpu.memory_space<hbm>> -> memref<125x80xi32, #tpu.memory_space<hbm>>
      tpu.enqueue_dma source(%dma_start3A_51 : memref<125x80xi32, #tpu.memory_space<hbm>>) target(%arg6 : memref<125x80xi32, #tpu.memory_space<vmem>>) target_semaphore(%run_scoped3A_43 : memref<!tpu.dma_semaphore, #tpu.memory_space<semaphore_mem>>)
      %dma_wait3A_52 = arith.constant 0 : i32
      %dma_wait3A_53 = arith.constant 0 : i32
      %dma_wait3A_54 = tpu.memref_slice %arg4[%add3A, %dma_wait3A_52, %dma_wait3A_53] : memref<32x125x80xi32, #tpu.memory_space<hbm>> -> memref<1x125x80xi32, #tpu.memory_space<hbm>>
      %dma_wait3A_55 = tpu.memref_squeeze %dma_wait3A_54 : memref<1x125x80xi32, #tpu.memory_space<hbm>> -> memref<125x80xi32, #tpu.memory_space<hbm>>
      %dma_wait3A_56 = arith.constant 0 : i32
      %dma_wait3A_57 = arith.constant 0 : i32
      %dma_wait3A_58 = tpu.memref_slice %arg4[%add3A, %dma_wait3A_56, %dma_wait3A_57] : memref<32x125x80xi32, #tpu.memory_space<hbm>> -> memref<1x125x80xi32, #tpu.memory_space<hbm>>
      %dma_wait3A_59 = tpu.memref_squeeze %dma_wait3A_58 : memref<1x125x80xi32, #tpu.memory_space<hbm>> -> memref<125x80xi32, #tpu.memory_space<hbm>>
      tpu.wait_dma2 semaphore(%run_scoped3A_43 : memref<!tpu.dma_semaphore, #tpu.memory_space<semaphore_mem>>) src(%dma_wait3A_59 : memref<125x80xi32, #tpu.memory_space<hbm>>) dst(%arg6 : memref<125x80xi32, #tpu.memory_space<vmem>>)
      tpu.yield
    }) : () -> ()
    %broadcast_in_dim3A = arith.constant 0.000000e+00 : f32
    %broadcast_in_dim3A_5 = vector.broadcast %broadcast_in_dim3A : f32 to vector<16xf32>
    %scan3A = arith.constant 0 : i32
    %scan3A_6 = arith.constant 0 : i32
    %scan3A_7 = arith.constant 80 : i32
    %scan3A_8 = arith.addi %scan3A_6, %scan3A_7 : i32
    %scan3A_9 = arith.constant 1 : i32
    %scan3A_10 = scf.for %scan3A_43 = %scan3A_6 to %scan3A_8 step %scan3A_9 iter_args(%scan3A_44 = %scan3A) -> (i32)  : i32 {
      %scan3A_45 = arith.constant 0 : i32
      %scan3A_46 = arith.constant 0 : i32
      %scan3A_47 = arith.constant 8 : i32
      %scan3A_48 = arith.addi %scan3A_46, %scan3A_47 : i32
      %scan3A_49 = arith.constant 1 : i32
      %scan3A_50 = scf.for %scan3A_52 = %scan3A_46 to %scan3A_48 step %scan3A_49 iter_args(%scan3A_53 = %scan3A_45) -> (i32)  : i32 {
        %mul3A_54 = arith.constant 16 : i32
        %mul3A_55 = arith.muli %scan3A_52, %mul3A_54 : i32
        %swap3A = arith.index_cast %scan3A_43 : i32 to index
        %swap3A_56 = arith.index_cast %mul3A_55 : i32 to index
        %swap3A_57 = tpu.vector_load %arg9[%swap3A, %swap3A_56] {strides = array<i32>} : memref<80x128xf32, #tpu.memory_space<vmem>>, vector<1x16xf32>,
        %swap3A_58 = vector.shape_cast %swap3A_57 : vector<1x16xf32> to vector<16xf32>
        %swap3A_59 = vector.shape_cast %broadcast_in_dim3A_5 : vector<16xf32> to vector<1x16xf32>
        tpu.vector_store %arg9[%swap3A, %swap3A_56], %swap3A_59 {strides = array<i32>} : memref<80x128xf32, #tpu.memory_space<vmem>>, vector<1x16xf32>,
        %scan3A_60 = arith.constant 0 : i32
        scf.yield %scan3A_60 : i32
      }
      %scan3A_51 = arith.constant 8 : i32
      scf.yield %scan3A_50 : i32
    }
    %scan3A_11 = arith.constant 80 : i32
    %scan3A_12 = arith.constant 0 : i32
    %scan3A_13 = arith.constant 0 : i32
    %scan3A_14 = arith.constant 8 : i32
    %scan3A_15 = arith.addi %scan3A_13, %scan3A_14 : i32
    %scan3A_16 = arith.constant 1 : i32
    %scan3A_17 = scf.for %scan3A_43 = %scan3A_13 to %scan3A_15 step %scan3A_16 iter_args(%scan3A_44 = %scan3A_12) -> (i32)  : i32 {
      %mul3A_45 = arith.constant 80 : i32
      %mul3A_46 = arith.muli %scan3A_43, %mul3A_45 : i32
      %add3A_47 = arith.addi %mul3A_2, %mul3A_46 : i32
      "tpu.region"() ({
        %run_scoped3A_49 = tpu.sem_alloc : memref<!tpu.dma_semaphore, #tpu.memory_space<semaphore_mem>>
        %dma_start3A_50 = arith.constant 0 : i32
        %dma_start3A_51 = tpu.memref_slice %arg13[%add3A_47, %dma_start3A_50] : memref<10240x128xf32, #tpu.memory_space<vmem_shared>> -> memref<80x128xf32, #tpu.memory_space<vmem_shared>>
        %dma_start3A_52 = arith.constant 0 : i32
        %dma_start3A_53 = tpu.memref_slice %arg13[%add3A_47, %dma_start3A_52] : memref<10240x128xf32, #tpu.memory_space<vmem_shared>> -> memref<80x128xf32, #tpu.memory_space<vmem_shared>>
        tpu.enqueue_dma source(%arg9 : memref<80x128xf32, #tpu.memory_space<vmem>>) target(%dma_start3A_53 : memref<80x128xf32, #tpu.memory_space<vmem_shared>>) target_semaphore(%run_scoped3A_49 : memref<!tpu.dma_semaphore, #tpu.memory_space<semaphore_mem>>)
        %dma_wait3A_54 = arith.constant 0 : i32
        %dma_wait3A_55 = tpu.memref_slice %arg13[%add3A_47, %dma_wait3A_54] : memref<10240x128xf32, #tpu.memory_space<vmem_shared>> -> memref<80x128xf32, #tpu.memory_space<vmem_shared>>
        %dma_wait3A_56 = arith.constant 0 : i32
        %dma_wait3A_57 = tpu.memref_slice %arg13[%add3A_47, %dma_wait3A_56] : memref<10240x128xf32, #tpu.memory_space<vmem_shared>> -> memref<80x128xf32, #tpu.memory_space<vmem_shared>>
        tpu.wait_dma2 semaphore(%run_scoped3A_49 : memref<!tpu.dma_semaphore, #tpu.memory_space<semaphore_mem>>) src(%arg9 : memref<80x128xf32, #tpu.memory_space<vmem>>) dst(%dma_wait3A_57 : memref<80x128xf32, #tpu.memory_space<vmem_shared>>)
        tpu.yield
      }) : () -> ()
      %scan3A_48 = arith.constant 0 : i32
      scf.yield %scan3A_48 : i32
    }
    %scan3A_18 = arith.constant 8 : i32
    %barrier3A = arith.constant 0 : index
    tpu.barrier barrier_id(%barrier3A)
    %run_scoped3A = arith.constant 0 : i32
    "tpu.region"() ({
      %run_scoped3A_43 = tpu.sem_alloc : memref<!tpu.dma_semaphore, #tpu.memory_space<semaphore_mem>>
      %dma_start3A_44 = arith.constant 0 : i32
      %dma_start3A_45 = tpu.memref_slice %arg3[%add3A, %run_scoped3A, %dma_start3A_44] : memref<32x125x80xi32, #tpu.memory_space<hbm>> -> memref<1x1x80xi32, #tpu.memory_space<hbm>>
      %dma_start3A_46 = tpu.memref_squeeze %dma_start3A_45 : memref<1x1x80xi32, #tpu.memory_space<hbm>> -> memref<80xi32, #tpu.memory_space<hbm>>
      %dma_start3A_47 = arith.constant 0 : i32
      %dma_start3A_48 = tpu.memref_slice %arg3[%add3A, %run_scoped3A, %dma_start3A_47] : memref<32x125x80xi32, #tpu.memory_space<hbm>> -> memref<1x1x80xi32, #tpu.memory_space<hbm>>
      %dma_start3A_49 = tpu.memref_squeeze %dma_start3A_48 : memref<1x1x80xi32, #tpu.memory_space<hbm>> -> memref<80xi32, #tpu.memory_space<hbm>>
      tpu.enqueue_dma source(%dma_start3A_49 : memref<80xi32, #tpu.memory_space<hbm>>) target(%arg7 : memref<80xi32, #tpu.memory_space<vmem>>) target_semaphore(%run_scoped3A_43 : memref<!tpu.dma_semaphore, #tpu.memory_space<semaphore_mem>>)
      %dma_wait3A_50 = arith.constant 0 : i32
      %dma_wait3A_51 = tpu.memref_slice %arg3[%add3A, %run_scoped3A, %dma_wait3A_50] : memref<32x125x80xi32, #tpu.memory_space<hbm>> -> memref<1x1x80xi32, #tpu.memory_space<hbm>>
      %dma_wait3A_52 = tpu.memref_squeeze %dma_wait3A_51 : memref<1x1x80xi32, #tpu.memory_space<hbm>> -> memref<80xi32, #tpu.memory_space<hbm>>
      %dma_wait3A_53 = arith.constant 0 : i32
      %dma_wait3A_54 = tpu.memref_slice %arg3[%add3A, %run_scoped3A, %dma_wait3A_53] : memref<32x125x80xi32, #tpu.memory_space<hbm>> -> memref<1x1x80xi32, #tpu.memory_space<hbm>>
      %dma_wait3A_55 = tpu.memref_squeeze %dma_wait3A_54 : memref<1x1x80xi32, #tpu.memory_space<hbm>> -> memref<80xi32, #tpu.memory_space<hbm>>
      tpu.wait_dma2 semaphore(%run_scoped3A_43 : memref<!tpu.dma_semaphore, #tpu.memory_space<semaphore_mem>>) src(%dma_wait3A_55 : memref<80xi32, #tpu.memory_space<hbm>>) dst(%arg7 : memref<80xi32, #tpu.memory_space<vmem>>)
      tpu.yield
    }) : () -> ()
    %dma_start3A = arith.constant 0 : i32
    %dma_start3A_19 = arith.constant 0 : i32
    %dma_start3A_20 = tpu.memref_slice %arg2[%dma_start3A, %dma_start3A_19] : memref<10000x128xf32, #tpu.memory_space<hbm>> -> memref<10000x128xf32, #tpu.memory_space<hbm>>
    tpu.enqueue_indirect_dma source(%dma_start3A_20 : memref<10000x128xf32, #tpu.memory_space<hbm>>) target(%arg9 : memref<80x128xf32, #tpu.memory_space<vmem>>) offsets(%arg7 : memref<80xi32, #tpu.memory_space<vmem>>) semaphore(%arg11 : memref<!tpu.dma_semaphore, #tpu.memory_space<semaphore_mem>>)
    %run_scoped3A_21 = arith.constant 1 : i32
    "tpu.region"() ({
      %run_scoped3A_43 = tpu.sem_alloc : memref<!tpu.dma_semaphore, #tpu.memory_space<semaphore_mem>>
      %dma_start3A_44 = arith.constant 0 : i32
      %dma_start3A_45 = tpu.memref_slice %arg3[%add3A, %run_scoped3A_21, %dma_start3A_44] : memref<32x125x80xi32, #tpu.memory_space<hbm>> -> memref<1x1x80xi32, #tpu.memory_space<hbm>>
      %dma_start3A_46 = tpu.memref_squeeze %dma_start3A_45 : memref<1x1x80xi32, #tpu.memory_space<hbm>> -> memref<80xi32, #tpu.memory_space<hbm>>
      %dma_start3A_47 = arith.constant 0 : i32
      %dma_start3A_48 = tpu.memref_slice %arg3[%add3A, %run_scoped3A_21, %dma_start3A_47] : memref<32x125x80xi32, #tpu.memory_space<hbm>> -> memref<1x1x80xi32, #tpu.memory_space<hbm>>
      %dma_start3A_49 = tpu.memref_squeeze %dma_start3A_48 : memref<1x1x80xi32, #tpu.memory_space<hbm>> -> memref<80xi32, #tpu.memory_space<hbm>>
      tpu.enqueue_dma source(%dma_start3A_49 : memref<80xi32, #tpu.memory_space<hbm>>) target(%arg8 : memref<80xi32, #tpu.memory_space<vmem>>) target_semaphore(%run_scoped3A_43 : memref<!tpu.dma_semaphore, #tpu.memory_space<semaphore_mem>>)
      %dma_wait3A_50 = arith.constant 0 : i32
      %dma_wait3A_51 = tpu.memref_slice %arg3[%add3A, %run_scoped3A_21, %dma_wait3A_50] : memref<32x125x80xi32, #tpu.memory_space<hbm>> -> memref<1x1x80xi32, #tpu.memory_space<hbm>>
      %dma_wait3A_52 = tpu.memref_squeeze %dma_wait3A_51 : memref<1x1x80xi32, #tpu.memory_space<hbm>> -> memref<80xi32, #tpu.memory_space<hbm>>
      %dma_wait3A_53 = arith.constant 0 : i32
      %dma_wait3A_54 = tpu.memref_slice %arg3[%add3A, %run_scoped3A_21, %dma_wait3A_53] : memref<32x125x80xi32, #tpu.memory_space<hbm>> -> memref<1x1x80xi32, #tpu.memory_space<hbm>>
      %dma_wait3A_55 = tpu.memref_squeeze %dma_wait3A_54 : memref<1x1x80xi32, #tpu.memory_space<hbm>> -> memref<80xi32, #tpu.memory_space<hbm>>
      tpu.wait_dma2 semaphore(%run_scoped3A_43 : memref<!tpu.dma_semaphore, #tpu.memory_space<semaphore_mem>>) src(%dma_wait3A_55 : memref<80xi32, #tpu.memory_space<hbm>>) dst(%arg8 : memref<80xi32, #tpu.memory_space<vmem>>)
      tpu.yield
    }) : () -> ()
    %dma_start3A_22 = arith.constant 0 : i32
    %dma_start3A_23 = arith.constant 0 : i32
    %dma_start3A_24 = tpu.memref_slice %arg2[%dma_start3A_22, %dma_start3A_23] : memref<10000x128xf32, #tpu.memory_space<hbm>> -> memref<10000x128xf32, #tpu.memory_space<hbm>>
    tpu.enqueue_indirect_dma source(%dma_start3A_24 : memref<10000x128xf32, #tpu.memory_space<hbm>>) target(%arg10 : memref<80x128xf32, #tpu.memory_space<vmem>>) offsets(%arg8 : memref<80xi32, #tpu.memory_space<vmem>>) semaphore(%arg12 : memref<!tpu.dma_semaphore, #tpu.memory_space<semaphore_mem>>)
    %scan3A_25 = arith.constant 0 : i32
    %scan3A_26 = arith.constant 0 : i32
    %scan3A_27 = arith.constant 62 : i32
    %scan3A_28 = arith.addi %scan3A_26, %scan3A_27 : i32
    %scan3A_29 = arith.constant 1 : i32
    %scan3A_30 = scf.for %scan3A_43 = %scan3A_26 to %scan3A_28 step %scan3A_29 iter_args(%scan3A_44 = %scan3A_25) -> (i32)  : i32 {
      %mul3A_45 = arith.constant 2 : i32
      %mul3A_46 = arith.muli %scan3A_43, %mul3A_45 : i32
      %add3A_47 = arith.constant 0 : i32
      %add3A_48 = arith.addi %mul3A_46, %add3A_47 : i32
      %dma_wait3A_49 = arith.constant 0 : i32
      %dma_wait3A_50 = arith.constant 0 : i32
      %dma_wait3A_51 = tpu.memref_slice %arg2[%dma_wait3A_49, %dma_wait3A_50] : memref<10000x128xf32, #tpu.memory_space<hbm>> -> memref<10000x128xf32, #tpu.memory_space<hbm>>
      tpu.wait_indirect_dma semaphore(%arg11 : memref<!tpu.dma_semaphore, #tpu.memory_space<semaphore_mem>>) src(%dma_wait3A_51 : memref<10000x128xf32, #tpu.memory_space<hbm>>) dst(%arg9 : memref<80x128xf32, #tpu.memory_space<vmem>>)
      "tpu.region"() ({
        %run_scoped3A_71 = tpu.sem_alloc : memref<!tpu.dma_semaphore, #tpu.memory_space<semaphore_mem>>
        %dma_start3A_72 = arith.constant 0 : i32
        %dma_start3A_73 = tpu.memref_slice %arg6[%add3A_48, %dma_start3A_72] : memref<125x80xi32, #tpu.memory_space<vmem>> -> memref<1x80xi32, #tpu.memory_space<vmem>>
        %dma_start3A_74 = tpu.memref_squeeze %dma_start3A_73 : memref<1x80xi32, #tpu.memory_space<vmem>> -> memref<80xi32, #tpu.memory_space<vmem>>
        %dma_start3A_75 = arith.constant 0 : i32
        %dma_start3A_76 = arith.constant 0 : i32
        %dma_start3A_77 = tpu.memref_slice %arg13[%dma_start3A_75, %dma_start3A_76] : memref<10240x128xf32, #tpu.memory_space<vmem_shared>> -> memref<10240x128xf32, #tpu.memory_space<vmem_shared>>
        tpu.enqueue_indirect_dma source(%arg9 : memref<80x128xf32, #tpu.memory_space<vmem>>) target(%dma_start3A_77 : memref<10240x128xf32, #tpu.memory_space<vmem_shared>>) offsets(%dma_start3A_74 : memref<80xi32, #tpu.memory_space<vmem>>) semaphore(%run_scoped3A_71 : memref<!tpu.dma_semaphore, #tpu.memory_space<semaphore_mem>>) {add = true}
        %dma_wait3A_78 = arith.constant 0 : i32
        %dma_wait3A_79 = tpu.memref_slice %arg6[%add3A_48, %dma_wait3A_78] : memref<125x80xi32, #tpu.memory_space<vmem>> -> memref<1x80xi32, #tpu.memory_space<vmem>>
        %dma_wait3A_80 = tpu.memref_squeeze %dma_wait3A_79 : memref<1x80xi32, #tpu.memory_space<vmem>> -> memref<80xi32, #tpu.memory_space<vmem>>
        %dma_wait3A_81 = arith.constant 0 : i32
        %dma_wait3A_82 = arith.constant 0 : i32
        %dma_wait3A_83 = tpu.memref_slice %arg13[%dma_wait3A_81, %dma_wait3A_82] : memref<10240x128xf32, #tpu.memory_space<vmem_shared>> -> memref<10240x128xf32, #tpu.memory_space<vmem_shared>>
        tpu.wait_indirect_dma semaphore(%run_scoped3A_71 : memref<!tpu.dma_semaphore, #tpu.memory_space<semaphore_mem>>) src(%arg9 : memref<80x128xf32, #tpu.memory_space<vmem>>) dst(%dma_wait3A_83 : memref<10240x128xf32, #tpu.memory_space<vmem_shared>>)
        tpu.yield
      }) : () -> ()
      %add3A_52 = arith.constant 2 : i32
      %add3A_53 = arith.addi %add3A_48, %add3A_52 : i32
      %lt3A = arith.constant 125 : i32
      %lt3A_54 = arith.cmpi slt, %add3A_53, %lt3A : i32
      %convert_element_type3A = arith.extui %lt3A_54 : i1 to i32
      %cond3A = arith.constant 0 : i32
      %cond3A_55 = arith.cmpi ne, %convert_element_type3A, %cond3A : i32
      scf.if %cond3A_55 {
        %add3A_71 = arith.constant 2 : i32
        %add3A_72 = arith.addi %add3A_48, %add3A_71 : i32
        "tpu.region"() ({
          %run_scoped3A_76 = tpu.sem_alloc : memref<!tpu.dma_semaphore, #tpu.memory_space<semaphore_mem>>
          %dma_start3A_77 = arith.constant 0 : i32
          %dma_start3A_78 = tpu.memref_slice %arg3[%add3A, %add3A_72, %dma_start3A_77] : memref<32x125x80xi32, #tpu.memory_space<hbm>> -> memref<1x1x80xi32, #tpu.memory_space<hbm>>
          %dma_start3A_79 = tpu.memref_squeeze %dma_start3A_78 : memref<1x1x80xi32, #tpu.memory_space<hbm>> -> memref<80xi32, #tpu.memory_space<hbm>>
          %dma_start3A_80 = arith.constant 0 : i32
          %dma_start3A_81 = tpu.memref_slice %arg3[%add3A, %add3A_72, %dma_start3A_80] : memref<32x125x80xi32, #tpu.memory_space<hbm>> -> memref<1x1x80xi32, #tpu.memory_space<hbm>>
          %dma_start3A_82 = tpu.memref_squeeze %dma_start3A_81 : memref<1x1x80xi32, #tpu.memory_space<hbm>> -> memref<80xi32, #tpu.memory_space<hbm>>
          tpu.enqueue_dma source(%dma_start3A_82 : memref<80xi32, #tpu.memory_space<hbm>>) target(%arg7 : memref<80xi32, #tpu.memory_space<vmem>>) target_semaphore(%run_scoped3A_76 : memref<!tpu.dma_semaphore, #tpu.memory_space<semaphore_mem>>)
          %dma_wait3A_83 = arith.constant 0 : i32
          %dma_wait3A_84 = tpu.memref_slice %arg3[%add3A, %add3A_72, %dma_wait3A_83] : memref<32x125x80xi32, #tpu.memory_space<hbm>> -> memref<1x1x80xi32, #tpu.memory_space<hbm>>
          %dma_wait3A_85 = tpu.memref_squeeze %dma_wait3A_84 : memref<1x1x80xi32, #tpu.memory_space<hbm>> -> memref<80xi32, #tpu.memory_space<hbm>>
          %dma_wait3A_86 = arith.constant 0 : i32
          %dma_wait3A_87 = tpu.memref_slice %arg3[%add3A, %add3A_72, %dma_wait3A_86] : memref<32x125x80xi32, #tpu.memory_space<hbm>> -> memref<1x1x80xi32, #tpu.memory_space<hbm>>
          %dma_wait3A_88 = tpu.memref_squeeze %dma_wait3A_87 : memref<1x1x80xi32, #tpu.memory_space<hbm>> -> memref<80xi32, #tpu.memory_space<hbm>>
          tpu.wait_dma2 semaphore(%run_scoped3A_76 : memref<!tpu.dma_semaphore, #tpu.memory_space<semaphore_mem>>) src(%dma_wait3A_88 : memref<80xi32, #tpu.memory_space<hbm>>) dst(%arg7 : memref<80xi32, #tpu.memory_space<vmem>>)
          tpu.yield
        }) : () -> ()
        %dma_start3A_73 = arith.constant 0 : i32
        %dma_start3A_74 = arith.constant 0 : i32
        %dma_start3A_75 = tpu.memref_slice %arg2[%dma_start3A_73, %dma_start3A_74] : memref<10000x128xf32, #tpu.memory_space<hbm>> -> memref<10000x128xf32, #tpu.memory_space<hbm>>
        tpu.enqueue_indirect_dma source(%dma_start3A_75 : memref<10000x128xf32, #tpu.memory_space<hbm>>) target(%arg9 : memref<80x128xf32, #tpu.memory_space<vmem>>) offsets(%arg7 : memref<80xi32, #tpu.memory_space<vmem>>) semaphore(%arg11 : memref<!tpu.dma_semaphore, #tpu.memory_space<semaphore_mem>>)
      } else {
      }
      %mul3A_56 = arith.constant 2 : i32
      %mul3A_57 = arith.muli %scan3A_43, %mul3A_56 : i32
      %add3A_58 = arith.constant 1 : i32
      %add3A_59 = arith.addi %mul3A_57, %add3A_58 : i32
      %dma_wait3A_60 = arith.constant 0 : i32
      %dma_wait3A_61 = arith.constant 0 : i32
      %dma_wait3A_62 = tpu.memref_slice %arg2[%dma_wait3A_60, %dma_wait3A_61] : memref<10000x128xf32, #tpu.memory_space<hbm>> -> memref<10000x128xf32, #tpu.memory_space<hbm>>
      tpu.wait_indirect_dma semaphore(%arg12 : memref<!tpu.dma_semaphore, #tpu.memory_space<semaphore_mem>>) src(%dma_wait3A_62 : memref<10000x128xf32, #tpu.memory_space<hbm>>) dst(%arg10 : memref<80x128xf32, #tpu.memory_space<vmem>>)
      "tpu.region"() ({
        %run_scoped3A_71 = tpu.sem_alloc : memref<!tpu.dma_semaphore, #tpu.memory_space<semaphore_mem>>
        %dma_start3A_72 = arith.constant 0 : i32
        %dma_start3A_73 = tpu.memref_slice %arg6[%add3A_59, %dma_start3A_72] : memref<125x80xi32, #tpu.memory_space<vmem>> -> memref<1x80xi32, #tpu.memory_space<vmem>>
        %dma_start3A_74 = tpu.memref_squeeze %dma_start3A_73 : memref<1x80xi32, #tpu.memory_space<vmem>> -> memref<80xi32, #tpu.memory_space<vmem>>
        %dma_start3A_75 = arith.constant 0 : i32
        %dma_start3A_76 = arith.constant 0 : i32
        %dma_start3A_77 = tpu.memref_slice %arg13[%dma_start3A_75, %dma_start3A_76] : memref<10240x128xf32, #tpu.memory_space<vmem_shared>> -> memref<10240x128xf32, #tpu.memory_space<vmem_shared>>
        tpu.enqueue_indirect_dma source(%arg10 : memref<80x128xf32, #tpu.memory_space<vmem>>) target(%dma_start3A_77 : memref<10240x128xf32, #tpu.memory_space<vmem_shared>>) offsets(%dma_start3A_74 : memref<80xi32, #tpu.memory_space<vmem>>) semaphore(%run_scoped3A_71 : memref<!tpu.dma_semaphore, #tpu.memory_space<semaphore_mem>>) {add = true}
        %dma_wait3A_78 = arith.constant 0 : i32
        %dma_wait3A_79 = tpu.memref_slice %arg6[%add3A_59, %dma_wait3A_78] : memref<125x80xi32, #tpu.memory_space<vmem>> -> memref<1x80xi32, #tpu.memory_space<vmem>>
        %dma_wait3A_80 = tpu.memref_squeeze %dma_wait3A_79 : memref<1x80xi32, #tpu.memory_space<vmem>> -> memref<80xi32, #tpu.memory_space<vmem>>
        %dma_wait3A_81 = arith.constant 0 : i32
        %dma_wait3A_82 = arith.constant 0 : i32
        %dma_wait3A_83 = tpu.memref_slice %arg13[%dma_wait3A_81, %dma_wait3A_82] : memref<10240x128xf32, #tpu.memory_space<vmem_shared>> -> memref<10240x128xf32, #tpu.memory_space<vmem_shared>>
        tpu.wait_indirect_dma semaphore(%run_scoped3A_71 : memref<!tpu.dma_semaphore, #tpu.memory_space<semaphore_mem>>) src(%arg10 : memref<80x128xf32, #tpu.memory_space<vmem>>) dst(%dma_wait3A_83 : memref<10240x128xf32, #tpu.memory_space<vmem_shared>>)
        tpu.yield
      }) : () -> ()
      %add3A_63 = arith.constant 2 : i32
      %add3A_64 = arith.addi %add3A_59, %add3A_63 : i32
      %lt3A_65 = arith.constant 125 : i32
      %lt3A_66 = arith.cmpi slt, %add3A_64, %lt3A_65 : i32
      %convert_element_type3A_67 = arith.extui %lt3A_66 : i1 to i32
      %cond3A_68 = arith.constant 0 : i32
      %cond3A_69 = arith.cmpi ne, %convert_element_type3A_67, %cond3A_68 : i32
      scf.if %cond3A_69 {
        %add3A_71 = arith.constant 2 : i32
        %add3A_72 = arith.addi %add3A_59, %add3A_71 : i32
        "tpu.region"() ({
          %run_scoped3A_76 = tpu.sem_alloc : memref<!tpu.dma_semaphore, #tpu.memory_space<semaphore_mem>>
          %dma_start3A_77 = arith.constant 0 : i32
          %dma_start3A_78 = tpu.memref_slice %arg3[%add3A, %add3A_72, %dma_start3A_77] : memref<32x125x80xi32, #tpu.memory_space<hbm>> -> memref<1x1x80xi32, #tpu.memory_space<hbm>>
          %dma_start3A_79 = tpu.memref_squeeze %dma_start3A_78 : memref<1x1x80xi32, #tpu.memory_space<hbm>> -> memref<80xi32, #tpu.memory_space<hbm>>
          %dma_start3A_80 = arith.constant 0 : i32
          %dma_start3A_81 = tpu.memref_slice %arg3[%add3A, %add3A_72, %dma_start3A_80] : memref<32x125x80xi32, #tpu.memory_space<hbm>> -> memref<1x1x80xi32, #tpu.memory_space<hbm>>
          %dma_start3A_82 = tpu.memref_squeeze %dma_start3A_81 : memref<1x1x80xi32, #tpu.memory_space<hbm>> -> memref<80xi32, #tpu.memory_space<hbm>>
          tpu.enqueue_dma source(%dma_start3A_82 : memref<80xi32, #tpu.memory_space<hbm>>) target(%arg8 : memref<80xi32, #tpu.memory_space<vmem>>) target_semaphore(%run_scoped3A_76 : memref<!tpu.dma_semaphore, #tpu.memory_space<semaphore_mem>>)
          %dma_wait3A_83 = arith.constant 0 : i32
          %dma_wait3A_84 = tpu.memref_slice %arg3[%add3A, %add3A_72, %dma_wait3A_83] : memref<32x125x80xi32, #tpu.memory_space<hbm>> -> memref<1x1x80xi32, #tpu.memory_space<hbm>>
          %dma_wait3A_85 = tpu.memref_squeeze %dma_wait3A_84 : memref<1x1x80xi32, #tpu.memory_space<hbm>> -> memref<80xi32, #tpu.memory_space<hbm>>
          %dma_wait3A_86 = arith.constant 0 : i32
          %dma_wait3A_87 = tpu.memref_slice %arg3[%add3A, %add3A_72, %dma_wait3A_86] : memref<32x125x80xi32, #tpu.memory_space<hbm>> -> memref<1x1x80xi32, #tpu.memory_space<hbm>>
          %dma_wait3A_88 = tpu.memref_squeeze %dma_wait3A_87 : memref<1x1x80xi32, #tpu.memory_space<hbm>> -> memref<80xi32, #tpu.memory_space<hbm>>
          tpu.wait_dma2 semaphore(%run_scoped3A_76 : memref<!tpu.dma_semaphore, #tpu.memory_space<semaphore_mem>>) src(%dma_wait3A_88 : memref<80xi32, #tpu.memory_space<hbm>>) dst(%arg8 : memref<80xi32, #tpu.memory_space<vmem>>)
          tpu.yield
        }) : () -> ()
        %dma_start3A_73 = arith.constant 0 : i32
        %dma_start3A_74 = arith.constant 0 : i32
        %dma_start3A_75 = tpu.memref_slice %arg2[%dma_start3A_73, %dma_start3A_74] : memref<10000x128xf32, #tpu.memory_space<hbm>> -> memref<10000x128xf32, #tpu.memory_space<hbm>>
        tpu.enqueue_indirect_dma source(%dma_start3A_75 : memref<10000x128xf32, #tpu.memory_space<hbm>>) target(%arg10 : memref<80x128xf32, #tpu.memory_space<vmem>>) offsets(%arg8 : memref<80xi32, #tpu.memory_space<vmem>>) semaphore(%arg12 : memref<!tpu.dma_semaphore, #tpu.memory_space<semaphore_mem>>)
      } else {
      }
      %scan3A_70 = arith.constant 0 : i32
      scf.yield %scan3A_70 : i32
    }
    %scan3A_31 = arith.constant 62 : i32
    %dma_wait3A = arith.constant 0 : i32
    %dma_wait3A_32 = arith.constant 0 : i32
    %dma_wait3A_33 = tpu.memref_slice %arg2[%dma_wait3A, %dma_wait3A_32] : memref<10000x128xf32, #tpu.memory_space<hbm>> -> memref<10000x128xf32, #tpu.memory_space<hbm>>
    tpu.wait_indirect_dma semaphore(%arg11 : memref<!tpu.dma_semaphore, #tpu.memory_space<semaphore_mem>>) src(%dma_wait3A_33 : memref<10000x128xf32, #tpu.memory_space<hbm>>) dst(%arg9 : memref<80x128xf32, #tpu.memory_space<vmem>>)
    %run_scoped3A_34 = arith.constant 124 : i32
    "tpu.region"() ({
      %run_scoped3A_43 = tpu.sem_alloc : memref<!tpu.dma_semaphore, #tpu.memory_space<semaphore_mem>>
      %dma_start3A_44 = arith.constant 0 : i32
      %dma_start3A_45 = tpu.memref_slice %arg6[%run_scoped3A_34, %dma_start3A_44] : memref<125x80xi32, #tpu.memory_space<vmem>> -> memref<1x80xi32, #tpu.memory_space<vmem>>
      %dma_start3A_46 = tpu.memref_squeeze %dma_start3A_45 : memref<1x80xi32, #tpu.memory_space<vmem>> -> memref<80xi32, #tpu.memory_space<vmem>>
      %dma_start3A_47 = arith.constant 0 : i32
      %dma_start3A_48 = arith.constant 0 : i32
      %dma_start3A_49 = tpu.memref_slice %arg13[%dma_start3A_47, %dma_start3A_48] : memref<10240x128xf32, #tpu.memory_space<vmem_shared>> -> memref<10240x128xf32, #tpu.memory_space<vmem_shared>>
      tpu.enqueue_indirect_dma source(%arg9 : memref<80x128xf32, #tpu.memory_space<vmem>>) target(%dma_start3A_49 : memref<10240x128xf32, #tpu.memory_space<vmem_shared>>) offsets(%dma_start3A_46 : memref<80xi32, #tpu.memory_space<vmem>>) semaphore(%run_scoped3A_43 : memref<!tpu.dma_semaphore, #tpu.memory_space<semaphore_mem>>) {add = true}
      %dma_wait3A_50 = arith.constant 0 : i32
      %dma_wait3A_51 = tpu.memref_slice %arg6[%run_scoped3A_34, %dma_wait3A_50] : memref<125x80xi32, #tpu.memory_space<vmem>> -> memref<1x80xi32, #tpu.memory_space<vmem>>
      %dma_wait3A_52 = tpu.memref_squeeze %dma_wait3A_51 : memref<1x80xi32, #tpu.memory_space<vmem>> -> memref<80xi32, #tpu.memory_space<vmem>>
      %dma_wait3A_53 = arith.constant 0 : i32
      %dma_wait3A_54 = arith.constant 0 : i32
      %dma_wait3A_55 = tpu.memref_slice %arg13[%dma_wait3A_53, %dma_wait3A_54] : memref<10240x128xf32, #tpu.memory_space<vmem_shared>> -> memref<10240x128xf32, #tpu.memory_space<vmem_shared>>
      tpu.wait_indirect_dma semaphore(%run_scoped3A_43 : memref<!tpu.dma_semaphore, #tpu.memory_space<semaphore_mem>>) src(%arg9 : memref<80x128xf32, #tpu.memory_space<vmem>>) dst(%dma_wait3A_55 : memref<10240x128xf32, #tpu.memory_space<vmem_shared>>)
      tpu.yield
    }) : () -> ()
    %barrier3A_35 = arith.constant 0 : index
    tpu.barrier barrier_id(%barrier3A_35)
    %scan3A_36 = arith.constant 0 : i32
    %scan3A_37 = arith.constant 0 : i32
    %scan3A_38 = arith.constant 8 : i32
    %scan3A_39 = arith.addi %scan3A_37, %scan3A_38 : i32
    %scan3A_40 = arith.constant 1 : i32
    %scan3A_41 = scf.for %scan3A_43 = %scan3A_37 to %scan3A_39 step %scan3A_40 iter_args(%scan3A_44 = %scan3A_36) -> (i32)  : i32 {
      %mul3A_45 = arith.constant 80 : i32
      %mul3A_46 = arith.muli %scan3A_43, %mul3A_45 : i32
      %add3A_47 = arith.addi %mul3A_2, %mul3A_46 : i32
      "tpu.region"() ({
        %run_scoped3A_50 = tpu.sem_alloc : memref<!tpu.dma_semaphore, #tpu.memory_space<semaphore_mem>>
        %dma_start3A_51 = arith.constant 0 : i32
        %dma_start3A_52 = tpu.memref_slice %arg13[%add3A_47, %dma_start3A_51] : memref<10240x128xf32, #tpu.memory_space<vmem_shared>> -> memref<80x128xf32, #tpu.memory_space<vmem_shared>>
        %dma_start3A_53 = arith.constant 0 : i32
        %dma_start3A_54 = tpu.memref_slice %arg13[%add3A_47, %dma_start3A_53] : memref<10240x128xf32, #tpu.memory_space<vmem_shared>> -> memref<80x128xf32, #tpu.memory_space<vmem_shared>>
        tpu.enqueue_dma source(%dma_start3A_54 : memref<80x128xf32, #tpu.memory_space<vmem_shared>>) target(%arg9 : memref<80x128xf32, #tpu.memory_space<vmem>>) target_semaphore(%run_scoped3A_50 : memref<!tpu.dma_semaphore, #tpu.memory_space<semaphore_mem>>)
        %dma_wait3A_55 = arith.constant 0 : i32
        %dma_wait3A_56 = tpu.memref_slice %arg13[%add3A_47, %dma_wait3A_55] : memref<10240x128xf32, #tpu.memory_space<vmem_shared>> -> memref<80x128xf32, #tpu.memory_space<vmem_shared>>
        %dma_wait3A_57 = arith.constant 0 : i32
        %dma_wait3A_58 = tpu.memref_slice %arg13[%add3A_47, %dma_wait3A_57] : memref<10240x128xf32, #tpu.memory_space<vmem_shared>> -> memref<80x128xf32, #tpu.memory_space<vmem_shared>>
        tpu.wait_dma2 semaphore(%run_scoped3A_50 : memref<!tpu.dma_semaphore, #tpu.memory_space<semaphore_mem>>) src(%dma_wait3A_58 : memref<80x128xf32, #tpu.memory_space<vmem_shared>>) dst(%arg9 : memref<80x128xf32, #tpu.memory_space<vmem>>)
        tpu.yield
      }) : () -> ()
      %add3A_48 = arith.addi %mul3A_4, %add3A_47 : i32
      "tpu.region"() ({
        %run_scoped3A_50 = tpu.sem_alloc : memref<!tpu.dma_semaphore, #tpu.memory_space<semaphore_mem>>
        %dma_start3A_51 = arith.constant 0 : i32
        %dma_start3A_52 = tpu.memref_slice %arg5[%add3A_48, %dma_start3A_51] : memref<20480x128xf32, #tpu.memory_space<hbm>> -> memref<80x128xf32, #tpu.memory_space<hbm>>
        %dma_start3A_53 = arith.constant 0 : i32
        %dma_start3A_54 = tpu.memref_slice %arg5[%add3A_48, %dma_start3A_53] : memref<20480x128xf32, #tpu.memory_space<hbm>> -> memref<80x128xf32, #tpu.memory_space<hbm>>
        tpu.enqueue_dma source(%arg9 : memref<80x128xf32, #tpu.memory_space<vmem>>) target(%dma_start3A_54 : memref<80x128xf32, #tpu.memory_space<hbm>>) target_semaphore(%run_scoped3A_50 : memref<!tpu.dma_semaphore, #tpu.memory_space<semaphore_mem>>)
        %dma_wait3A_55 = arith.constant 0 : i32
        %dma_wait3A_56 = tpu.memref_slice %arg5[%add3A_48, %dma_wait3A_55] : memref<20480x128xf32, #tpu.memory_space<hbm>> -> memref<80x128xf32, #tpu.memory_space<hbm>>
        %dma_wait3A_57 = arith.constant 0 : i32
        %dma_wait3A_58 = tpu.memref_slice %arg5[%add3A_48, %dma_wait3A_57] : memref<20480x128xf32, #tpu.memory_space<hbm>> -> memref<80x128xf32, #tpu.memory_space<hbm>>
        tpu.wait_dma2 semaphore(%run_scoped3A_50 : memref<!tpu.dma_semaphore, #tpu.memory_space<semaphore_mem>>) src(%arg9 : memref<80x128xf32, #tpu.memory_space<vmem>>) dst(%dma_wait3A_58 : memref<80x128xf32, #tpu.memory_space<hbm>>)
        tpu.yield
      }) : () -> ()
      %scan3A_49 = arith.constant 0 : i32
      scf.yield %scan3A_49 : i32
    }
    %scan3A_42 = arith.constant 8 : i32
    return
  }
}

#map = affine_map<(d0, d1) -> (0, 0)>
#map1 = affine_map<(d0, d1) -> (0, 0, 0)>
module attributes {stable_mosaic.version = 14 : i64} {
  func.func @body(%arg0: i32, %arg1: i32, %arg2: memref<10000x128xf32, #tpu.memory_space<hbm>>, %arg3: memref<32x125x80xi32, #tpu.memory_space<hbm>>, %arg4: memref<32x125x80xi32, #tpu.memory_space<hbm>>, %arg5: memref<20480x128xf32, #tpu.memory_space<hbm>>, %arg6: memref<20480x128xf32, #tpu.memory_space<hbm>>, %arg7: memref<125x80xi32, #tpu.memory_space<vmem>>, %arg8: memref<80xi32, #tpu.memory_space<vmem>>, %arg9: memref<80xi32, #tpu.memory_space<vmem>>, %arg10: memref<80x128xf32, #tpu.memory_space<vmem>>, %arg11: memref<80x128xf32, #tpu.memory_space<vmem>>, %arg12: memref<!tpu.dma_semaphore, #tpu.memory_space<semaphore_mem>>, %arg13: memref<!tpu.dma_semaphore, #tpu.memory_space<semaphore_mem>>, %arg14: memref<10240x128xf32, #tpu.memory_space<vmem_shared>>) attributes {dimension_semantics = [#tpu.dimension_semantics<core_parallel>, #tpu.dimension_semantics<subcore_parallel>], iteration_bounds = array<i64: 2, 16>, scalar_prefetch = 0 : i64, scratch_operands = 8 : i64, tpu.core_type = #tpu.core_type<sc_vector_subcore>, window_params = [{transform_indices = #map}, {transform_indices = #map1}, {transform_indices = #map1}, {transform_indices = #map}, {transform_indices = #map}]} {
    %mul3A = arith.constant 2 : i32
    %mul3A_0 = arith.muli %arg1, %mul3A : i32
    %add3A = arith.addi %mul3A_0, %arg0 : i32
    %mul3A_1 = arith.constant 640 : i32
    %mul3A_2 = arith.muli %arg1, %mul3A_1 : i32
    %mul3A_3 = arith.constant 10240 : i32
    %mul3A_4 = arith.muli %arg0, %mul3A_3 : i32
    "tpu.region"() ({
      %run_scoped3A_84 = tpu.sem_alloc : memref<!tpu.dma_semaphore, #tpu.memory_space<semaphore_mem>>
      %dma_start3A_85 = arith.constant 0 : i32
      %dma_start3A_86 = arith.constant 0 : i32
      %dma_start3A_87 = tpu.memref_slice %arg4[%add3A, %dma_start3A_85, %dma_start3A_86] : memref<32x125x80xi32, #tpu.memory_space<hbm>> -> memref<1x125x80xi32, #tpu.memory_space<hbm>>
      %dma_start3A_88 = tpu.memref_squeeze %dma_start3A_87 : memref<1x125x80xi32, #tpu.memory_space<hbm>> -> memref<125x80xi32, #tpu.memory_space<hbm>>
      %dma_start3A_89 = arith.constant 0 : i32
      %dma_start3A_90 = arith.constant 0 : i32
      %dma_start3A_91 = tpu.memref_slice %arg4[%add3A, %dma_start3A_89, %dma_start3A_90] : memref<32x125x80xi32, #tpu.memory_space<hbm>> -> memref<1x125x80xi32, #tpu.memory_space<hbm>>
      %dma_start3A_92 = tpu.memref_squeeze %dma_start3A_91 : memref<1x125x80xi32, #tpu.memory_space<hbm>> -> memref<125x80xi32, #tpu.memory_space<hbm>>
      tpu.enqueue_dma source(%dma_start3A_92 : memref<125x80xi32, #tpu.memory_space<hbm>>) target(%arg7 : memref<125x80xi32, #tpu.memory_space<vmem>>) target_semaphore(%run_scoped3A_84 : memref<!tpu.dma_semaphore, #tpu.memory_space<semaphore_mem>>)
      %dma_wait3A_93 = arith.constant 0 : i32
      %dma_wait3A_94 = arith.constant 0 : i32
      %dma_wait3A_95 = tpu.memref_slice %arg4[%add3A, %dma_wait3A_93, %dma_wait3A_94] : memref<32x125x80xi32, #tpu.memory_space<hbm>> -> memref<1x125x80xi32, #tpu.memory_space<hbm>>
      %dma_wait3A_96 = tpu.memref_squeeze %dma_wait3A_95 : memref<1x125x80xi32, #tpu.memory_space<hbm>> -> memref<125x80xi32, #tpu.memory_space<hbm>>
      %dma_wait3A_97 = arith.constant 0 : i32
      %dma_wait3A_98 = arith.constant 0 : i32
      %dma_wait3A_99 = tpu.memref_slice %arg4[%add3A, %dma_wait3A_97, %dma_wait3A_98] : memref<32x125x80xi32, #tpu.memory_space<hbm>> -> memref<1x125x80xi32, #tpu.memory_space<hbm>>
      %dma_wait3A_100 = tpu.memref_squeeze %dma_wait3A_99 : memref<1x125x80xi32, #tpu.memory_space<hbm>> -> memref<125x80xi32, #tpu.memory_space<hbm>>
      tpu.wait_dma2 semaphore(%run_scoped3A_84 : memref<!tpu.dma_semaphore, #tpu.memory_space<semaphore_mem>>) src(%dma_wait3A_100 : memref<125x80xi32, #tpu.memory_space<hbm>>) dst(%arg7 : memref<125x80xi32, #tpu.memory_space<vmem>>)
      tpu.yield
    }) : () -> ()
    %broadcast_in_dim3A = arith.constant 0.000000e+00 : f32
    %broadcast_in_dim3A_5 = vector.broadcast %broadcast_in_dim3A : f32 to vector<16xf32>
    %scan3A = arith.constant 0 : i32
    %scan3A_6 = arith.constant 0 : i32
    %scan3A_7 = arith.constant 80 : i32
    %scan3A_8 = arith.addi %scan3A_6, %scan3A_7 : i32
    %scan3A_9 = arith.constant 1 : i32
    %scan3A_10 = scf.for %scan3A_84 = %scan3A_6 to %scan3A_8 step %scan3A_9 iter_args(%scan3A_85 = %scan3A) -> (i32)  : i32 {
      %scan3A_86 = arith.constant 0 : i32
      %scan3A_87 = arith.constant 0 : i32
      %scan3A_88 = arith.constant 8 : i32
      %scan3A_89 = arith.addi %scan3A_87, %scan3A_88 : i32
      %scan3A_90 = arith.constant 1 : i32
      %scan3A_91 = scf.for %scan3A_93 = %scan3A_87 to %scan3A_89 step %scan3A_90 iter_args(%scan3A_94 = %scan3A_86) -> (i32)  : i32 {
        %mul3A_95 = arith.constant 16 : i32
        %mul3A_96 = arith.muli %scan3A_93, %mul3A_95 : i32
        %swap3A = arith.index_cast %scan3A_84 : i32 to index
        %swap3A_97 = arith.index_cast %mul3A_96 : i32 to index
        %swap3A_98 = tpu.vector_load %arg10[%swap3A, %swap3A_97] {strides = array<i32>} : memref<80x128xf32, #tpu.memory_space<vmem>>, vector<1x16xf32>,
        %swap3A_99 = vector.shape_cast %swap3A_98 : vector<1x16xf32> to vector<16xf32>
        %swap3A_100 = vector.shape_cast %broadcast_in_dim3A_5 : vector<16xf32> to vector<1x16xf32>
        tpu.vector_store %arg10[%swap3A, %swap3A_97], %swap3A_100 {strides = array<i32>} : memref<80x128xf32, #tpu.memory_space<vmem>>, vector<1x16xf32>,
        %scan3A_101 = arith.constant 0 : i32
        scf.yield %scan3A_101 : i32
      }
      %scan3A_92 = arith.constant 8 : i32
      scf.yield %scan3A_91 : i32
    }
    %scan3A_11 = arith.constant 80 : i32
    %scan3A_12 = arith.constant 0 : i32
    %scan3A_13 = arith.constant 0 : i32
    %scan3A_14 = arith.constant 8 : i32
    %scan3A_15 = arith.addi %scan3A_13, %scan3A_14 : i32
    %scan3A_16 = arith.constant 1 : i32
    %scan3A_17 = scf.for %scan3A_84 = %scan3A_13 to %scan3A_15 step %scan3A_16 iter_args(%scan3A_85 = %scan3A_12) -> (i32)  : i32 {
      %mul3A_86 = arith.constant 80 : i32
      %mul3A_87 = arith.muli %scan3A_84, %mul3A_86 : i32
      %add3A_88 = arith.addi %mul3A_2, %mul3A_87 : i32
      "tpu.region"() ({
        %run_scoped3A_90 = tpu.sem_alloc : memref<!tpu.dma_semaphore, #tpu.memory_space<semaphore_mem>>
        %dma_start3A_91 = arith.constant 0 : i32
        %dma_start3A_92 = tpu.memref_slice %arg14[%add3A_88, %dma_start3A_91] : memref<10240x128xf32, #tpu.memory_space<vmem_shared>> -> memref<80x128xf32, #tpu.memory_space<vmem_shared>>
        %dma_start3A_93 = arith.constant 0 : i32
        %dma_start3A_94 = tpu.memref_slice %arg14[%add3A_88, %dma_start3A_93] : memref<10240x128xf32, #tpu.memory_space<vmem_shared>> -> memref<80x128xf32, #tpu.memory_space<vmem_shared>>
        tpu.enqueue_dma source(%arg10 : memref<80x128xf32, #tpu.memory_space<vmem>>) target(%dma_start3A_94 : memref<80x128xf32, #tpu.memory_space<vmem_shared>>) target_semaphore(%run_scoped3A_90 : memref<!tpu.dma_semaphore, #tpu.memory_space<semaphore_mem>>)
        %dma_wait3A_95 = arith.constant 0 : i32
        %dma_wait3A_96 = tpu.memref_slice %arg14[%add3A_88, %dma_wait3A_95] : memref<10240x128xf32, #tpu.memory_space<vmem_shared>> -> memref<80x128xf32, #tpu.memory_space<vmem_shared>>
        %dma_wait3A_97 = arith.constant 0 : i32
        %dma_wait3A_98 = tpu.memref_slice %arg14[%add3A_88, %dma_wait3A_97] : memref<10240x128xf32, #tpu.memory_space<vmem_shared>> -> memref<80x128xf32, #tpu.memory_space<vmem_shared>>
        tpu.wait_dma2 semaphore(%run_scoped3A_90 : memref<!tpu.dma_semaphore, #tpu.memory_space<semaphore_mem>>) src(%arg10 : memref<80x128xf32, #tpu.memory_space<vmem>>) dst(%dma_wait3A_98 : memref<80x128xf32, #tpu.memory_space<vmem_shared>>)
        tpu.yield
      }) : () -> ()
      %scan3A_89 = arith.constant 0 : i32
      scf.yield %scan3A_89 : i32
    }
    %scan3A_18 = arith.constant 8 : i32
    %barrier3A = arith.constant 0 : index
    tpu.barrier barrier_id(%barrier3A)
    %run_scoped3A = arith.constant 0 : i32
    "tpu.region"() ({
      %run_scoped3A_84 = tpu.sem_alloc : memref<!tpu.dma_semaphore, #tpu.memory_space<semaphore_mem>>
      %dma_start3A_85 = arith.constant 0 : i32
      %dma_start3A_86 = tpu.memref_slice %arg3[%add3A, %run_scoped3A, %dma_start3A_85] : memref<32x125x80xi32, #tpu.memory_space<hbm>> -> memref<1x1x80xi32, #tpu.memory_space<hbm>>
      %dma_start3A_87 = tpu.memref_squeeze %dma_start3A_86 : memref<1x1x80xi32, #tpu.memory_space<hbm>> -> memref<80xi32, #tpu.memory_space<hbm>>
      %dma_start3A_88 = arith.constant 0 : i32
      %dma_start3A_89 = tpu.memref_slice %arg3[%add3A, %run_scoped3A, %dma_start3A_88] : memref<32x125x80xi32, #tpu.memory_space<hbm>> -> memref<1x1x80xi32, #tpu.memory_space<hbm>>
      %dma_start3A_90 = tpu.memref_squeeze %dma_start3A_89 : memref<1x1x80xi32, #tpu.memory_space<hbm>> -> memref<80xi32, #tpu.memory_space<hbm>>
      tpu.enqueue_dma source(%dma_start3A_90 : memref<80xi32, #tpu.memory_space<hbm>>) target(%arg8 : memref<80xi32, #tpu.memory_space<vmem>>) target_semaphore(%run_scoped3A_84 : memref<!tpu.dma_semaphore, #tpu.memory_space<semaphore_mem>>)
      %dma_wait3A_91 = arith.constant 0 : i32
      %dma_wait3A_92 = tpu.memref_slice %arg3[%add3A, %run_scoped3A, %dma_wait3A_91] : memref<32x125x80xi32, #tpu.memory_space<hbm>> -> memref<1x1x80xi32, #tpu.memory_space<hbm>>
      %dma_wait3A_93 = tpu.memref_squeeze %dma_wait3A_92 : memref<1x1x80xi32, #tpu.memory_space<hbm>> -> memref<80xi32, #tpu.memory_space<hbm>>
      %dma_wait3A_94 = arith.constant 0 : i32
      %dma_wait3A_95 = tpu.memref_slice %arg3[%add3A, %run_scoped3A, %dma_wait3A_94] : memref<32x125x80xi32, #tpu.memory_space<hbm>> -> memref<1x1x80xi32, #tpu.memory_space<hbm>>
      %dma_wait3A_96 = tpu.memref_squeeze %dma_wait3A_95 : memref<1x1x80xi32, #tpu.memory_space<hbm>> -> memref<80xi32, #tpu.memory_space<hbm>>
      tpu.wait_dma2 semaphore(%run_scoped3A_84 : memref<!tpu.dma_semaphore, #tpu.memory_space<semaphore_mem>>) src(%dma_wait3A_96 : memref<80xi32, #tpu.memory_space<hbm>>) dst(%arg8 : memref<80xi32, #tpu.memory_space<vmem>>)
      tpu.yield
    }) : () -> ()
    %dma_start3A = arith.constant 0 : i32
    %dma_start3A_19 = arith.constant 0 : i32
    %dma_start3A_20 = tpu.memref_slice %arg2[%dma_start3A, %dma_start3A_19] : memref<10000x128xf32, #tpu.memory_space<hbm>> -> memref<10000x128xf32, #tpu.memory_space<hbm>>
    tpu.enqueue_indirect_dma source(%dma_start3A_20 : memref<10000x128xf32, #tpu.memory_space<hbm>>) target(%arg10 : memref<80x128xf32, #tpu.memory_space<vmem>>) offsets(%arg8 : memref<80xi32, #tpu.memory_space<vmem>>) semaphore(%arg12 : memref<!tpu.dma_semaphore, #tpu.memory_space<semaphore_mem>>)
    %run_scoped3A_21 = arith.constant 1 : i32
    "tpu.region"() ({
      %run_scoped3A_84 = tpu.sem_alloc : memref<!tpu.dma_semaphore, #tpu.memory_space<semaphore_mem>>
      %dma_start3A_85 = arith.constant 0 : i32
      %dma_start3A_86 = tpu.memref_slice %arg3[%add3A, %run_scoped3A_21, %dma_start3A_85] : memref<32x125x80xi32, #tpu.memory_space<hbm>> -> memref<1x1x80xi32, #tpu.memory_space<hbm>>
      %dma_start3A_87 = tpu.memref_squeeze %dma_start3A_86 : memref<1x1x80xi32, #tpu.memory_space<hbm>> -> memref<80xi32, #tpu.memory_space<hbm>>
      %dma_start3A_88 = arith.constant 0 : i32
      %dma_start3A_89 = tpu.memref_slice %arg3[%add3A, %run_scoped3A_21, %dma_start3A_88] : memref<32x125x80xi32, #tpu.memory_space<hbm>> -> memref<1x1x80xi32, #tpu.memory_space<hbm>>
      %dma_start3A_90 = tpu.memref_squeeze %dma_start3A_89 : memref<1x1x80xi32, #tpu.memory_space<hbm>> -> memref<80xi32, #tpu.memory_space<hbm>>
      tpu.enqueue_dma source(%dma_start3A_90 : memref<80xi32, #tpu.memory_space<hbm>>) target(%arg9 : memref<80xi32, #tpu.memory_space<vmem>>) target_semaphore(%run_scoped3A_84 : memref<!tpu.dma_semaphore, #tpu.memory_space<semaphore_mem>>)
      %dma_wait3A_91 = arith.constant 0 : i32
      %dma_wait3A_92 = tpu.memref_slice %arg3[%add3A, %run_scoped3A_21, %dma_wait3A_91] : memref<32x125x80xi32, #tpu.memory_space<hbm>> -> memref<1x1x80xi32, #tpu.memory_space<hbm>>
      %dma_wait3A_93 = tpu.memref_squeeze %dma_wait3A_92 : memref<1x1x80xi32, #tpu.memory_space<hbm>> -> memref<80xi32, #tpu.memory_space<hbm>>
      %dma_wait3A_94 = arith.constant 0 : i32
      %dma_wait3A_95 = tpu.memref_slice %arg3[%add3A, %run_scoped3A_21, %dma_wait3A_94] : memref<32x125x80xi32, #tpu.memory_space<hbm>> -> memref<1x1x80xi32, #tpu.memory_space<hbm>>
      %dma_wait3A_96 = tpu.memref_squeeze %dma_wait3A_95 : memref<1x1x80xi32, #tpu.memory_space<hbm>> -> memref<80xi32, #tpu.memory_space<hbm>>
      tpu.wait_dma2 semaphore(%run_scoped3A_84 : memref<!tpu.dma_semaphore, #tpu.memory_space<semaphore_mem>>) src(%dma_wait3A_96 : memref<80xi32, #tpu.memory_space<hbm>>) dst(%arg9 : memref<80xi32, #tpu.memory_space<vmem>>)
      tpu.yield
    }) : () -> ()
    %dma_start3A_22 = arith.constant 0 : i32
    %dma_start3A_23 = arith.constant 0 : i32
    %dma_start3A_24 = tpu.memref_slice %arg2[%dma_start3A_22, %dma_start3A_23] : memref<10000x128xf32, #tpu.memory_space<hbm>> -> memref<10000x128xf32, #tpu.memory_space<hbm>>
    tpu.enqueue_indirect_dma source(%dma_start3A_24 : memref<10000x128xf32, #tpu.memory_space<hbm>>) target(%arg11 : memref<80x128xf32, #tpu.memory_space<vmem>>) offsets(%arg9 : memref<80xi32, #tpu.memory_space<vmem>>) semaphore(%arg13 : memref<!tpu.dma_semaphore, #tpu.memory_space<semaphore_mem>>)
    %scan3A_25 = arith.constant 0 : i32
    %scan3A_26 = arith.constant 0 : i32
    %scan3A_27 = arith.constant 62 : i32
    %scan3A_28 = arith.addi %scan3A_26, %scan3A_27 : i32
    %scan3A_29 = arith.constant 1 : i32
    %scan3A_30 = scf.for %scan3A_84 = %scan3A_26 to %scan3A_28 step %scan3A_29 iter_args(%scan3A_85 = %scan3A_25) -> (i32)  : i32 {
      %mul3A_86 = arith.constant 2 : i32
      %mul3A_87 = arith.muli %scan3A_84, %mul3A_86 : i32
      %add3A_88 = arith.constant 0 : i32
      %add3A_89 = arith.addi %mul3A_87, %add3A_88 : i32
      %dma_wait3A_90 = arith.constant 0 : i32
      %dma_wait3A_91 = arith.constant 0 : i32
      %dma_wait3A_92 = tpu.memref_slice %arg2[%dma_wait3A_90, %dma_wait3A_91] : memref<10000x128xf32, #tpu.memory_space<hbm>> -> memref<10000x128xf32, #tpu.memory_space<hbm>>
      tpu.wait_indirect_dma semaphore(%arg12 : memref<!tpu.dma_semaphore, #tpu.memory_space<semaphore_mem>>) src(%dma_wait3A_92 : memref<10000x128xf32, #tpu.memory_space<hbm>>) dst(%arg10 : memref<80x128xf32, #tpu.memory_space<vmem>>)
      "tpu.region"() ({
        %run_scoped3A_112 = tpu.sem_alloc : memref<!tpu.dma_semaphore, #tpu.memory_space<semaphore_mem>>
        %dma_start3A_113 = arith.constant 0 : i32
        %dma_start3A_114 = tpu.memref_slice %arg7[%add3A_89, %dma_start3A_113] : memref<125x80xi32, #tpu.memory_space<vmem>> -> memref<1x80xi32, #tpu.memory_space<vmem>>
        %dma_start3A_115 = tpu.memref_squeeze %dma_start3A_114 : memref<1x80xi32, #tpu.memory_space<vmem>> -> memref<80xi32, #tpu.memory_space<vmem>>
        %dma_start3A_116 = arith.constant 0 : i32
        %dma_start3A_117 = arith.constant 0 : i32
        %dma_start3A_118 = tpu.memref_slice %arg14[%dma_start3A_116, %dma_start3A_117] : memref<10240x128xf32, #tpu.memory_space<vmem_shared>> -> memref<10240x128xf32, #tpu.memory_space<vmem_shared>>
        tpu.enqueue_indirect_dma source(%arg10 : memref<80x128xf32, #tpu.memory_space<vmem>>) target(%dma_start3A_118 : memref<10240x128xf32, #tpu.memory_space<vmem_shared>>) offsets(%dma_start3A_115 : memref<80xi32, #tpu.memory_space<vmem>>) semaphore(%run_scoped3A_112 : memref<!tpu.dma_semaphore, #tpu.memory_space<semaphore_mem>>) {add = true}
        %dma_wait3A_119 = arith.constant 0 : i32
        %dma_wait3A_120 = tpu.memref_slice %arg7[%add3A_89, %dma_wait3A_119] : memref<125x80xi32, #tpu.memory_space<vmem>> -> memref<1x80xi32, #tpu.memory_space<vmem>>
        %dma_wait3A_121 = tpu.memref_squeeze %dma_wait3A_120 : memref<1x80xi32, #tpu.memory_space<vmem>> -> memref<80xi32, #tpu.memory_space<vmem>>
        %dma_wait3A_122 = arith.constant 0 : i32
        %dma_wait3A_123 = arith.constant 0 : i32
        %dma_wait3A_124 = tpu.memref_slice %arg14[%dma_wait3A_122, %dma_wait3A_123] : memref<10240x128xf32, #tpu.memory_space<vmem_shared>> -> memref<10240x128xf32, #tpu.memory_space<vmem_shared>>
        tpu.wait_indirect_dma semaphore(%run_scoped3A_112 : memref<!tpu.dma_semaphore, #tpu.memory_space<semaphore_mem>>) src(%arg10 : memref<80x128xf32, #tpu.memory_space<vmem>>) dst(%dma_wait3A_124 : memref<10240x128xf32, #tpu.memory_space<vmem_shared>>)
        tpu.yield
      }) : () -> ()
      %add3A_93 = arith.constant 2 : i32
      %add3A_94 = arith.addi %add3A_89, %add3A_93 : i32
      %lt3A = arith.constant 125 : i32
      %lt3A_95 = arith.cmpi slt, %add3A_94, %lt3A : i32
      %convert_element_type3A = arith.extui %lt3A_95 : i1 to i32
      %cond3A = arith.constant 0 : i32
      %cond3A_96 = arith.cmpi ne, %convert_element_type3A, %cond3A : i32
      scf.if %cond3A_96 {
        %add3A_112 = arith.constant 2 : i32
        %add3A_113 = arith.addi %add3A_89, %add3A_112 : i32
        "tpu.region"() ({
          %run_scoped3A_117 = tpu.sem_alloc : memref<!tpu.dma_semaphore, #tpu.memory_space<semaphore_mem>>
          %dma_start3A_118 = arith.constant 0 : i32
          %dma_start3A_119 = tpu.memref_slice %arg3[%add3A, %add3A_113, %dma_start3A_118] : memref<32x125x80xi32, #tpu.memory_space<hbm>> -> memref<1x1x80xi32, #tpu.memory_space<hbm>>
          %dma_start3A_120 = tpu.memref_squeeze %dma_start3A_119 : memref<1x1x80xi32, #tpu.memory_space<hbm>> -> memref<80xi32, #tpu.memory_space<hbm>>
          %dma_start3A_121 = arith.constant 0 : i32
          %dma_start3A_122 = tpu.memref_slice %arg3[%add3A, %add3A_113, %dma_start3A_121] : memref<32x125x80xi32, #tpu.memory_space<hbm>> -> memref<1x1x80xi32, #tpu.memory_space<hbm>>
          %dma_start3A_123 = tpu.memref_squeeze %dma_start3A_122 : memref<1x1x80xi32, #tpu.memory_space<hbm>> -> memref<80xi32, #tpu.memory_space<hbm>>
          tpu.enqueue_dma source(%dma_start3A_123 : memref<80xi32, #tpu.memory_space<hbm>>) target(%arg8 : memref<80xi32, #tpu.memory_space<vmem>>) target_semaphore(%run_scoped3A_117 : memref<!tpu.dma_semaphore, #tpu.memory_space<semaphore_mem>>)
          %dma_wait3A_124 = arith.constant 0 : i32
          %dma_wait3A_125 = tpu.memref_slice %arg3[%add3A, %add3A_113, %dma_wait3A_124] : memref<32x125x80xi32, #tpu.memory_space<hbm>> -> memref<1x1x80xi32, #tpu.memory_space<hbm>>
          %dma_wait3A_126 = tpu.memref_squeeze %dma_wait3A_125 : memref<1x1x80xi32, #tpu.memory_space<hbm>> -> memref<80xi32, #tpu.memory_space<hbm>>
          %dma_wait3A_127 = arith.constant 0 : i32
          %dma_wait3A_128 = tpu.memref_slice %arg3[%add3A, %add3A_113, %dma_wait3A_127] : memref<32x125x80xi32, #tpu.memory_space<hbm>> -> memref<1x1x80xi32, #tpu.memory_space<hbm>>
          %dma_wait3A_129 = tpu.memref_squeeze %dma_wait3A_128 : memref<1x1x80xi32, #tpu.memory_space<hbm>> -> memref<80xi32, #tpu.memory_space<hbm>>
          tpu.wait_dma2 semaphore(%run_scoped3A_117 : memref<!tpu.dma_semaphore, #tpu.memory_space<semaphore_mem>>) src(%dma_wait3A_129 : memref<80xi32, #tpu.memory_space<hbm>>) dst(%arg8 : memref<80xi32, #tpu.memory_space<vmem>>)
          tpu.yield
        }) : () -> ()
        %dma_start3A_114 = arith.constant 0 : i32
        %dma_start3A_115 = arith.constant 0 : i32
        %dma_start3A_116 = tpu.memref_slice %arg2[%dma_start3A_114, %dma_start3A_115] : memref<10000x128xf32, #tpu.memory_space<hbm>> -> memref<10000x128xf32, #tpu.memory_space<hbm>>
        tpu.enqueue_indirect_dma source(%dma_start3A_116 : memref<10000x128xf32, #tpu.memory_space<hbm>>) target(%arg10 : memref<80x128xf32, #tpu.memory_space<vmem>>) offsets(%arg8 : memref<80xi32, #tpu.memory_space<vmem>>) semaphore(%arg12 : memref<!tpu.dma_semaphore, #tpu.memory_space<semaphore_mem>>)
      } else {
      }
      %mul3A_97 = arith.constant 2 : i32
      %mul3A_98 = arith.muli %scan3A_84, %mul3A_97 : i32
      %add3A_99 = arith.constant 1 : i32
      %add3A_100 = arith.addi %mul3A_98, %add3A_99 : i32
      %dma_wait3A_101 = arith.constant 0 : i32
      %dma_wait3A_102 = arith.constant 0 : i32
      %dma_wait3A_103 = tpu.memref_slice %arg2[%dma_wait3A_101, %dma_wait3A_102] : memref<10000x128xf32, #tpu.memory_space<hbm>> -> memref<10000x128xf32, #tpu.memory_space<hbm>>
      tpu.wait_indirect_dma semaphore(%arg13 : memref<!tpu.dma_semaphore, #tpu.memory_space<semaphore_mem>>) src(%dma_wait3A_103 : memref<10000x128xf32, #tpu.memory_space<hbm>>) dst(%arg11 : memref<80x128xf32, #tpu.memory_space<vmem>>)
      "tpu.region"() ({
        %run_scoped3A_112 = tpu.sem_alloc : memref<!tpu.dma_semaphore, #tpu.memory_space<semaphore_mem>>
        %dma_start3A_113 = arith.constant 0 : i32
        %dma_start3A_114 = tpu.memref_slice %arg7[%add3A_100, %dma_start3A_113] : memref<125x80xi32, #tpu.memory_space<vmem>> -> memref<1x80xi32, #tpu.memory_space<vmem>>
        %dma_start3A_115 = tpu.memref_squeeze %dma_start3A_114 : memref<1x80xi32, #tpu.memory_space<vmem>> -> memref<80xi32, #tpu.memory_space<vmem>>
        %dma_start3A_116 = arith.constant 0 : i32
        %dma_start3A_117 = arith.constant 0 : i32
        %dma_start3A_118 = tpu.memref_slice %arg14[%dma_start3A_116, %dma_start3A_117] : memref<10240x128xf32, #tpu.memory_space<vmem_shared>> -> memref<10240x128xf32, #tpu.memory_space<vmem_shared>>
        tpu.enqueue_indirect_dma source(%arg11 : memref<80x128xf32, #tpu.memory_space<vmem>>) target(%dma_start3A_118 : memref<10240x128xf32, #tpu.memory_space<vmem_shared>>) offsets(%dma_start3A_115 : memref<80xi32, #tpu.memory_space<vmem>>) semaphore(%run_scoped3A_112 : memref<!tpu.dma_semaphore, #tpu.memory_space<semaphore_mem>>) {add = true}
        %dma_wait3A_119 = arith.constant 0 : i32
        %dma_wait3A_120 = tpu.memref_slice %arg7[%add3A_100, %dma_wait3A_119] : memref<125x80xi32, #tpu.memory_space<vmem>> -> memref<1x80xi32, #tpu.memory_space<vmem>>
        %dma_wait3A_121 = tpu.memref_squeeze %dma_wait3A_120 : memref<1x80xi32, #tpu.memory_space<vmem>> -> memref<80xi32, #tpu.memory_space<vmem>>
        %dma_wait3A_122 = arith.constant 0 : i32
        %dma_wait3A_123 = arith.constant 0 : i32
        %dma_wait3A_124 = tpu.memref_slice %arg14[%dma_wait3A_122, %dma_wait3A_123] : memref<10240x128xf32, #tpu.memory_space<vmem_shared>> -> memref<10240x128xf32, #tpu.memory_space<vmem_shared>>
        tpu.wait_indirect_dma semaphore(%run_scoped3A_112 : memref<!tpu.dma_semaphore, #tpu.memory_space<semaphore_mem>>) src(%arg11 : memref<80x128xf32, #tpu.memory_space<vmem>>) dst(%dma_wait3A_124 : memref<10240x128xf32, #tpu.memory_space<vmem_shared>>)
        tpu.yield
      }) : () -> ()
      %add3A_104 = arith.constant 2 : i32
      %add3A_105 = arith.addi %add3A_100, %add3A_104 : i32
      %lt3A_106 = arith.constant 125 : i32
      %lt3A_107 = arith.cmpi slt, %add3A_105, %lt3A_106 : i32
      %convert_element_type3A_108 = arith.extui %lt3A_107 : i1 to i32
      %cond3A_109 = arith.constant 0 : i32
      %cond3A_110 = arith.cmpi ne, %convert_element_type3A_108, %cond3A_109 : i32
      scf.if %cond3A_110 {
        %add3A_112 = arith.constant 2 : i32
        %add3A_113 = arith.addi %add3A_100, %add3A_112 : i32
        "tpu.region"() ({
          %run_scoped3A_117 = tpu.sem_alloc : memref<!tpu.dma_semaphore, #tpu.memory_space<semaphore_mem>>
          %dma_start3A_118 = arith.constant 0 : i32
          %dma_start3A_119 = tpu.memref_slice %arg3[%add3A, %add3A_113, %dma_start3A_118] : memref<32x125x80xi32, #tpu.memory_space<hbm>> -> memref<1x1x80xi32, #tpu.memory_space<hbm>>
          %dma_start3A_120 = tpu.memref_squeeze %dma_start3A_119 : memref<1x1x80xi32, #tpu.memory_space<hbm>> -> memref<80xi32, #tpu.memory_space<hbm>>
          %dma_start3A_121 = arith.constant 0 : i32
          %dma_start3A_122 = tpu.memref_slice %arg3[%add3A, %add3A_113, %dma_start3A_121] : memref<32x125x80xi32, #tpu.memory_space<hbm>> -> memref<1x1x80xi32, #tpu.memory_space<hbm>>
          %dma_start3A_123 = tpu.memref_squeeze %dma_start3A_122 : memref<1x1x80xi32, #tpu.memory_space<hbm>> -> memref<80xi32, #tpu.memory_space<hbm>>
          tpu.enqueue_dma source(%dma_start3A_123 : memref<80xi32, #tpu.memory_space<hbm>>) target(%arg9 : memref<80xi32, #tpu.memory_space<vmem>>) target_semaphore(%run_scoped3A_117 : memref<!tpu.dma_semaphore, #tpu.memory_space<semaphore_mem>>)
          %dma_wait3A_124 = arith.constant 0 : i32
          %dma_wait3A_125 = tpu.memref_slice %arg3[%add3A, %add3A_113, %dma_wait3A_124] : memref<32x125x80xi32, #tpu.memory_space<hbm>> -> memref<1x1x80xi32, #tpu.memory_space<hbm>>
          %dma_wait3A_126 = tpu.memref_squeeze %dma_wait3A_125 : memref<1x1x80xi32, #tpu.memory_space<hbm>> -> memref<80xi32, #tpu.memory_space<hbm>>
          %dma_wait3A_127 = arith.constant 0 : i32
          %dma_wait3A_128 = tpu.memref_slice %arg3[%add3A, %add3A_113, %dma_wait3A_127] : memref<32x125x80xi32, #tpu.memory_space<hbm>> -> memref<1x1x80xi32, #tpu.memory_space<hbm>>
          %dma_wait3A_129 = tpu.memref_squeeze %dma_wait3A_128 : memref<1x1x80xi32, #tpu.memory_space<hbm>> -> memref<80xi32, #tpu.memory_space<hbm>>
          tpu.wait_dma2 semaphore(%run_scoped3A_117 : memref<!tpu.dma_semaphore, #tpu.memory_space<semaphore_mem>>) src(%dma_wait3A_129 : memref<80xi32, #tpu.memory_space<hbm>>) dst(%arg9 : memref<80xi32, #tpu.memory_space<vmem>>)
          tpu.yield
        }) : () -> ()
        %dma_start3A_114 = arith.constant 0 : i32
        %dma_start3A_115 = arith.constant 0 : i32
        %dma_start3A_116 = tpu.memref_slice %arg2[%dma_start3A_114, %dma_start3A_115] : memref<10000x128xf32, #tpu.memory_space<hbm>> -> memref<10000x128xf32, #tpu.memory_space<hbm>>
        tpu.enqueue_indirect_dma source(%dma_start3A_116 : memref<10000x128xf32, #tpu.memory_space<hbm>>) target(%arg11 : memref<80x128xf32, #tpu.memory_space<vmem>>) offsets(%arg9 : memref<80xi32, #tpu.memory_space<vmem>>) semaphore(%arg13 : memref<!tpu.dma_semaphore, #tpu.memory_space<semaphore_mem>>)
      } else {
      }
      %scan3A_111 = arith.constant 0 : i32
      scf.yield %scan3A_111 : i32
    }
    %scan3A_31 = arith.constant 62 : i32
    %dma_wait3A = arith.constant 0 : i32
    %dma_wait3A_32 = arith.constant 0 : i32
    %dma_wait3A_33 = tpu.memref_slice %arg2[%dma_wait3A, %dma_wait3A_32] : memref<10000x128xf32, #tpu.memory_space<hbm>> -> memref<10000x128xf32, #tpu.memory_space<hbm>>
    tpu.wait_indirect_dma semaphore(%arg12 : memref<!tpu.dma_semaphore, #tpu.memory_space<semaphore_mem>>) src(%dma_wait3A_33 : memref<10000x128xf32, #tpu.memory_space<hbm>>) dst(%arg10 : memref<80x128xf32, #tpu.memory_space<vmem>>)
    %run_scoped3A_34 = arith.constant 124 : i32
    "tpu.region"() ({
      %run_scoped3A_84 = tpu.sem_alloc : memref<!tpu.dma_semaphore, #tpu.memory_space<semaphore_mem>>
      %dma_start3A_85 = arith.constant 0 : i32
      %dma_start3A_86 = tpu.memref_slice %arg7[%run_scoped3A_34, %dma_start3A_85] : memref<125x80xi32, #tpu.memory_space<vmem>> -> memref<1x80xi32, #tpu.memory_space<vmem>>
      %dma_start3A_87 = tpu.memref_squeeze %dma_start3A_86 : memref<1x80xi32, #tpu.memory_space<vmem>> -> memref<80xi32, #tpu.memory_space<vmem>>
      %dma_start3A_88 = arith.constant 0 : i32
      %dma_start3A_89 = arith.constant 0 : i32
      %dma_start3A_90 = tpu.memref_slice %arg14[%dma_start3A_88, %dma_start3A_89] : memref<10240x128xf32, #tpu.memory_space<vmem_shared>> -> memref<10240x128xf32, #tpu.memory_space<vmem_shared>>
      tpu.enqueue_indirect_dma source(%arg10 : memref<80x128xf32, #tpu.memory_space<vmem>>) target(%dma_start3A_90 : memref<10240x128xf32, #tpu.memory_space<vmem_shared>>) offsets(%dma_start3A_87 : memref<80xi32, #tpu.memory_space<vmem>>) semaphore(%run_scoped3A_84 : memref<!tpu.dma_semaphore, #tpu.memory_space<semaphore_mem>>) {add = true}
      %dma_wait3A_91 = arith.constant 0 : i32
      %dma_wait3A_92 = tpu.memref_slice %arg7[%run_scoped3A_34, %dma_wait3A_91] : memref<125x80xi32, #tpu.memory_space<vmem>> -> memref<1x80xi32, #tpu.memory_space<vmem>>
      %dma_wait3A_93 = tpu.memref_squeeze %dma_wait3A_92 : memref<1x80xi32, #tpu.memory_space<vmem>> -> memref<80xi32, #tpu.memory_space<vmem>>
      %dma_wait3A_94 = arith.constant 0 : i32
      %dma_wait3A_95 = arith.constant 0 : i32
      %dma_wait3A_96 = tpu.memref_slice %arg14[%dma_wait3A_94, %dma_wait3A_95] : memref<10240x128xf32, #tpu.memory_space<vmem_shared>> -> memref<10240x128xf32, #tpu.memory_space<vmem_shared>>
      tpu.wait_indirect_dma semaphore(%run_scoped3A_84 : memref<!tpu.dma_semaphore, #tpu.memory_space<semaphore_mem>>) src(%arg10 : memref<80x128xf32, #tpu.memory_space<vmem>>) dst(%dma_wait3A_96 : memref<10240x128xf32, #tpu.memory_space<vmem_shared>>)
      tpu.yield
    }) : () -> ()
    %barrier3A_35 = arith.constant 0 : index
    tpu.barrier barrier_id(%barrier3A_35)
    %scan3A_36 = arith.constant 0 : i32
    %scan3A_37 = arith.constant 0 : i32
    %scan3A_38 = arith.constant 8 : i32
    %scan3A_39 = arith.addi %scan3A_37, %scan3A_38 : i32
    %scan3A_40 = arith.constant 1 : i32
    %scan3A_41 = scf.for %scan3A_84 = %scan3A_37 to %scan3A_39 step %scan3A_40 iter_args(%scan3A_85 = %scan3A_36) -> (i32)  : i32 {
      %mul3A_86 = arith.constant 80 : i32
      %mul3A_87 = arith.muli %scan3A_84, %mul3A_86 : i32
      %add3A_88 = arith.addi %mul3A_2, %mul3A_87 : i32
      "tpu.region"() ({
        %run_scoped3A_91 = tpu.sem_alloc : memref<!tpu.dma_semaphore, #tpu.memory_space<semaphore_mem>>
        %dma_start3A_92 = arith.constant 0 : i32
        %dma_start3A_93 = tpu.memref_slice %arg14[%add3A_88, %dma_start3A_92] : memref<10240x128xf32, #tpu.memory_space<vmem_shared>> -> memref<80x128xf32, #tpu.memory_space<vmem_shared>>
        %dma_start3A_94 = arith.constant 0 : i32
        %dma_start3A_95 = tpu.memref_slice %arg14[%add3A_88, %dma_start3A_94] : memref<10240x128xf32, #tpu.memory_space<vmem_shared>> -> memref<80x128xf32, #tpu.memory_space<vmem_shared>>
        tpu.enqueue_dma source(%dma_start3A_95 : memref<80x128xf32, #tpu.memory_space<vmem_shared>>) target(%arg10 : memref<80x128xf32, #tpu.memory_space<vmem>>) target_semaphore(%run_scoped3A_91 : memref<!tpu.dma_semaphore, #tpu.memory_space<semaphore_mem>>)
        %dma_wait3A_96 = arith.constant 0 : i32
        %dma_wait3A_97 = tpu.memref_slice %arg14[%add3A_88, %dma_wait3A_96] : memref<10240x128xf32, #tpu.memory_space<vmem_shared>> -> memref<80x128xf32, #tpu.memory_space<vmem_shared>>
        %dma_wait3A_98 = arith.constant 0 : i32
        %dma_wait3A_99 = tpu.memref_slice %arg14[%add3A_88, %dma_wait3A_98] : memref<10240x128xf32, #tpu.memory_space<vmem_shared>> -> memref<80x128xf32, #tpu.memory_space<vmem_shared>>
        tpu.wait_dma2 semaphore(%run_scoped3A_91 : memref<!tpu.dma_semaphore, #tpu.memory_space<semaphore_mem>>) src(%dma_wait3A_99 : memref<80x128xf32, #tpu.memory_space<vmem_shared>>) dst(%arg10 : memref<80x128xf32, #tpu.memory_space<vmem>>)
        tpu.yield
      }) : () -> ()
      %add3A_89 = arith.addi %mul3A_4, %add3A_88 : i32
      "tpu.region"() ({
        %run_scoped3A_91 = tpu.sem_alloc : memref<!tpu.dma_semaphore, #tpu.memory_space<semaphore_mem>>
        %dma_start3A_92 = arith.constant 0 : i32
        %dma_start3A_93 = tpu.memref_slice %arg5[%add3A_89, %dma_start3A_92] : memref<20480x128xf32, #tpu.memory_space<hbm>> -> memref<80x128xf32, #tpu.memory_space<hbm>>
        %dma_start3A_94 = arith.constant 0 : i32
        %dma_start3A_95 = tpu.memref_slice %arg5[%add3A_89, %dma_start3A_94] : memref<20480x128xf32, #tpu.memory_space<hbm>> -> memref<80x128xf32, #tpu.memory_space<hbm>>
        tpu.enqueue_dma source(%arg10 : memref<80x128xf32, #tpu.memory_space<vmem>>) target(%dma_start3A_95 : memref<80x128xf32, #tpu.memory_space<hbm>>) target_semaphore(%run_scoped3A_91 : memref<!tpu.dma_semaphore, #tpu.memory_space<semaphore_mem>>)
        %dma_wait3A_96 = arith.constant 0 : i32
        %dma_wait3A_97 = tpu.memref_slice %arg5[%add3A_89, %dma_wait3A_96] : memref<20480x128xf32, #tpu.memory_space<hbm>> -> memref<80x128xf32, #tpu.memory_space<hbm>>
        %dma_wait3A_98 = arith.constant 0 : i32
        %dma_wait3A_99 = tpu.memref_slice %arg5[%add3A_89, %dma_wait3A_98] : memref<20480x128xf32, #tpu.memory_space<hbm>> -> memref<80x128xf32, #tpu.memory_space<hbm>>
        tpu.wait_dma2 semaphore(%run_scoped3A_91 : memref<!tpu.dma_semaphore, #tpu.memory_space<semaphore_mem>>) src(%arg10 : memref<80x128xf32, #tpu.memory_space<vmem>>) dst(%dma_wait3A_99 : memref<80x128xf32, #tpu.memory_space<hbm>>)
        tpu.yield
      }) : () -> ()
      %scan3A_90 = arith.constant 0 : i32
      scf.yield %scan3A_90 : i32
    }
    %scan3A_42 = arith.constant 8 : i32
    %broadcast_in_dim3A_43 = arith.constant 0.000000e+00 : f32
    %broadcast_in_dim3A_44 = vector.broadcast %broadcast_in_dim3A_43 : f32 to vector<16xf32>
    %scan3A_45 = arith.constant 0 : i32
    %scan3A_46 = arith.constant 0 : i32
    %scan3A_47 = arith.constant 80 : i32
    %scan3A_48 = arith.addi %scan3A_46, %scan3A_47 : i32
    %scan3A_49 = arith.constant 1 : i32
    %scan3A_50 = scf.for %scan3A_84 = %scan3A_46 to %scan3A_48 step %scan3A_49 iter_args(%scan3A_85 = %scan3A_45) -> (i32)  : i32 {
      %scan3A_86 = arith.constant 0 : i32
      %scan3A_87 = arith.constant 0 : i32
      %scan3A_88 = arith.constant 8 : i32
      %scan3A_89 = arith.addi %scan3A_87, %scan3A_88 : i32
      %scan3A_90 = arith.constant 1 : i32
      %scan3A_91 = scf.for %scan3A_93 = %scan3A_87 to %scan3A_89 step %scan3A_90 iter_args(%scan3A_94 = %scan3A_86) -> (i32)  : i32 {
        %mul3A_95 = arith.constant 16 : i32
        %mul3A_96 = arith.muli %scan3A_93, %mul3A_95 : i32
        %swap3A = arith.index_cast %scan3A_84 : i32 to index
        %swap3A_97 = arith.index_cast %mul3A_96 : i32 to index
        %swap3A_98 = tpu.vector_load %arg10[%swap3A, %swap3A_97] {strides = array<i32>} : memref<80x128xf32, #tpu.memory_space<vmem>>, vector<1x16xf32>,
        %swap3A_99 = vector.shape_cast %swap3A_98 : vector<1x16xf32> to vector<16xf32>
        %swap3A_100 = vector.shape_cast %broadcast_in_dim3A_44 : vector<16xf32> to vector<1x16xf32>
        tpu.vector_store %arg10[%swap3A, %swap3A_97], %swap3A_100 {strides = array<i32>} : memref<80x128xf32, #tpu.memory_space<vmem>>, vector<1x16xf32>,
        %scan3A_101 = arith.constant 0 : i32
        scf.yield %scan3A_101 : i32
      }
      %scan3A_92 = arith.constant 8 : i32
      scf.yield %scan3A_91 : i32
    }
    %scan3A_51 = arith.constant 80 : i32
    %scan3A_52 = arith.constant 0 : i32
    %scan3A_53 = arith.constant 0 : i32
    %scan3A_54 = arith.constant 8 : i32
    %scan3A_55 = arith.addi %scan3A_53, %scan3A_54 : i32
    %scan3A_56 = arith.constant 1 : i32
    %scan3A_57 = scf.for %scan3A_84 = %scan3A_53 to %scan3A_55 step %scan3A_56 iter_args(%scan3A_85 = %scan3A_52) -> (i32)  : i32 {
      %mul3A_86 = arith.constant 80 : i32
      %mul3A_87 = arith.muli %scan3A_84, %mul3A_86 : i32
      %add3A_88 = arith.addi %mul3A_2, %mul3A_87 : i32
      "tpu.region"() ({
        %run_scoped3A_90 = tpu.sem_alloc : memref<!tpu.dma_semaphore, #tpu.memory_space<semaphore_mem>>
        %dma_start3A_91 = arith.constant 0 : i32
        %dma_start3A_92 = tpu.memref_slice %arg14[%add3A_88, %dma_start3A_91] : memref<10240x128xf32, #tpu.memory_space<vmem_shared>> -> memref<80x128xf32, #tpu.memory_space<vmem_shared>>
        %dma_start3A_93 = arith.constant 0 : i32
        %dma_start3A_94 = tpu.memref_slice %arg14[%add3A_88, %dma_start3A_93] : memref<10240x128xf32, #tpu.memory_space<vmem_shared>> -> memref<80x128xf32, #tpu.memory_space<vmem_shared>>
        tpu.enqueue_dma source(%arg10 : memref<80x128xf32, #tpu.memory_space<vmem>>) target(%dma_start3A_94 : memref<80x128xf32, #tpu.memory_space<vmem_shared>>) target_semaphore(%run_scoped3A_90 : memref<!tpu.dma_semaphore, #tpu.memory_space<semaphore_mem>>)
        %dma_wait3A_95 = arith.constant 0 : i32
        %dma_wait3A_96 = tpu.memref_slice %arg14[%add3A_88, %dma_wait3A_95] : memref<10240x128xf32, #tpu.memory_space<vmem_shared>> -> memref<80x128xf32, #tpu.memory_space<vmem_shared>>
        %dma_wait3A_97 = arith.constant 0 : i32
        %dma_wait3A_98 = tpu.memref_slice %arg14[%add3A_88, %dma_wait3A_97] : memref<10240x128xf32, #tpu.memory_space<vmem_shared>> -> memref<80x128xf32, #tpu.memory_space<vmem_shared>>
        tpu.wait_dma2 semaphore(%run_scoped3A_90 : memref<!tpu.dma_semaphore, #tpu.memory_space<semaphore_mem>>) src(%arg10 : memref<80x128xf32, #tpu.memory_space<vmem>>) dst(%dma_wait3A_98 : memref<80x128xf32, #tpu.memory_space<vmem_shared>>)
        tpu.yield
      }) : () -> ()
      %scan3A_89 = arith.constant 0 : i32
      scf.yield %scan3A_89 : i32
    }
    %scan3A_58 = arith.constant 8 : i32
    %barrier3A_59 = arith.constant 0 : index
    tpu.barrier barrier_id(%barrier3A_59)
    %broadcast_in_dim3A_60 = arith.constant 1.000000e+00 : f32
    %broadcast_in_dim3A_61 = vector.broadcast %broadcast_in_dim3A_60 : f32 to vector<16xf32>
    %scan3A_62 = arith.constant 0 : i32
    %scan3A_63 = arith.constant 0 : i32
    %scan3A_64 = arith.constant 80 : i32
    %scan3A_65 = arith.addi %scan3A_63, %scan3A_64 : i32
    %scan3A_66 = arith.constant 1 : i32
    %scan3A_67 = scf.for %scan3A_84 = %scan3A_63 to %scan3A_65 step %scan3A_66 iter_args(%scan3A_85 = %scan3A_62) -> (i32)  : i32 {
      %scan3A_86 = arith.constant 0 : i32
      %scan3A_87 = arith.constant 0 : i32
      %scan3A_88 = arith.constant 8 : i32
      %scan3A_89 = arith.addi %scan3A_87, %scan3A_88 : i32
      %scan3A_90 = arith.constant 1 : i32
      %scan3A_91 = scf.for %scan3A_93 = %scan3A_87 to %scan3A_89 step %scan3A_90 iter_args(%scan3A_94 = %scan3A_86) -> (i32)  : i32 {
        %mul3A_95 = arith.constant 16 : i32
        %mul3A_96 = arith.muli %scan3A_93, %mul3A_95 : i32
        %swap3A = arith.index_cast %scan3A_84 : i32 to index
        %swap3A_97 = arith.index_cast %mul3A_96 : i32 to index
        %swap3A_98 = tpu.vector_load %arg11[%swap3A, %swap3A_97] {strides = array<i32>} : memref<80x128xf32, #tpu.memory_space<vmem>>, vector<1x16xf32>,
        %swap3A_99 = vector.shape_cast %swap3A_98 : vector<1x16xf32> to vector<16xf32>
        %swap3A_100 = vector.shape_cast %broadcast_in_dim3A_61 : vector<16xf32> to vector<1x16xf32>
        tpu.vector_store %arg11[%swap3A, %swap3A_97], %swap3A_100 {strides = array<i32>} : memref<80x128xf32, #tpu.memory_space<vmem>>, vector<1x16xf32>,
        %scan3A_101 = arith.constant 0 : i32
        scf.yield %scan3A_101 : i32
      }
      %scan3A_92 = arith.constant 8 : i32
      scf.yield %scan3A_91 : i32
    }
    %scan3A_68 = arith.constant 80 : i32
    %scan3A_69 = arith.constant 0 : i32
    %scan3A_70 = arith.constant 0 : i32
    %scan3A_71 = arith.constant 125 : i32
    %scan3A_72 = arith.addi %scan3A_70, %scan3A_71 : i32
    %scan3A_73 = arith.constant 1 : i32
    %scan3A_74 = scf.for %scan3A_84 = %scan3A_70 to %scan3A_72 step %scan3A_73 iter_args(%scan3A_85 = %scan3A_69) -> (i32)  : i32 {
      "tpu.region"() ({
        %run_scoped3A_87 = tpu.sem_alloc : memref<!tpu.dma_semaphore, #tpu.memory_space<semaphore_mem>>
        %dma_start3A_88 = arith.constant 0 : i32
        %dma_start3A_89 = tpu.memref_slice %arg7[%scan3A_84, %dma_start3A_88] : memref<125x80xi32, #tpu.memory_space<vmem>> -> memref<1x80xi32, #tpu.memory_space<vmem>>
        %dma_start3A_90 = tpu.memref_squeeze %dma_start3A_89 : memref<1x80xi32, #tpu.memory_space<vmem>> -> memref<80xi32, #tpu.memory_space<vmem>>
        %dma_start3A_91 = arith.constant 0 : i32
        %dma_start3A_92 = arith.constant 0 : i32
        %dma_start3A_93 = tpu.memref_slice %arg14[%dma_start3A_91, %dma_start3A_92] : memref<10240x128xf32, #tpu.memory_space<vmem_shared>> -> memref<10240x128xf32, #tpu.memory_space<vmem_shared>>
        tpu.enqueue_indirect_dma source(%arg11 : memref<80x128xf32, #tpu.memory_space<vmem>>) target(%dma_start3A_93 : memref<10240x128xf32, #tpu.memory_space<vmem_shared>>) offsets(%dma_start3A_90 : memref<80xi32, #tpu.memory_space<vmem>>) semaphore(%run_scoped3A_87 : memref<!tpu.dma_semaphore, #tpu.memory_space<semaphore_mem>>) {add = true}
        %dma_wait3A_94 = arith.constant 0 : i32
        %dma_wait3A_95 = tpu.memref_slice %arg7[%scan3A_84, %dma_wait3A_94] : memref<125x80xi32, #tpu.memory_space<vmem>> -> memref<1x80xi32, #tpu.memory_space<vmem>>
        %dma_wait3A_96 = tpu.memref_squeeze %dma_wait3A_95 : memref<1x80xi32, #tpu.memory_space<vmem>> -> memref<80xi32, #tpu.memory_space<vmem>>
        %dma_wait3A_97 = arith.constant 0 : i32
        %dma_wait3A_98 = arith.constant 0 : i32
        %dma_wait3A_99 = tpu.memref_slice %arg14[%dma_wait3A_97, %dma_wait3A_98] : memref<10240x128xf32, #tpu.memory_space<vmem_shared>> -> memref<10240x128xf32, #tpu.memory_space<vmem_shared>>
        tpu.wait_indirect_dma semaphore(%run_scoped3A_87 : memref<!tpu.dma_semaphore, #tpu.memory_space<semaphore_mem>>) src(%arg11 : memref<80x128xf32, #tpu.memory_space<vmem>>) dst(%dma_wait3A_99 : memref<10240x128xf32, #tpu.memory_space<vmem_shared>>)
        tpu.yield
      }) : () -> ()
      %scan3A_86 = arith.constant 0 : i32
      scf.yield %scan3A_86 : i32
    }
    %scan3A_75 = arith.constant 125 : i32
    %barrier3A_76 = arith.constant 0 : index
    tpu.barrier barrier_id(%barrier3A_76)
    %scan3A_77 = arith.constant 0 : i32
    %scan3A_78 = arith.constant 0 : i32
    %scan3A_79 = arith.constant 8 : i32
    %scan3A_80 = arith.addi %scan3A_78, %scan3A_79 : i32
    %scan3A_81 = arith.constant 1 : i32
    %scan3A_82 = scf.for %scan3A_84 = %scan3A_78 to %scan3A_80 step %scan3A_81 iter_args(%scan3A_85 = %scan3A_77) -> (i32)  : i32 {
      %mul3A_86 = arith.constant 80 : i32
      %mul3A_87 = arith.muli %scan3A_84, %mul3A_86 : i32
      %add3A_88 = arith.addi %mul3A_2, %mul3A_87 : i32
      "tpu.region"() ({
        %run_scoped3A_91 = tpu.sem_alloc : memref<!tpu.dma_semaphore, #tpu.memory_space<semaphore_mem>>
        %dma_start3A_92 = arith.constant 0 : i32
        %dma_start3A_93 = tpu.memref_slice %arg14[%add3A_88, %dma_start3A_92] : memref<10240x128xf32, #tpu.memory_space<vmem_shared>> -> memref<80x128xf32, #tpu.memory_space<vmem_shared>>
        %dma_start3A_94 = arith.constant 0 : i32
        %dma_start3A_95 = tpu.memref_slice %arg14[%add3A_88, %dma_start3A_94] : memref<10240x128xf32, #tpu.memory_space<vmem_shared>> -> memref<80x128xf32, #tpu.memory_space<vmem_shared>>
        tpu.enqueue_dma source(%dma_start3A_95 : memref<80x128xf32, #tpu.memory_space<vmem_shared>>) target(%arg10 : memref<80x128xf32, #tpu.memory_space<vmem>>) target_semaphore(%run_scoped3A_91 : memref<!tpu.dma_semaphore, #tpu.memory_space<semaphore_mem>>)
        %dma_wait3A_96 = arith.constant 0 : i32
        %dma_wait3A_97 = tpu.memref_slice %arg14[%add3A_88, %dma_wait3A_96] : memref<10240x128xf32, #tpu.memory_space<vmem_shared>> -> memref<80x128xf32, #tpu.memory_space<vmem_shared>>
        %dma_wait3A_98 = arith.constant 0 : i32
        %dma_wait3A_99 = tpu.memref_slice %arg14[%add3A_88, %dma_wait3A_98] : memref<10240x128xf32, #tpu.memory_space<vmem_shared>> -> memref<80x128xf32, #tpu.memory_space<vmem_shared>>
        tpu.wait_dma2 semaphore(%run_scoped3A_91 : memref<!tpu.dma_semaphore, #tpu.memory_space<semaphore_mem>>) src(%dma_wait3A_99 : memref<80x128xf32, #tpu.memory_space<vmem_shared>>) dst(%arg10 : memref<80x128xf32, #tpu.memory_space<vmem>>)
        tpu.yield
      }) : () -> ()
      %add3A_89 = arith.addi %mul3A_4, %add3A_88 : i32
      "tpu.region"() ({
        %run_scoped3A_91 = tpu.sem_alloc : memref<!tpu.dma_semaphore, #tpu.memory_space<semaphore_mem>>
        %dma_start3A_92 = arith.constant 0 : i32
        %dma_start3A_93 = tpu.memref_slice %arg6[%add3A_89, %dma_start3A_92] : memref<20480x128xf32, #tpu.memory_space<hbm>> -> memref<80x128xf32, #tpu.memory_space<hbm>>
        %dma_start3A_94 = arith.constant 0 : i32
        %dma_start3A_95 = tpu.memref_slice %arg6[%add3A_89, %dma_start3A_94] : memref<20480x128xf32, #tpu.memory_space<hbm>> -> memref<80x128xf32, #tpu.memory_space<hbm>>
        tpu.enqueue_dma source(%arg10 : memref<80x128xf32, #tpu.memory_space<vmem>>) target(%dma_start3A_95 : memref<80x128xf32, #tpu.memory_space<hbm>>) target_semaphore(%run_scoped3A_91 : memref<!tpu.dma_semaphore, #tpu.memory_space<semaphore_mem>>)
        %dma_wait3A_96 = arith.constant 0 : i32
        %dma_wait3A_97 = tpu.memref_slice %arg6[%add3A_89, %dma_wait3A_96] : memref<20480x128xf32, #tpu.memory_space<hbm>> -> memref<80x128xf32, #tpu.memory_space<hbm>>
        %dma_wait3A_98 = arith.constant 0 : i32
        %dma_wait3A_99 = tpu.memref_slice %arg6[%add3A_89, %dma_wait3A_98] : memref<20480x128xf32, #tpu.memory_space<hbm>> -> memref<80x128xf32, #tpu.memory_space<hbm>>
        tpu.wait_dma2 semaphore(%run_scoped3A_91 : memref<!tpu.dma_semaphore, #tpu.memory_space<semaphore_mem>>) src(%arg10 : memref<80x128xf32, #tpu.memory_space<vmem>>) dst(%dma_wait3A_99 : memref<80x128xf32, #tpu.memory_space<hbm>>)
        tpu.yield
      }) : () -> ()
      %scan3A_90 = arith.constant 0 : i32
      scf.yield %scan3A_90 : i32
    }
    %scan3A_83 = arith.constant 8 : i32
    return
  }
}

module attributes {stable_mosaic.version = 14 : i64} {
  func.func @_proj_kernel(%arg0: i32, %arg1: memref<2000x128xf32, #tpu.memory_space<vmem>>, %arg2: memref<128x128xf32, #tpu.memory_space<vmem>>, %arg3: memref<2000x128xf32, #tpu.memory_space<vmem>>) attributes {dimension_semantics = [#tpu.dimension_semantics<arbitrary>], iteration_bounds = array<i64: 5>, scalar_prefetch = 0 : i64, scratch_operands = 0 : i64, tpu.core_type = #tpu.core_type<tc>, window_params = [{transform_indices = @transform_0, window_bounds = array<i64: 2000, 128>}, {pipeline_mode = #tpu.pipeline_mode<synchronous>, transform_indices = @transform_1, window_bounds = array<i64: 128, 128>}, {transform_indices = @transform_2, window_bounds = array<i64: 2000, 128>}]} {
    %get3A = arith.constant 0 : index
    %get3A_0 = arith.constant 0 : index
    %get3A_1 = vector.load %arg1[%get3A, %get3A_0] : memref<2000x128xf32, #tpu.memory_space<vmem>>, vector<2000x128xf32>
    %get3A_2 = arith.constant 0 : index
    %get3A_3 = arith.constant 0 : index
    %get3A_4 = vector.load %arg2[%get3A_2, %get3A_3] : memref<128x128xf32, #tpu.memory_space<vmem>>, vector<128x128xf32>
    %dot_general3A = arith.constant dense<0.000000e+00> : vector<2000x128xf32>
    %dot_general3A_5 = tpu.matmul %get3A_1, %get3A_4, %dot_general3A {dimension_numbers = #tpu.dot_dimension_numbers<[1], [0], [0], [1], [0, 0, 1, 1], [], []>, transpose_lhs_hint = false} : vector<2000x128xf32>, vector<128x128xf32>, vector<2000x128xf32> -> vector<2000x128xf32>
    %max3A = arith.constant 0.000000e+00 : f32
    %max3A_6 = vector.broadcast %max3A : f32 to vector<2000x128xf32>
    %max3A_7 = arith.maximumf %dot_general3A_5, %max3A_6 : vector<2000x128xf32>
    %swap3A = arith.constant 0 : index
    %swap3A_8 = arith.constant 0 : index
    %swap3A_9 = vector.load %arg3[%swap3A, %swap3A_8] : memref<2000x128xf32, #tpu.memory_space<vmem>>, vector<2000x128xf32>
    tpu.vector_store %arg3[%swap3A, %swap3A_8], %max3A_7 {strides = array<i32>} : memref<2000x128xf32, #tpu.memory_space<vmem>>, vector<2000x128xf32>,
    return
  }
  func.func @transform_0(%arg0: i32) -> (i32, i32) {
    %c0_i32 = arith.constant 0 : i32
    %c0_i32_0 = arith.constant 0 : i32
    return %arg0, %c0_i32 : i32, i32
  }
  func.func @transform_1(%arg0: i32) -> (i32, i32) {
    %c0_i32 = arith.constant 0 : i32
    %c0_i32_0 = arith.constant 0 : i32
    %c0_i32_1 = arith.constant 0 : i32
    return %c0_i32, %c0_i32_0 : i32, i32
  }
  func.func @transform_2(%arg0: i32) -> (i32, i32) {
    %c0_i32 = arith.constant 0 : i32
    %c0_i32_0 = arith.constant 0 : i32
    return %arg0, %c0_i32 : i32, i32
  }
}

module attributes {stable_mosaic.version = 14 : i64} {
  func.func @_mid_kernel(%arg0: i32, %arg1: memref<1x2xf32, #tpu.memory_space<smem>>, %arg2: memref<2x2000x128xf32, #tpu.memory_space<vmem>>, %arg3: memref<2x2000x128xf32, #tpu.memory_space<vmem>>, %arg4: memref<2x128x128xf32, #tpu.memory_space<vmem>>, %arg5: memref<2000x128xf32, #tpu.memory_space<vmem>>, %arg6: memref<2000x128xf32, #tpu.memory_space<vmem>>) attributes {dimension_semantics = [#tpu.dimension_semantics<arbitrary>], iteration_bounds = array<i64: 5>, scalar_prefetch = 0 : i64, scratch_operands = 0 : i64, tpu.core_type = #tpu.core_type<tc>, window_params = [{transform_indices = @transform_0, window_bounds = array<i64: 1, 2>}, {transform_indices = @transform_1, window_bounds = array<i64: 2, 2000, 128>}, {transform_indices = @transform_2, window_bounds = array<i64: 2, 2000, 128>}, {pipeline_mode = #tpu.pipeline_mode<synchronous>, transform_indices = @transform_3, window_bounds = array<i64: 2, 128, 128>}, {transform_indices = @transform_4, window_bounds = array<i64: 2000, 128>}, {transform_indices = @transform_5, window_bounds = array<i64: 2000, 128>}]} {
    %get3A = arith.constant 0 : index
    %get3A_0 = arith.constant 0 : index
    %get3A_1 = memref.load %arg1[%get3A, %get3A_0] : memref<1x2xf32, #tpu.memory_space<smem>>
    %get3A_2 = arith.constant 0 : index
    %get3A_3 = arith.constant 0 : index
    %get3A_4 = arith.constant 0 : index
    %get3A_5 = vector.load %arg4[%get3A_2, %get3A_3, %get3A_4] : memref<2x128x128xf32, #tpu.memory_space<vmem>>, vector<1x128x128xf32>
    %get3A_6 = vector.shape_cast %get3A_5 : vector<1x128x128xf32> to vector<128x128xf32>
    %mul3A = vector.broadcast %get3A_1 : f32 to vector<128x128xf32>
    %mul3A_7 = arith.mulf %mul3A, %get3A_6 : vector<128x128xf32>
    %get3A_8 = arith.constant 0 : index
    %get3A_9 = arith.constant 1 : index
    %get3A_10 = memref.load %arg1[%get3A_8, %get3A_9] : memref<1x2xf32, #tpu.memory_space<smem>>
    %get3A_11 = arith.constant 1 : index
    %get3A_12 = arith.constant 0 : index
    %get3A_13 = arith.constant 0 : index
    %get3A_14 = vector.load %arg4[%get3A_11, %get3A_12, %get3A_13] : memref<2x128x128xf32, #tpu.memory_space<vmem>>, vector<1x128x128xf32>
    %get3A_15 = vector.shape_cast %get3A_14 : vector<1x128x128xf32> to vector<128x128xf32>
    %mul3A_16 = vector.broadcast %get3A_10 : f32 to vector<128x128xf32>
    %mul3A_17 = arith.mulf %mul3A_16, %get3A_15 : vector<128x128xf32>
    %add3A = arith.addf %mul3A_7, %mul3A_17 : vector<128x128xf32>
    %get3A_18 = arith.constant 0 : index
    %get3A_19 = arith.constant 0 : index
    %get3A_20 = arith.constant 0 : index
    %get3A_21 = vector.load %arg2[%get3A_18, %get3A_19, %get3A_20] : memref<2x2000x128xf32, #tpu.memory_space<vmem>>, vector<1x2000x128xf32>
    %get3A_22 = vector.shape_cast %get3A_21 : vector<1x2000x128xf32> to vector<2000x128xf32>
    %get3A_23 = arith.constant 1 : index
    %get3A_24 = arith.constant 0 : index
    %get3A_25 = arith.constant 0 : index
    %get3A_26 = vector.load %arg2[%get3A_23, %get3A_24, %get3A_25] : memref<2x2000x128xf32, #tpu.memory_space<vmem>>, vector<1x2000x128xf32>
    %get3A_27 = vector.shape_cast %get3A_26 : vector<1x2000x128xf32> to vector<2000x128xf32>
    %add3A_28 = arith.addf %get3A_22, %get3A_27 : vector<2000x128xf32>
    %get3A_29 = arith.constant 0 : index
    %get3A_30 = arith.constant 0 : index
    %get3A_31 = arith.constant 0 : index
    %get3A_32 = vector.load %arg3[%get3A_29, %get3A_30, %get3A_31] : memref<2x2000x128xf32, #tpu.memory_space<vmem>>, vector<1x2000x128xf32>
    %get3A_33 = vector.shape_cast %get3A_32 : vector<1x2000x128xf32> to vector<2000x128xf32>
    %get3A_34 = arith.constant 1 : index
    %get3A_35 = arith.constant 0 : index
    %get3A_36 = arith.constant 0 : index
    %get3A_37 = vector.load %arg3[%get3A_34, %get3A_35, %get3A_36] : memref<2x2000x128xf32, #tpu.memory_space<vmem>>, vector<1x2000x128xf32>
    %get3A_38 = vector.shape_cast %get3A_37 : vector<1x2000x128xf32> to vector<2000x128xf32>
    %add3A_39 = arith.addf %get3A_33, %get3A_38 : vector<2000x128xf32>
    %max3A = arith.constant 1.000000e+00 : f32
    %max3A_40 = vector.broadcast %max3A : f32 to vector<2000x128xf32>
    %max3A_41 = arith.maximumf %add3A_39, %max3A_40 : vector<2000x128xf32>
    %div3A = arith.constant 1.000000e+00 : f32
    %div3A_42 = vector.broadcast %div3A : f32 to vector<2000x128xf32>
    %div3A_43 = arith.divf %div3A_42, %max3A_41 : vector<2000x128xf32>
    %swap3A = arith.constant 0 : index
    %swap3A_44 = arith.constant 0 : index
    %swap3A_45 = vector.load %arg6[%swap3A, %swap3A_44] : memref<2000x128xf32, #tpu.memory_space<vmem>>, vector<2000x128xf32>
    tpu.vector_store %arg6[%swap3A, %swap3A_44], %div3A_43 {strides = array<i32>} : memref<2000x128xf32, #tpu.memory_space<vmem>>, vector<2000x128xf32>,
    %dot_general3A = arith.constant dense<0.000000e+00> : vector<2000x128xf32>
    %dot_general3A_46 = tpu.matmul %add3A_28, %add3A, %dot_general3A {dimension_numbers = #tpu.dot_dimension_numbers<[1], [0], [0], [1], [0, 0, 1, 1], [], []>, transpose_lhs_hint = false} : vector<2000x128xf32>, vector<128x128xf32>, vector<2000x128xf32> -> vector<2000x128xf32>
    %mul3A_47 = arith.mulf %dot_general3A_46, %div3A_43 : vector<2000x128xf32>
    %max3A_48 = arith.constant 0.000000e+00 : f32
    %max3A_49 = vector.broadcast %max3A_48 : f32 to vector<2000x128xf32>
    %max3A_50 = arith.maximumf %mul3A_47, %max3A_49 : vector<2000x128xf32>
    %swap3A_51 = arith.constant 0 : index
    %swap3A_52 = arith.constant 0 : index
    %swap3A_53 = vector.load %arg5[%swap3A_51, %swap3A_52] : memref<2000x128xf32, #tpu.memory_space<vmem>>, vector<2000x128xf32>
    tpu.vector_store %arg5[%swap3A_51, %swap3A_52], %max3A_50 {strides = array<i32>} : memref<2000x128xf32, #tpu.memory_space<vmem>>, vector<2000x128xf32>,
    return
  }
  func.func @transform_0(%arg0: i32) -> (i32, i32) {
    %c0_i32 = arith.constant 0 : i32
    %c0_i32_0 = arith.constant 0 : i32
    %c0_i32_1 = arith.constant 0 : i32
    return %c0_i32, %c0_i32_0 : i32, i32
  }
  func.func @transform_1(%arg0: i32) -> (i32, i32, i32) {
    %c0_i32 = arith.constant 0 : i32
    %c0_i32_0 = arith.constant 0 : i32
    %c0_i32_1 = arith.constant 0 : i32
    return %c0_i32, %arg0, %c0_i32_0 : i32, i32, i32
  }
  func.func @transform_2(%arg0: i32) -> (i32, i32, i32) {
    %c0_i32 = arith.constant 0 : i32
    %c0_i32_0 = arith.constant 0 : i32
    %c0_i32_1 = arith.constant 0 : i32
    return %c0_i32, %arg0, %c0_i32_0 : i32, i32, i32
  }
  func.func @transform_3(%arg0: i32) -> (i32, i32, i32) {
    %c0_i32 = arith.constant 0 : i32
    %c0_i32_0 = arith.constant 0 : i32
    %c0_i32_1 = arith.constant 0 : i32
    %c0_i32_2 = arith.constant 0 : i32
    return %c0_i32, %c0_i32_0, %c0_i32_1 : i32, i32, i32
  }
  func.func @transform_4(%arg0: i32) -> (i32, i32) {
    %c0_i32 = arith.constant 0 : i32
    %c0_i32_0 = arith.constant 0 : i32
    return %arg0, %c0_i32 : i32, i32
  }
  func.func @transform_5(%arg0: i32) -> (i32, i32) {
    %c0_i32 = arith.constant 0 : i32
    %c0_i32_0 = arith.constant 0 : i32
    return %arg0, %c0_i32 : i32, i32
  }
}

module attributes {stable_mosaic.version = 14 : i64} {
  func.func @_final_kernel(%arg0: i32, %arg1: memref<1x2xf32, #tpu.memory_space<smem>>, %arg2: memref<2x2000x128xf32, #tpu.memory_space<vmem>>, %arg3: memref<2000x128xf32, #tpu.memory_space<vmem>>, %arg4: memref<2x128x128xf32, #tpu.memory_space<vmem>>, %arg5: memref<128x128xf32, #tpu.memory_space<vmem>>, %arg6: memref<1x128xf32, #tpu.memory_space<vmem>>, %arg7: memref<2000x128xf32, #tpu.memory_space<vmem>>, %arg8: memref<2000x128xf32, #tpu.memory_space<vmem>>, %arg9: memref<1x1xf32, #tpu.memory_space<smem>>) attributes {dimension_semantics = [#tpu.dimension_semantics<arbitrary>], iteration_bounds = array<i64: 5>, scalar_prefetch = 0 : i64, scratch_operands = 0 : i64, tpu.core_type = #tpu.core_type<tc>, window_params = [{transform_indices = @transform_0, window_bounds = array<i64: 1, 2>}, {transform_indices = @transform_1, window_bounds = array<i64: 2, 2000, 128>}, {transform_indices = @transform_2, window_bounds = array<i64: 2000, 128>}, {pipeline_mode = #tpu.pipeline_mode<synchronous>, transform_indices = @transform_3, window_bounds = array<i64: 2, 128, 128>}, {pipeline_mode = #tpu.pipeline_mode<synchronous>, transform_indices = @transform_4, window_bounds = array<i64: 128, 128>}, {pipeline_mode = #tpu.pipeline_mode<synchronous>, transform_indices = @transform_5, window_bounds = array<i64: 1, 128>}, {transform_indices = @transform_6, window_bounds = array<i64: 2000, 128>}, {transform_indices = @transform_7, window_bounds = array<i64: 2000, 128>}, {transform_indices = @transform_8, window_bounds = array<i64: 1, 1>}]} {
    %get3A = arith.constant 0 : index
    %get3A_0 = arith.constant 0 : index
    %get3A_1 = memref.load %arg1[%get3A, %get3A_0] : memref<1x2xf32, #tpu.memory_space<smem>>
    %get3A_2 = arith.constant 0 : index
    %get3A_3 = arith.constant 0 : index
    %get3A_4 = arith.constant 0 : index
    %get3A_5 = vector.load %arg4[%get3A_2, %get3A_3, %get3A_4] : memref<2x128x128xf32, #tpu.memory_space<vmem>>, vector<1x128x128xf32>
    %get3A_6 = vector.shape_cast %get3A_5 : vector<1x128x128xf32> to vector<128x128xf32>
    %mul3A = vector.broadcast %get3A_1 : f32 to vector<128x128xf32>
    %mul3A_7 = arith.mulf %mul3A, %get3A_6 : vector<128x128xf32>
    %get3A_8 = arith.constant 0 : index
    %get3A_9 = arith.constant 1 : index
    %get3A_10 = memref.load %arg1[%get3A_8, %get3A_9] : memref<1x2xf32, #tpu.memory_space<smem>>
    %get3A_11 = arith.constant 1 : index
    %get3A_12 = arith.constant 0 : index
    %get3A_13 = arith.constant 0 : index
    %get3A_14 = vector.load %arg4[%get3A_11, %get3A_12, %get3A_13] : memref<2x128x128xf32, #tpu.memory_space<vmem>>, vector<1x128x128xf32>
    %get3A_15 = vector.shape_cast %get3A_14 : vector<1x128x128xf32> to vector<128x128xf32>
    %mul3A_16 = vector.broadcast %get3A_10 : f32 to vector<128x128xf32>
    %mul3A_17 = arith.mulf %mul3A_16, %get3A_15 : vector<128x128xf32>
    %add3A = arith.addf %mul3A_7, %mul3A_17 : vector<128x128xf32>
    %get3A_18 = arith.constant 0 : index
    %get3A_19 = arith.constant 0 : index
    %get3A_20 = arith.constant 0 : index
    %get3A_21 = vector.load %arg2[%get3A_18, %get3A_19, %get3A_20] : memref<2x2000x128xf32, #tpu.memory_space<vmem>>, vector<1x2000x128xf32>
    %get3A_22 = vector.shape_cast %get3A_21 : vector<1x2000x128xf32> to vector<2000x128xf32>
    %get3A_23 = arith.constant 1 : index
    %get3A_24 = arith.constant 0 : index
    %get3A_25 = arith.constant 0 : index
    %get3A_26 = vector.load %arg2[%get3A_23, %get3A_24, %get3A_25] : memref<2x2000x128xf32, #tpu.memory_space<vmem>>, vector<1x2000x128xf32>
    %get3A_27 = vector.shape_cast %get3A_26 : vector<1x2000x128xf32> to vector<2000x128xf32>
    %add3A_28 = arith.addf %get3A_22, %get3A_27 : vector<2000x128xf32>
    %dot_general3A = arith.constant dense<0.000000e+00> : vector<2000x128xf32>
    %dot_general3A_29 = tpu.matmul %add3A_28, %add3A, %dot_general3A {dimension_numbers = #tpu.dot_dimension_numbers<[1], [0], [0], [1], [0, 0, 1, 1], [], []>, transpose_lhs_hint = false} : vector<2000x128xf32>, vector<128x128xf32>, vector<2000x128xf32> -> vector<2000x128xf32>
    %get3A_30 = arith.constant 0 : index
    %get3A_31 = arith.constant 0 : index
    %get3A_32 = vector.load %arg3[%get3A_30, %get3A_31] : memref<2000x128xf32, #tpu.memory_space<vmem>>, vector<2000x128xf32>
    %mul3A_33 = arith.mulf %dot_general3A_29, %get3A_32 : vector<2000x128xf32>
    %swap3A = arith.constant 0 : index
    %swap3A_34 = arith.constant 0 : index
    %swap3A_35 = vector.load %arg8[%swap3A, %swap3A_34] : memref<2000x128xf32, #tpu.memory_space<vmem>>, vector<2000x128xf32>
    tpu.vector_store %arg8[%swap3A, %swap3A_34], %mul3A_33 {strides = array<i32>} : memref<2000x128xf32, #tpu.memory_space<vmem>>, vector<2000x128xf32>,
    %get3A_36 = arith.constant 0 : index
    %get3A_37 = arith.constant 0 : index
    %get3A_38 = vector.load %arg5[%get3A_36, %get3A_37] : memref<128x128xf32, #tpu.memory_space<vmem>>, vector<128x128xf32>
    %dot_general3A_39 = arith.constant dense<0.000000e+00> : vector<2000x128xf32>
    %dot_general3A_40 = tpu.matmul %mul3A_33, %get3A_38, %dot_general3A_39 {dimension_numbers = #tpu.dot_dimension_numbers<[1], [0], [0], [1], [0, 0, 1, 1], [], []>, transpose_lhs_hint = false} : vector<2000x128xf32>, vector<128x128xf32>, vector<2000x128xf32> -> vector<2000x128xf32>
    %get3A_41 = arith.constant 0 : index
    %get3A_42 = arith.constant 0 : index
    %get3A_43 = vector.load %arg6[%get3A_41, %get3A_42] : memref<1x128xf32, #tpu.memory_space<vmem>>, vector<1x128xf32>
    %add3A_44 = vector.broadcast %get3A_43 : vector<1x128xf32> to vector<2000x128xf32>
    %add3A_45 = arith.addf %dot_general3A_40, %add3A_44 : vector<2000x128xf32>
    %get3A_46 = arith.constant 0 : index
    %get3A_47 = arith.constant 0 : index
    %get3A_48 = vector.load %arg7[%get3A_46, %get3A_47] : memref<2000x128xf32, #tpu.memory_space<vmem>>, vector<2000x128xf32>
    %sub3A = arith.subf %add3A_45, %get3A_48 : vector<2000x128xf32>
    %mul3A_49 = arith.mulf %sub3A, %sub3A : vector<2000x128xf32>
    %reduce_sum3A = vector.shape_cast %mul3A_49 : vector<2000x128xf32> to vector<1x2000x128xf32>
    %reduce_sum3A_50 = arith.constant dense<0.000000e+00> : vector<1xf32>
    %reduce_sum3A_51 = vector.multi_reduction <add>, %reduce_sum3A, %reduce_sum3A_50 [1, 2] : vector<1x2000x128xf32> to vector<1xf32>
    %reduce_sum3A_52 = vector.shape_cast %reduce_sum3A_51 : vector<1xf32> to vector<1x1x1xf32>
    %reduce_sum3A_53 = vector.extract %reduce_sum3A_52[0, 0, 0] : f32 from vector<1x1x1xf32>
    %div3A = arith.constant 1.280000e+06 : f32
    %div3A_54 = arith.divf %reduce_sum3A_53, %div3A : f32
    %eq3A = arith.constant 0 : i32
    %eq3A_55 = arith.cmpi eq, %arg0, %eq3A : i32
    %convert_element_type3A = arith.extui %eq3A_55 : i1 to i32
    %cond3A = arith.constant 0 : i32
    %cond3A_56 = arith.cmpi ne, %convert_element_type3A, %cond3A : i32
    scf.if %cond3A_56 {
      %swap3A_64 = arith.constant 0.000000e+00 : f32
      %swap3A_65 = arith.constant 0 : index
      %swap3A_66 = arith.constant 0 : index
      %swap3A_67 = memref.load %arg9[%swap3A_65, %swap3A_66] : memref<1x1xf32, #tpu.memory_space<smem>>
      memref.store %swap3A_64, %arg9[%swap3A_65, %swap3A_66] : memref<1x1xf32, #tpu.memory_space<smem>>
    } else {
    }
    %get3A_57 = arith.constant 0 : index
    %get3A_58 = arith.constant 0 : index
    %get3A_59 = memref.load %arg9[%get3A_57, %get3A_58] : memref<1x1xf32, #tpu.memory_space<smem>>
    %add3A_60 = arith.addf %get3A_59, %div3A_54 : f32
    %swap3A_61 = arith.constant 0 : index
    %swap3A_62 = arith.constant 0 : index
    %swap3A_63 = memref.load %arg9[%swap3A_61, %swap3A_62] : memref<1x1xf32, #tpu.memory_space<smem>>
    memref.store %add3A_60, %arg9[%swap3A_61, %swap3A_62] : memref<1x1xf32, #tpu.memory_space<smem>>
    return
  }
  func.func @transform_0(%arg0: i32) -> (i32, i32) {
    %c0_i32 = arith.constant 0 : i32
    %c0_i32_0 = arith.constant 0 : i32
    %c0_i32_1 = arith.constant 0 : i32
    return %c0_i32, %c0_i32_0 : i32, i32
  }
  func.func @transform_1(%arg0: i32) -> (i32, i32, i32) {
    %c0_i32 = arith.constant 0 : i32
    %c0_i32_0 = arith.constant 0 : i32
    %c0_i32_1 = arith.constant 0 : i32
    return %c0_i32, %arg0, %c0_i32_0 : i32, i32, i32
  }
  func.func @transform_2(%arg0: i32) -> (i32, i32) {
    %c0_i32 = arith.constant 0 : i32
    %c0_i32_0 = arith.constant 0 : i32
    return %arg0, %c0_i32 : i32, i32
  }
  func.func @transform_3(%arg0: i32) -> (i32, i32, i32) {
    %c0_i32 = arith.constant 0 : i32
    %c0_i32_0 = arith.constant 0 : i32
    %c0_i32_1 = arith.constant 0 : i32
    %c0_i32_2 = arith.constant 0 : i32
    return %c0_i32, %c0_i32_0, %c0_i32_1 : i32, i32, i32
  }
  func.func @transform_4(%arg0: i32) -> (i32, i32) {
    %c0_i32 = arith.constant 0 : i32
    %c0_i32_0 = arith.constant 0 : i32
    %c0_i32_1 = arith.constant 0 : i32
    return %c0_i32, %c0_i32_0 : i32, i32
  }
  func.func @transform_5(%arg0: i32) -> (i32, i32) {
    %c0_i32 = arith.constant 0 : i32
    %c0_i32_0 = arith.constant 0 : i32
    %c0_i32_1 = arith.constant 0 : i32
    return %c0_i32, %c0_i32_0 : i32, i32
  }
  func.func @transform_6(%arg0: i32) -> (i32, i32) {
    %c0_i32 = arith.constant 0 : i32
    %c0_i32_0 = arith.constant 0 : i32
    return %arg0, %c0_i32 : i32, i32
  }
  func.func @transform_7(%arg0: i32) -> (i32, i32) {
    %c0_i32 = arith.constant 0 : i32
    %c0_i32_0 = arith.constant 0 : i32
    return %arg0, %c0_i32 : i32, i32
  }
  func.func @transform_8(%arg0: i32) -> (i32, i32) {
    %c0_i32 = arith.constant 0 : i32
    %c0_i32_0 = arith.constant 0 : i32
    %c0_i32_1 = arith.constant 0 : i32
    return %c0_i32, %c0_i32_0 : i32, i32
  }
}

</mosaic_0001>

<sc_bundles>
// kernel: kernel.12.cloned.1.call-start
scs
__scs_entry_jumppad:
0x0: {  	(pc) =	sbr.rel $0x88, $3  }
0x1: {  	(tag) =	ssettag $0x0;
	lr =	simm.s32 $0x1  }
0x2: {  	[smem:$0x3F93] =	sst lr;
	_ =	strace $0xD0000000  }
0x3: {  	_ = 	snop  }
0x4: {  	_ = 	snop  }
0x5: {  	_ = 	snop  }
0x6: {  	_ = 	snop  }
0x7: {  	_ = 	snop  }
__scs_overlays_trampoline_lowered:
0x8: {  	[smem:$0x3FA2] =	sst s0  }
0x9: {  	[smem:$0x3FA3] =	sst s1  }
0xa: {  	[smem:$0x3FA4] =	sst s2  }
0xb: {  	[smem:$0x3FA5] =	sst s3  }
0xc: {  	[smem:$0x3FA6] =	sst s4  }
0xd: {  	[smem:$0x3FA7] =	sst s5  }
0xe: {  	[smem:$0x3FA8] =	sst s6  }
0xf: {  	[smem:$0x3FA9] =	sst s7  }
0x10: {  	[smem:$0x3FAA] =	sst s8  }
0x11: {  	[smem:$0x3FAB] =	sst s9;
	s0 =	simm.s32 @!p0 $0x0  }
0x12: {  	s1 =	sld [smem:$0x3F91];
	s0 =	simm.s32 @p0 $0x1  }
0x13: {  	[smem:$0x3FAC] =	sst s0;
	s0 =	simm.s32 @!p1 $0x0  }
0x14: {  	s2 =	sld [smem:$0x3F90];
	s0 =	simm.s32 @p1 $0x1  }
0x15: {  	[smem:$0x3FAD] =	sst s0;
	s0 =	simm.s32 @!p2 $0x0  }
0x16: {  	s3 =	sld [smem:$0x3FDB];
	s0 =	simm.s32 @p2 $0x1  }
0x17: {  	s4 =	simm.s32 $0x1BF5;
	[smem:$0x3FAF] =	sst s0  }
0x18: {  	s0 =	sld [smem:$0x3F92];
	_ =	swait.ge [sflag:s4], $0x0  }
0x19: {  	s7 =	sld [smem:$0x3F93]  }
0x1a: {  	s8 =	sadd.s32 $0xFFFFE003, lr  }
0x1b: {  	s9 =	sadd.s32 $0xFFFFFEF7, lr;
	s5 =	simm.s32 $0xFFFFFFFF;
	p2 =	slt.u32 s8, $0xFFFFF086  }
0x1c: {  	p1 =	slt.u32 s9, $0xF7A;
	s5 =	simm.s32 @!p2 $0x0  }
0x1d: {  	s5 =	simm.s32 @p1 $0x1;
	p0 =	seq.s32 s7, s2  }
0x1e: {  	s7 =	smul.u32 @!p0 $0xF7A, s2;
	p2 =	seq.s32 @!p0 s5, $0x0  }
0x1f: {  	s9 =	smul.u32 $0xF7A, s1;
	s8 =	simm.s32 @!p0 $0x1BF5;
	p2 =	por !p2, p0  }
0x20: {  	[sflag:s8] =	ssyncset.s32 @!p0 $0xFFFFF086;
	s6 =	sadd.s32 @!p0 s3, s7;
	s7 =	simm.s32 @!p0 $0x108  }
0x21: {  	s3 =	sadd.s32 s3, s9;
	s6 =	sadd.s32 @!p0 $0x88, s6;
	s7 =	simm.s32 @p2 $0x1082  }
0x22: {  	[simem:s7], [sflag:s8] =	dma.local @!p0 [hbm:s6], $0xF7A  }
0x23: {  	s9 =	sor.u32 $0xD0000000, s2;
	s6 =	simm.s32 $0x108;
	_ =	swait.ge @!p0 [sflag:s8], $0x0  }
0x24: {  	s3 =	sadd.s32 $0x88, s3;
	s6 =	simm.s32 @!p1 $0x1082;
	[sflag:s4] =	ssyncset.s32 $0xFFFFF086  }
0x25: {  	[simem:s6], [sflag:s4] =	dma.local [hbm:s3], $0xF7A  }
0x26: {  	[smem:$0x3F93] =	sst s1;
	(tag) =	ssettag s2;
	_ =	strace s9  }
0x27: {  	s1 =	sld [smem:$0x3FA3]  }
0x28: {  	s2 =	sld [smem:$0x3FA4]  }
0x29: {  	s4 =	sld [smem:$0x3FA6]  }
0x2a: {  	p0 =	seq.s32 s5, $0x0;
	s5 =	sld [smem:$0x3FA7]  }
0x2b: {  	s6 =	sld [smem:$0x3FA8]  }
0x2c: {  	s7 =	sld [smem:$0x3FA9]  }
0x2d: {  	s3 =	simm.s32 $0x108;
	s8 =	sld [smem:$0x3FAA]  }
0x2e: {  	s3 =	simm.s32 @!p0 $0x1082;
	s9 =	sld [smem:$0x3FAB]  }
0x2f: {  	lr =	sadd.s32 s0, s3;
	s0 =	sld [smem:$0x3FA2]  }
0x30: {  	s3 =	sld [smem:$0x3FA5]  }
0x31: {  	[smem:$0x3FAE] =	sst s10  }
0x32: {  	s10 =	sld [smem:$0x3FAC];
	_ =	sdelay $0x3  }
0x33: {  	p0 =	seq.s32 s10, $0x1;
	s10 =	sld [smem:$0x3FAE];
	_ =	sdelay $0x3  }
0x34: {  	[smem:$0x3FAE] =	sst s10  }
0x35: {  	s10 =	sld [smem:$0x3FAD];
	_ =	sdelay $0x3  }
0x36: {  	p1 =	seq.s32 s10, $0x1;
	s10 =	sld [smem:$0x3FAE];
	_ =	sdelay $0x3  }
0x37: {  	[smem:$0x3FAE] =	sst s10  }
0x38: {  	s10 =	sld [smem:$0x3FAF]  }
0x39: {  	_ = 	snop;
	(pc) =	sbr.ind lr, $3  }
0x3a: {  	_ = 	snop  }
0x3b: {  	_ = 	snop  }
0x3c: {  	p2 =	seq.s32 s10, $0x1;
	s10 =	sld [smem:$0x3FAE]  }
0x3d: {  	_ =	shalt  }
0x3e: {  	_ =	shalt  }
0x3f: {  	_ =	shalt  }
0x40: {  	_ =	shalt  }
0x41: {  	_ =	shalt  }
0x42: {  	_ =	shalt  }
0x43: {  	_ =	shalt  }
0x44: {  	_ =	shalt  }
0x45: {  	_ =	shalt  }
0x46: {  	_ =	shalt  }
0x47: {  	_ =	shalt  }
0x48: {  	_ =	shalt  }
0x49: {  	_ =	shalt  }
0x4a: {  	_ =	shalt  }
0x4b: {  	_ =	shalt  }
0x4c: {  	_ =	shalt  }
0x4d: {  	_ =	shalt  }
0x4e: {  	_ =	shalt  }
0x4f: {  	_ =	shalt  }
0x50: {  	_ =	shalt  }
0x51: {  	_ =	shalt  }
0x52: {  	_ =	shalt  }
0x53: {  	_ =	shalt  }
0x54: {  	_ =	shalt  }
0x55: {  	_ =	shalt  }
0x56: {  	_ =	shalt  }
0x57: {  	_ =	shalt  }
0x58: {  	_ =	shalt  }
0x59: {  	_ =	shalt  }
0x5a: {  	_ =	shalt  }
0x5b: {  	_ =	shalt  }
0x5c: {  	_ =	shalt  }
0x5d: {  	_ =	shalt  }
0x5e: {  	_ =	shalt  }
0x5f: {  	_ =	shalt  }
0x60: {  	_ =	shalt  }
0x61: {  	_ =	shalt  }
0x62: {  	_ =	shalt  }
0x63: {  	_ =	shalt  }
0x64: {  	_ =	shalt  }
0x65: {  	_ =	shalt  }
0x66: {  	_ =	shalt  }
0x67: {  	_ =	shalt  }
0x68: {  	_ =	shalt  }
0x69: {  	_ =	shalt  }
0x6a: {  	_ =	shalt  }
0x6b: {  	_ =	shalt  }
0x6c: {  	_ =	shalt  }
0x6d: {  	_ =	shalt  }
0x6e: {  	_ =	shalt  }
0x6f: {  	_ =	shalt  }
0x70: {  	_ =	shalt  }
0x71: {  	_ =	shalt  }
0x72: {  	_ =	shalt  }
0x73: {  	_ =	shalt  }
0x74: {  	_ =	shalt  }
0x75: {  	_ =	shalt  }
0x76: {  	_ =	shalt  }
0x77: {  	_ =	shalt  }
0x78: {  	_ =	shalt  }
0x79: {  	_ =	shalt  }
0x7a: {  	_ =	shalt  }
0x7b: {  	_ =	shalt  }
0x7c: {  	_ =	shalt  }
0x7d: {  	_ =	shalt  }
0x7e: {  	_ =	shalt  }
0x7f: {  	_ =	shalt  }
0x80: {  	_ =	shalt  }
0x81: {  	_ =	shalt  }
0x82: {  	_ =	shalt  }
0x83: {  	_ =	shalt  }
0x84: {  	_ =	shalt  }
0x85: {  	_ =	shalt  }
0x86: {  	_ =	shalt  }
0x87: {  	_ =	shalt  }
.Lfunc_end0:
.L_simem_size_0:
called_computation_lowered:
.L_overlay_start_0:
0x88: {  	s2 =	sld [smem:$0x3FD9]  }
0x89: {  	s3 =	sld [smem:$0x3FFE];
	_ =	sdelay $0x1  }
0x8a: {  	s1 =	srdreg.scid  }
0x8b: {  	s0 =	sand.u32 $0x1, s1  }
0x8c: {  	s15 =	sshll.u32 s0, $0xA;
	s2 =	sadd.s32 s3, s2  }
0x8d: {  	s2 =	sadd.s32 s2, s15  }
0x8e: {  	[smem:$0x3FBA] =	sst s2  }
0x8f: {  	_ = 	snop  }
0x90: {  	s2 =	sld [smem:$0x3FD0];
	_ =	sdelay $0x2  }
0x91: {  	s16 =	simm.s32 $0xB;
	s4 =	simm.s32 $0x10  }
0x92: {  	[smem:s4], [sflag:s16] =	dma.local [hbm:s2], $0x1  }
0x93: {  	_ =	swait.eq [sflag:s16], $0x1  }
0x94: {  	[sflag:s16] =	ssyncset.done $0x0  }
0x95: {  	[sflag:s16] =	ssyncadd.s32 $0xFFFFFFFF  }
0x96: {  	s17 =	sld [smem:$0x12];
	(tm) =	ssettm $0x1  }
0x97: {  	s18 =	sld [smem:$0x3FFB];
	_ =	sdelay $0x3  }
0x98: {  	_ =	strace s18  }
0x99: {  	s2 =	sld [smem:$0x3FFC];
	_ =	sdelay $0x3  }
0x9a: {  	_ =	strace s2  }
0x9b: {  	s2 =	sld [smem:$0x3FFD];
	_ =	sdelay $0x3  }
0x9c: {  	_ =	strace s2  }
0x9d: {  	_ =	strace $0x8FFFFFFF  }
0x9e: {  	s19 =	sld [smem:$0x3FDB];
	_ =	sdelay $0x1  }
0x9f: {  	s20 =	simm.s32 $_scs_section_size  }
0xa0: {  	s5 =	simm.s32 $_size__tile_overlayer_lowered;
	s6 =	simm.s32 $_tile_overlayer_lowered  }
0xa1: {  	s7 =	simm.s32 $0x1BFF;
	s21 =	sshll.u32 s6, $0x1;
	s4 =	sadd.s32 s20, s19  }
0xa2: {  	s22 =	simm.s32 $0x0;
	s5 =	sshll.u32 s5, $0x1;
	s6 =	sadd.s32 s21, s4  }
0xa3: {  	[timem:s22], [sflag:s7] =	dma.local [hbm:s6], s5  }
0xa4: {  	_ =	swait.ge [sflag:s7], s5  }
0xa5: {  	s5 =	ssub.s32 $0x0, s5;
	[sflag:s7] =	ssyncset.done $0x0  }
0xa6: {  	[sflag:s7] =	ssyncadd.s32 s5;
	_ =	sdelay $0x1  }
0xa7: {  	s23 =	simm.s32 $0x1B8B  }
0xa8: {  	_ =	swait.ge [sflag:s23], $0x1  }
0xa9: {  	[sflag:s23] =	ssyncset.done $0x0  }
0xaa: {  	[sflag:s23] =	ssyncadd.s32 $0xFFFFFFFF  }
0xab: {  	s5 =	sld [smem:$0x0]  }
0xac: {  	s6 =	sand.u32 $0xFFFFFFFE, s1  }
0xad: {  	p0 =	sne.s32 s1, s6  }
0xae: {  	s6 =	sshll.u32 @p0 s6, $0xE  }
0xaf: {  	s6 =	sadd.s32 @p0 $0x11B8D, s6;
	s7 =	sshll.u32 @p0 s5, $0x11  }
0xb0: {  	s6 =	sor.u32 @p0 s7, s6  }
0xb1: {  	[sflag:s6] =	ssyncadd.remote.s32 @p0 $0x1;
	_ =	sdelay $0x1  }
0xb2: {  	s6 =	simm.s32 @p0 $0x1B8D  }
0xb3: {  	_ =	swait.eq @p0 [sflag:s6], $0x1  }
0xb4: {  	[sflag:s6] =	ssyncadd.s32 @p0 $0xFFFFFFFF  }
0xb5: {  	s7 =	sshll.u32 @!p0 s1, $0xE  }
0xb6: {  	s7 =	sor.u32 @!p0 $0x4000, s7;
	s6 =	simm.s32 @!p0 $0x1B8D  }
0xb7: {  	s5 =	sshll.u32 @!p0 s5, $0x11;
	s7 =	sadd.s32 @!p0 $0x11B8D, s7;
	_ =	swait.eq @!p0 [sflag:s6], $0x1  }
0xb8: {  	s5 =	sor.u32 @!p0 s5, s7;
	[sflag:s6] =	ssyncadd.s32 @!p0 $0xFFFFFFFF  }
0xb9: {  	s25 =	simm.s32 $0x1B8E;
	s24 =	sld [smem:$0x3FFE];
	[sflag:s5] =	ssyncadd.remote.s32 @!p0 $0x1  }
0xba: {  	s26 =	simm.s32 $execute0_lowered;
	[smem:$0x3FD2] =	sst s25  }
0xbb: {  	s6 =	sshll.u32 s26, $0x1;
	_ =	strace $0x80000049;
	[dreg:$0x1] =	wrdreg $0xFFFFFFFF  }
0xbc: {  	s28 =	simm.s32 $_size_execute0_lowered;
	s4 =	sadd.s32 s4, s6;
	[dreg:$0x0] =	wrdreg $0x0  }
0xbd: {  	s6 =	sshll.u32 s28, $0x1;
	[dreg:$0x2] =	wrdreg s4  }
0xbe: {  	[dreg:$0x3] =	wrdreg s6  }
0xbf: {  	[dreg:$0x4] =	wrdreg $0xC0  }
0xc0: {  	_ =	task [dreg:s22], $0x5FFFF  }
0xc1: {  	[dreg:$0x1] =	wrdreg $0xFFFFFFFF  }
0xc2: {  	[dreg:$0x0] =	wrdreg $0x60  }
0xc3: {  	[dreg:$0x2] =	wrdreg s17  }
0xc4: {  	[dreg:$0x3] =	wrdreg s24  }
0xc5: {  	[dreg:$0x4] =	wrdreg $0x91000  }
0xc6: {  	[dreg:$0x5] =	wrdreg $0x9  }
0xc7: {  	_ =	task.clear_ibuf [dreg:s22], $0x6FFFF;
	_ =	strace $0x90000049  }
0xc8: {  	s29 =	simm.s32 $0x9;
	_ =	strace $0x8000004B  }
0xc9: {  	_ =	swait.ge [sflag:s29], $0x1  }
0xca: {  	[sflag:s29] =	ssyncadd.s32 $0xFFFFFFFF  }
0xcb: {  	_ =	strace $0x9000004B  }
0xcc: {  	_ =	sfence  }
0xcd: {  	s30 =	sld [smem:$0x0];
	_ =	sdelay $0x2  }
0xce: {  	s31 =	sshll.u32 s1, $0xD;
	s1 =	sshrl.u32 s1, $0x2  }
0xcf: {  	s4 =	sand.u32 $0x4000, s31;
	s1 =	sadd.s32 s1, s30  }
0xd0: {  	s0 =	sor.u32 s4, s0;
	s1 =	sshll.u32 s1, $0x11  }
0xd1: {  	s0 =	sor.u32 s1, s0  }
0xd2: {  	s0 =	sadd.s32 $0x8F2B, s0  }
0xd3: {  	[sflag:s0] =	ssyncadd.remote.s32 $0x1  }
0xd4: {  	_ =	sfence.sel $0xFFFF  }
0xd5: {  	[dreg:$0x0] =	wrdreg $0xFFFFFFFF;
	(pc) =	sbr.abs _section_cstart, $3  }
0xd6: {  	[dreg:$0x1] =	wrdreg $0xFFFFFFFF  }
0xd7: {  	_ =	task.clear_ibuf [dreg:s22], $0x2FFFF;
	_ =	strace $0x9FFFFFFF  }
0xd8: {  	(tm) =	ssettm $0x7FFFFFFF  }
0xd9: {  	_ =	shalt  }
tec
execute0_lowered:
.L_overlay_start_1:
0x0: {  	(tag) =	ssettag $0x1  }
0x1: {  	s0 =	srdreg.scid;
	s3 =	rddreg [dreg:$0x1]  }
0x2: {  	s22 =	stileid.u32;
	s1 =	simm.s32 $0x0;
	s0 =	sand.u32 $0x1, s0  }
0x3: {  	s2 =	sshll.u32 s22, $0xF;
	[smem:$0x7FF] =	sst s1;
	s6 =	smul.u32 $0x280, s22  }
0x4: {  	s7 =	sadd.s32 $0x134A00, s3;
	s4 =	sshll.u32 s0, $0xE;
	s5 =	ssub.s32 $0x2, s0  }
0x5: {  	s0 =	smul.u32 $0x2800, s0;
	s2 =	sor.u32 s4, s2;
	s4 =	sadd.s32 $0xE4A00, s3  }
0x6: {  	s8 =	sshrl.u32 s5, $0x1;
	s9 =	sadd.s32 $0xA0, s6;
	s10 =	sadd.s32 $0xF0, s6  }
0x7: {  	s11 =	sadd.s32 $0x140, s6;
	s13 =	sadd.s32 $0x190, s6;
	s14 =	sadd.s32 $0x1E0, s6  }
0x8: {  	s5 =	ssub.s32 s5, s8;
	s8 =	sor.u32 $0x50, s6;
	s12 =	sadd.s32 s0, s6  }
0x9: {  	s16 =	sadd.s32 s0, s9;
	s17 =	sadd.s32 s0, s10;
	s12 =	sshll.u32 s12, $0x4  }
0xa: {  	s19 =	sadd.s32 s0, s13;
	s16 =	sshll.u32 s16, $0x4;
	s15 =	sadd.s32 s4, s12  }
0xb: {  	s17 =	sshll.u32 s17, $0x4;
	s21 =	sadd.s32 s4, s16;
	[dreg:$0x4] =	wrdreg s15  }
0xc: {  	s19 =	sshll.u32 s19, $0x4;
	s23 =	sadd.s32 s4, s17;
	[dreg:$0x6] =	wrdreg s21  }
0xd: {  	s6 =	sadd.s32 $0x230, s6;
	s25 =	sadd.s32 s4, s19;
	[dreg:$0x7] =	wrdreg s23  }
0xe: {  	s24 =	sadd.s32 s0, s11;
	s12 =	sadd.s32 s7, s12;
	[dreg:$0x9] =	wrdreg s25  }
0xf: {  	s20 =	sadd.s32 s0, s8;
	s16 =	sadd.s32 s7, s16;
	[dreg:$0xc] =	wrdreg s12  }
0x10: {  	s17 =	sadd.s32 s7, s17;
	s15 =	sshll.u32 s20, $0x4;
	[dreg:$0xe] =	wrdreg s16  }
0x11: {  	s20 =	sadd.s32 s0, s14;
	s0 =	sadd.s32 s0, s6;
	[dreg:$0xf] =	wrdreg s17  }
0x12: {  	s23 =	sadd.s32 s7, s19;
	s25 =	sshrl.u32 s2, $0x3;
	s12 =	smax.u32 s5, $0x1  }
0x13: {  	s16 =	sshll.u32 s9, $0x7;
	s17 =	sshll.u32 s10, $0x7;
	s19 =	sshll.u32 s11, $0x7  }
0x14: {  	s9 =	simm.s32 $0x50;
	s10 =	simm.s32 $0x4080;
	s11 =	simm.s32 $0x6900  }
0x15: {  	s18 =	sadd.s32 s4, s15;
	s20 =	sshll.u32 s20, $0x4;
	[dreg:$0x11] =	wrdreg s23  }
0x16: {  	s0 =	sshll.u32 s0, $0x4;
	s15 =	sadd.s32 s7, s15;
	[dreg:$0x5] =	wrdreg s18  }
0x17: {  	s23 =	sshll.u32 s14, $0x7;
	s26 =	sadd.s32 s4, s20;
	[dreg:$0xd] =	wrdreg s15  }
0x18: {  	s18 =	sshll.u32 s24, $0x4;
	s24 =	sadd.s32 s7, s20;
	[dreg:$0xa] =	wrdreg s26  }
0x19: {  	s14 =	simm.s32 $0x0;
	s21 =	sadd.s32 s4, s18;
	[dreg:$0x12] =	wrdreg s24  }
0x1a: {  	s15 =	sshll.u32 s8, $0x7;
	s4 =	sadd.s32 s4, s0;
	[dreg:$0x8] =	wrdreg s21  }
0x1b: {  	s20 =	sshll.u32 s13, $0x7;
	s8 =	simm.s32 $0x4000;
	[dreg:$0xb] =	wrdreg s4  }
0x1c: {  	s0 =	sadd.s32 s7, s0;
	s21 =	sadd.s32 s7, s18;
	s18 =	rddreg [dreg:$0x0]  }
0x1d: {  	s13 =	simm.s32 $0x2;
	s26 =	smul.u32 $0x50000, s22;
	[dreg:$0x13] =	wrdreg s0  }
0x1e: {  	s22 =	sadd.s32 $0xC4A00, s3;
	s3 =	sadd.s32 s25, s3;
	[dreg:$0x10] =	wrdreg s21  }
0x1f: {  	s3 =	sadd.s32 $0xD4A00, s3;
	s24 =	sadd.s32 s22, s25;
	s21 =	rddreg [dreg:$0x2]  }
0x20: {  	s7 =	sshrl.u32 s26, $0x2;
	s26 =	sshll.u32 s6, $0x7;
	s4 =	sadd.s32 $0x10, s24  }
0x21: {  	s5 =	sadd.s32 $0x7C0, s24;
	_ =	strace $0x8000004A;
	[dreg:$0x14] =	wrdreg s3  }
0x22: {  	s6 =	simm.s32 $0x3;
	s25 =	sadd.s32 s7, s21;
	[dreg:$0x15] =	wrdreg s12  }
0x23: {  	s28 =	sadd.s32 s15, s21;
	s29 =	sadd.s32 s16, s21;
	s30 =	sadd.s32 s17, s21  }
0x24: {  	s31 =	sadd.s32 s19, s21;
	s15 =	sadd.s32 s20, s21;
	s0 =	sadd.s32 s23, s21  }
0x25: {  	v0 =	vimm.f32 $0.0e+00;
	v1 =	vimm.f32 $1.000000000e+00;
	s3 =	sadd.s32 s26, s21;
	s7 =	simm.s32 $0x4100;
	s12 =	simm.s32 $0x1  }
.LBB2_1:
0x26: {  	s16 =	rddreg [dreg:$0x14]  }
0x27: {  	[tilespmem:s1], [sflag:$0x3] =	stream.linear.gather [hbm4b:s16+s1], $0x3E80, $0x38;
	[tilespmem:$0x1D100] =	vst v63  }
0x28: {  	_ =	swait.ge [sflag:s6], $0x3E80  }
0x29: {  	[sflag:s6] =	ssyncset.done $0x0  }
0x2a: {  	s17 =	simm.s32 $0x3C0;
	s16 =	simm.s32 $0x70;
	[sflag:s6] =	ssyncadd.s32 $0xFFFFC180  }
.LBB2_2:
0x2b: {  	p0 =	sne.s32 s17, $0x9FC0;
	[tilespmem:s16+$0x4100] =	vst v0  }
0x2c: {  	[tilespmem:s16+$0x4090] =	vst v0  }
0x2d: {  	[tilespmem:s16+$0x40A0] =	vst v0  }
.Ltmp0:
0x2e: {  	[tilespmem:s16+$0x40B0] =	vst v0;
	(pc) =	sbr.rel @p0 .LBB2_2-.Ltmp0, $4  }
0x2f: {  	[tilespmem:s16+$0x40C0] =	vst v0  }
0x30: {  	[tilespmem:s16+$0x40D0] =	vst v0  }
0x31: {  	[tilespmem:s16+$0x40E0] =	vst v0  }
0x32: {  	[tilespmem:s16+$0x40F0] =	vst v0;
	s16 =	sshra.s32 s17, $0x2;
	s17 =	sadd.s32 $0x200, s17  }
0x33: {  	[tilespmem:s16+$0x4100] =	vst v0  }
0x34: {  	[tilespmem:s16+$0x4090] =	vst v0  }
0x35: {  	[tilespmem:s16+$0x40A0] =	vst v0  }
0x36: {  	[tilespmem:s16+$0x40B0] =	vst v0  }
0x37: {  	[tilespmem:s16+$0x40C0] =	vst v0  }
0x38: {  	[tilespmem:s16+$0x40D0] =	vst v0  }
0x39: {  	[tilespmem:s16+$0x40E0] =	vst v0  }
0x3a: {  	[tilespmem:s16+$0x40F0] =	vst v0  }
0x3b: {  	[spmem:s25] =	stream.linear.scatter [tilespmem:s7], [sflag:$0x3], $0x2800, $0x38;
	[tilespmem:$0x1D100] =	vst v63  }
0x3c: {  	_ =	swait.ge [sflag:s6], $0x2800  }
0x3d: {  	[sflag:s6] =	ssyncset.done $0x0  }
0x3e: {  	[sflag:s6] =	ssyncadd.s32 $0xFFFFD800  }
0x3f: {  	[spmem:s28] =	stream.linear.scatter [tilespmem:s7], [sflag:$0x3], $0x2800, $0x38;
	[tilespmem:$0x1D100] =	vst v63  }
0x40: {  	_ =	swait.ge [sflag:s6], $0x2800  }
0x41: {  	[sflag:s6] =	ssyncset.done $0x0  }
0x42: {  	[sflag:s6] =	ssyncadd.s32 $0xFFFFD800  }
0x43: {  	[spmem:s29] =	stream.linear.scatter [tilespmem:s7], [sflag:$0x3], $0x2800, $0x38;
	[tilespmem:$0x1D100] =	vst v63  }
0x44: {  	_ =	swait.ge [sflag:s6], $0x2800  }
0x45: {  	[sflag:s6] =	ssyncset.done $0x0  }
0x46: {  	[sflag:s6] =	ssyncadd.s32 $0xFFFFD800  }
0x47: {  	[spmem:s30] =	stream.linear.scatter [tilespmem:s7], [sflag:$0x3], $0x2800, $0x38;
	[tilespmem:$0x1D100] =	vst v63  }
0x48: {  	_ =	swait.ge [sflag:s6], $0x2800  }
0x49: {  	[sflag:s6] =	ssyncset.done $0x0  }
0x4a: {  	[sflag:s6] =	ssyncadd.s32 $0xFFFFD800  }
0x4b: {  	[spmem:s31] =	stream.linear.scatter [tilespmem:s7], [sflag:$0x3], $0x2800, $0x38;
	[tilespmem:$0x1D100] =	vst v63  }
0x4c: {  	_ =	swait.ge [sflag:s6], $0x2800  }
0x4d: {  	[sflag:s6] =	ssyncset.done $0x0  }
0x4e: {  	[sflag:s6] =	ssyncadd.s32 $0xFFFFD800  }
0x4f: {  	[spmem:s15] =	stream.linear.scatter [tilespmem:s7], [sflag:$0x3], $0x2800, $0x38;
	[tilespmem:$0x1D100] =	vst v63  }
0x50: {  	_ =	swait.ge [sflag:s6], $0x2800  }
0x51: {  	[sflag:s6] =	ssyncset.done $0x0  }
0x52: {  	[sflag:s6] =	ssyncadd.s32 $0xFFFFD800  }
0x53: {  	[spmem:s0] =	stream.linear.scatter [tilespmem:s7], [sflag:$0x3], $0x2800, $0x38;
	[tilespmem:$0x1D100] =	vst v63  }
0x54: {  	_ =	swait.ge [sflag:s6], $0x2800  }
0x55: {  	[sflag:s6] =	ssyncset.done $0x0  }
0x56: {  	[sflag:s6] =	ssyncadd.s32 $0xFFFFD800  }
0x57: {  	[spmem:s3] =	stream.linear.scatter [tilespmem:s7], [sflag:$0x3], $0x2800, $0x38;
	[tilespmem:$0x1D100] =	vst v63  }
0x58: {  	_ =	swait.ge [sflag:s6], $0x2800  }
0x59: {  	[sflag:s6] =	ssyncset.done $0x0  }
0x5a: {  	[sflag:s6] =	ssyncadd.s32 $0xFFFFD800  }
0x5b: {  	[bflag:$0x0] =	sbarrier.arrive $0xFFFF  }
0x5c: {  	[tilespmem:s8], [sflag:$0x3] =	stream.linear.gather [hbm4b:s24+s1], $0x80, $0x38;
	[tilespmem:$0x1D100] =	vst v63  }
0x5d: {  	_ =	swait.ge [sflag:s6], $0x80  }
0x5e: {  	[sflag:s6] =	ssyncset.done $0x0  }
0x5f: {  	[sflag:s6] =	ssyncadd.s32 $0xFFFFFF80  }
0x60: {  	[tilespmem:s7], [sflag:$0x1] =	stream.indirect.gather [hbm4b:s18+s9], $0x80, s8, s9, $0xb8;
	[tilespmem:$0x1D100] =	vst v63  }
0x61: {  	_ = 	snop  }
0x62: {  	[tilespmem:s10], [sflag:$0x3] =	stream.linear.gather [hbm4b:s4+s1], $0x80, $0x38;
	[tilespmem:$0x1D100] =	vst v63  }
0x63: {  	_ =	swait.ge [sflag:s6], $0x80  }
0x64: {  	[sflag:s6] =	ssyncset.done $0x0  }
0x65: {  	[sflag:s6] =	ssyncadd.s32 $0xFFFFFF80  }
0x66: {  	[tilespmem:s11], [sflag:$0x2] =	stream.indirect.gather [hbm4b:s18+s9], $0x80, s10, s9, $0xb8;
	[tilespmem:$0x1D100] =	vst v63  }
0x67: {  	s20 =	simm.s32 $0x100;
	_ =	swait.ge [sflag:s12], $0x2800  }
0x68: {  	s17 =	simm.s32 $0x0;
	s19 =	sand.u32 $0x7C00, s20;
	[sflag:s12] =	ssyncset.done $0x0  }
0x69: {  	s16 =	sand.u32 $0x300, s20;
	s19 =	sadd.s32 s2, s19;
	[sflag:s12] =	ssyncadd.s32 $0xFFFFD800  }
0x6a: {  	[spmem:s21] =	stream.indirect.scatter.add.f32 [tilespmem:s7], [sflag:$0x3], $0x80, s17, s9, $0xb8;
	[tilespmem:$0x1D100] =	vst v63  }
0x6b: {  	s16 =	sor.u32 s16, s19;
	_ =	swait.ge [sflag:s6], $0x2800  }
0x6c: {  	s16 =	sshrl.u32 s16, $0x3;
	[sflag:s6] =	ssyncset.done $0x0  }
0x6d: {  	s16 =	sadd.s32 s22, s16;
	[sflag:s6] =	ssyncadd.s32 $0xFFFFD800  }
0x6e: {  	[tilespmem:s8], [sflag:$0x3] =	stream.linear.gather [hbm4b:s16+s1], $0x80, $0x38;
	[tilespmem:$0x1D100] =	vst v63  }
0x6f: {  	_ =	swait.ge [sflag:s6], $0x80  }
0x70: {  	[sflag:s6] =	ssyncset.done $0x0  }
0x71: {  	s23 =	simm.s32 $0x180;
	[sflag:s6] =	ssyncadd.s32 $0xFFFFFF80  }
0x72: {  	[tilespmem:s7], [sflag:$0x1] =	stream.indirect.gather [hbm4b:s18+s9], $0x80, s8, s9, $0xb8;
	[tilespmem:$0x1D100] =	vst v63  }
0x73: {  	s26 =	sand.u32 $0x7C00, s23;
	_ =	swait.ge [sflag:s13], $0x2800  }
0x74: {  	s19 =	sadd.s32 s2, s26;
	[sflag:s13] =	ssyncset.done $0x0  }
0x75: {  	s17 =	sand.u32 $0x380, s23;
	s16 =	simm.s32 $0x80;
	[sflag:s13] =	ssyncadd.s32 $0xFFFFD800  }
0x76: {  	[spmem:s21] =	stream.indirect.scatter.add.f32 [tilespmem:s11], [sflag:$0x3], $0x80, s16, s9, $0xb8;
	[tilespmem:$0x1D100] =	vst v63  }
0x77: {  	s17 =	sor.u32 s17, s19;
	_ =	swait.ge [sflag:s6], $0x2800  }
0x78: {  	s17 =	sshrl.u32 s17, $0x3;
	[sflag:s6] =	ssyncset.done $0x0  }
0x79: {  	s17 =	sadd.s32 s22, s17;
	[sflag:s6] =	ssyncadd.s32 $0xFFFFD800  }
0x7a: {  	[tilespmem:s10], [sflag:$0x3] =	stream.linear.gather [hbm4b:s17+s1], $0x80, $0x38;
	[tilespmem:$0x1D100] =	vst v63  }
0x7b: {  	_ =	swait.ge [sflag:s6], $0x80  }
0x7c: {  	s17 =	simm.s32 $0x280;
	[sflag:s6] =	ssyncset.done $0x0  }
.LBB2_4:
0x7d: {  	p0 =	sne.s32 s17, $0x3D80  }
0x7e: {  	[sflag:s6] =	ssyncadd.s32 $0xFFFFFF80;
	s16 =	sadd.s32 $0x100, s16;
	s19 =	smov.u32 s17  }
0x7f: {  	[tilespmem:s11], [sflag:$0x2] =	stream.indirect.gather [hbm4b:s18+s9], $0x80, s10, s9, $0xb8;
	[tilespmem:$0x1D100] =	vst v63  }
0x80: {  	s23 =	sadd.s32 $0xFFFFFF80, s17;
	s20 =	sadd.s32 $0xFFFFFF80, s16;
	_ =	swait.ge [sflag:s12], $0x2800  }
0x81: {  	s26 =	sand.u32 $0x7C00, s23;
	s23 =	sand.u32 $0x300, s23;
	[sflag:s12] =	ssyncset.done $0x0  }
0x82: {  	s17 =	sadd.s32 $0x100, s17;
	s26 =	sadd.s32 s2, s26;
	[sflag:s12] =	ssyncadd.s32 $0xFFFFD800  }
0x83: {  	[spmem:s21] =	stream.indirect.scatter.add.f32 [tilespmem:s7], [sflag:$0x3], $0x80, s20, s9, $0xb8;
	[tilespmem:$0x1D100] =	vst v63  }
0x84: {  	s20 =	sor.u32 s23, s26;
	_ =	swait.ge [sflag:s6], $0x2800  }
0x85: {  	s20 =	sshrl.u32 s20, $0x3;
	[sflag:s6] =	ssyncset.done $0x0  }
0x86: {  	s20 =	sadd.s32 s22, s20;
	[sflag:s6] =	ssyncadd.s32 $0xFFFFD800  }
0x87: {  	[tilespmem:s8], [sflag:$0x3] =	stream.linear.gather [hbm4b:s20+s1], $0x80, $0x38;
	[tilespmem:$0x1D100] =	vst v63  }
0x88: {  	_ =	swait.ge [sflag:s6], $0x80  }
0x89: {  	[sflag:s6] =	ssyncset.done $0x0  }
0x8a: {  	[sflag:s6] =	ssyncadd.s32 $0xFFFFFF80  }
0x8b: {  	[tilespmem:s7], [sflag:$0x1] =	stream.indirect.gather [hbm4b:s18+s9], $0x80, s8, s9, $0xb8;
	[tilespmem:$0x1D100] =	vst v63  }
0x8c: {  	_ =	swait.ge [sflag:s13], $0x2800  }
0x8d: {  	s20 =	sand.u32 $0x7C00, s19;
	[sflag:s13] =	ssyncset.done $0x0  }
0x8e: {  	s19 =	sand.u32 $0x380, s19;
	s20 =	sadd.s32 s2, s20;
	[sflag:s13] =	ssyncadd.s32 $0xFFFFD800  }
0x8f: {  	[spmem:s21] =	stream.indirect.scatter.add.f32 [tilespmem:s11], [sflag:$0x3], $0x80, s16, s9, $0xb8;
	[tilespmem:$0x1D100] =	vst v63  }
0x90: {  	s19 =	sor.u32 s19, s20;
	_ =	swait.ge [sflag:s6], $0x2800  }
.Ltmp1:
0x91: {  	s19 =	sshrl.u32 s19, $0x3;
	[sflag:s6] =	ssyncset.done $0x0;
	(pc) =	sbr.rel @p0 .LBB2_4-.Ltmp1, $4  }
0x92: {  	s19 =	sadd.s32 s22, s19;
	[sflag:s6] =	ssyncadd.s32 $0xFFFFD800  }
0x93: {  	[tilespmem:s10], [sflag:$0x3] =	stream.linear.gather [hbm4b:s19+s1], $0x80, $0x38;
	[tilespmem:$0x1D100] =	vst v63  }
0x94: {  	_ =	swait.ge [sflag:s6], $0x80  }
0x95: {  	[sflag:s6] =	ssyncset.done $0x0  }
0x96: {  	[sflag:s6] =	ssyncadd.s32 $0xFFFFFF80  }
0x97: {  	[tilespmem:s11], [sflag:$0x2] =	stream.indirect.gather [hbm4b:s18+s9], $0x80, s10, s9, $0xb8;
	[tilespmem:$0x1D100] =	vst v63  }
0x98: {  	_ =	swait.ge [sflag:s12], $0x2800  }
0x99: {  	[sflag:s12] =	ssyncset.done $0x0  }
0x9a: {  	s16 =	simm.s32 $0x3D00;
	[sflag:s12] =	ssyncadd.s32 $0xFFFFD800  }
0x9b: {  	[spmem:s21] =	stream.indirect.scatter.add.f32 [tilespmem:s7], [sflag:$0x3], $0x80, s16, s9, $0xb8;
	[tilespmem:$0x1D100] =	vst v63  }
0x9c: {  	_ =	swait.ge [sflag:s6], $0x2800  }
0x9d: {  	[sflag:s6] =	ssyncset.done $0x0  }
0x9e: {  	[sflag:s6] =	ssyncadd.s32 $0xFFFFD800  }
0x9f: {  	[tilespmem:s8], [sflag:$0x3] =	stream.linear.gather [hbm4b:s5+s1], $0x80, $0x38;
	[tilespmem:$0x1D100] =	vst v63  }
0xa0: {  	_ =	swait.ge [sflag:s6], $0x80  }
0xa1: {  	[sflag:s6] =	ssyncset.done $0x0  }
0xa2: {  	[sflag:s6] =	ssyncadd.s32 $0xFFFFFF80  }
0xa3: {  	[tilespmem:s7], [sflag:$0x1] =	stream.indirect.gather [hbm4b:s18+s9], $0x80, s8, s9, $0xb8;
	[tilespmem:$0x1D100] =	vst v63  }
0xa4: {  	_ =	swait.ge [sflag:s13], $0x2800  }
0xa5: {  	[sflag:s13] =	ssyncset.done $0x0  }
0xa6: {  	s17 =	simm.s32 $0x3D80;
	[sflag:s13] =	ssyncadd.s32 $0xFFFFD800  }
0xa7: {  	[spmem:s21] =	stream.indirect.scatter.add.f32 [tilespmem:s11], [sflag:$0x3], $0x80, s17, s9, $0xb8;
	[tilespmem:$0x1D100] =	vst v63  }
0xa8: {  	_ =	swait.ge [sflag:s6], $0x2800  }
0xa9: {  	[sflag:s6] =	ssyncset.done $0x0  }
0xaa: {  	[sflag:s6] =	ssyncadd.s32 $0xFFFFD800  }
0xab: {  	_ =	swait.ge [sflag:s12], $0x2800  }
0xac: {  	[sflag:s12] =	ssyncset.done $0x0  }
0xad: {  	s19 =	simm.s32 $0x3E00;
	[sflag:s12] =	ssyncadd.s32 $0xFFFFD800  }
0xae: {  	[spmem:s21] =	stream.indirect.scatter.add.f32 [tilespmem:s7], [sflag:$0x3], $0x80, s19, s9, $0xb8;
	[tilespmem:$0x1D100] =	vst v63  }
0xaf: {  	_ =	swait.ge [sflag:s6], $0x2800  }
0xb0: {  	[sflag:s6] =	ssyncset.done $0x0  }
0xb1: {  	[sflag:s6] =	ssyncadd.s32 $0xFFFFD800  }
0xb2: {  	[bflag:$0x0] =	sbarrier.arrive $0xFFFF  }
0xb3: {  	[tilespmem:s7], [sflag:$0x3] =	stream.linear.gather [spmem:s25], $0x2800, $0x38;
	[tilespmem:$0x1D100] =	vst v63  }
0xb4: {  	_ =	swait.ge [sflag:s6], $0x2800  }
0xb5: {  	[sflag:s6] =	ssyncset.done $0x0  }
0xb6: {  	s20 =	rddreg [dreg:$0x4];
	[sflag:s6] =	ssyncadd.s32 $0xFFFFD800  }
0xb7: {  	[hbm4b:s20+s1] =	stream.linear.scatter [tilespmem:s7], [sflag:$0x3], $0x2800, $0x38;
	[tilespmem:$0x1D100] =	vst v63  }
0xb8: {  	_ =	swait.ge [sflag:s6], $0x2800  }
0xb9: {  	[sflag:s6] =	ssyncset.done $0x0  }
0xba: {  	[sflag:s6] =	ssyncadd.s32 $0xFFFFD800  }
0xbb: {  	[tilespmem:s7], [sflag:$0x3] =	stream.linear.gather [spmem:s28], $0x2800, $0x38;
	[tilespmem:$0x1D100] =	vst v63  }
0xbc: {  	_ =	swait.ge [sflag:s6], $0x2800  }
0xbd: {  	[sflag:s6] =	ssyncset.done $0x0  }
0xbe: {  	s23 =	rddreg [dreg:$0x5];
	[sflag:s6] =	ssyncadd.s32 $0xFFFFD800  }
0xbf: {  	[hbm4b:s23+s1] =	stream.linear.scatter [tilespmem:s7], [sflag:$0x3], $0x2800, $0x38;
	[tilespmem:$0x1D100] =	vst v63  }
0xc0: {  	_ =	swait.ge [sflag:s6], $0x2800  }
0xc1: {  	[sflag:s6] =	ssyncset.done $0x0  }
0xc2: {  	[sflag:s6] =	ssyncadd.s32 $0xFFFFD800  }
0xc3: {  	[tilespmem:s7], [sflag:$0x3] =	stream.linear.gather [spmem:s29], $0x2800, $0x38;
	[tilespmem:$0x1D100] =	vst v63  }
0xc4: {  	_ =	swait.ge [sflag:s6], $0x2800  }
0xc5: {  	[sflag:s6] =	ssyncset.done $0x0  }
0xc6: {  	s26 =	rddreg [dreg:$0x6];
	[sflag:s6] =	ssyncadd.s32 $0xFFFFD800  }
0xc7: {  	[hbm4b:s26+s1] =	stream.linear.scatter [tilespmem:s7], [sflag:$0x3], $0x2800, $0x38;
	[tilespmem:$0x1D100] =	vst v63  }
0xc8: {  	_ =	swait.ge [sflag:s6], $0x2800  }
0xc9: {  	[sflag:s6] =	ssyncset.done $0x0  }
0xca: {  	[sflag:s6] =	ssyncadd.s32 $0xFFFFD800  }
0xcb: {  	[tilespmem:s7], [sflag:$0x3] =	stream.linear.gather [spmem:s30], $0x2800, $0x38;
	[tilespmem:$0x1D100] =	vst v63  }
0xcc: {  	_ =	swait.ge [sflag:s6], $0x2800  }
0xcd: {  	[sflag:s6] =	ssyncset.done $0x0  }
0xce: {  	s17 =	rddreg [dreg:$0x7];
	[sflag:s6] =	ssyncadd.s32 $0xFFFFD800  }
0xcf: {  	[hbm4b:s17+s1] =	stream.linear.scatter [tilespmem:s7], [sflag:$0x3], $0x2800, $0x38;
	[tilespmem:$0x1D100] =	vst v63  }
0xd0: {  	_ =	swait.ge [sflag:s6], $0x2800  }
0xd1: {  	[sflag:s6] =	ssyncset.done $0x0  }
0xd2: {  	[sflag:s6] =	ssyncadd.s32 $0xFFFFD800  }
0xd3: {  	[tilespmem:s7], [sflag:$0x3] =	stream.linear.gather [spmem:s31], $0x2800, $0x38;
	[tilespmem:$0x1D100] =	vst v63  }
0xd4: {  	_ =	swait.ge [sflag:s6], $0x2800  }
0xd5: {  	[sflag:s6] =	ssyncset.done $0x0  }
0xd6: {  	s19 =	rddreg [dreg:$0x8];
	[sflag:s6] =	ssyncadd.s32 $0xFFFFD800  }
0xd7: {  	[hbm4b:s19+s1] =	stream.linear.scatter [tilespmem:s7], [sflag:$0x3], $0x2800, $0x38;
	[tilespmem:$0x1D100] =	vst v63  }
0xd8: {  	_ =	swait.ge [sflag:s6], $0x2800  }
0xd9: {  	[sflag:s6] =	ssyncset.done $0x0  }
0xda: {  	[sflag:s6] =	ssyncadd.s32 $0xFFFFD800  }
0xdb: {  	[tilespmem:s7], [sflag:$0x3] =	stream.linear.gather [spmem:s15], $0x2800, $0x38;
	[tilespmem:$0x1D100] =	vst v63  }
0xdc: {  	_ =	swait.ge [sflag:s6], $0x2800  }
0xdd: {  	[sflag:s6] =	ssyncset.done $0x0  }
0xde: {  	s20 =	rddreg [dreg:$0x9];
	[sflag:s6] =	ssyncadd.s32 $0xFFFFD800  }
0xdf: {  	[hbm4b:s20+s1] =	stream.linear.scatter [tilespmem:s7], [sflag:$0x3], $0x2800, $0x38;
	[tilespmem:$0x1D100] =	vst v63  }
0xe0: {  	_ =	swait.ge [sflag:s6], $0x2800  }
0xe1: {  	[sflag:s6] =	ssyncset.done $0x0  }
0xe2: {  	[sflag:s6] =	ssyncadd.s32 $0xFFFFD800  }
0xe3: {  	[tilespmem:s7], [sflag:$0x3] =	stream.linear.gather [spmem:s0], $0x2800, $0x38;
	[tilespmem:$0x1D100] =	vst v63  }
0xe4: {  	_ =	swait.ge [sflag:s6], $0x2800  }
0xe5: {  	[sflag:s6] =	ssyncset.done $0x0  }
0xe6: {  	s23 =	rddreg [dreg:$0xa];
	[sflag:s6] =	ssyncadd.s32 $0xFFFFD800  }
0xe7: {  	[hbm4b:s23+s1] =	stream.linear.scatter [tilespmem:s7], [sflag:$0x3], $0x2800, $0x38;
	[tilespmem:$0x1D100] =	vst v63  }
0xe8: {  	_ =	swait.ge [sflag:s6], $0x2800  }
0xe9: {  	[sflag:s6] =	ssyncset.done $0x0  }
0xea: {  	[sflag:s6] =	ssyncadd.s32 $0xFFFFD800  }
0xeb: {  	[tilespmem:s7], [sflag:$0x3] =	stream.linear.gather [spmem:s3], $0x2800, $0x38;
	[tilespmem:$0x1D100] =	vst v63  }
0xec: {  	_ =	swait.ge [sflag:s6], $0x2800  }
0xed: {  	[sflag:s6] =	ssyncset.done $0x0  }
0xee: {  	s26 =	rddreg [dreg:$0xb];
	[sflag:s6] =	ssyncadd.s32 $0xFFFFD800  }
0xef: {  	[hbm4b:s26+s1] =	stream.linear.scatter [tilespmem:s7], [sflag:$0x3], $0x2800, $0x38;
	[tilespmem:$0x1D100] =	vst v63  }
0xf0: {  	_ =	swait.ge [sflag:s6], $0x2800  }
0xf1: {  	[sflag:s6] =	ssyncset.done $0x0  }
0xf2: {  	s16 =	simm.s32 $0x70;
	s17 =	simm.s32 $0x3C0;
	[sflag:s6] =	ssyncadd.s32 $0xFFFFD800  }
.LBB2_6:
0xf3: {  	p0 =	sne.s32 s17, $0x9FC0;
	[tilespmem:s16+$0x4100] =	vst v0  }
0xf4: {  	[tilespmem:s16+$0x4090] =	vst v0  }
0xf5: {  	[tilespmem:s16+$0x40A0] =	vst v0  }
.Ltmp2:
0xf6: {  	[tilespmem:s16+$0x40B0] =	vst v0;
	(pc) =	sbr.rel @p0 .LBB2_6-.Ltmp2, $4  }
0xf7: {  	[tilespmem:s16+$0x40C0] =	vst v0  }
0xf8: {  	[tilespmem:s16+$0x40D0] =	vst v0  }
0xf9: {  	[tilespmem:s16+$0x40E0] =	vst v0  }
0xfa: {  	[tilespmem:s16+$0x40F0] =	vst v0;
	s16 =	sshra.s32 s17, $0x2;
	s17 =	sadd.s32 $0x200, s17  }
0xfb: {  	[tilespmem:s16+$0x4100] =	vst v0  }
0xfc: {  	[tilespmem:s16+$0x4090] =	vst v0  }
0xfd: {  	[tilespmem:s16+$0x40A0] =	vst v0  }
0xfe: {  	[tilespmem:s16+$0x40B0] =	vst v0  }
0xff: {  	[tilespmem:s16+$0x40C0] =	vst v0  }
0x100: {  	[tilespmem:s16+$0x40D0] =	vst v0  }
0x101: {  	[tilespmem:s16+$0x40E0] =	vst v0  }
0x102: {  	[tilespmem:s16+$0x40F0] =	vst v0  }
0x103: {  	[spmem:s25] =	stream.linear.scatter [tilespmem:s7], [sflag:$0x3], $0x2800, $0x38;
	[tilespmem:$0x1D100] =	vst v63  }
0x104: {  	_ =	swait.ge [sflag:s6], $0x2800  }
0x105: {  	[sflag:s6] =	ssyncset.done $0x0  }
0x106: {  	[sflag:s6] =	ssyncadd.s32 $0xFFFFD800  }
0x107: {  	[spmem:s28] =	stream.linear.scatter [tilespmem:s7], [sflag:$0x3], $0x2800, $0x38;
	[tilespmem:$0x1D100] =	vst v63  }
0x108: {  	_ =	swait.ge [sflag:s6], $0x2800  }
0x109: {  	[sflag:s6] =	ssyncset.done $0x0  }
0x10a: {  	[sflag:s6] =	ssyncadd.s32 $0xFFFFD800  }
0x10b: {  	[spmem:s29] =	stream.linear.scatter [tilespmem:s7], [sflag:$0x3], $0x2800, $0x38;
	[tilespmem:$0x1D100] =	vst v63  }
0x10c: {  	_ =	swait.ge [sflag:s6], $0x2800  }
0x10d: {  	[sflag:s6] =	ssyncset.done $0x0  }
0x10e: {  	[sflag:s6] =	ssyncadd.s32 $0xFFFFD800  }
0x10f: {  	[spmem:s30] =	stream.linear.scatter [tilespmem:s7], [sflag:$0x3], $0x2800, $0x38;
	[tilespmem:$0x1D100] =	vst v63  }
0x110: {  	_ =	swait.ge [sflag:s6], $0x2800  }
0x111: {  	[sflag:s6] =	ssyncset.done $0x0  }
0x112: {  	[sflag:s6] =	ssyncadd.s32 $0xFFFFD800  }
0x113: {  	[spmem:s31] =	stream.linear.scatter [tilespmem:s7], [sflag:$0x3], $0x2800, $0x38;
	[tilespmem:$0x1D100] =	vst v63  }
0x114: {  	_ =	swait.ge [sflag:s6], $0x2800  }
0x115: {  	[sflag:s6] =	ssyncset.done $0x0  }
0x116: {  	[sflag:s6] =	ssyncadd.s32 $0xFFFFD800  }
0x117: {  	[spmem:s15] =	stream.linear.scatter [tilespmem:s7], [sflag:$0x3], $0x2800, $0x38;
	[tilespmem:$0x1D100] =	vst v63  }
0x118: {  	_ =	swait.ge [sflag:s6], $0x2800  }
0x119: {  	[sflag:s6] =	ssyncset.done $0x0  }
0x11a: {  	[sflag:s6] =	ssyncadd.s32 $0xFFFFD800  }
0x11b: {  	[spmem:s0] =	stream.linear.scatter [tilespmem:s7], [sflag:$0x3], $0x2800, $0x38;
	[tilespmem:$0x1D100] =	vst v63  }
0x11c: {  	_ =	swait.ge [sflag:s6], $0x2800  }
0x11d: {  	[sflag:s6] =	ssyncset.done $0x0  }
0x11e: {  	[sflag:s6] =	ssyncadd.s32 $0xFFFFD800  }
0x11f: {  	[spmem:s3] =	stream.linear.scatter [tilespmem:s7], [sflag:$0x3], $0x2800, $0x38;
	[tilespmem:$0x1D100] =	vst v63  }
0x120: {  	_ =	swait.ge [sflag:s6], $0x2800  }
0x121: {  	[sflag:s6] =	ssyncset.done $0x0  }
0x122: {  	[sflag:s6] =	ssyncadd.s32 $0xFFFFD800  }
0x123: {  	s16 =	simm.s32 $0x70;
	s17 =	simm.s32 $0x3C0;
	[bflag:$0x0] =	sbarrier.arrive $0xFFFF  }
.LBB2_8:
0x124: {  	p0 =	sne.s32 s17, $0x9FC0;
	[tilespmem:s16+$0x6900] =	vst v1  }
0x125: {  	[tilespmem:s16+$0x6890] =	vst v1  }
0x126: {  	[tilespmem:s16+$0x68A0] =	vst v1  }
.Ltmp3:
0x127: {  	[tilespmem:s16+$0x68B0] =	vst v1;
	(pc) =	sbr.rel @p0 .LBB2_8-.Ltmp3, $4  }
0x128: {  	[tilespmem:s16+$0x68C0] =	vst v1  }
0x129: {  	[tilespmem:s16+$0x68D0] =	vst v1  }
0x12a: {  	[tilespmem:s16+$0x68E0] =	vst v1  }
0x12b: {  	[tilespmem:s16+$0x68F0] =	vst v1;
	s16 =	sshra.s32 s17, $0x2;
	s17 =	sadd.s32 $0x200, s17  }
0x12c: {  	[tilespmem:s16+$0x6900] =	vst v1  }
0x12d: {  	[tilespmem:s16+$0x6890] =	vst v1  }
0x12e: {  	[tilespmem:s16+$0x68A0] =	vst v1  }
0x12f: {  	[tilespmem:s16+$0x68B0] =	vst v1  }
0x130: {  	[tilespmem:s16+$0x68C0] =	vst v1  }
0x131: {  	[tilespmem:s16+$0x68D0] =	vst v1  }
0x132: {  	[tilespmem:s16+$0x68E0] =	vst v1  }
0x133: {  	[tilespmem:s16+$0x68F0] =	vst v1;
	s26 =	simm.s32 $0x0  }
0x134: {  	[spmem:s21] =	stream.indirect.scatter.add.f32 [tilespmem:s11], [sflag:$0x3], $0x80, s26, s9, $0xb8;
	[tilespmem:$0x1D100] =	vst v63  }
0x135: {  	_ =	swait.ge [sflag:s6], $0x2800  }
0x136: {  	s16 =	simm.s32 $0x200;
	[sflag:s6] =	ssyncset.done $0x0  }
.LBB2_10:
0x137: {  	s17 =	sshra.s32 s16, $0x2;
	[sflag:s6] =	ssyncadd.s32 $0xFFFFD800;
	p0 =	sne.s32 s16, $0xF800  }
0x138: {  	[spmem:s21] =	stream.indirect.scatter.add.f32 [tilespmem:s11], [sflag:$0x3], $0x80, s17, s9, $0xb8;
	[tilespmem:$0x1D100] =	vst v63  }
.Ltmp4:
0x139: {  	_ = 	snop;
	(pc) =	sbr.rel @p0 .LBB2_10-.Ltmp4, $4  }
0x13a: {  	_ = 	snop  }
0x13b: {  	s16 =	sadd.s32 $0x200, s16  }
0x13c: {  	_ =	swait.ge [sflag:s6], $0x2800  }
0x13d: {  	[sflag:s6] =	ssyncset.done $0x0  }
0x13e: {  	[sflag:s6] =	ssyncadd.s32 $0xFFFFD800  }
0x13f: {  	[bflag:$0x0] =	sbarrier.arrive $0xFFFF  }
0x140: {  	[tilespmem:s7], [sflag:$0x3] =	stream.linear.gather [spmem:s25], $0x2800, $0x38;
	[tilespmem:$0x1D100] =	vst v63  }
0x141: {  	_ =	swait.ge [sflag:s6], $0x2800  }
0x142: {  	[sflag:s6] =	ssyncset.done $0x0  }
0x143: {  	s16 =	rddreg [dreg:$0xc];
	[sflag:s6] =	ssyncadd.s32 $0xFFFFD800  }
0x144: {  	[hbm4b:s16+s1] =	stream.linear.scatter [tilespmem:s7], [sflag:$0x3], $0x2800, $0x38;
	[tilespmem:$0x1D100] =	vst v63  }
0x145: {  	_ =	swait.ge [sflag:s6], $0x2800  }
0x146: {  	[sflag:s6] =	ssyncset.done $0x0  }
0x147: {  	[sflag:s6] =	ssyncadd.s32 $0xFFFFD800  }
0x148: {  	[tilespmem:s7], [sflag:$0x3] =	stream.linear.gather [spmem:s28], $0x2800, $0x38;
	[tilespmem:$0x1D100] =	vst v63  }
0x149: {  	_ =	swait.ge [sflag:s6], $0x2800  }
0x14a: {  	[sflag:s6] =	ssyncset.done $0x0  }
0x14b: {  	s20 =	rddreg [dreg:$0xd];
	[sflag:s6] =	ssyncadd.s32 $0xFFFFD800  }
0x14c: {  	[hbm4b:s20+s1] =	stream.linear.scatter [tilespmem:s7], [sflag:$0x3], $0x2800, $0x38;
	[tilespmem:$0x1D100] =	vst v63  }
0x14d: {  	_ =	swait.ge [sflag:s6], $0x2800  }
0x14e: {  	[sflag:s6] =	ssyncset.done $0x0  }
0x14f: {  	[sflag:s6] =	ssyncadd.s32 $0xFFFFD800  }
0x150: {  	[tilespmem:s7], [sflag:$0x3] =	stream.linear.gather [spmem:s29], $0x2800, $0x38;
	[tilespmem:$0x1D100] =	vst v63  }
0x151: {  	_ =	swait.ge [sflag:s6], $0x2800  }
0x152: {  	[sflag:s6] =	ssyncset.done $0x0  }
0x153: {  	s23 =	rddreg [dreg:$0xe];
	[sflag:s6] =	ssyncadd.s32 $0xFFFFD800  }
0x154: {  	[hbm4b:s23+s1] =	stream.linear.scatter [tilespmem:s7], [sflag:$0x3], $0x2800, $0x38;
	[tilespmem:$0x1D100] =	vst v63  }
0x155: {  	_ =	swait.ge [sflag:s6], $0x2800  }
0x156: {  	[sflag:s6] =	ssyncset.done $0x0  }
0x157: {  	[sflag:s6] =	ssyncadd.s32 $0xFFFFD800  }
0x158: {  	[tilespmem:s7], [sflag:$0x3] =	stream.linear.gather [spmem:s30], $0x2800, $0x38;
	[tilespmem:$0x1D100] =	vst v63  }
0x159: {  	_ =	swait.ge [sflag:s6], $0x2800  }
0x15a: {  	[sflag:s6] =	ssyncset.done $0x0  }
0x15b: {  	s26 =	rddreg [dreg:$0xf];
	[sflag:s6] =	ssyncadd.s32 $0xFFFFD800  }
0x15c: {  	[hbm4b:s26+s1] =	stream.linear.scatter [tilespmem:s7], [sflag:$0x3], $0x2800, $0x38;
	[tilespmem:$0x1D100] =	vst v63  }
0x15d: {  	_ =	swait.ge [sflag:s6], $0x2800  }
0x15e: {  	[sflag:s6] =	ssyncset.done $0x0  }
0x15f: {  	[sflag:s6] =	ssyncadd.s32 $0xFFFFD800  }
0x160: {  	[tilespmem:s7], [sflag:$0x3] =	stream.linear.gather [spmem:s31], $0x2800, $0x38;
	[tilespmem:$0x1D100] =	vst v63  }
0x161: {  	_ =	swait.ge [sflag:s6], $0x2800  }
0x162: {  	[sflag:s6] =	ssyncset.done $0x0  }
0x163: {  	s17 =	rddreg [dreg:$0x10];
	[sflag:s6] =	ssyncadd.s32 $0xFFFFD800  }
0x164: {  	[hbm4b:s17+s1] =	stream.linear.scatter [tilespmem:s7], [sflag:$0x3], $0x2800, $0x38;
	[tilespmem:$0x1D100] =	vst v63  }
0x165: {  	_ =	swait.ge [sflag:s6], $0x2800  }
0x166: {  	[sflag:s6] =	ssyncset.done $0x0  }
0x167: {  	[sflag:s6] =	ssyncadd.s32 $0xFFFFD800  }
0x168: {  	[tilespmem:s7], [sflag:$0x3] =	stream.linear.gather [spmem:s15], $0x2800, $0x38;
	[tilespmem:$0x1D100] =	vst v63  }
0x169: {  	_ =	swait.ge [sflag:s6], $0x2800  }
0x16a: {  	[sflag:s6] =	ssyncset.done $0x0  }
0x16b: {  	s19 =	rddreg [dreg:$0x11];
	[sflag:s6] =	ssyncadd.s32 $0xFFFFD800  }
0x16c: {  	[hbm4b:s19+s1] =	stream.linear.scatter [tilespmem:s7], [sflag:$0x3], $0x2800, $0x38;
	[tilespmem:$0x1D100] =	vst v63  }
0x16d: {  	_ =	swait.ge [sflag:s6], $0x2800  }
0x16e: {  	[sflag:s6] =	ssyncset.done $0x0  }
0x16f: {  	[sflag:s6] =	ssyncadd.s32 $0xFFFFD800  }
0x170: {  	[tilespmem:s7], [sflag:$0x3] =	stream.linear.gather [spmem:s0], $0x2800, $0x38;
	[tilespmem:$0x1D100] =	vst v63  }
0x171: {  	_ =	swait.ge [sflag:s6], $0x2800  }
0x172: {  	[sflag:s6] =	ssyncset.done $0x0  }
0x173: {  	s20 =	rddreg [dreg:$0x12];
	[sflag:s6] =	ssyncadd.s32 $0xFFFFD800  }
0x174: {  	[hbm4b:s20+s1] =	stream.linear.scatter [tilespmem:s7], [sflag:$0x3], $0x2800, $0x38;
	[tilespmem:$0x1D100] =	vst v63  }
0x175: {  	_ =	swait.ge [sflag:s6], $0x2800  }
0x176: {  	[sflag:s6] =	ssyncset.done $0x0  }
0x177: {  	[sflag:s6] =	ssyncadd.s32 $0xFFFFD800  }
0x178: {  	[tilespmem:s7], [sflag:$0x3] =	stream.linear.gather [spmem:s3], $0x2800, $0x38;
	[tilespmem:$0x1D100] =	vst v63  }
0x179: {  	_ =	swait.ge [sflag:s6], $0x2800  }
0x17a: {  	[sflag:s6] =	ssyncset.done $0x0  }
0x17b: {  	s23 =	rddreg [dreg:$0x13];
	[sflag:s6] =	ssyncadd.s32 $0xFFFFD800  }
0x17c: {  	[hbm4b:s23+s1] =	stream.linear.scatter [tilespmem:s7], [sflag:$0x3], $0x2800, $0x38;
	[tilespmem:$0x1D100] =	vst v63  }
0x17d: {  	_ =	swait.ge [sflag:s6], $0x2800  }
0x17e: {  	s14 =	sadd.s32 $0x1, s14;
	s26 =	rddreg [dreg:$0x15]  }
0x17f: {  	p0 =	sne.s32 s14, s26  }
.Ltmp5:
0x180: {  	_ = 	snop;
	(pc) =	sbr.rel @p0 .LBB2_1-.Ltmp5, $3  }
0x181: {  	_ =	sdelay $0x1  }
0x182: {  	[sflag:s6] =	ssyncset.done $0x0  }
0x183: {  	[sflag:s6] =	ssyncadd.s32 $0xFFFFD800  }
0x184: {  	_ =	sfence.sel $0x180000  }
0x185: {  	[bflag:$0x0] =	sbarrier.arrive $0xFFFF  }
0x186: {  	_ =	strace $0x9000004A  }
0x187: {  	s0 =	stileid.u32;
	[bflag:$0x2] =	sbarrier.arrive $0xFFFF  }
0x188: {  	p0 =	sne.s32 s0, $0x0;
	s0 =	rddreg [dreg:$0x3]  }
0x189: {  	s0 =	sadd.s32 @!p0 $0x100000, s0  }
0x18a: {  	[sflag:s0] =	ssyncadd.tile.s32 @!p0 $0x1;
	_ =	shalt  }
.Lfunc_end2:
_tile_overlayer_lowered:
.L_overlay_start_2:
0x18b: {  	(tag) =	ssettag $0x2  }
0x18c: {  	s0 =	rddreg [dreg:$0x0];
	s2 =	stileid.u32  }
0x18d: {  	s1 =	rddreg [dreg:$0x1];
	p0 =	sne.s32 s2, $0x0  }
0x18e: {  	s3 =	rddreg [dreg:$0x2];
	[bflag:$0x3] =	sbarrier.arrive $0xFFFF;
	s2 =	simm.s32 @!p0 $0x1C03  }
0x18f: {  	[timem:s3], [sflag:s2] =	dma.local @!p0 [hbm:s0], s1  }
0x190: {  	s0 =	simm.s32 @!p0 $0x3  }
0x191: {  	_ =	swait.ge @!p0 [sflag:s0], s1  }
0x192: {  	s1 =	ssub.s32 @!p0 $0x0, s1;
	[sflag:s0] =	ssyncset.done @!p0 $0x0  }
0x193: {  	[sflag:s0] =	ssyncadd.s32 @!p0 s1  }
0x194: {  	[bflag:$0x3] =	sbarrier.arrive $0xFFFF  }
0x195: {  	_ =	shalt  }

// kernel: kernel.15.cloned.1.call-start
scs
__scs_entry_jumppad:
0x0: {  	(pc) =	sbr.rel $0x88, $3  }
0x1: {  	(tag) =	ssettag $0x0;
	lr =	simm.s32 $0x1  }
0x2: {  	[smem:$0x3F93] =	sst lr;
	_ =	strace $0xD0000000  }
0x3: {  	_ = 	snop  }
0x4: {  	_ = 	snop  }
0x5: {  	_ = 	snop  }
0x6: {  	_ = 	snop  }
0x7: {  	_ = 	snop  }
__scs_overlays_trampoline_lowered:
0x8: {  	[smem:$0x3FA2] =	sst s0  }
0x9: {  	[smem:$0x3FA3] =	sst s1  }
0xa: {  	[smem:$0x3FA4] =	sst s2  }
0xb: {  	[smem:$0x3FA5] =	sst s3  }
0xc: {  	[smem:$0x3FA6] =	sst s4  }
0xd: {  	[smem:$0x3FA7] =	sst s5  }
0xe: {  	[smem:$0x3FA8] =	sst s6  }
0xf: {  	[smem:$0x3FA9] =	sst s7  }
0x10: {  	[smem:$0x3FAA] =	sst s8  }
0x11: {  	[smem:$0x3FAB] =	sst s9;
	s0 =	simm.s32 @!p0 $0x0  }
0x12: {  	s1 =	sld [smem:$0x3F91];
	s0 =	simm.s32 @p0 $0x1  }
0x13: {  	[smem:$0x3FAC] =	sst s0;
	s0 =	simm.s32 @!p1 $0x0  }
0x14: {  	s2 =	sld [smem:$0x3F90];
	s0 =	simm.s32 @p1 $0x1  }
0x15: {  	[smem:$0x3FAD] =	sst s0;
	s0 =	simm.s32 @!p2 $0x0  }
0x16: {  	s3 =	sld [smem:$0x3FDB];
	s0 =	simm.s32 @p2 $0x1  }
0x17: {  	s4 =	simm.s32 $0x1BF5;
	[smem:$0x3FAF] =	sst s0  }
0x18: {  	s0 =	sld [smem:$0x3F92];
	_ =	swait.ge [sflag:s4], $0x0  }
0x19: {  	s7 =	sld [smem:$0x3F93]  }
0x1a: {  	s8 =	sadd.s32 $0xFFFFE003, lr  }
0x1b: {  	s9 =	sadd.s32 $0xFFFFFEF7, lr;
	s5 =	simm.s32 $0xFFFFFFFF;
	p2 =	slt.u32 s8, $0xFFFFF086  }
0x1c: {  	p1 =	slt.u32 s9, $0xF7A;
	s5 =	simm.s32 @!p2 $0x0  }
0x1d: {  	s5 =	simm.s32 @p1 $0x1;
	p0 =	seq.s32 s7, s2  }
0x1e: {  	s7 =	smul.u32 @!p0 $0xF7A, s2;
	p2 =	seq.s32 @!p0 s5, $0x0  }
0x1f: {  	s9 =	smul.u32 $0xF7A, s1;
	s8 =	simm.s32 @!p0 $0x1BF5;
	p2 =	por !p2, p0  }
0x20: {  	[sflag:s8] =	ssyncset.s32 @!p0 $0xFFFFF086;
	s6 =	sadd.s32 @!p0 s3, s7;
	s7 =	simm.s32 @!p0 $0x108  }
0x21: {  	s3 =	sadd.s32 s3, s9;
	s6 =	sadd.s32 @!p0 $0x88, s6;
	s7 =	simm.s32 @p2 $0x1082  }
0x22: {  	[simem:s7], [sflag:s8] =	dma.local @!p0 [hbm:s6], $0xF7A  }
0x23: {  	s9 =	sor.u32 $0xD0000000, s2;
	s6 =	simm.s32 $0x108;
	_ =	swait.ge @!p0 [sflag:s8], $0x0  }
0x24: {  	s3 =	sadd.s32 $0x88, s3;
	s6 =	simm.s32 @!p1 $0x1082;
	[sflag:s4] =	ssyncset.s32 $0xFFFFF086  }
0x25: {  	[simem:s6], [sflag:s4] =	dma.local [hbm:s3], $0xF7A  }
0x26: {  	[smem:$0x3F93] =	sst s1;
	(tag) =	ssettag s2;
	_ =	strace s9  }
0x27: {  	s1 =	sld [smem:$0x3FA3]  }
0x28: {  	s2 =	sld [smem:$0x3FA4]  }
0x29: {  	s4 =	sld [smem:$0x3FA6]  }
0x2a: {  	p0 =	seq.s32 s5, $0x0;
	s5 =	sld [smem:$0x3FA7]  }
0x2b: {  	s6 =	sld [smem:$0x3FA8]  }
0x2c: {  	s7 =	sld [smem:$0x3FA9]  }
0x2d: {  	s3 =	simm.s32 $0x108;
	s8 =	sld [smem:$0x3FAA]  }
0x2e: {  	s3 =	simm.s32 @!p0 $0x1082;
	s9 =	sld [smem:$0x3FAB]  }
0x2f: {  	lr =	sadd.s32 s0, s3;
	s0 =	sld [smem:$0x3FA2]  }
0x30: {  	s3 =	sld [smem:$0x3FA5]  }
0x31: {  	[smem:$0x3FAE] =	sst s10  }
0x32: {  	s10 =	sld [smem:$0x3FAC];
	_ =	sdelay $0x3  }
0x33: {  	p0 =	seq.s32 s10, $0x1;
	s10 =	sld [smem:$0x3FAE];
	_ =	sdelay $0x3  }
0x34: {  	[smem:$0x3FAE] =	sst s10  }
0x35: {  	s10 =	sld [smem:$0x3FAD];
	_ =	sdelay $0x3  }
0x36: {  	p1 =	seq.s32 s10, $0x1;
	s10 =	sld [smem:$0x3FAE];
	_ =	sdelay $0x3  }
0x37: {  	[smem:$0x3FAE] =	sst s10  }
0x38: {  	s10 =	sld [smem:$0x3FAF]  }
0x39: {  	_ = 	snop;
	(pc) =	sbr.ind lr, $3  }
0x3a: {  	_ = 	snop  }
0x3b: {  	_ = 	snop  }
0x3c: {  	p2 =	seq.s32 s10, $0x1;
	s10 =	sld [smem:$0x3FAE]  }
0x3d: {  	_ =	shalt  }
0x3e: {  	_ =	shalt  }
0x3f: {  	_ =	shalt  }
0x40: {  	_ =	shalt  }
0x41: {  	_ =	shalt  }
0x42: {  	_ =	shalt  }
0x43: {  	_ =	shalt  }
0x44: {  	_ =	shalt  }
0x45: {  	_ =	shalt  }
0x46: {  	_ =	shalt  }
0x47: {  	_ =	shalt  }
0x48: {  	_ =	shalt  }
0x49: {  	_ =	shalt  }
0x4a: {  	_ =	shalt  }
0x4b: {  	_ =	shalt  }
0x4c: {  	_ =	shalt  }
0x4d: {  	_ =	shalt  }
0x4e: {  	_ =	shalt  }
0x4f: {  	_ =	shalt  }
0x50: {  	_ =	shalt  }
0x51: {  	_ =	shalt  }
0x52: {  	_ =	shalt  }
0x53: {  	_ =	shalt  }
0x54: {  	_ =	shalt  }
0x55: {  	_ =	shalt  }
0x56: {  	_ =	shalt  }
0x57: {  	_ =	shalt  }
0x58: {  	_ =	shalt  }
0x59: {  	_ =	shalt  }
0x5a: {  	_ =	shalt  }
0x5b: {  	_ =	shalt  }
0x5c: {  	_ =	shalt  }
0x5d: {  	_ =	shalt  }
0x5e: {  	_ =	shalt  }
0x5f: {  	_ =	shalt  }
0x60: {  	_ =	shalt  }
0x61: {  	_ =	shalt  }
0x62: {  	_ =	shalt  }
0x63: {  	_ =	shalt  }
0x64: {  	_ =	shalt  }
0x65: {  	_ =	shalt  }
0x66: {  	_ =	shalt  }
0x67: {  	_ =	shalt  }
0x68: {  	_ =	shalt  }
0x69: {  	_ =	shalt  }
0x6a: {  	_ =	shalt  }
0x6b: {  	_ =	shalt  }
0x6c: {  	_ =	shalt  }
0x6d: {  	_ =	shalt  }
0x6e: {  	_ =	shalt  }
0x6f: {  	_ =	shalt  }
0x70: {  	_ =	shalt  }
0x71: {  	_ =	shalt  }
0x72: {  	_ =	shalt  }
0x73: {  	_ =	shalt  }
0x74: {  	_ =	shalt  }
0x75: {  	_ =	shalt  }
0x76: {  	_ =	shalt  }
0x77: {  	_ =	shalt  }
0x78: {  	_ =	shalt  }
0x79: {  	_ =	shalt  }
0x7a: {  	_ =	shalt  }
0x7b: {  	_ =	shalt  }
0x7c: {  	_ =	shalt  }
0x7d: {  	_ =	shalt  }
0x7e: {  	_ =	shalt  }
0x7f: {  	_ =	shalt  }
0x80: {  	_ =	shalt  }
0x81: {  	_ =	shalt  }
0x82: {  	_ =	shalt  }
0x83: {  	_ =	shalt  }
0x84: {  	_ =	shalt  }
0x85: {  	_ =	shalt  }
0x86: {  	_ =	shalt  }
0x87: {  	_ =	shalt  }
.Lfunc_end0:
.L_simem_size_0:
called_computation.1_lowered:
.L_overlay_start_0:
0x88: {  	s2 =	sld [smem:$0x3FD9]  }
0x89: {  	s3 =	sld [smem:$0x3FFE];
	_ =	sdelay $0x1  }
0x8a: {  	s1 =	srdreg.scid  }
0x8b: {  	s0 =	sand.u32 $0x1, s1  }
0x8c: {  	s14 =	sshll.u32 s0, $0xA;
	s2 =	sadd.s32 s3, s2  }
0x8d: {  	s2 =	sadd.s32 s2, s14  }
0x8e: {  	[smem:$0x3FBA] =	sst s2  }
0x8f: {  	_ = 	snop  }
0x90: {  	s2 =	sld [smem:$0x3FD0];
	_ =	sdelay $0x2  }
0x91: {  	s15 =	simm.s32 $0xB;
	s4 =	simm.s32 $0x10  }
0x92: {  	[smem:s4], [sflag:s15] =	dma.local [hbm:s2], $0x1  }
0x93: {  	_ =	swait.eq [sflag:s15], $0x1  }
0x94: {  	[sflag:s15] =	ssyncset.done $0x0  }
0x95: {  	[sflag:s15] =	ssyncadd.s32 $0xFFFFFFFF  }
0x96: {  	s16 =	sld [smem:$0x11];
	(tm) =	ssettm $0x1  }
0x97: {  	s17 =	sld [smem:$0x3FFB];
	_ =	sdelay $0x3  }
0x98: {  	_ =	strace s17  }
0x99: {  	s3 =	sld [smem:$0x3FFC];
	_ =	sdelay $0x3  }
0x9a: {  	_ =	strace s3  }
0x9b: {  	s3 =	sld [smem:$0x3FFD];
	_ =	sdelay $0x3  }
0x9c: {  	_ =	strace s3  }
0x9d: {  	_ =	strace $0x8FFFFFFF  }
0x9e: {  	s18 =	sld [smem:$0x3FDB];
	_ =	sdelay $0x1  }
0x9f: {  	s19 =	simm.s32 $_scs_section_size  }
0xa0: {  	s5 =	simm.s32 $_size__tile_overlayer_lowered;
	s6 =	simm.s32 $_tile_overlayer_lowered  }
0xa1: {  	s22 =	simm.s32 $0x1BFF;
	s21 =	sshll.u32 s6, $0x1;
	s3 =	sadd.s32 s19, s18  }
0xa2: {  	s7 =	simm.s32 $0x0;
	s20 =	sshll.u32 s5, $0x1;
	s5 =	sadd.s32 s21, s3  }
0xa3: {  	[timem:s7], [sflag:s22] =	dma.local [hbm:s5], s20  }
0xa4: {  	_ =	swait.ge [sflag:s22], s20  }
0xa5: {  	s4 =	ssub.s32 $0x0, s20;
	[sflag:s22] =	ssyncset.done $0x0  }
0xa6: {  	[sflag:s22] =	ssyncadd.s32 s4;
	_ =	sdelay $0x1  }
0xa7: {  	s23 =	simm.s32 $0x1B8B  }
0xa8: {  	_ =	swait.ge [sflag:s23], $0x1  }
0xa9: {  	[sflag:s23] =	ssyncset.done $0x0  }
0xaa: {  	s25 =	simm.s32 $0x1B8E;
	s24 =	sld [smem:$0x3FFE];
	[sflag:s23] =	ssyncadd.s32 $0xFFFFFFFF  }
0xab: {  	s26 =	simm.s32 $execute0_lowered;
	[smem:$0x3FD2] =	sst s25  }
0xac: {  	s5 =	sshll.u32 s26, $0x1;
	_ =	strace $0x80000046;
	[dreg:$0x1] =	wrdreg $0xFFFFFFFF  }
0xad: {  	s28 =	simm.s32 $_size_execute0_lowered;
	s3 =	sadd.s32 s3, s5;
	[dreg:$0x0] =	wrdreg $0x0  }
0xae: {  	s5 =	sshll.u32 s28, $0x1;
	[dreg:$0x2] =	wrdreg s3  }
0xaf: {  	[dreg:$0x3] =	wrdreg s5  }
0xb0: {  	[dreg:$0x4] =	wrdreg $0xC0  }
0xb1: {  	_ =	task [dreg:s7], $0x5FFFF  }
0xb2: {  	[dreg:$0x1] =	wrdreg $0xFFFFFFFF  }
0xb3: {  	[dreg:$0x0] =	wrdreg $0x60  }
0xb4: {  	[dreg:$0x2] =	wrdreg s16  }
0xb5: {  	[dreg:$0x3] =	wrdreg s24  }
0xb6: {  	[dreg:$0x4] =	wrdreg $0x91000  }
0xb7: {  	[dreg:$0x5] =	wrdreg $0xA  }
0xb8: {  	_ =	task.clear_ibuf [dreg:s7], $0x6FFFF;
	_ =	strace $0x90000046  }
0xb9: {  	s29 =	simm.s32 $0xA;
	_ =	strace $0x80000048  }
0xba: {  	_ =	swait.ge [sflag:s29], $0x1  }
0xbb: {  	[sflag:s29] =	ssyncadd.s32 $0xFFFFFFFF  }
0xbc: {  	_ =	strace $0x90000048  }
0xbd: {  	_ =	sfence  }
0xbe: {  	s30 =	sld [smem:$0x0];
	_ =	sdelay $0x2  }
0xbf: {  	s31 =	sshll.u32 s1, $0xD;
	s1 =	sshrl.u32 s1, $0x2  }
0xc0: {  	s3 =	sand.u32 $0x4000, s31;
	s1 =	sadd.s32 s1, s30  }
0xc1: {  	s0 =	sor.u32 s3, s0;
	s1 =	sshll.u32 s1, $0x11  }
0xc2: {  	s0 =	sor.u32 s1, s0  }
0xc3: {  	s0 =	sadd.s32 $0x8F2B, s0  }
0xc4: {  	[sflag:s0] =	ssyncadd.remote.s32 $0x1  }
0xc5: {  	_ =	sfence.sel $0xFFFF  }
0xc6: {  	[dreg:$0x0] =	wrdreg $0xFFFFFFFF;
	(pc) =	sbr.abs _section_cstart, $3  }
0xc7: {  	[dreg:$0x1] =	wrdreg $0xFFFFFFFF  }
0xc8: {  	_ =	task.clear_ibuf [dreg:s7], $0x2FFFF;
	_ =	strace $0x9FFFFFFF  }
0xc9: {  	(tm) =	ssettm $0x7FFFFFFF  }
tec
execute0_lowered:
.L_overlay_start_1:
0x0: {  	(tag) =	ssettag $0x1  }
0x1: {  	s0 =	srdreg.scid;
	s3 =	rddreg [dreg:$0x1]  }
0x2: {  	s22 =	stileid.u32;
	s1 =	simm.s32 $0x0;
	s0 =	sand.u32 $0x1, s0  }
0x3: {  	s2 =	sshll.u32 s22, $0xF;
	[smem:$0x7FF] =	sst s1;
	s6 =	smul.u32 $0x280, s22  }
0x4: {  	s7 =	sadd.s32 $0x74A00, s3;
	s4 =	sshll.u32 s0, $0xE;
	s5 =	ssub.s32 $0x2, s0  }
0x5: {  	s0 =	smul.u32 $0x2800, s0;
	s2 =	sor.u32 s4, s2;
	s4 =	sadd.s32 $0x24A00, s3  }
0x6: {  	s8 =	sshrl.u32 s5, $0x1;
	s9 =	sadd.s32 $0xA0, s6;
	s10 =	sadd.s32 $0xF0, s6  }
0x7: {  	s11 =	sadd.s32 $0x140, s6;
	s13 =	sadd.s32 $0x190, s6;
	s14 =	sadd.s32 $0x1E0, s6  }
0x8: {  	s5 =	ssub.s32 s5, s8;
	s8 =	sor.u32 $0x50, s6;
	s12 =	sadd.s32 s0, s6  }
0x9: {  	s16 =	sadd.s32 s0, s9;
	s17 =	sadd.s32 s0, s10;
	s12 =	sshll.u32 s12, $0x4  }
0xa: {  	s19 =	sadd.s32 s0, s13;
	s16 =	sshll.u32 s16, $0x4;
	s15 =	sadd.s32 s4, s12  }
0xb: {  	s17 =	sshll.u32 s17, $0x4;
	s21 =	sadd.s32 s4, s16;
	[dreg:$0x4] =	wrdreg s15  }
0xc: {  	s19 =	sshll.u32 s19, $0x4;
	s23 =	sadd.s32 s4, s17;
	[dreg:$0x6] =	wrdreg s21  }
0xd: {  	s6 =	sadd.s32 $0x230, s6;
	s25 =	sadd.s32 s4, s19;
	[dreg:$0x7] =	wrdreg s23  }
0xe: {  	s24 =	sadd.s32 s0, s11;
	s12 =	sadd.s32 s7, s12;
	[dreg:$0x9] =	wrdreg s25  }
0xf: {  	s20 =	sadd.s32 s0, s8;
	s16 =	sadd.s32 s7, s16;
	[dreg:$0xc] =	wrdreg s12  }
0x10: {  	s17 =	sadd.s32 s7, s17;
	s15 =	sshll.u32 s20, $0x4;
	[dreg:$0xe] =	wrdreg s16  }
0x11: {  	s20 =	sadd.s32 s0, s14;
	s0 =	sadd.s32 s0, s6;
	[dreg:$0xf] =	wrdreg s17  }
0x12: {  	s23 =	sadd.s32 s7, s19;
	s25 =	sshrl.u32 s2, $0x3;
	s12 =	smax.u32 s5, $0x1  }
0x13: {  	s16 =	sshll.u32 s9, $0x7;
	s17 =	sshll.u32 s10, $0x7;
	s19 =	sshll.u32 s11, $0x7  }
0x14: {  	s9 =	simm.s32 $0x50;
	s10 =	simm.s32 $0x4080;
	s11 =	simm.s32 $0x6900  }
0x15: {  	s18 =	sadd.s32 s4, s15;
	s20 =	sshll.u32 s20, $0x4;
	[dreg:$0x11] =	wrdreg s23  }
0x16: {  	s0 =	sshll.u32 s0, $0x4;
	s15 =	sadd.s32 s7, s15;
	[dreg:$0x5] =	wrdreg s18  }
0x17: {  	s23 =	sshll.u32 s14, $0x7;
	s26 =	sadd.s32 s4, s20;
	[dreg:$0xd] =	wrdreg s15  }
0x18: {  	s18 =	sshll.u32 s24, $0x4;
	s24 =	sadd.s32 s7, s20;
	[dreg:$0xa] =	wrdreg s26  }
0x19: {  	s14 =	simm.s32 $0x0;
	s21 =	sadd.s32 s4, s18;
	[dreg:$0x12] =	wrdreg s24  }
0x1a: {  	s15 =	sshll.u32 s8, $0x7;
	s4 =	sadd.s32 s4, s0;
	[dreg:$0x8] =	wrdreg s21  }
0x1b: {  	s20 =	sshll.u32 s13, $0x7;
	s8 =	simm.s32 $0x4000;
	[dreg:$0xb] =	wrdreg s4  }
0x1c: {  	s0 =	sadd.s32 s7, s0;
	s21 =	sadd.s32 s7, s18;
	s18 =	rddreg [dreg:$0x0]  }
0x1d: {  	s13 =	simm.s32 $0x2;
	s26 =	smul.u32 $0x50000, s22;
	[dreg:$0x13] =	wrdreg s0  }
0x1e: {  	s22 =	sadd.s32 $0x4A00, s3;
	s3 =	sadd.s32 s25, s3;
	[dreg:$0x10] =	wrdreg s21  }
0x1f: {  	s3 =	sadd.s32 $0x14A00, s3;
	s24 =	sadd.s32 s22, s25;
	s21 =	rddreg [dreg:$0x2]  }
0x20: {  	s7 =	sshrl.u32 s26, $0x2;
	s26 =	sshll.u32 s6, $0x7;
	s4 =	sadd.s32 $0x10, s24  }
0x21: {  	s5 =	sadd.s32 $0x7C0, s24;
	_ =	strace $0x80000047;
	[dreg:$0x14] =	wrdreg s3  }
0x22: {  	s6 =	simm.s32 $0x3;
	s25 =	sadd.s32 s7, s21;
	[dreg:$0x15] =	wrdreg s12  }
0x23: {  	s28 =	sadd.s32 s15, s21;
	s29 =	sadd.s32 s16, s21;
	s30 =	sadd.s32 s17, s21  }
0x24: {  	s31 =	sadd.s32 s19, s21;
	s15 =	sadd.s32 s20, s21;
	s0 =	sadd.s32 s23, s21  }
0x25: {  	v0 =	vimm.f32 $0.0e+00;
	v1 =	vimm.f32 $1.000000000e+00;
	s3 =	sadd.s32 s26, s21;
	s7 =	simm.s32 $0x4100;
	s12 =	simm.s32 $0x1  }
.LBB2_1:
0x26: {  	s16 =	rddreg [dreg:$0x14]  }
0x27: {  	[tilespmem:s1], [sflag:$0x3] =	stream.linear.gather [hbm4b:s16+s1], $0x3E80, $0x38;
	[tilespmem:$0x1D100] =	vst v63  }
0x28: {  	_ =	swait.ge [sflag:s6], $0x3E80  }
0x29: {  	[sflag:s6] =	ssyncset.done $0x0  }
0x2a: {  	s17 =	simm.s32 $0x3C0;
	s16 =	simm.s32 $0x70;
	[sflag:s6] =	ssyncadd.s32 $0xFFFFC180  }
.LBB2_2:
0x2b: {  	p0 =	sne.s32 s17, $0x9FC0;
	[tilespmem:s16+$0x4100] =	vst v0  }
0x2c: {  	[tilespmem:s16+$0x4090] =	vst v0  }
0x2d: {  	[tilespmem:s16+$0x40A0] =	vst v0  }
.Ltmp0:
0x2e: {  	[tilespmem:s16+$0x40B0] =	vst v0;
	(pc) =	sbr.rel @p0 .LBB2_2-.Ltmp0, $4  }
0x2f: {  	[tilespmem:s16+$0x40C0] =	vst v0  }
0x30: {  	[tilespmem:s16+$0x40D0] =	vst v0  }
0x31: {  	[tilespmem:s16+$0x40E0] =	vst v0  }
0x32: {  	[tilespmem:s16+$0x40F0] =	vst v0;
	s16 =	sshra.s32 s17, $0x2;
	s17 =	sadd.s32 $0x200, s17  }
0x33: {  	[tilespmem:s16+$0x4100] =	vst v0  }
0x34: {  	[tilespmem:s16+$0x4090] =	vst v0  }
0x35: {  	[tilespmem:s16+$0x40A0] =	vst v0  }
0x36: {  	[tilespmem:s16+$0x40B0] =	vst v0  }
0x37: {  	[tilespmem:s16+$0x40C0] =	vst v0  }
0x38: {  	[tilespmem:s16+$0x40D0] =	vst v0  }
0x39: {  	[tilespmem:s16+$0x40E0] =	vst v0  }
0x3a: {  	[tilespmem:s16+$0x40F0] =	vst v0  }
0x3b: {  	[spmem:s25] =	stream.linear.scatter [tilespmem:s7], [sflag:$0x3], $0x2800, $0x38;
	[tilespmem:$0x1D100] =	vst v63  }
0x3c: {  	_ =	swait.ge [sflag:s6], $0x2800  }
0x3d: {  	[sflag:s6] =	ssyncset.done $0x0  }
0x3e: {  	[sflag:s6] =	ssyncadd.s32 $0xFFFFD800  }
0x3f: {  	[spmem:s28] =	stream.linear.scatter [tilespmem:s7], [sflag:$0x3], $0x2800, $0x38;
	[tilespmem:$0x1D100] =	vst v63  }
0x40: {  	_ =	swait.ge [sflag:s6], $0x2800  }
0x41: {  	[sflag:s6] =	ssyncset.done $0x0  }
0x42: {  	[sflag:s6] =	ssyncadd.s32 $0xFFFFD800  }
0x43: {  	[spmem:s29] =	stream.linear.scatter [tilespmem:s7], [sflag:$0x3], $0x2800, $0x38;
	[tilespmem:$0x1D100] =	vst v63  }
0x44: {  	_ =	swait.ge [sflag:s6], $0x2800  }
0x45: {  	[sflag:s6] =	ssyncset.done $0x0  }
0x46: {  	[sflag:s6] =	ssyncadd.s32 $0xFFFFD800  }
0x47: {  	[spmem:s30] =	stream.linear.scatter [tilespmem:s7], [sflag:$0x3], $0x2800, $0x38;
	[tilespmem:$0x1D100] =	vst v63  }
0x48: {  	_ =	swait.ge [sflag:s6], $0x2800  }
0x49: {  	[sflag:s6] =	ssyncset.done $0x0  }
0x4a: {  	[sflag:s6] =	ssyncadd.s32 $0xFFFFD800  }
0x4b: {  	[spmem:s31] =	stream.linear.scatter [tilespmem:s7], [sflag:$0x3], $0x2800, $0x38;
	[tilespmem:$0x1D100] =	vst v63  }
0x4c: {  	_ =	swait.ge [sflag:s6], $0x2800  }
0x4d: {  	[sflag:s6] =	ssyncset.done $0x0  }
0x4e: {  	[sflag:s6] =	ssyncadd.s32 $0xFFFFD800  }
0x4f: {  	[spmem:s15] =	stream.linear.scatter [tilespmem:s7], [sflag:$0x3], $0x2800, $0x38;
	[tilespmem:$0x1D100] =	vst v63  }
0x50: {  	_ =	swait.ge [sflag:s6], $0x2800  }
0x51: {  	[sflag:s6] =	ssyncset.done $0x0  }
0x52: {  	[sflag:s6] =	ssyncadd.s32 $0xFFFFD800  }
0x53: {  	[spmem:s0] =	stream.linear.scatter [tilespmem:s7], [sflag:$0x3], $0x2800, $0x38;
	[tilespmem:$0x1D100] =	vst v63  }
0x54: {  	_ =	swait.ge [sflag:s6], $0x2800  }
0x55: {  	[sflag:s6] =	ssyncset.done $0x0  }
0x56: {  	[sflag:s6] =	ssyncadd.s32 $0xFFFFD800  }
0x57: {  	[spmem:s3] =	stream.linear.scatter [tilespmem:s7], [sflag:$0x3], $0x2800, $0x38;
	[tilespmem:$0x1D100] =	vst v63  }
0x58: {  	_ =	swait.ge [sflag:s6], $0x2800  }
0x59: {  	[sflag:s6] =	ssyncset.done $0x0  }
0x5a: {  	[sflag:s6] =	ssyncadd.s32 $0xFFFFD800  }
0x5b: {  	[bflag:$0x0] =	sbarrier.arrive $0xFFFF  }
0x5c: {  	[tilespmem:s8], [sflag:$0x3] =	stream.linear.gather [hbm4b:s24+s1], $0x80, $0x38;
	[tilespmem:$0x1D100] =	vst v63  }
0x5d: {  	_ =	swait.ge [sflag:s6], $0x80  }
0x5e: {  	[sflag:s6] =	ssyncset.done $0x0  }
0x5f: {  	[sflag:s6] =	ssyncadd.s32 $0xFFFFFF80  }
0x60: {  	[tilespmem:s7], [sflag:$0x1] =	stream.indirect.gather [hbm4b:s18+s9], $0x80, s8, s9, $0xb8;
	[tilespmem:$0x1D100] =	vst v63  }
0x61: {  	_ = 	snop  }
0x62: {  	[tilespmem:s10], [sflag:$0x3] =	stream.linear.gather [hbm4b:s4+s1], $0x80, $0x38;
	[tilespmem:$0x1D100] =	vst v63  }
0x63: {  	_ =	swait.ge [sflag:s6], $0x80  }
0x64: {  	[sflag:s6] =	ssyncset.done $0x0  }
0x65: {  	[sflag:s6] =	ssyncadd.s32 $0xFFFFFF80  }
0x66: {  	[tilespmem:s11], [sflag:$0x2] =	stream.indirect.gather [hbm4b:s18+s9], $0x80, s10, s9, $0xb8;
	[tilespmem:$0x1D100] =	vst v63  }
0x67: {  	s20 =	simm.s32 $0x100;
	_ =	swait.ge [sflag:s12], $0x2800  }
0x68: {  	s17 =	simm.s32 $0x0;
	s19 =	sand.u32 $0x7C00, s20;
	[sflag:s12] =	ssyncset.done $0x0  }
0x69: {  	s16 =	sand.u32 $0x300, s20;
	s19 =	sadd.s32 s2, s19;
	[sflag:s12] =	ssyncadd.s32 $0xFFFFD800  }
0x6a: {  	[spmem:s21] =	stream.indirect.scatter.add.f32 [tilespmem:s7], [sflag:$0x3], $0x80, s17, s9, $0xb8;
	[tilespmem:$0x1D100] =	vst v63  }
0x6b: {  	s16 =	sor.u32 s16, s19;
	_ =	swait.ge [sflag:s6], $0x2800  }
0x6c: {  	s16 =	sshrl.u32 s16, $0x3;
	[sflag:s6] =	ssyncset.done $0x0  }
0x6d: {  	s16 =	sadd.s32 s22, s16;
	[sflag:s6] =	ssyncadd.s32 $0xFFFFD800  }
0x6e: {  	[tilespmem:s8], [sflag:$0x3] =	stream.linear.gather [hbm4b:s16+s1], $0x80, $0x38;
	[tilespmem:$0x1D100] =	vst v63  }
0x6f: {  	_ =	swait.ge [sflag:s6], $0x80  }
0x70: {  	[sflag:s6] =	ssyncset.done $0x0  }
0x71: {  	s23 =	simm.s32 $0x180;
	[sflag:s6] =	ssyncadd.s32 $0xFFFFFF80  }
0x72: {  	[tilespmem:s7], [sflag:$0x1] =	stream.indirect.gather [hbm4b:s18+s9], $0x80, s8, s9, $0xb8;
	[tilespmem:$0x1D100] =	vst v63  }
0x73: {  	s26 =	sand.u32 $0x7C00, s23;
	_ =	swait.ge [sflag:s13], $0x2800  }
0x74: {  	s19 =	sadd.s32 s2, s26;
	[sflag:s13] =	ssyncset.done $0x0  }
0x75: {  	s17 =	sand.u32 $0x380, s23;
	s16 =	simm.s32 $0x80;
	[sflag:s13] =	ssyncadd.s32 $0xFFFFD800  }
0x76: {  	[spmem:s21] =	stream.indirect.scatter.add.f32 [tilespmem:s11], [sflag:$0x3], $0x80, s16, s9, $0xb8;
	[tilespmem:$0x1D100] =	vst v63  }
0x77: {  	s17 =	sor.u32 s17, s19;
	_ =	swait.ge [sflag:s6], $0x2800  }
0x78: {  	s17 =	sshrl.u32 s17, $0x3;
	[sflag:s6] =	ssyncset.done $0x0  }
0x79: {  	s17 =	sadd.s32 s22, s17;
	[sflag:s6] =	ssyncadd.s32 $0xFFFFD800  }
0x7a: {  	[tilespmem:s10], [sflag:$0x3] =	stream.linear.gather [hbm4b:s17+s1], $0x80, $0x38;
	[tilespmem:$0x1D100] =	vst v63  }
0x7b: {  	_ =	swait.ge [sflag:s6], $0x80  }
0x7c: {  	s17 =	simm.s32 $0x280;
	[sflag:s6] =	ssyncset.done $0x0  }
.LBB2_4:
0x7d: {  	p0 =	sne.s32 s17, $0x3D80  }
0x7e: {  	[sflag:s6] =	ssyncadd.s32 $0xFFFFFF80;
	s16 =	sadd.s32 $0x100, s16;
	s19 =	smov.u32 s17  }
0x7f: {  	[tilespmem:s11], [sflag:$0x2] =	stream.indirect.gather [hbm4b:s18+s9], $0x80, s10, s9, $0xb8;
	[tilespmem:$0x1D100] =	vst v63  }
0x80: {  	s23 =	sadd.s32 $0xFFFFFF80, s17;
	s20 =	sadd.s32 $0xFFFFFF80, s16;
	_ =	swait.ge [sflag:s12], $0x2800  }
0x81: {  	s26 =	sand.u32 $0x7C00, s23;
	s23 =	sand.u32 $0x300, s23;
	[sflag:s12] =	ssyncset.done $0x0  }
0x82: {  	s17 =	sadd.s32 $0x100, s17;
	s26 =	sadd.s32 s2, s26;
	[sflag:s12] =	ssyncadd.s32 $0xFFFFD800  }
0x83: {  	[spmem:s21] =	stream.indirect.scatter.add.f32 [tilespmem:s7], [sflag:$0x3], $0x80, s20, s9, $0xb8;
	[tilespmem:$0x1D100] =	vst v63  }
0x84: {  	s20 =	sor.u32 s23, s26;
	_ =	swait.ge [sflag:s6], $0x2800  }
0x85: {  	s20 =	sshrl.u32 s20, $0x3;
	[sflag:s6] =	ssyncset.done $0x0  }
0x86: {  	s20 =	sadd.s32 s22, s20;
	[sflag:s6] =	ssyncadd.s32 $0xFFFFD800  }
0x87: {  	[tilespmem:s8], [sflag:$0x3] =	stream.linear.gather [hbm4b:s20+s1], $0x80, $0x38;
	[tilespmem:$0x1D100] =	vst v63  }
0x88: {  	_ =	swait.ge [sflag:s6], $0x80  }
0x89: {  	[sflag:s6] =	ssyncset.done $0x0  }
0x8a: {  	[sflag:s6] =	ssyncadd.s32 $0xFFFFFF80  }
0x8b: {  	[tilespmem:s7], [sflag:$0x1] =	stream.indirect.gather [hbm4b:s18+s9], $0x80, s8, s9, $0xb8;
	[tilespmem:$0x1D100] =	vst v63  }
0x8c: {  	_ =	swait.ge [sflag:s13], $0x2800  }
0x8d: {  	s20 =	sand.u32 $0x7C00, s19;
	[sflag:s13] =	ssyncset.done $0x0  }
0x8e: {  	s19 =	sand.u32 $0x380, s19;
	s20 =	sadd.s32 s2, s20;
	[sflag:s13] =	ssyncadd.s32 $0xFFFFD800  }
0x8f: {  	[spmem:s21] =	stream.indirect.scatter.add.f32 [tilespmem:s11], [sflag:$0x3], $0x80, s16, s9, $0xb8;
	[tilespmem:$0x1D100] =	vst v63  }
0x90: {  	s19 =	sor.u32 s19, s20;
	_ =	swait.ge [sflag:s6], $0x2800  }
.Ltmp1:
0x91: {  	s19 =	sshrl.u32 s19, $0x3;
	[sflag:s6] =	ssyncset.done $0x0;
	(pc) =	sbr.rel @p0 .LBB2_4-.Ltmp1, $4  }
0x92: {  	s19 =	sadd.s32 s22, s19;
	[sflag:s6] =	ssyncadd.s32 $0xFFFFD800  }
0x93: {  	[tilespmem:s10], [sflag:$0x3] =	stream.linear.gather [hbm4b:s19+s1], $0x80, $0x38;
	[tilespmem:$0x1D100] =	vst v63  }
0x94: {  	_ =	swait.ge [sflag:s6], $0x80  }
0x95: {  	[sflag:s6] =	ssyncset.done $0x0  }
0x96: {  	[sflag:s6] =	ssyncadd.s32 $0xFFFFFF80  }
0x97: {  	[tilespmem:s11], [sflag:$0x2] =	stream.indirect.gather [hbm4b:s18+s9], $0x80, s10, s9, $0xb8;
	[tilespmem:$0x1D100] =	vst v63  }
0x98: {  	_ =	swait.ge [sflag:s12], $0x2800  }
0x99: {  	[sflag:s12] =	ssyncset.done $0x0  }
0x9a: {  	s16 =	simm.s32 $0x3D00;
	[sflag:s12] =	ssyncadd.s32 $0xFFFFD800  }
0x9b: {  	[spmem:s21] =	stream.indirect.scatter.add.f32 [tilespmem:s7], [sflag:$0x3], $0x80, s16, s9, $0xb8;
	[tilespmem:$0x1D100] =	vst v63  }
0x9c: {  	_ =	swait.ge [sflag:s6], $0x2800  }
0x9d: {  	[sflag:s6] =	ssyncset.done $0x0  }
0x9e: {  	[sflag:s6] =	ssyncadd.s32 $0xFFFFD800  }
0x9f: {  	[tilespmem:s8], [sflag:$0x3] =	stream.linear.gather [hbm4b:s5+s1], $0x80, $0x38;
	[tilespmem:$0x1D100] =	vst v63  }
0xa0: {  	_ =	swait.ge [sflag:s6], $0x80  }
0xa1: {  	[sflag:s6] =	ssyncset.done $0x0  }
0xa2: {  	[sflag:s6] =	ssyncadd.s32 $0xFFFFFF80  }
0xa3: {  	[tilespmem:s7], [sflag:$0x1] =	stream.indirect.gather [hbm4b:s18+s9], $0x80, s8, s9, $0xb8;
	[tilespmem:$0x1D100] =	vst v63  }
0xa4: {  	_ =	swait.ge [sflag:s13], $0x2800  }
0xa5: {  	[sflag:s13] =	ssyncset.done $0x0  }
0xa6: {  	s17 =	simm.s32 $0x3D80;
	[sflag:s13] =	ssyncadd.s32 $0xFFFFD800  }
0xa7: {  	[spmem:s21] =	stream.indirect.scatter.add.f32 [tilespmem:s11], [sflag:$0x3], $0x80, s17, s9, $0xb8;
	[tilespmem:$0x1D100] =	vst v63  }
0xa8: {  	_ =	swait.ge [sflag:s6], $0x2800  }
0xa9: {  	[sflag:s6] =	ssyncset.done $0x0  }
0xaa: {  	[sflag:s6] =	ssyncadd.s32 $0xFFFFD800  }
0xab: {  	_ =	swait.ge [sflag:s12], $0x2800  }
0xac: {  	[sflag:s12] =	ssyncset.done $0x0  }
0xad: {  	s19 =	simm.s32 $0x3E00;
	[sflag:s12] =	ssyncadd.s32 $0xFFFFD800  }
0xae: {  	[spmem:s21] =	stream.indirect.scatter.add.f32 [tilespmem:s7], [sflag:$0x3], $0x80, s19, s9, $0xb8;
	[tilespmem:$0x1D100] =	vst v63  }
0xaf: {  	_ =	swait.ge [sflag:s6], $0x2800  }
0xb0: {  	[sflag:s6] =	ssyncset.done $0x0  }
0xb1: {  	[sflag:s6] =	ssyncadd.s32 $0xFFFFD800  }
0xb2: {  	[bflag:$0x0] =	sbarrier.arrive $0xFFFF  }
0xb3: {  	[tilespmem:s7], [sflag:$0x3] =	stream.linear.gather [spmem:s25], $0x2800, $0x38;
	[tilespmem:$0x1D100] =	vst v63  }
0xb4: {  	_ =	swait.ge [sflag:s6], $0x2800  }
0xb5: {  	[sflag:s6] =	ssyncset.done $0x0  }
0xb6: {  	s20 =	rddreg [dreg:$0x4];
	[sflag:s6] =	ssyncadd.s32 $0xFFFFD800  }
0xb7: {  	[hbm4b:s20+s1] =	stream.linear.scatter [tilespmem:s7], [sflag:$0x3], $0x2800, $0x38;
	[tilespmem:$0x1D100] =	vst v63  }
0xb8: {  	_ =	swait.ge [sflag:s6], $0x2800  }
0xb9: {  	[sflag:s6] =	ssyncset.done $0x0  }
0xba: {  	[sflag:s6] =	ssyncadd.s32 $0xFFFFD800  }
0xbb: {  	[tilespmem:s7], [sflag:$0x3] =	stream.linear.gather [spmem:s28], $0x2800, $0x38;
	[tilespmem:$0x1D100] =	vst v63  }
0xbc: {  	_ =	swait.ge [sflag:s6], $0x2800  }
0xbd: {  	[sflag:s6] =	ssyncset.done $0x0  }
0xbe: {  	s23 =	rddreg [dreg:$0x5];
	[sflag:s6] =	ssyncadd.s32 $0xFFFFD800  }
0xbf: {  	[hbm4b:s23+s1] =	stream.linear.scatter [tilespmem:s7], [sflag:$0x3], $0x2800, $0x38;
	[tilespmem:$0x1D100] =	vst v63  }
0xc0: {  	_ =	swait.ge [sflag:s6], $0x2800  }
0xc1: {  	[sflag:s6] =	ssyncset.done $0x0  }
0xc2: {  	[sflag:s6] =	ssyncadd.s32 $0xFFFFD800  }
0xc3: {  	[tilespmem:s7], [sflag:$0x3] =	stream.linear.gather [spmem:s29], $0x2800, $0x38;
	[tilespmem:$0x1D100] =	vst v63  }
0xc4: {  	_ =	swait.ge [sflag:s6], $0x2800  }
0xc5: {  	[sflag:s6] =	ssyncset.done $0x0  }
0xc6: {  	s26 =	rddreg [dreg:$0x6];
	[sflag:s6] =	ssyncadd.s32 $0xFFFFD800  }
0xc7: {  	[hbm4b:s26+s1] =	stream.linear.scatter [tilespmem:s7], [sflag:$0x3], $0x2800, $0x38;
	[tilespmem:$0x1D100] =	vst v63  }
0xc8: {  	_ =	swait.ge [sflag:s6], $0x2800  }
0xc9: {  	[sflag:s6] =	ssyncset.done $0x0  }
0xca: {  	[sflag:s6] =	ssyncadd.s32 $0xFFFFD800  }
0xcb: {  	[tilespmem:s7], [sflag:$0x3] =	stream.linear.gather [spmem:s30], $0x2800, $0x38;
	[tilespmem:$0x1D100] =	vst v63  }
0xcc: {  	_ =	swait.ge [sflag:s6], $0x2800  }
0xcd: {  	[sflag:s6] =	ssyncset.done $0x0  }
0xce: {  	s17 =	rddreg [dreg:$0x7];
	[sflag:s6] =	ssyncadd.s32 $0xFFFFD800  }
0xcf: {  	[hbm4b:s17+s1] =	stream.linear.scatter [tilespmem:s7], [sflag:$0x3], $0x2800, $0x38;
	[tilespmem:$0x1D100] =	vst v63  }
0xd0: {  	_ =	swait.ge [sflag:s6], $0x2800  }
0xd1: {  	[sflag:s6] =	ssyncset.done $0x0  }
0xd2: {  	[sflag:s6] =	ssyncadd.s32 $0xFFFFD800  }
0xd3: {  	[tilespmem:s7], [sflag:$0x3] =	stream.linear.gather [spmem:s31], $0x2800, $0x38;
	[tilespmem:$0x1D100] =	vst v63  }
0xd4: {  	_ =	swait.ge [sflag:s6], $0x2800  }
0xd5: {  	[sflag:s6] =	ssyncset.done $0x0  }
0xd6: {  	s19 =	rddreg [dreg:$0x8];
	[sflag:s6] =	ssyncadd.s32 $0xFFFFD800  }
0xd7: {  	[hbm4b:s19+s1] =	stream.linear.scatter [tilespmem:s7], [sflag:$0x3], $0x2800, $0x38;
	[tilespmem:$0x1D100] =	vst v63  }
0xd8: {  	_ =	swait.ge [sflag:s6], $0x2800  }
0xd9: {  	[sflag:s6] =	ssyncset.done $0x0  }
0xda: {  	[sflag:s6] =	ssyncadd.s32 $0xFFFFD800  }
0xdb: {  	[tilespmem:s7], [sflag:$0x3] =	stream.linear.gather [spmem:s15], $0x2800, $0x38;
	[tilespmem:$0x1D100] =	vst v63  }
0xdc: {  	_ =	swait.ge [sflag:s6], $0x2800  }
0xdd: {  	[sflag:s6] =	ssyncset.done $0x0  }
0xde: {  	s20 =	rddreg [dreg:$0x9];
	[sflag:s6] =	ssyncadd.s32 $0xFFFFD800  }
0xdf: {  	[hbm4b:s20+s1] =	stream.linear.scatter [tilespmem:s7], [sflag:$0x3], $0x2800, $0x38;
	[tilespmem:$0x1D100] =	vst v63  }
0xe0: {  	_ =	swait.ge [sflag:s6], $0x2800  }
0xe1: {  	[sflag:s6] =	ssyncset.done $0x0  }
0xe2: {  	[sflag:s6] =	ssyncadd.s32 $0xFFFFD800  }
0xe3: {  	[tilespmem:s7], [sflag:$0x3] =	stream.linear.gather [spmem:s0], $0x2800, $0x38;
	[tilespmem:$0x1D100] =	vst v63  }
0xe4: {  	_ =	swait.ge [sflag:s6], $0x2800  }
0xe5: {  	[sflag:s6] =	ssyncset.done $0x0  }
0xe6: {  	s23 =	rddreg [dreg:$0xa];
	[sflag:s6] =	ssyncadd.s32 $0xFFFFD800  }
0xe7: {  	[hbm4b:s23+s1] =	stream.linear.scatter [tilespmem:s7], [sflag:$0x3], $0x2800, $0x38;
	[tilespmem:$0x1D100] =	vst v63  }
0xe8: {  	_ =	swait.ge [sflag:s6], $0x2800  }
0xe9: {  	[sflag:s6] =	ssyncset.done $0x0  }
0xea: {  	[sflag:s6] =	ssyncadd.s32 $0xFFFFD800  }
0xeb: {  	[tilespmem:s7], [sflag:$0x3] =	stream.linear.gather [spmem:s3], $0x2800, $0x38;
	[tilespmem:$0x1D100] =	vst v63  }
0xec: {  	_ =	swait.ge [sflag:s6], $0x2800  }
0xed: {  	[sflag:s6] =	ssyncset.done $0x0  }
0xee: {  	s26 =	rddreg [dreg:$0xb];
	[sflag:s6] =	ssyncadd.s32 $0xFFFFD800  }
0xef: {  	[hbm4b:s26+s1] =	stream.linear.scatter [tilespmem:s7], [sflag:$0x3], $0x2800, $0x38;
	[tilespmem:$0x1D100] =	vst v63  }
0xf0: {  	_ =	swait.ge [sflag:s6], $0x2800  }
0xf1: {  	[sflag:s6] =	ssyncset.done $0x0  }
0xf2: {  	s16 =	simm.s32 $0x70;
	s17 =	simm.s32 $0x3C0;
	[sflag:s6] =	ssyncadd.s32 $0xFFFFD800  }
.LBB2_6:
0xf3: {  	p0 =	sne.s32 s17, $0x9FC0;
	[tilespmem:s16+$0x4100] =	vst v0  }
0xf4: {  	[tilespmem:s16+$0x4090] =	vst v0  }
0xf5: {  	[tilespmem:s16+$0x40A0] =	vst v0  }
.Ltmp2:
0xf6: {  	[tilespmem:s16+$0x40B0] =	vst v0;
	(pc) =	sbr.rel @p0 .LBB2_6-.Ltmp2, $4  }
0xf7: {  	[tilespmem:s16+$0x40C0] =	vst v0  }
0xf8: {  	[tilespmem:s16+$0x40D0] =	vst v0  }
0xf9: {  	[tilespmem:s16+$0x40E0] =	vst v0  }
0xfa: {  	[tilespmem:s16+$0x40F0] =	vst v0;
	s16 =	sshra.s32 s17, $0x2;
	s17 =	sadd.s32 $0x200, s17  }
0xfb: {  	[tilespmem:s16+$0x4100] =	vst v0  }
0xfc: {  	[tilespmem:s16+$0x4090] =	vst v0  }
0xfd: {  	[tilespmem:s16+$0x40A0] =	vst v0  }
0xfe: {  	[tilespmem:s16+$0x40B0] =	vst v0  }
0xff: {  	[tilespmem:s16+$0x40C0] =	vst v0  }
0x100: {  	[tilespmem:s16+$0x40D0] =	vst v0  }
0x101: {  	[tilespmem:s16+$0x40E0] =	vst v0  }
0x102: {  	[tilespmem:s16+$0x40F0] =	vst v0  }
0x103: {  	[spmem:s25] =	stream.linear.scatter [tilespmem:s7], [sflag:$0x3], $0x2800, $0x38;
	[tilespmem:$0x1D100] =	vst v63  }
0x104: {  	_ =	swait.ge [sflag:s6], $0x2800  }
0x105: {  	[sflag:s6] =	ssyncset.done $0x0  }
0x106: {  	[sflag:s6] =	ssyncadd.s32 $0xFFFFD800  }
0x107: {  	[spmem:s28] =	stream.linear.scatter [tilespmem:s7], [sflag:$0x3], $0x2800, $0x38;
	[tilespmem:$0x1D100] =	vst v63  }
0x108: {  	_ =	swait.ge [sflag:s6], $0x2800  }
0x109: {  	[sflag:s6] =	ssyncset.done $0x0  }
0x10a: {  	[sflag:s6] =	ssyncadd.s32 $0xFFFFD800  }
0x10b: {  	[spmem:s29] =	stream.linear.scatter [tilespmem:s7], [sflag:$0x3], $0x2800, $0x38;
	[tilespmem:$0x1D100] =	vst v63  }
0x10c: {  	_ =	swait.ge [sflag:s6], $0x2800  }
0x10d: {  	[sflag:s6] =	ssyncset.done $0x0  }
0x10e: {  	[sflag:s6] =	ssyncadd.s32 $0xFFFFD800  }
0x10f: {  	[spmem:s30] =	stream.linear.scatter [tilespmem:s7], [sflag:$0x3], $0x2800, $0x38;
	[tilespmem:$0x1D100] =	vst v63  }
0x110: {  	_ =	swait.ge [sflag:s6], $0x2800  }
0x111: {  	[sflag:s6] =	ssyncset.done $0x0  }
0x112: {  	[sflag:s6] =	ssyncadd.s32 $0xFFFFD800  }
0x113: {  	[spmem:s31] =	stream.linear.scatter [tilespmem:s7], [sflag:$0x3], $0x2800, $0x38;
	[tilespmem:$0x1D100] =	vst v63  }
0x114: {  	_ =	swait.ge [sflag:s6], $0x2800  }
0x115: {  	[sflag:s6] =	ssyncset.done $0x0  }
0x116: {  	[sflag:s6] =	ssyncadd.s32 $0xFFFFD800  }
0x117: {  	[spmem:s15] =	stream.linear.scatter [tilespmem:s7], [sflag:$0x3], $0x2800, $0x38;
	[tilespmem:$0x1D100] =	vst v63  }
0x118: {  	_ =	swait.ge [sflag:s6], $0x2800  }
0x119: {  	[sflag:s6] =	ssyncset.done $0x0  }
0x11a: {  	[sflag:s6] =	ssyncadd.s32 $0xFFFFD800  }
0x11b: {  	[spmem:s0] =	stream.linear.scatter [tilespmem:s7], [sflag:$0x3], $0x2800, $0x38;
	[tilespmem:$0x1D100] =	vst v63  }
0x11c: {  	_ =	swait.ge [sflag:s6], $0x2800  }
0x11d: {  	[sflag:s6] =	ssyncset.done $0x0  }
0x11e: {  	[sflag:s6] =	ssyncadd.s32 $0xFFFFD800  }
0x11f: {  	[spmem:s3] =	stream.linear.scatter [tilespmem:s7], [sflag:$0x3], $0x2800, $0x38;
	[tilespmem:$0x1D100] =	vst v63  }
0x120: {  	_ =	swait.ge [sflag:s6], $0x2800  }
0x121: {  	[sflag:s6] =	ssyncset.done $0x0  }
0x122: {  	[sflag:s6] =	ssyncadd.s32 $0xFFFFD800  }
0x123: {  	s16 =	simm.s32 $0x70;
	s17 =	simm.s32 $0x3C0;
	[bflag:$0x0] =	sbarrier.arrive $0xFFFF  }
.LBB2_8:
0x124: {  	p0 =	sne.s32 s17, $0x9FC0;
	[tilespmem:s16+$0x6900] =	vst v1  }
0x125: {  	[tilespmem:s16+$0x6890] =	vst v1  }
0x126: {  	[tilespmem:s16+$0x68A0] =	vst v1  }
.Ltmp3:
0x127: {  	[tilespmem:s16+$0x68B0] =	vst v1;
	(pc) =	sbr.rel @p0 .LBB2_8-.Ltmp3, $4  }
0x128: {  	[tilespmem:s16+$0x68C0] =	vst v1  }
0x129: {  	[tilespmem:s16+$0x68D0] =	vst v1  }
0x12a: {  	[tilespmem:s16+$0x68E0] =	vst v1  }
0x12b: {  	[tilespmem:s16+$0x68F0] =	vst v1;
	s16 =	sshra.s32 s17, $0x2;
	s17 =	sadd.s32 $0x200, s17  }
0x12c: {  	[tilespmem:s16+$0x6900] =	vst v1  }
0x12d: {  	[tilespmem:s16+$0x6890] =	vst v1  }
0x12e: {  	[tilespmem:s16+$0x68A0] =	vst v1  }
0x12f: {  	[tilespmem:s16+$0x68B0] =	vst v1  }
0x130: {  	[tilespmem:s16+$0x68C0] =	vst v1  }
0x131: {  	[tilespmem:s16+$0x68D0] =	vst v1  }
0x132: {  	[tilespmem:s16+$0x68E0] =	vst v1  }
0x133: {  	[tilespmem:s16+$0x68F0] =	vst v1;
	s26 =	simm.s32 $0x0  }
0x134: {  	[spmem:s21] =	stream.indirect.scatter.add.f32 [tilespmem:s11], [sflag:$0x3], $0x80, s26, s9, $0xb8;
	[tilespmem:$0x1D100] =	vst v63  }
0x135: {  	_ =	swait.ge [sflag:s6], $0x2800  }
0x136: {  	s16 =	simm.s32 $0x200;
	[sflag:s6] =	ssyncset.done $0x0  }
.LBB2_10:
0x137: {  	s17 =	sshra.s32 s16, $0x2;
	[sflag:s6] =	ssyncadd.s32 $0xFFFFD800;
	p0 =	sne.s32 s16, $0xF800  }
0x138: {  	[spmem:s21] =	stream.indirect.scatter.add.f32 [tilespmem:s11], [sflag:$0x3], $0x80, s17, s9, $0xb8;
	[tilespmem:$0x1D100] =	vst v63  }
.Ltmp4:
0x139: {  	_ = 	snop;
	(pc) =	sbr.rel @p0 .LBB2_10-.Ltmp4, $4  }
0x13a: {  	_ = 	snop  }
0x13b: {  	s16 =	sadd.s32 $0x200, s16  }
0x13c: {  	_ =	swait.ge [sflag:s6], $0x2800  }
0x13d: {  	[sflag:s6] =	ssyncset.done $0x0  }
0x13e: {  	[sflag:s6] =	ssyncadd.s32 $0xFFFFD800  }
0x13f: {  	[bflag:$0x0] =	sbarrier.arrive $0xFFFF  }
0x140: {  	[tilespmem:s7], [sflag:$0x3] =	stream.linear.gather [spmem:s25], $0x2800, $0x38;
	[tilespmem:$0x1D100] =	vst v63  }
0x141: {  	_ =	swait.ge [sflag:s6], $0x2800  }
0x142: {  	[sflag:s6] =	ssyncset.done $0x0  }
0x143: {  	s16 =	rddreg [dreg:$0xc];
	[sflag:s6] =	ssyncadd.s32 $0xFFFFD800  }
0x144: {  	[hbm4b:s16+s1] =	stream.linear.scatter [tilespmem:s7], [sflag:$0x3], $0x2800, $0x38;
	[tilespmem:$0x1D100] =	vst v63  }
0x145: {  	_ =	swait.ge [sflag:s6], $0x2800  }
0x146: {  	[sflag:s6] =	ssyncset.done $0x0  }
0x147: {  	[sflag:s6] =	ssyncadd.s32 $0xFFFFD800  }
0x148: {  	[tilespmem:s7], [sflag:$0x3] =	stream.linear.gather [spmem:s28], $0x2800, $0x38;
	[tilespmem:$0x1D100] =	vst v63  }
0x149: {  	_ =	swait.ge [sflag:s6], $0x2800  }
0x14a: {  	[sflag:s6] =	ssyncset.done $0x0  }
0x14b: {  	s20 =	rddreg [dreg:$0xd];
	[sflag:s6] =	ssyncadd.s32 $0xFFFFD800  }
0x14c: {  	[hbm4b:s20+s1] =	stream.linear.scatter [tilespmem:s7], [sflag:$0x3], $0x2800, $0x38;
	[tilespmem:$0x1D100] =	vst v63  }
0x14d: {  	_ =	swait.ge [sflag:s6], $0x2800  }
0x14e: {  	[sflag:s6] =	ssyncset.done $0x0  }
0x14f: {  	[sflag:s6] =	ssyncadd.s32 $0xFFFFD800  }
0x150: {  	[tilespmem:s7], [sflag:$0x3] =	stream.linear.gather [spmem:s29], $0x2800, $0x38;
	[tilespmem:$0x1D100] =	vst v63  }
0x151: {  	_ =	swait.ge [sflag:s6], $0x2800  }
0x152: {  	[sflag:s6] =	ssyncset.done $0x0  }
0x153: {  	s23 =	rddreg [dreg:$0xe];
	[sflag:s6] =	ssyncadd.s32 $0xFFFFD800  }
0x154: {  	[hbm4b:s23+s1] =	stream.linear.scatter [tilespmem:s7], [sflag:$0x3], $0x2800, $0x38;
	[tilespmem:$0x1D100] =	vst v63  }
0x155: {  	_ =	swait.ge [sflag:s6], $0x2800  }
0x156: {  	[sflag:s6] =	ssyncset.done $0x0  }
0x157: {  	[sflag:s6] =	ssyncadd.s32 $0xFFFFD800  }
0x158: {  	[tilespmem:s7], [sflag:$0x3] =	stream.linear.gather [spmem:s30], $0x2800, $0x38;
	[tilespmem:$0x1D100] =	vst v63  }
0x159: {  	_ =	swait.ge [sflag:s6], $0x2800  }
0x15a: {  	[sflag:s6] =	ssyncset.done $0x0  }
0x15b: {  	s26 =	rddreg [dreg:$0xf];
	[sflag:s6] =	ssyncadd.s32 $0xFFFFD800  }
0x15c: {  	[hbm4b:s26+s1] =	stream.linear.scatter [tilespmem:s7], [sflag:$0x3], $0x2800, $0x38;
	[tilespmem:$0x1D100] =	vst v63  }
0x15d: {  	_ =	swait.ge [sflag:s6], $0x2800  }
0x15e: {  	[sflag:s6] =	ssyncset.done $0x0  }
0x15f: {  	[sflag:s6] =	ssyncadd.s32 $0xFFFFD800  }
0x160: {  	[tilespmem:s7], [sflag:$0x3] =	stream.linear.gather [spmem:s31], $0x2800, $0x38;
	[tilespmem:$0x1D100] =	vst v63  }
0x161: {  	_ =	swait.ge [sflag:s6], $0x2800  }
0x162: {  	[sflag:s6] =	ssyncset.done $0x0  }
0x163: {  	s17 =	rddreg [dreg:$0x10];
	[sflag:s6] =	ssyncadd.s32 $0xFFFFD800  }
0x164: {  	[hbm4b:s17+s1] =	stream.linear.scatter [tilespmem:s7], [sflag:$0x3], $0x2800, $0x38;
	[tilespmem:$0x1D100] =	vst v63  }
0x165: {  	_ =	swait.ge [sflag:s6], $0x2800  }
0x166: {  	[sflag:s6] =	ssyncset.done $0x0  }
0x167: {  	[sflag:s6] =	ssyncadd.s32 $0xFFFFD800  }
0x168: {  	[tilespmem:s7], [sflag:$0x3] =	stream.linear.gather [spmem:s15], $0x2800, $0x38;
	[tilespmem:$0x1D100] =	vst v63  }
0x169: {  	_ =	swait.ge [sflag:s6], $0x2800  }
0x16a: {  	[sflag:s6] =	ssyncset.done $0x0  }
0x16b: {  	s19 =	rddreg [dreg:$0x11];
	[sflag:s6] =	ssyncadd.s32 $0xFFFFD800  }
0x16c: {  	[hbm4b:s19+s1] =	stream.linear.scatter [tilespmem:s7], [sflag:$0x3], $0x2800, $0x38;
	[tilespmem:$0x1D100] =	vst v63  }
0x16d: {  	_ =	swait.ge [sflag:s6], $0x2800  }
0x16e: {  	[sflag:s6] =	ssyncset.done $0x0  }
0x16f: {  	[sflag:s6] =	ssyncadd.s32 $0xFFFFD800  }
0x170: {  	[tilespmem:s7], [sflag:$0x3] =	stream.linear.gather [spmem:s0], $0x2800, $0x38;
	[tilespmem:$0x1D100] =	vst v63  }
0x171: {  	_ =	swait.ge [sflag:s6], $0x2800  }
0x172: {  	[sflag:s6] =	ssyncset.done $0x0  }
0x173: {  	s20 =	rddreg [dreg:$0x12];
	[sflag:s6] =	ssyncadd.s32 $0xFFFFD800  }
0x174: {  	[hbm4b:s20+s1] =	stream.linear.scatter [tilespmem:s7], [sflag:$0x3], $0x2800, $0x38;
	[tilespmem:$0x1D100] =	vst v63  }
0x175: {  	_ =	swait.ge [sflag:s6], $0x2800  }
0x176: {  	[sflag:s6] =	ssyncset.done $0x0  }
0x177: {  	[sflag:s6] =	ssyncadd.s32 $0xFFFFD800  }
0x178: {  	[tilespmem:s7], [sflag:$0x3] =	stream.linear.gather [spmem:s3], $0x2800, $0x38;
	[tilespmem:$0x1D100] =	vst v63  }
0x179: {  	_ =	swait.ge [sflag:s6], $0x2800  }
0x17a: {  	[sflag:s6] =	ssyncset.done $0x0  }
0x17b: {  	s23 =	rddreg [dreg:$0x13];
	[sflag:s6] =	ssyncadd.s32 $0xFFFFD800  }
0x17c: {  	[hbm4b:s23+s1] =	stream.linear.scatter [tilespmem:s7], [sflag:$0x3], $0x2800, $0x38;
	[tilespmem:$0x1D100] =	vst v63  }
0x17d: {  	_ =	swait.ge [sflag:s6], $0x2800  }
0x17e: {  	s14 =	sadd.s32 $0x1, s14;
	s26 =	rddreg [dreg:$0x15]  }
0x17f: {  	p0 =	sne.s32 s14, s26  }
.Ltmp5:
0x180: {  	_ = 	snop;
	(pc) =	sbr.rel @p0 .LBB2_1-.Ltmp5, $3  }
0x181: {  	_ =	sdelay $0x1  }
0x182: {  	[sflag:s6] =	ssyncset.done $0x0  }
0x183: {  	[sflag:s6] =	ssyncadd.s32 $0xFFFFD800  }
0x184: {  	_ =	sfence.sel $0x180000  }
0x185: {  	[bflag:$0x0] =	sbarrier.arrive $0xFFFF  }
0x186: {  	_ =	strace $0x90000047  }
0x187: {  	s0 =	stileid.u32;
	[bflag:$0x2] =	sbarrier.arrive $0xFFFF  }
0x188: {  	p0 =	sne.s32 s0, $0x0;
	s0 =	rddreg [dreg:$0x3]  }
0x189: {  	s0 =	sadd.s32 @!p0 $0x100000, s0  }
0x18a: {  	[sflag:s0] =	ssyncadd.tile.s32 @!p0 $0x1;
	_ =	shalt  }
.Lfunc_end2:
_tile_overlayer_lowered:
.L_overlay_start_2:
0x18b: {  	(tag) =	ssettag $0x2  }
0x18c: {  	s0 =	rddreg [dreg:$0x0];
	s2 =	stileid.u32  }
0x18d: {  	s1 =	rddreg [dreg:$0x1];
	p0 =	sne.s32 s2, $0x0  }
0x18e: {  	s3 =	rddreg [dreg:$0x2];
	[bflag:$0x3] =	sbarrier.arrive $0xFFFF;
	s2 =	simm.s32 @!p0 $0x1C03  }
0x18f: {  	[timem:s3], [sflag:s2] =	dma.local @!p0 [hbm:s0], s1  }
0x190: {  	s0 =	simm.s32 @!p0 $0x3  }
0x191: {  	_ =	swait.ge @!p0 [sflag:s0], s1  }
0x192: {  	s1 =	ssub.s32 @!p0 $0x0, s1;
	[sflag:s0] =	ssyncset.done @!p0 $0x0  }
0x193: {  	[sflag:s0] =	ssyncadd.s32 @!p0 s1  }
0x194: {  	[bflag:$0x3] =	sbarrier.arrive $0xFFFF  }
0x195: {  	_ =	shalt  }

// kernel: kernel.18.cloned.1.call-start
scs
__scs_entry_jumppad:
0x0: {  	(pc) =	sbr.rel $0x88, $3  }
0x1: {  	(tag) =	ssettag $0x0;
	lr =	simm.s32 $0x1  }
0x2: {  	[smem:$0x3F93] =	sst lr;
	_ =	strace $0xD0000000  }
0x3: {  	_ = 	snop  }
0x4: {  	_ = 	snop  }
0x5: {  	_ = 	snop  }
0x6: {  	_ = 	snop  }
0x7: {  	_ = 	snop  }
__scs_overlays_trampoline_lowered:
0x8: {  	[smem:$0x3FA2] =	sst s0  }
0x9: {  	[smem:$0x3FA3] =	sst s1  }
0xa: {  	[smem:$0x3FA4] =	sst s2  }
0xb: {  	[smem:$0x3FA5] =	sst s3  }
0xc: {  	[smem:$0x3FA6] =	sst s4  }
0xd: {  	[smem:$0x3FA7] =	sst s5  }
0xe: {  	[smem:$0x3FA8] =	sst s6  }
0xf: {  	[smem:$0x3FA9] =	sst s7  }
0x10: {  	[smem:$0x3FAA] =	sst s8  }
0x11: {  	[smem:$0x3FAB] =	sst s9;
	s0 =	simm.s32 @!p0 $0x0  }
0x12: {  	s1 =	sld [smem:$0x3F91];
	s0 =	simm.s32 @p0 $0x1  }
0x13: {  	[smem:$0x3FAC] =	sst s0;
	s0 =	simm.s32 @!p1 $0x0  }
0x14: {  	s2 =	sld [smem:$0x3F90];
	s0 =	simm.s32 @p1 $0x1  }
0x15: {  	[smem:$0x3FAD] =	sst s0;
	s0 =	simm.s32 @!p2 $0x0  }
0x16: {  	s3 =	sld [smem:$0x3FDB];
	s0 =	simm.s32 @p2 $0x1  }
0x17: {  	s4 =	simm.s32 $0x1BF5;
	[smem:$0x3FAF] =	sst s0  }
0x18: {  	s0 =	sld [smem:$0x3F92];
	_ =	swait.ge [sflag:s4], $0x0  }
0x19: {  	s7 =	sld [smem:$0x3F93]  }
0x1a: {  	s8 =	sadd.s32 $0xFFFFE003, lr  }
0x1b: {  	s9 =	sadd.s32 $0xFFFFFEF7, lr;
	s5 =	simm.s32 $0xFFFFFFFF;
	p2 =	slt.u32 s8, $0xFFFFF086  }
0x1c: {  	p1 =	slt.u32 s9, $0xF7A;
	s5 =	simm.s32 @!p2 $0x0  }
0x1d: {  	s5 =	simm.s32 @p1 $0x1;
	p0 =	seq.s32 s7, s2  }
0x1e: {  	s7 =	smul.u32 @!p0 $0xF7A, s2;
	p2 =	seq.s32 @!p0 s5, $0x0  }
0x1f: {  	s9 =	smul.u32 $0xF7A, s1;
	s8 =	simm.s32 @!p0 $0x1BF5;
	p2 =	por !p2, p0  }
0x20: {  	[sflag:s8] =	ssyncset.s32 @!p0 $0xFFFFF086;
	s6 =	sadd.s32 @!p0 s3, s7;
	s7 =	simm.s32 @!p0 $0x108  }
0x21: {  	s3 =	sadd.s32 s3, s9;
	s6 =	sadd.s32 @!p0 $0x88, s6;
	s7 =	simm.s32 @p2 $0x1082  }
0x22: {  	[simem:s7], [sflag:s8] =	dma.local @!p0 [hbm:s6], $0xF7A  }
0x23: {  	s9 =	sor.u32 $0xD0000000, s2;
	s6 =	simm.s32 $0x108;
	_ =	swait.ge @!p0 [sflag:s8], $0x0  }
0x24: {  	s3 =	sadd.s32 $0x88, s3;
	s6 =	simm.s32 @!p1 $0x1082;
	[sflag:s4] =	ssyncset.s32 $0xFFFFF086  }
0x25: {  	[simem:s6], [sflag:s4] =	dma.local [hbm:s3], $0xF7A  }
0x26: {  	[smem:$0x3F93] =	sst s1;
	(tag) =	ssettag s2;
	_ =	strace s9  }
0x27: {  	s1 =	sld [smem:$0x3FA3]  }
0x28: {  	s2 =	sld [smem:$0x3FA4]  }
0x29: {  	s4 =	sld [smem:$0x3FA6]  }
0x2a: {  	p0 =	seq.s32 s5, $0x0;
	s5 =	sld [smem:$0x3FA7]  }
0x2b: {  	s6 =	sld [smem:$0x3FA8]  }
0x2c: {  	s7 =	sld [smem:$0x3FA9]  }
0x2d: {  	s3 =	simm.s32 $0x108;
	s8 =	sld [smem:$0x3FAA]  }
0x2e: {  	s3 =	simm.s32 @!p0 $0x1082;
	s9 =	sld [smem:$0x3FAB]  }
0x2f: {  	lr =	sadd.s32 s0, s3;
	s0 =	sld [smem:$0x3FA2]  }
0x30: {  	s3 =	sld [smem:$0x3FA5]  }
0x31: {  	[smem:$0x3FAE] =	sst s10  }
0x32: {  	s10 =	sld [smem:$0x3FAC];
	_ =	sdelay $0x3  }
0x33: {  	p0 =	seq.s32 s10, $0x1;
	s10 =	sld [smem:$0x3FAE];
	_ =	sdelay $0x3  }
0x34: {  	[smem:$0x3FAE] =	sst s10  }
0x35: {  	s10 =	sld [smem:$0x3FAD];
	_ =	sdelay $0x3  }
0x36: {  	p1 =	seq.s32 s10, $0x1;
	s10 =	sld [smem:$0x3FAE];
	_ =	sdelay $0x3  }
0x37: {  	[smem:$0x3FAE] =	sst s10  }
0x38: {  	s10 =	sld [smem:$0x3FAF]  }
0x39: {  	_ = 	snop;
	(pc) =	sbr.ind lr, $3  }
0x3a: {  	_ = 	snop  }
0x3b: {  	_ = 	snop  }
0x3c: {  	p2 =	seq.s32 s10, $0x1;
	s10 =	sld [smem:$0x3FAE]  }
0x3d: {  	_ =	shalt  }
0x3e: {  	_ =	shalt  }
0x3f: {  	_ =	shalt  }
0x40: {  	_ =	shalt  }
0x41: {  	_ =	shalt  }
0x42: {  	_ =	shalt  }
0x43: {  	_ =	shalt  }
0x44: {  	_ =	shalt  }
0x45: {  	_ =	shalt  }
0x46: {  	_ =	shalt  }
0x47: {  	_ =	shalt  }
0x48: {  	_ =	shalt  }
0x49: {  	_ =	shalt  }
0x4a: {  	_ =	shalt  }
0x4b: {  	_ =	shalt  }
0x4c: {  	_ =	shalt  }
0x4d: {  	_ =	shalt  }
0x4e: {  	_ =	shalt  }
0x4f: {  	_ =	shalt  }
0x50: {  	_ =	shalt  }
0x51: {  	_ =	shalt  }
0x52: {  	_ =	shalt  }
0x53: {  	_ =	shalt  }
0x54: {  	_ =	shalt  }
0x55: {  	_ =	shalt  }
0x56: {  	_ =	shalt  }
0x57: {  	_ =	shalt  }
0x58: {  	_ =	shalt  }
0x59: {  	_ =	shalt  }
0x5a: {  	_ =	shalt  }
0x5b: {  	_ =	shalt  }
0x5c: {  	_ =	shalt  }
0x5d: {  	_ =	shalt  }
0x5e: {  	_ =	shalt  }
0x5f: {  	_ =	shalt  }
0x60: {  	_ =	shalt  }
0x61: {  	_ =	shalt  }
0x62: {  	_ =	shalt  }
0x63: {  	_ =	shalt  }
0x64: {  	_ =	shalt  }
0x65: {  	_ =	shalt  }
0x66: {  	_ =	shalt  }
0x67: {  	_ =	shalt  }
0x68: {  	_ =	shalt  }
0x69: {  	_ =	shalt  }
0x6a: {  	_ =	shalt  }
0x6b: {  	_ =	shalt  }
0x6c: {  	_ =	shalt  }
0x6d: {  	_ =	shalt  }
0x6e: {  	_ =	shalt  }
0x6f: {  	_ =	shalt  }
0x70: {  	_ =	shalt  }
0x71: {  	_ =	shalt  }
0x72: {  	_ =	shalt  }
0x73: {  	_ =	shalt  }
0x74: {  	_ =	shalt  }
0x75: {  	_ =	shalt  }
0x76: {  	_ =	shalt  }
0x77: {  	_ =	shalt  }
0x78: {  	_ =	shalt  }
0x79: {  	_ =	shalt  }
0x7a: {  	_ =	shalt  }
0x7b: {  	_ =	shalt  }
0x7c: {  	_ =	shalt  }
0x7d: {  	_ =	shalt  }
0x7e: {  	_ =	shalt  }
0x7f: {  	_ =	shalt  }
0x80: {  	_ =	shalt  }
0x81: {  	_ =	shalt  }
0x82: {  	_ =	shalt  }
0x83: {  	_ =	shalt  }
0x84: {  	_ =	shalt  }
0x85: {  	_ =	shalt  }
0x86: {  	_ =	shalt  }
0x87: {  	_ =	shalt  }
.Lfunc_end0:
.L_simem_size_0:
called_computation.2_lowered:
.L_overlay_start_0:
0x88: {  	s2 =	sld [smem:$0x3FD9]  }
0x89: {  	s3 =	sld [smem:$0x3FFE];
	_ =	sdelay $0x1  }
0x8a: {  	s1 =	srdreg.scid  }
0x8b: {  	s0 =	sand.u32 $0x1, s1  }
0x8c: {  	s17 =	sshll.u32 s0, $0xA;
	s2 =	sadd.s32 s3, s2  }
0x8d: {  	s2 =	sadd.s32 s2, s17  }
0x8e: {  	[smem:$0x3FBA] =	sst s2  }
0x8f: {  	_ = 	snop  }
0x90: {  	(tm) =	ssettm $0x1  }
0x91: {  	s18 =	sld [smem:$0x3FFB];
	_ =	sdelay $0x3  }
0x92: {  	_ =	strace s18  }
0x93: {  	s2 =	sld [smem:$0x3FFC];
	_ =	sdelay $0x3  }
0x94: {  	_ =	strace s2  }
0x95: {  	s2 =	sld [smem:$0x3FFD];
	_ =	sdelay $0x3  }
0x96: {  	_ =	strace s2  }
0x97: {  	_ =	strace $0x8FFFFFFF  }
0x98: {  	s19 =	sld [smem:$0x3FDB];
	_ =	sdelay $0x1  }
0x99: {  	s20 =	simm.s32 $_scs_section_size  }
0x9a: {  	s4 =	simm.s32 $_size__tile_overlayer_lowered;
	s5 =	simm.s32 $_tile_overlayer_lowered  }
0x9b: {  	s6 =	simm.s32 $0x1BFF;
	s21 =	sshll.u32 s5, $0x1;
	s3 =	sadd.s32 s20, s19  }
0x9c: {  	s22 =	simm.s32 $0x0;
	s4 =	sshll.u32 s4, $0x1;
	s5 =	sadd.s32 s21, s3  }
0x9d: {  	[timem:s22], [sflag:s6] =	dma.local [hbm:s5], s4  }
0x9e: {  	_ =	swait.ge [sflag:s6], s4  }
0x9f: {  	s4 =	ssub.s32 $0x0, s4;
	[sflag:s6] =	ssyncset.done $0x0  }
0xa0: {  	[sflag:s6] =	ssyncadd.s32 s4;
	_ =	sdelay $0x1  }
0xa1: {  	s23 =	simm.s32 $0x1B8B  }
0xa2: {  	_ =	swait.ge [sflag:s23], $0x1  }
0xa3: {  	[sflag:s23] =	ssyncset.done $0x0  }
0xa4: {  	[sflag:s23] =	ssyncadd.s32 $0xFFFFFFFF  }
0xa5: {  	s4 =	sld [smem:$0x0]  }
0xa6: {  	s5 =	sand.u32 $0xFFFFFFFE, s1  }
0xa7: {  	p0 =	sne.s32 s1, s5  }
0xa8: {  	s5 =	sshll.u32 @p0 s5, $0xE  }
0xa9: {  	s5 =	sadd.s32 @p0 $0x11B8D, s5;
	s6 =	sshll.u32 @p0 s4, $0x11  }
0xaa: {  	s5 =	sor.u32 @p0 s6, s5  }
0xab: {  	[sflag:s5] =	ssyncadd.remote.s32 @p0 $0x1;
	_ =	sdelay $0x1  }
0xac: {  	s5 =	simm.s32 @p0 $0x1B8D  }
0xad: {  	_ =	swait.eq @p0 [sflag:s5], $0x1  }
0xae: {  	[sflag:s5] =	ssyncadd.s32 @p0 $0xFFFFFFFF  }
0xaf: {  	s6 =	sshll.u32 @!p0 s1, $0xE  }
0xb0: {  	s6 =	sor.u32 @!p0 $0x4000, s6;
	s5 =	simm.s32 @!p0 $0x1B8D  }
0xb1: {  	s4 =	sshll.u32 @!p0 s4, $0x11;
	s6 =	sadd.s32 @!p0 $0x11B8D, s6;
	_ =	swait.eq @!p0 [sflag:s5], $0x1  }
0xb2: {  	s4 =	sor.u32 @!p0 s4, s6;
	[sflag:s5] =	ssyncadd.s32 @!p0 $0xFFFFFFFF  }
0xb3: {  	s25 =	simm.s32 $0x1B8E;
	s24 =	sld [smem:$0x3FFE];
	[sflag:s4] =	ssyncadd.remote.s32 @!p0 $0x1  }
0xb4: {  	s26 =	simm.s32 $execute0_lowered;
	[smem:$0x3FD2] =	sst s25  }
0xb5: {  	s5 =	sshll.u32 s26, $0x1;
	_ =	strace $0x8000004C;
	[dreg:$0x1] =	wrdreg $0xFFFFFFFF  }
0xb6: {  	s28 =	simm.s32 $_size_execute0_lowered;
	s3 =	sadd.s32 s3, s5;
	[dreg:$0x0] =	wrdreg $0x0  }
0xb7: {  	s5 =	sshll.u32 s28, $0x1;
	[dreg:$0x2] =	wrdreg s3  }
0xb8: {  	[dreg:$0x3] =	wrdreg s5  }
0xb9: {  	[dreg:$0x4] =	wrdreg $0xC0  }
0xba: {  	_ =	task [dreg:s22], $0x5FFFF  }
0xbb: {  	[dreg:$0x1] =	wrdreg $0xFFFFFFFF  }
0xbc: {  	[dreg:$0x0] =	wrdreg $0x60  }
0xbd: {  	[dreg:$0x2] =	wrdreg s24  }
0xbe: {  	[dreg:$0x3] =	wrdreg $0x91000  }
0xbf: {  	[dreg:$0x4] =	wrdreg $0xA  }
0xc0: {  	_ =	task.clear_ibuf [dreg:s22], $0x5FFFF;
	_ =	strace $0x9000004C  }
0xc1: {  	s29 =	simm.s32 $0xA;
	_ =	strace $0x8000004E  }
0xc2: {  	_ =	swait.ge [sflag:s29], $0x1  }
0xc3: {  	[sflag:s29] =	ssyncadd.s32 $0xFFFFFFFF  }
0xc4: {  	_ =	strace $0x9000004E  }
0xc5: {  	_ =	sfence  }
0xc6: {  	s30 =	sld [smem:$0x0];
	_ =	sdelay $0x2  }
0xc7: {  	s31 =	sshll.u32 s1, $0xD;
	s1 =	sshrl.u32 s1, $0x2  }
0xc8: {  	s4 =	sand.u32 $0x4000, s31;
	s1 =	sadd.s32 s1, s30  }
0xc9: {  	s0 =	sor.u32 s4, s0;
	s1 =	sshll.u32 s1, $0x11  }
0xca: {  	s0 =	sor.u32 s1, s0  }
0xcb: {  	s0 =	sadd.s32 $0x8F2B, s0  }
0xcc: {  	[sflag:s0] =	ssyncadd.remote.s32 $0x1  }
0xcd: {  	_ =	sfence.sel $0xFFFF  }
0xce: {  	[dreg:$0x0] =	wrdreg $0xFFFFFFFF;
	(pc) =	sbr.abs _section_cstart, $3  }
0xcf: {  	[dreg:$0x1] =	wrdreg $0xFFFFFFFF  }
0xd0: {  	_ =	task.clear_ibuf [dreg:s22], $0x2FFFF;
	_ =	strace $0x9FFFFFFF  }
0xd1: {  	(tm) =	ssettm $0x7FFFFFFF  }
tec
execute0_lowered:
.L_overlay_start_1:
0x0: {  	(tag) =	ssettag $0x1  }
0x1: {  	s0 =	rddreg [dreg:$0x0]  }
0x2: {  	s1 =	rddreg [dreg:$0x1];
	s3 =	simm.s32 $0x0  }
0x3: {  	s2 =	srdreg.scid;
	s11 =	stileid.u32;
	s29 =	simm.s32 $0x3  }
0x4: {  	s30 =	simm.s32 $0x4100;
	s31 =	simm.s32 $0x4000;
	[smem:$0x7FF] =	sst s3  }
0x5: {  	s2 =	sand.u32 $0x1, s2;
	s4 =	sadd.s32 $0x24A00, s0;
	s7 =	smul.u32 $0x280, s11  }
0x6: {  	s5 =	sshll.u32 s11, $0xF;
	s10 =	sadd.s32 $0x72E00, s0;
	s17 =	smul.u32 $0x50000, s11  }
0x7: {  	_ =	strace $0x8000004D;
	s6 =	sshll.u32 s2, $0xE;
	s16 =	ssub.s32 $0x2, s2  }
0x8: {  	s2 =	smul.u32 $0x2800, s2;
	s5 =	sor.u32 s6, s5;
	s9 =	sshrl.u32 s16, $0x1  }
0x9: {  	s11 =	sor.u32 $0x50, s7;
	s20 =	sadd.s32 $0xA0, s7;
	s21 =	sadd.s32 $0xF0, s7  }
0xa: {  	s22 =	sadd.s32 $0x140, s7;
	s23 =	sadd.s32 $0x190, s7;
	s24 =	sadd.s32 $0x1E0, s7  }
0xb: {  	s17 =	sshrl.u32 s17, $0x2;
	s8 =	sshrl.u32 s5, $0x3;
	s6 =	ssub.s32 s16, s9  }
0xc: {  	s12 =	sadd.s32 s2, s7;
	s13 =	sadd.s32 s2, s11;
	s7 =	sadd.s32 $0x230, s7  }
0xd: {  	s19 =	sadd.s32 s2, s20;
	s25 =	sadd.s32 s2, s21;
	s14 =	sadd.s32 s2, s22  }
0xe: {  	s15 =	sadd.s32 s2, s24;
	s17 =	sadd.s32 s17, s1;
	s20 =	sshll.u32 s20, $0x7  }
0xf: {  	s21 =	sshll.u32 s21, $0x7;
	s22 =	sshll.u32 s22, $0x7;
	s9 =	simm.s32 $0x0  }
0x10: {  	s12 =	sshll.u32 s12, $0x4;
	s18 =	sshll.u32 s13, $0x4;
	s13 =	sshll.u32 s25, $0x4  }
0x11: {  	s20 =	sadd.s32 s20, s1;
	s21 =	sadd.s32 s21, s1;
	s22 =	sadd.s32 s22, s1  }
0x12: {  	s25 =	sshll.u32 s24, $0x7;
	s12 =	sadd.s32 s10, s12;
	s26 =	sadd.s32 s10, s13  }
0x13: {  	s13 =	sshll.u32 s14, $0x4;
	s14 =	sadd.s32 s2, s23;
	s2 =	sadd.s32 s2, s7  }
0x14: {  	s23 =	sshll.u32 s23, $0x7;
	s24 =	sadd.s32 s25, s1;
	[dreg:$0x3] =	wrdreg s12  }
0x15: {  	s12 =	sadd.s32 s10, s18;
	[dreg:$0x6] =	wrdreg s26;
	s2 =	sshll.u32 s2, $0x4  }
0x16: {  	s18 =	smax.u32 s6, $0x1;
	s23 =	sadd.s32 s23, s1;
	s26 =	sshll.u32 s7, $0x7  }
0x17: {  	s6 =	simm.s32 $0x6900;
	s7 =	simm.s32 $0x1;
	[dreg:$0x4] =	wrdreg s12  }
0x18: {  	s12 =	sshll.u32 s19, $0x4;
	s2 =	sadd.s32 s10, s2;
	[dreg:$0xc] =	wrdreg s18  }
0x19: {  	s19 =	sshll.u32 s11, $0x7;
	s12 =	sadd.s32 s10, s12;
	[dreg:$0xa] =	wrdreg s2  }
0x1a: {  	s25 =	sadd.s32 s26, s1;
	[dreg:$0x5] =	wrdreg s12;
	s12 =	sadd.s32 s10, s13  }
0x1b: {  	s19 =	sadd.s32 s19, s1;
	s13 =	sshll.u32 s15, $0x4;
	[dreg:$0x7] =	wrdreg s12  }
0x1c: {  	s12 =	sshll.u32 s14, $0x4;
	s16 =	sadd.s32 s10, s13;
	s14 =	sadd.s32 $0xC4A00, s0  }
0x1d: {  	s0 =	sadd.s32 s8, s0;
	s12 =	sadd.s32 s10, s12;
	[dreg:$0x9] =	wrdreg s16  }
0x1e: {  	s2 =	simm.s32 $0x4080;
	s0 =	sadd.s32 $0xD4A00, s0;
	[dreg:$0x8] =	wrdreg s12  }
0x1f: {  	s16 =	sadd.s32 s14, s8;
	s8 =	simm.s32 $0x2;
	[dreg:$0xb] =	wrdreg s0  }
0x20: {  	v0 =	vimm.f32 $0.0e+00;
	s26 =	sadd.s32 $0x10, s16;
	s28 =	sadd.s32 $0x7C0, s16;
	s0 =	simm.s32 $0x50  }
.LBB2_1:
0x21: {  	s10 =	rddreg [dreg:$0xb]  }
0x22: {  	[tilespmem:s3], [sflag:$0x3] =	stream.linear.gather [hbm4b:s10+s3], $0x3E80, $0x38;
	[tilespmem:$0x1D100] =	vst v63  }
0x23: {  	_ =	swait.ge [sflag:s29], $0x3E80  }
0x24: {  	[sflag:s29] =	ssyncset.done $0x0  }
0x25: {  	s11 =	simm.s32 $0x3C0;
	s10 =	simm.s32 $0x70;
	[sflag:s29] =	ssyncadd.s32 $0xFFFFC180  }
.LBB2_2:
0x26: {  	p0 =	sne.s32 s11, $0x9FC0;
	[tilespmem:s10+$0x4100] =	vst v0  }
0x27: {  	[tilespmem:s10+$0x4090] =	vst v0  }
0x28: {  	[tilespmem:s10+$0x40A0] =	vst v0  }
.Ltmp0:
0x29: {  	[tilespmem:s10+$0x40B0] =	vst v0;
	(pc) =	sbr.rel @p0 .LBB2_2-.Ltmp0, $4  }
0x2a: {  	[tilespmem:s10+$0x40C0] =	vst v0  }
0x2b: {  	[tilespmem:s10+$0x40D0] =	vst v0  }
0x2c: {  	[tilespmem:s10+$0x40E0] =	vst v0  }
0x2d: {  	[tilespmem:s10+$0x40F0] =	vst v0;
	s10 =	sshra.s32 s11, $0x2;
	s11 =	sadd.s32 $0x200, s11  }
0x2e: {  	[tilespmem:s10+$0x4100] =	vst v0  }
0x2f: {  	[tilespmem:s10+$0x4090] =	vst v0  }
0x30: {  	[tilespmem:s10+$0x40A0] =	vst v0  }
0x31: {  	[tilespmem:s10+$0x40B0] =	vst v0  }
0x32: {  	[tilespmem:s10+$0x40C0] =	vst v0  }
0x33: {  	[tilespmem:s10+$0x40D0] =	vst v0  }
0x34: {  	[tilespmem:s10+$0x40E0] =	vst v0  }
0x35: {  	[tilespmem:s10+$0x40F0] =	vst v0  }
0x36: {  	[spmem:s17] =	stream.linear.scatter [tilespmem:s30], [sflag:$0x3], $0x2800, $0x38;
	[tilespmem:$0x1D100] =	vst v63  }
0x37: {  	_ =	swait.ge [sflag:s29], $0x2800  }
0x38: {  	[sflag:s29] =	ssyncset.done $0x0  }
0x39: {  	[sflag:s29] =	ssyncadd.s32 $0xFFFFD800  }
0x3a: {  	[spmem:s19] =	stream.linear.scatter [tilespmem:s30], [sflag:$0x3], $0x2800, $0x38;
	[tilespmem:$0x1D100] =	vst v63  }
0x3b: {  	_ =	swait.ge [sflag:s29], $0x2800  }
0x3c: {  	[sflag:s29] =	ssyncset.done $0x0  }
0x3d: {  	[sflag:s29] =	ssyncadd.s32 $0xFFFFD800  }
0x3e: {  	[spmem:s20] =	stream.linear.scatter [tilespmem:s30], [sflag:$0x3], $0x2800, $0x38;
	[tilespmem:$0x1D100] =	vst v63  }
0x3f: {  	_ =	swait.ge [sflag:s29], $0x2800  }
0x40: {  	[sflag:s29] =	ssyncset.done $0x0  }
0x41: {  	[sflag:s29] =	ssyncadd.s32 $0xFFFFD800  }
0x42: {  	[spmem:s21] =	stream.linear.scatter [tilespmem:s30], [sflag:$0x3], $0x2800, $0x38;
	[tilespmem:$0x1D100] =	vst v63  }
0x43: {  	_ =	swait.ge [sflag:s29], $0x2800  }
0x44: {  	[sflag:s29] =	ssyncset.done $0x0  }
0x45: {  	[sflag:s29] =	ssyncadd.s32 $0xFFFFD800  }
0x46: {  	[spmem:s22] =	stream.linear.scatter [tilespmem:s30], [sflag:$0x3], $0x2800, $0x38;
	[tilespmem:$0x1D100] =	vst v63  }
0x47: {  	_ =	swait.ge [sflag:s29], $0x2800  }
0x48: {  	[sflag:s29] =	ssyncset.done $0x0  }
0x49: {  	[sflag:s29] =	ssyncadd.s32 $0xFFFFD800  }
0x4a: {  	[spmem:s23] =	stream.linear.scatter [tilespmem:s30], [sflag:$0x3], $0x2800, $0x38;
	[tilespmem:$0x1D100] =	vst v63  }
0x4b: {  	_ =	swait.ge [sflag:s29], $0x2800  }
0x4c: {  	[sflag:s29] =	ssyncset.done $0x0  }
0x4d: {  	[sflag:s29] =	ssyncadd.s32 $0xFFFFD800  }
0x4e: {  	[spmem:s24] =	stream.linear.scatter [tilespmem:s30], [sflag:$0x3], $0x2800, $0x38;
	[tilespmem:$0x1D100] =	vst v63  }
0x4f: {  	_ =	swait.ge [sflag:s29], $0x2800  }
0x50: {  	[sflag:s29] =	ssyncset.done $0x0  }
0x51: {  	[sflag:s29] =	ssyncadd.s32 $0xFFFFD800  }
0x52: {  	[spmem:s25] =	stream.linear.scatter [tilespmem:s30], [sflag:$0x3], $0x2800, $0x38;
	[tilespmem:$0x1D100] =	vst v63  }
0x53: {  	_ =	swait.ge [sflag:s29], $0x2800  }
0x54: {  	[sflag:s29] =	ssyncset.done $0x0  }
0x55: {  	[sflag:s29] =	ssyncadd.s32 $0xFFFFD800  }
0x56: {  	[bflag:$0x0] =	sbarrier.arrive $0xFFFF  }
0x57: {  	[tilespmem:s31], [sflag:$0x3] =	stream.linear.gather [hbm4b:s16+s3], $0x80, $0x38;
	[tilespmem:$0x1D100] =	vst v63  }
0x58: {  	_ =	swait.ge [sflag:s29], $0x80  }
0x59: {  	[sflag:s29] =	ssyncset.done $0x0  }
0x5a: {  	[sflag:s29] =	ssyncadd.s32 $0xFFFFFF80  }
0x5b: {  	[tilespmem:s30], [sflag:$0x1] =	stream.indirect.gather [hbm4b:s4+s0], $0x80, s31, s0, $0xb8;
	[tilespmem:$0x1D100] =	vst v63  }
0x5c: {  	_ = 	snop  }
0x5d: {  	[tilespmem:s2], [sflag:$0x3] =	stream.linear.gather [hbm4b:s26+s3], $0x80, $0x38;
	[tilespmem:$0x1D100] =	vst v63  }
0x5e: {  	_ =	swait.ge [sflag:s29], $0x80  }
0x5f: {  	[sflag:s29] =	ssyncset.done $0x0  }
0x60: {  	[sflag:s29] =	ssyncadd.s32 $0xFFFFFF80  }
0x61: {  	[tilespmem:s6], [sflag:$0x2] =	stream.indirect.gather [hbm4b:s4+s0], $0x80, s2, s0, $0xb8;
	[tilespmem:$0x1D100] =	vst v63  }
0x62: {  	s13 =	simm.s32 $0x100;
	_ =	swait.ge [sflag:s7], $0x2800  }
0x63: {  	s11 =	simm.s32 $0x0;
	s12 =	sand.u32 $0x7C00, s13;
	[sflag:s7] =	ssyncset.done $0x0  }
0x64: {  	s10 =	sand.u32 $0x300, s13;
	s12 =	sadd.s32 s5, s12;
	[sflag:s7] =	ssyncadd.s32 $0xFFFFD800  }
0x65: {  	[spmem:s1] =	stream.indirect.scatter.add.f32 [tilespmem:s30], [sflag:$0x3], $0x80, s11, s0, $0xb8;
	[tilespmem:$0x1D100] =	vst v63  }
0x66: {  	s10 =	sor.u32 s10, s12;
	_ =	swait.ge [sflag:s29], $0x2800  }
0x67: {  	s10 =	sshrl.u32 s10, $0x3;
	[sflag:s29] =	ssyncset.done $0x0  }
0x68: {  	s10 =	sadd.s32 s14, s10;
	[sflag:s29] =	ssyncadd.s32 $0xFFFFD800  }
0x69: {  	[tilespmem:s31], [sflag:$0x3] =	stream.linear.gather [hbm4b:s10+s3], $0x80, $0x38;
	[tilespmem:$0x1D100] =	vst v63  }
0x6a: {  	_ =	swait.ge [sflag:s29], $0x80  }
0x6b: {  	[sflag:s29] =	ssyncset.done $0x0  }
0x6c: {  	s15 =	simm.s32 $0x180;
	[sflag:s29] =	ssyncadd.s32 $0xFFFFFF80  }
0x6d: {  	[tilespmem:s30], [sflag:$0x1] =	stream.indirect.gather [hbm4b:s4+s0], $0x80, s31, s0, $0xb8;
	[tilespmem:$0x1D100] =	vst v63  }
0x6e: {  	s18 =	sand.u32 $0x7C00, s15;
	_ =	swait.ge [sflag:s8], $0x2800  }
0x6f: {  	s12 =	sadd.s32 s5, s18;
	[sflag:s8] =	ssyncset.done $0x0  }
0x70: {  	s11 =	sand.u32 $0x380, s15;
	s10 =	simm.s32 $0x80;
	[sflag:s8] =	ssyncadd.s32 $0xFFFFD800  }
0x71: {  	[spmem:s1] =	stream.indirect.scatter.add.f32 [tilespmem:s6], [sflag:$0x3], $0x80, s10, s0, $0xb8;
	[tilespmem:$0x1D100] =	vst v63  }
0x72: {  	s11 =	sor.u32 s11, s12;
	_ =	swait.ge [sflag:s29], $0x2800  }
0x73: {  	s11 =	sshrl.u32 s11, $0x3;
	[sflag:s29] =	ssyncset.done $0x0  }
0x74: {  	s11 =	sadd.s32 s14, s11;
	[sflag:s29] =	ssyncadd.s32 $0xFFFFD800  }
0x75: {  	[tilespmem:s2], [sflag:$0x3] =	stream.linear.gather [hbm4b:s11+s3], $0x80, $0x38;
	[tilespmem:$0x1D100] =	vst v63  }
0x76: {  	_ =	swait.ge [sflag:s29], $0x80  }
0x77: {  	s11 =	simm.s32 $0x280;
	[sflag:s29] =	ssyncset.done $0x0  }
.LBB2_4:
0x78: {  	p0 =	sne.s32 s11, $0x3D80  }
0x79: {  	[sflag:s29] =	ssyncadd.s32 $0xFFFFFF80;
	s10 =	sadd.s32 $0x100, s10;
	s12 =	smov.u32 s11  }
0x7a: {  	[tilespmem:s6], [sflag:$0x2] =	stream.indirect.gather [hbm4b:s4+s0], $0x80, s2, s0, $0xb8;
	[tilespmem:$0x1D100] =	vst v63  }
0x7b: {  	s15 =	sadd.s32 $0xFFFFFF80, s11;
	s13 =	sadd.s32 $0xFFFFFF80, s10;
	_ =	swait.ge [sflag:s7], $0x2800  }
0x7c: {  	s18 =	sand.u32 $0x7C00, s15;
	s15 =	sand.u32 $0x300, s15;
	[sflag:s7] =	ssyncset.done $0x0  }
0x7d: {  	s11 =	sadd.s32 $0x100, s11;
	s18 =	sadd.s32 s5, s18;
	[sflag:s7] =	ssyncadd.s32 $0xFFFFD800  }
0x7e: {  	[spmem:s1] =	stream.indirect.scatter.add.f32 [tilespmem:s30], [sflag:$0x3], $0x80, s13, s0, $0xb8;
	[tilespmem:$0x1D100] =	vst v63  }
0x7f: {  	s13 =	sor.u32 s15, s18;
	_ =	swait.ge [sflag:s29], $0x2800  }
0x80: {  	s13 =	sshrl.u32 s13, $0x3;
	[sflag:s29] =	ssyncset.done $0x0  }
0x81: {  	s13 =	sadd.s32 s14, s13;
	[sflag:s29] =	ssyncadd.s32 $0xFFFFD800  }
0x82: {  	[tilespmem:s31], [sflag:$0x3] =	stream.linear.gather [hbm4b:s13+s3], $0x80, $0x38;
	[tilespmem:$0x1D100] =	vst v63  }
0x83: {  	_ =	swait.ge [sflag:s29], $0x80  }
0x84: {  	[sflag:s29] =	ssyncset.done $0x0  }
0x85: {  	[sflag:s29] =	ssyncadd.s32 $0xFFFFFF80  }
0x86: {  	[tilespmem:s30], [sflag:$0x1] =	stream.indirect.gather [hbm4b:s4+s0], $0x80, s31, s0, $0xb8;
	[tilespmem:$0x1D100] =	vst v63  }
0x87: {  	_ =	swait.ge [sflag:s8], $0x2800  }
0x88: {  	s13 =	sand.u32 $0x7C00, s12;
	[sflag:s8] =	ssyncset.done $0x0  }
0x89: {  	s12 =	sand.u32 $0x380, s12;
	s13 =	sadd.s32 s5, s13;
	[sflag:s8] =	ssyncadd.s32 $0xFFFFD800  }
0x8a: {  	[spmem:s1] =	stream.indirect.scatter.add.f32 [tilespmem:s6], [sflag:$0x3], $0x80, s10, s0, $0xb8;
	[tilespmem:$0x1D100] =	vst v63  }
0x8b: {  	s12 =	sor.u32 s12, s13;
	_ =	swait.ge [sflag:s29], $0x2800  }
.Ltmp1:
0x8c: {  	s12 =	sshrl.u32 s12, $0x3;
	[sflag:s29] =	ssyncset.done $0x0;
	(pc) =	sbr.rel @p0 .LBB2_4-.Ltmp1, $4  }
0x8d: {  	s12 =	sadd.s32 s14, s12;
	[sflag:s29] =	ssyncadd.s32 $0xFFFFD800  }
0x8e: {  	[tilespmem:s2], [sflag:$0x3] =	stream.linear.gather [hbm4b:s12+s3], $0x80, $0x38;
	[tilespmem:$0x1D100] =	vst v63  }
0x8f: {  	_ =	swait.ge [sflag:s29], $0x80  }
0x90: {  	[sflag:s29] =	ssyncset.done $0x0  }
0x91: {  	[sflag:s29] =	ssyncadd.s32 $0xFFFFFF80  }
0x92: {  	[tilespmem:s6], [sflag:$0x2] =	stream.indirect.gather [hbm4b:s4+s0], $0x80, s2, s0, $0xb8;
	[tilespmem:$0x1D100] =	vst v63  }
0x93: {  	_ =	swait.ge [sflag:s7], $0x2800  }
0x94: {  	[sflag:s7] =	ssyncset.done $0x0  }
0x95: {  	s10 =	simm.s32 $0x3D00;
	[sflag:s7] =	ssyncadd.s32 $0xFFFFD800  }
0x96: {  	[spmem:s1] =	stream.indirect.scatter.add.f32 [tilespmem:s30], [sflag:$0x3], $0x80, s10, s0, $0xb8;
	[tilespmem:$0x1D100] =	vst v63  }
0x97: {  	_ =	swait.ge [sflag:s29], $0x2800  }
0x98: {  	[sflag:s29] =	ssyncset.done $0x0  }
0x99: {  	[sflag:s29] =	ssyncadd.s32 $0xFFFFD800  }
0x9a: {  	[tilespmem:s31], [sflag:$0x3] =	stream.linear.gather [hbm4b:s28+s3], $0x80, $0x38;
	[tilespmem:$0x1D100] =	vst v63  }
0x9b: {  	_ =	swait.ge [sflag:s29], $0x80  }
0x9c: {  	[sflag:s29] =	ssyncset.done $0x0  }
0x9d: {  	[sflag:s29] =	ssyncadd.s32 $0xFFFFFF80  }
0x9e: {  	[tilespmem:s30], [sflag:$0x1] =	stream.indirect.gather [hbm4b:s4+s0], $0x80, s31, s0, $0xb8;
	[tilespmem:$0x1D100] =	vst v63  }
0x9f: {  	_ =	swait.ge [sflag:s8], $0x2800  }
0xa0: {  	[sflag:s8] =	ssyncset.done $0x0  }
0xa1: {  	s18 =	simm.s32 $0x3D80;
	[sflag:s8] =	ssyncadd.s32 $0xFFFFD800  }
0xa2: {  	[spmem:s1] =	stream.indirect.scatter.add.f32 [tilespmem:s6], [sflag:$0x3], $0x80, s18, s0, $0xb8;
	[tilespmem:$0x1D100] =	vst v63  }
0xa3: {  	_ =	swait.ge [sflag:s29], $0x2800  }
0xa4: {  	[sflag:s29] =	ssyncset.done $0x0  }
0xa5: {  	[sflag:s29] =	ssyncadd.s32 $0xFFFFD800  }
0xa6: {  	_ =	swait.ge [sflag:s7], $0x2800  }
0xa7: {  	[sflag:s7] =	ssyncset.done $0x0  }
0xa8: {  	s11 =	simm.s32 $0x3E00;
	[sflag:s7] =	ssyncadd.s32 $0xFFFFD800  }
0xa9: {  	[spmem:s1] =	stream.indirect.scatter.add.f32 [tilespmem:s30], [sflag:$0x3], $0x80, s11, s0, $0xb8;
	[tilespmem:$0x1D100] =	vst v63  }
0xaa: {  	_ =	swait.ge [sflag:s29], $0x2800  }
0xab: {  	[sflag:s29] =	ssyncset.done $0x0  }
0xac: {  	[sflag:s29] =	ssyncadd.s32 $0xFFFFD800  }
0xad: {  	[bflag:$0x0] =	sbarrier.arrive $0xFFFF  }
0xae: {  	[tilespmem:s30], [sflag:$0x3] =	stream.linear.gather [spmem:s17], $0x2800, $0x38;
	[tilespmem:$0x1D100] =	vst v63  }
0xaf: {  	_ =	swait.ge [sflag:s29], $0x2800  }
0xb0: {  	[sflag:s29] =	ssyncset.done $0x0  }
0xb1: {  	s12 =	rddreg [dreg:$0x3];
	[sflag:s29] =	ssyncadd.s32 $0xFFFFD800  }
0xb2: {  	[hbm4b:s12+s3] =	stream.linear.scatter [tilespmem:s30], [sflag:$0x3], $0x2800, $0x38;
	[tilespmem:$0x1D100] =	vst v63  }
0xb3: {  	_ =	swait.ge [sflag:s29], $0x2800  }
0xb4: {  	[sflag:s29] =	ssyncset.done $0x0  }
0xb5: {  	[sflag:s29] =	ssyncadd.s32 $0xFFFFD800  }
0xb6: {  	[tilespmem:s30], [sflag:$0x3] =	stream.linear.gather [spmem:s19], $0x2800, $0x38;
	[tilespmem:$0x1D100] =	vst v63  }
0xb7: {  	_ =	swait.ge [sflag:s29], $0x2800  }
0xb8: {  	[sflag:s29] =	ssyncset.done $0x0  }
0xb9: {  	s13 =	rddreg [dreg:$0x4];
	[sflag:s29] =	ssyncadd.s32 $0xFFFFD800  }
0xba: {  	[hbm4b:s13+s3] =	stream.linear.scatter [tilespmem:s30], [sflag:$0x3], $0x2800, $0x38;
	[tilespmem:$0x1D100] =	vst v63  }
0xbb: {  	_ =	swait.ge [sflag:s29], $0x2800  }
0xbc: {  	[sflag:s29] =	ssyncset.done $0x0  }
0xbd: {  	[sflag:s29] =	ssyncadd.s32 $0xFFFFD800  }
0xbe: {  	[tilespmem:s30], [sflag:$0x3] =	stream.linear.gather [spmem:s20], $0x2800, $0x38;
	[tilespmem:$0x1D100] =	vst v63  }
0xbf: {  	_ =	swait.ge [sflag:s29], $0x2800  }
0xc0: {  	[sflag:s29] =	ssyncset.done $0x0  }
0xc1: {  	s15 =	rddreg [dreg:$0x5];
	[sflag:s29] =	ssyncadd.s32 $0xFFFFD800  }
0xc2: {  	[hbm4b:s15+s3] =	stream.linear.scatter [tilespmem:s30], [sflag:$0x3], $0x2800, $0x38;
	[tilespmem:$0x1D100] =	vst v63  }
0xc3: {  	_ =	swait.ge [sflag:s29], $0x2800  }
0xc4: {  	[sflag:s29] =	ssyncset.done $0x0  }
0xc5: {  	[sflag:s29] =	ssyncadd.s32 $0xFFFFD800  }
0xc6: {  	[tilespmem:s30], [sflag:$0x3] =	stream.linear.gather [spmem:s21], $0x2800, $0x38;
	[tilespmem:$0x1D100] =	vst v63  }
0xc7: {  	_ =	swait.ge [sflag:s29], $0x2800  }
0xc8: {  	[sflag:s29] =	ssyncset.done $0x0  }
0xc9: {  	s18 =	rddreg [dreg:$0x6];
	[sflag:s29] =	ssyncadd.s32 $0xFFFFD800  }
0xca: {  	[hbm4b:s18+s3] =	stream.linear.scatter [tilespmem:s30], [sflag:$0x3], $0x2800, $0x38;
	[tilespmem:$0x1D100] =	vst v63  }
0xcb: {  	_ =	swait.ge [sflag:s29], $0x2800  }
0xcc: {  	[sflag:s29] =	ssyncset.done $0x0  }
0xcd: {  	[sflag:s29] =	ssyncadd.s32 $0xFFFFD800  }
0xce: {  	[tilespmem:s30], [sflag:$0x3] =	stream.linear.gather [spmem:s22], $0x2800, $0x38;
	[tilespmem:$0x1D100] =	vst v63  }
0xcf: {  	_ =	swait.ge [sflag:s29], $0x2800  }
0xd0: {  	[sflag:s29] =	ssyncset.done $0x0  }
0xd1: {  	s11 =	rddreg [dreg:$0x7];
	[sflag:s29] =	ssyncadd.s32 $0xFFFFD800  }
0xd2: {  	[hbm4b:s11+s3] =	stream.linear.scatter [tilespmem:s30], [sflag:$0x3], $0x2800, $0x38;
	[tilespmem:$0x1D100] =	vst v63  }
0xd3: {  	_ =	swait.ge [sflag:s29], $0x2800  }
0xd4: {  	[sflag:s29] =	ssyncset.done $0x0  }
0xd5: {  	[sflag:s29] =	ssyncadd.s32 $0xFFFFD800  }
0xd6: {  	[tilespmem:s30], [sflag:$0x3] =	stream.linear.gather [spmem:s23], $0x2800, $0x38;
	[tilespmem:$0x1D100] =	vst v63  }
0xd7: {  	_ =	swait.ge [sflag:s29], $0x2800  }
0xd8: {  	[sflag:s29] =	ssyncset.done $0x0  }
0xd9: {  	s12 =	rddreg [dreg:$0x8];
	[sflag:s29] =	ssyncadd.s32 $0xFFFFD800  }
0xda: {  	[hbm4b:s12+s3] =	stream.linear.scatter [tilespmem:s30], [sflag:$0x3], $0x2800, $0x38;
	[tilespmem:$0x1D100] =	vst v63  }
0xdb: {  	_ =	swait.ge [sflag:s29], $0x2800  }
0xdc: {  	[sflag:s29] =	ssyncset.done $0x0  }
0xdd: {  	[sflag:s29] =	ssyncadd.s32 $0xFFFFD800  }
0xde: {  	[tilespmem:s30], [sflag:$0x3] =	stream.linear.gather [spmem:s24], $0x2800, $0x38;
	[tilespmem:$0x1D100] =	vst v63  }
0xdf: {  	_ =	swait.ge [sflag:s29], $0x2800  }
0xe0: {  	[sflag:s29] =	ssyncset.done $0x0  }
0xe1: {  	s13 =	rddreg [dreg:$0x9];
	[sflag:s29] =	ssyncadd.s32 $0xFFFFD800  }
0xe2: {  	[hbm4b:s13+s3] =	stream.linear.scatter [tilespmem:s30], [sflag:$0x3], $0x2800, $0x38;
	[tilespmem:$0x1D100] =	vst v63  }
0xe3: {  	_ =	swait.ge [sflag:s29], $0x2800  }
0xe4: {  	[sflag:s29] =	ssyncset.done $0x0  }
0xe5: {  	[sflag:s29] =	ssyncadd.s32 $0xFFFFD800  }
0xe6: {  	[tilespmem:s30], [sflag:$0x3] =	stream.linear.gather [spmem:s25], $0x2800, $0x38;
	[tilespmem:$0x1D100] =	vst v63  }
0xe7: {  	_ =	swait.ge [sflag:s29], $0x2800  }
0xe8: {  	[sflag:s29] =	ssyncset.done $0x0  }
0xe9: {  	s15 =	rddreg [dreg:$0xa];
	[sflag:s29] =	ssyncadd.s32 $0xFFFFD800  }
0xea: {  	[hbm4b:s15+s3] =	stream.linear.scatter [tilespmem:s30], [sflag:$0x3], $0x2800, $0x38;
	[tilespmem:$0x1D100] =	vst v63  }
0xeb: {  	_ =	swait.ge [sflag:s29], $0x2800  }
0xec: {  	s9 =	sadd.s32 $0x1, s9;
	s18 =	rddreg [dreg:$0xc]  }
0xed: {  	p0 =	sne.s32 s9, s18  }
.Ltmp2:
0xee: {  	_ = 	snop;
	(pc) =	sbr.rel @p0 .LBB2_1-.Ltmp2, $3  }
0xef: {  	_ =	sdelay $0x1  }
0xf0: {  	[sflag:s29] =	ssyncset.done $0x0  }
0xf1: {  	[sflag:s29] =	ssyncadd.s32 $0xFFFFD800  }
0xf2: {  	_ =	sfence.sel $0x180000  }
0xf3: {  	[bflag:$0x0] =	sbarrier.arrive $0xFFFF  }
0xf4: {  	_ =	strace $0x9000004D  }
0xf5: {  	s0 =	stileid.u32;
	[bflag:$0x2] =	sbarrier.arrive $0xFFFF  }
0xf6: {  	p0 =	sne.s32 s0, $0x0;
	s0 =	rddreg [dreg:$0x2]  }
0xf7: {  	s0 =	sadd.s32 @!p0 $0x100000, s0  }
0xf8: {  	[sflag:s0] =	ssyncadd.tile.s32 @!p0 $0x1;
	_ =	shalt  }
.Lfunc_end2:
_tile_overlayer_lowered:
.L_overlay_start_2:
0xf9: {  	(tag) =	ssettag $0x2  }
0xfa: {  	s0 =	rddreg [dreg:$0x0];
	s2 =	stileid.u32  }
0xfb: {  	s1 =	rddreg [dreg:$0x1];
	p0 =	sne.s32 s2, $0x0  }
0xfc: {  	s3 =	rddreg [dreg:$0x2];
	[bflag:$0x3] =	sbarrier.arrive $0xFFFF;
	s2 =	simm.s32 @!p0 $0x1C03  }
0xfd: {  	[timem:s3], [sflag:s2] =	dma.local @!p0 [hbm:s0], s1  }
0xfe: {  	s0 =	simm.s32 @!p0 $0x3  }
0xff: {  	_ =	swait.ge @!p0 [sflag:s0], s1  }
0x100: {  	s1 =	ssub.s32 @!p0 $0x0, s1;
	[sflag:s0] =	ssyncset.done @!p0 $0x0  }
0x101: {  	[sflag:s0] =	ssyncadd.s32 @!p0 s1  }
0x102: {  	[bflag:$0x3] =	sbarrier.arrive $0xFFFF  }
0x103: {  	_ =	shalt  }

// kernel: kernel.21.cloned.1.call-start
scs
__scs_entry_jumppad:
0x0: {  	(pc) =	sbr.rel $0x88, $3  }
0x1: {  	(tag) =	ssettag $0x0;
	lr =	simm.s32 $0x1  }
0x2: {  	[smem:$0x3F93] =	sst lr;
	_ =	strace $0xD0000000  }
0x3: {  	_ = 	snop  }
0x4: {  	_ = 	snop  }
0x5: {  	_ = 	snop  }
0x6: {  	_ = 	snop  }
0x7: {  	_ = 	snop  }
__scs_overlays_trampoline_lowered:
0x8: {  	[smem:$0x3FA2] =	sst s0  }
0x9: {  	[smem:$0x3FA3] =	sst s1  }
0xa: {  	[smem:$0x3FA4] =	sst s2  }
0xb: {  	[smem:$0x3FA5] =	sst s3  }
0xc: {  	[smem:$0x3FA6] =	sst s4  }
0xd: {  	[smem:$0x3FA7] =	sst s5  }
0xe: {  	[smem:$0x3FA8] =	sst s6  }
0xf: {  	[smem:$0x3FA9] =	sst s7  }
0x10: {  	[smem:$0x3FAA] =	sst s8  }
0x11: {  	[smem:$0x3FAB] =	sst s9;
	s0 =	simm.s32 @!p0 $0x0  }
0x12: {  	s1 =	sld [smem:$0x3F91];
	s0 =	simm.s32 @p0 $0x1  }
0x13: {  	[smem:$0x3FAC] =	sst s0;
	s0 =	simm.s32 @!p1 $0x0  }
0x14: {  	s2 =	sld [smem:$0x3F90];
	s0 =	simm.s32 @p1 $0x1  }
0x15: {  	[smem:$0x3FAD] =	sst s0;
	s0 =	simm.s32 @!p2 $0x0  }
0x16: {  	s3 =	sld [smem:$0x3FDB];
	s0 =	simm.s32 @p2 $0x1  }
0x17: {  	s4 =	simm.s32 $0x1BF5;
	[smem:$0x3FAF] =	sst s0  }
0x18: {  	s0 =	sld [smem:$0x3F92];
	_ =	swait.ge [sflag:s4], $0x0  }
0x19: {  	s7 =	sld [smem:$0x3F93]  }
0x1a: {  	s8 =	sadd.s32 $0xFFFFE003, lr  }
0x1b: {  	s9 =	sadd.s32 $0xFFFFFEF7, lr;
	s5 =	simm.s32 $0xFFFFFFFF;
	p2 =	slt.u32 s8, $0xFFFFF086  }
0x1c: {  	p1 =	slt.u32 s9, $0xF7A;
	s5 =	simm.s32 @!p2 $0x0  }
0x1d: {  	s5 =	simm.s32 @p1 $0x1;
	p0 =	seq.s32 s7, s2  }
0x1e: {  	s7 =	smul.u32 @!p0 $0xF7A, s2;
	p2 =	seq.s32 @!p0 s5, $0x0  }
0x1f: {  	s9 =	smul.u32 $0xF7A, s1;
	s8 =	simm.s32 @!p0 $0x1BF5;
	p2 =	por !p2, p0  }
0x20: {  	[sflag:s8] =	ssyncset.s32 @!p0 $0xFFFFF086;
	s6 =	sadd.s32 @!p0 s3, s7;
	s7 =	simm.s32 @!p0 $0x108  }
0x21: {  	s3 =	sadd.s32 s3, s9;
	s6 =	sadd.s32 @!p0 $0x88, s6;
	s7 =	simm.s32 @p2 $0x1082  }
0x22: {  	[simem:s7], [sflag:s8] =	dma.local @!p0 [hbm:s6], $0xF7A  }
0x23: {  	s9 =	sor.u32 $0xD0000000, s2;
	s6 =	simm.s32 $0x108;
	_ =	swait.ge @!p0 [sflag:s8], $0x0  }
0x24: {  	s3 =	sadd.s32 $0x88, s3;
	s6 =	simm.s32 @!p1 $0x1082;
	[sflag:s4] =	ssyncset.s32 $0xFFFFF086  }
0x25: {  	[simem:s6], [sflag:s4] =	dma.local [hbm:s3], $0xF7A  }
0x26: {  	[smem:$0x3F93] =	sst s1;
	(tag) =	ssettag s2;
	_ =	strace s9  }
0x27: {  	s1 =	sld [smem:$0x3FA3]  }
0x28: {  	s2 =	sld [smem:$0x3FA4]  }
0x29: {  	s4 =	sld [smem:$0x3FA6]  }
0x2a: {  	p0 =	seq.s32 s5, $0x0;
	s5 =	sld [smem:$0x3FA7]  }
0x2b: {  	s6 =	sld [smem:$0x3FA8]  }
0x2c: {  	s7 =	sld [smem:$0x3FA9]  }
0x2d: {  	s3 =	simm.s32 $0x108;
	s8 =	sld [smem:$0x3FAA]  }
0x2e: {  	s3 =	simm.s32 @!p0 $0x1082;
	s9 =	sld [smem:$0x3FAB]  }
0x2f: {  	lr =	sadd.s32 s0, s3;
	s0 =	sld [smem:$0x3FA2]  }
0x30: {  	s3 =	sld [smem:$0x3FA5]  }
0x31: {  	[smem:$0x3FAE] =	sst s10  }
0x32: {  	s10 =	sld [smem:$0x3FAC];
	_ =	sdelay $0x3  }
0x33: {  	p0 =	seq.s32 s10, $0x1;
	s10 =	sld [smem:$0x3FAE];
	_ =	sdelay $0x3  }
0x34: {  	[smem:$0x3FAE] =	sst s10  }
0x35: {  	s10 =	sld [smem:$0x3FAD];
	_ =	sdelay $0x3  }
0x36: {  	p1 =	seq.s32 s10, $0x1;
	s10 =	sld [smem:$0x3FAE];
	_ =	sdelay $0x3  }
0x37: {  	[smem:$0x3FAE] =	sst s10  }
0x38: {  	s10 =	sld [smem:$0x3FAF]  }
0x39: {  	_ = 	snop;
	(pc) =	sbr.ind lr, $3  }
0x3a: {  	_ = 	snop  }
0x3b: {  	_ = 	snop  }
0x3c: {  	p2 =	seq.s32 s10, $0x1;
	s10 =	sld [smem:$0x3FAE]  }
0x3d: {  	_ =	shalt  }
0x3e: {  	_ =	shalt  }
0x3f: {  	_ =	shalt  }
0x40: {  	_ =	shalt  }
0x41: {  	_ =	shalt  }
0x42: {  	_ =	shalt  }
0x43: {  	_ =	shalt  }
0x44: {  	_ =	shalt  }
0x45: {  	_ =	shalt  }
0x46: {  	_ =	shalt  }
0x47: {  	_ =	shalt  }
0x48: {  	_ =	shalt  }
0x49: {  	_ =	shalt  }
0x4a: {  	_ =	shalt  }
0x4b: {  	_ =	shalt  }
0x4c: {  	_ =	shalt  }
0x4d: {  	_ =	shalt  }
0x4e: {  	_ =	shalt  }
0x4f: {  	_ =	shalt  }
0x50: {  	_ =	shalt  }
0x51: {  	_ =	shalt  }
0x52: {  	_ =	shalt  }
0x53: {  	_ =	shalt  }
0x54: {  	_ =	shalt  }
0x55: {  	_ =	shalt  }
0x56: {  	_ =	shalt  }
0x57: {  	_ =	shalt  }
0x58: {  	_ =	shalt  }
0x59: {  	_ =	shalt  }
0x5a: {  	_ =	shalt  }
0x5b: {  	_ =	shalt  }
0x5c: {  	_ =	shalt  }
0x5d: {  	_ =	shalt  }
0x5e: {  	_ =	shalt  }
0x5f: {  	_ =	shalt  }
0x60: {  	_ =	shalt  }
0x61: {  	_ =	shalt  }
0x62: {  	_ =	shalt  }
0x63: {  	_ =	shalt  }
0x64: {  	_ =	shalt  }
0x65: {  	_ =	shalt  }
0x66: {  	_ =	shalt  }
0x67: {  	_ =	shalt  }
0x68: {  	_ =	shalt  }
0x69: {  	_ =	shalt  }
0x6a: {  	_ =	shalt  }
0x6b: {  	_ =	shalt  }
0x6c: {  	_ =	shalt  }
0x6d: {  	_ =	shalt  }
0x6e: {  	_ =	shalt  }
0x6f: {  	_ =	shalt  }
0x70: {  	_ =	shalt  }
0x71: {  	_ =	shalt  }
0x72: {  	_ =	shalt  }
0x73: {  	_ =	shalt  }
0x74: {  	_ =	shalt  }
0x75: {  	_ =	shalt  }
0x76: {  	_ =	shalt  }
0x77: {  	_ =	shalt  }
0x78: {  	_ =	shalt  }
0x79: {  	_ =	shalt  }
0x7a: {  	_ =	shalt  }
0x7b: {  	_ =	shalt  }
0x7c: {  	_ =	shalt  }
0x7d: {  	_ =	shalt  }
0x7e: {  	_ =	shalt  }
0x7f: {  	_ =	shalt  }
0x80: {  	_ =	shalt  }
0x81: {  	_ =	shalt  }
0x82: {  	_ =	shalt  }
0x83: {  	_ =	shalt  }
0x84: {  	_ =	shalt  }
0x85: {  	_ =	shalt  }
0x86: {  	_ =	shalt  }
0x87: {  	_ =	shalt  }
.Lfunc_end0:
.L_simem_size_0:
called_computation.3_lowered:
.L_overlay_start_0:
0x88: {  	s2 =	sld [smem:$0x3FD9]  }
0x89: {  	s3 =	sld [smem:$0x3FFE];
	_ =	sdelay $0x1  }
0x8a: {  	s1 =	srdreg.scid  }
0x8b: {  	s0 =	sand.u32 $0x1, s1  }
0x8c: {  	s15 =	sshll.u32 s0, $0xA;
	s2 =	sadd.s32 s3, s2  }
0x8d: {  	s2 =	sadd.s32 s2, s15  }
0x8e: {  	[smem:$0x3FBA] =	sst s2  }
0x8f: {  	_ = 	snop  }
0x90: {  	s2 =	sld [smem:$0x3FD0];
	_ =	sdelay $0x2  }
0x91: {  	s16 =	simm.s32 $0xB;
	s4 =	simm.s32 $0x10  }
0x92: {  	[smem:s4], [sflag:s16] =	dma.local [hbm:s2], $0x1  }
0x93: {  	_ =	swait.eq [sflag:s16], $0x1  }
0x94: {  	[sflag:s16] =	ssyncset.done $0x0  }
0x95: {  	[sflag:s16] =	ssyncadd.s32 $0xFFFFFFFF  }
0x96: {  	s17 =	sld [smem:$0x11];
	(tm) =	ssettm $0x1  }
0x97: {  	s18 =	sld [smem:$0x3FFB];
	_ =	sdelay $0x3  }
0x98: {  	_ =	strace s18  }
0x99: {  	s2 =	sld [smem:$0x3FFC];
	_ =	sdelay $0x3  }
0x9a: {  	_ =	strace s2  }
0x9b: {  	s2 =	sld [smem:$0x3FFD];
	_ =	sdelay $0x3  }
0x9c: {  	_ =	strace s2  }
0x9d: {  	_ =	strace $0x8FFFFFFF  }
0x9e: {  	s19 =	sld [smem:$0x3FDB];
	_ =	sdelay $0x1  }
0x9f: {  	s20 =	simm.s32 $_scs_section_size  }
0xa0: {  	s5 =	simm.s32 $_size__tile_overlayer_lowered;
	s6 =	simm.s32 $_tile_overlayer_lowered  }
0xa1: {  	s7 =	simm.s32 $0x1BFF;
	s21 =	sshll.u32 s6, $0x1;
	s4 =	sadd.s32 s20, s19  }
0xa2: {  	s22 =	simm.s32 $0x0;
	s5 =	sshll.u32 s5, $0x1;
	s6 =	sadd.s32 s21, s4  }
0xa3: {  	[timem:s22], [sflag:s7] =	dma.local [hbm:s6], s5  }
0xa4: {  	_ =	swait.ge [sflag:s7], s5  }
0xa5: {  	s5 =	ssub.s32 $0x0, s5;
	[sflag:s7] =	ssyncset.done $0x0  }
0xa6: {  	[sflag:s7] =	ssyncadd.s32 s5;
	_ =	sdelay $0x1  }
0xa7: {  	s23 =	simm.s32 $0x1B8B  }
0xa8: {  	_ =	swait.ge [sflag:s23], $0x1  }
0xa9: {  	[sflag:s23] =	ssyncset.done $0x0  }
0xaa: {  	[sflag:s23] =	ssyncadd.s32 $0xFFFFFFFF  }
0xab: {  	s5 =	sld [smem:$0x0]  }
0xac: {  	s6 =	sand.u32 $0xFFFFFFFE, s1  }
0xad: {  	p0 =	sne.s32 s1, s6  }
0xae: {  	s6 =	sshll.u32 @p0 s6, $0xE  }
0xaf: {  	s6 =	sadd.s32 @p0 $0x11B8D, s6;
	s7 =	sshll.u32 @p0 s5, $0x11  }
0xb0: {  	s6 =	sor.u32 @p0 s7, s6  }
0xb1: {  	[sflag:s6] =	ssyncadd.remote.s32 @p0 $0x1;
	_ =	sdelay $0x1  }
0xb2: {  	s6 =	simm.s32 @p0 $0x1B8D  }
0xb3: {  	_ =	swait.eq @p0 [sflag:s6], $0x1  }
0xb4: {  	[sflag:s6] =	ssyncadd.s32 @p0 $0xFFFFFFFF  }
0xb5: {  	s7 =	sshll.u32 @!p0 s1, $0xE  }
0xb6: {  	s7 =	sor.u32 @!p0 $0x4000, s7;
	s6 =	simm.s32 @!p0 $0x1B8D  }
0xb7: {  	s5 =	sshll.u32 @!p0 s5, $0x11;
	s7 =	sadd.s32 @!p0 $0x11B8D, s7;
	_ =	swait.eq @!p0 [sflag:s6], $0x1  }
0xb8: {  	s5 =	sor.u32 @!p0 s5, s7;
	[sflag:s6] =	ssyncadd.s32 @!p0 $0xFFFFFFFF  }
0xb9: {  	s25 =	simm.s32 $0x1B8E;
	s24 =	sld [smem:$0x3FFE];
	[sflag:s5] =	ssyncadd.remote.s32 @!p0 $0x1  }
0xba: {  	s26 =	simm.s32 $execute0_lowered;
	[smem:$0x3FD2] =	sst s25  }
0xbb: {  	s6 =	sshll.u32 s26, $0x1;
	_ =	strace $0x8000004F;
	[dreg:$0x1] =	wrdreg $0xFFFFFFFF  }
0xbc: {  	s28 =	simm.s32 $_size_execute0_lowered;
	s4 =	sadd.s32 s4, s6;
	[dreg:$0x0] =	wrdreg $0x0  }
0xbd: {  	s6 =	sshll.u32 s28, $0x1;
	[dreg:$0x2] =	wrdreg s4  }
0xbe: {  	[dreg:$0x3] =	wrdreg s6  }
0xbf: {  	[dreg:$0x4] =	wrdreg $0xC0  }
0xc0: {  	_ =	task [dreg:s22], $0x5FFFF  }
0xc1: {  	[dreg:$0x1] =	wrdreg $0xFFFFFFFF  }
0xc2: {  	[dreg:$0x0] =	wrdreg $0x60  }
0xc3: {  	[dreg:$0x2] =	wrdreg s17  }
0xc4: {  	[dreg:$0x3] =	wrdreg s24  }
0xc5: {  	[dreg:$0x4] =	wrdreg $0x91000  }
0xc6: {  	[dreg:$0x5] =	wrdreg $0x9  }
0xc7: {  	_ =	task.clear_ibuf [dreg:s22], $0x6FFFF;
	_ =	strace $0x9000004F  }
0xc8: {  	s29 =	simm.s32 $0x9;
	_ =	strace $0x80000051  }
0xc9: {  	_ =	swait.ge [sflag:s29], $0x1  }
0xca: {  	[sflag:s29] =	ssyncadd.s32 $0xFFFFFFFF  }
0xcb: {  	_ =	strace $0x90000051  }
0xcc: {  	_ =	sfence  }
0xcd: {  	s30 =	sld [smem:$0x0];
	_ =	sdelay $0x2  }
0xce: {  	s31 =	sshll.u32 s1, $0xD;
	s1 =	sshrl.u32 s1, $0x2  }
0xcf: {  	s4 =	sand.u32 $0x4000, s31;
	s1 =	sadd.s32 s1, s30  }
0xd0: {  	s0 =	sor.u32 s4, s0;
	s1 =	sshll.u32 s1, $0x11  }
0xd1: {  	s0 =	sor.u32 s1, s0  }
0xd2: {  	s0 =	sadd.s32 $0x8F2B, s0  }
0xd3: {  	[sflag:s0] =	ssyncadd.remote.s32 $0x1  }
0xd4: {  	_ =	sfence.sel $0xFFFF  }
0xd5: {  	[dreg:$0x0] =	wrdreg $0xFFFFFFFF;
	(pc) =	sbr.abs _section_cstart, $3  }
0xd6: {  	[dreg:$0x1] =	wrdreg $0xFFFFFFFF  }
0xd7: {  	_ =	task.clear_ibuf [dreg:s22], $0x2FFFF;
	_ =	strace $0x9FFFFFFF  }
0xd8: {  	(tm) =	ssettm $0x7FFFFFFF  }
0xd9: {  	_ =	shalt  }
tec
execute0_lowered:
.L_overlay_start_1:
0x0: {  	(tag) =	ssettag $0x1  }
0x1: {  	s1 =	rddreg [dreg:$0x0]  }
0x2: {  	s0 =	rddreg [dreg:$0x1]  }
0x3: {  	s2 =	rddreg [dreg:$0x2]  }
0x4: {  	s4 =	simm.s32 $0x0;
	s3 =	srdreg.scid;
	s11 =	stileid.u32  }
0x5: {  	s29 =	simm.s32 $0x3;
	s30 =	simm.s32 $0x4100;
	s31 =	simm.s32 $0x4000  }
0x6: {  	[smem:$0x7FF] =	sst s4;
	s3 =	sand.u32 $0x1, s3;
	s7 =	smul.u32 $0x280, s11  }
0x7: {  	s5 =	sshll.u32 s11, $0xF;
	s10 =	sadd.s32 $0xE4A00, s0;
	s17 =	smul.u32 $0x50000, s11  }
0x8: {  	_ =	strace $0x80000050;
	s6 =	sshll.u32 s3, $0xE;
	s16 =	ssub.s32 $0x2, s3  }
0x9: {  	s3 =	smul.u32 $0x2800, s3;
	s5 =	sor.u32 s6, s5;
	s9 =	sshrl.u32 s16, $0x1  }
0xa: {  	s11 =	sor.u32 $0x50, s7;
	s20 =	sadd.s32 $0xA0, s7;
	s21 =	sadd.s32 $0xF0, s7  }
0xb: {  	s22 =	sadd.s32 $0x140, s7;
	s23 =	sadd.s32 $0x190, s7;
	s24 =	sadd.s32 $0x1E0, s7  }
0xc: {  	s17 =	sshrl.u32 s17, $0x2;
	s8 =	sshrl.u32 s5, $0x3;
	s6 =	ssub.s32 s16, s9  }
0xd: {  	s12 =	sadd.s32 s3, s7;
	s13 =	sadd.s32 s3, s11;
	s7 =	sadd.s32 $0x230, s7  }
0xe: {  	s19 =	sadd.s32 s3, s20;
	s25 =	sadd.s32 s3, s21;
	s14 =	sadd.s32 s3, s22  }
0xf: {  	s15 =	sadd.s32 s3, s24;
	s17 =	sadd.s32 s17, s2;
	s20 =	sshll.u32 s20, $0x7  }
0x10: {  	s21 =	sshll.u32 s21, $0x7;
	s22 =	sshll.u32 s22, $0x7;
	s9 =	simm.s32 $0x0  }
0x11: {  	s12 =	sshll.u32 s12, $0x4;
	s18 =	sshll.u32 s13, $0x4;
	s13 =	sshll.u32 s25, $0x4  }
0x12: {  	s20 =	sadd.s32 s20, s2;
	s21 =	sadd.s32 s21, s2;
	s22 =	sadd.s32 s22, s2  }
0x13: {  	s25 =	sshll.u32 s24, $0x7;
	s12 =	sadd.s32 s10, s12;
	s26 =	sadd.s32 s10, s13  }
0x14: {  	s13 =	sshll.u32 s14, $0x4;
	s14 =	sadd.s32 s3, s23;
	s3 =	sadd.s32 s3, s7  }
0x15: {  	s23 =	sshll.u32 s23, $0x7;
	s24 =	sadd.s32 s25, s2;
	[dreg:$0x4] =	wrdreg s12  }
0x16: {  	s12 =	sadd.s32 s10, s18;
	[dreg:$0x7] =	wrdreg s26;
	s3 =	sshll.u32 s3, $0x4  }
0x17: {  	s18 =	smax.u32 s6, $0x1;
	s23 =	sadd.s32 s23, s2;
	s26 =	sshll.u32 s7, $0x7  }
0x18: {  	s6 =	simm.s32 $0x6900;
	s7 =	simm.s32 $0x1;
	[dreg:$0x5] =	wrdreg s12  }
0x19: {  	s12 =	sshll.u32 s19, $0x4;
	s3 =	sadd.s32 s10, s3;
	[dreg:$0xd] =	wrdreg s18  }
0x1a: {  	s19 =	sshll.u32 s11, $0x7;
	s12 =	sadd.s32 s10, s12;
	[dreg:$0xb] =	wrdreg s3  }
0x1b: {  	s25 =	sadd.s32 s26, s2;
	[dreg:$0x6] =	wrdreg s12;
	s12 =	sadd.s32 s10, s13  }
0x1c: {  	s19 =	sadd.s32 s19, s2;
	s13 =	sshll.u32 s15, $0x4;
	[dreg:$0x8] =	wrdreg s12  }
0x1d: {  	s12 =	sshll.u32 s14, $0x4;
	s16 =	sadd.s32 s10, s13;
	s14 =	sadd.s32 $0x4A00, s0  }
0x1e: {  	s0 =	sadd.s32 s8, s0;
	s12 =	sadd.s32 s10, s12;
	[dreg:$0xa] =	wrdreg s16  }
0x1f: {  	s3 =	simm.s32 $0x4080;
	s0 =	sadd.s32 $0x14A00, s0;
	[dreg:$0x9] =	wrdreg s12  }
0x20: {  	s16 =	sadd.s32 s14, s8;
	s8 =	simm.s32 $0x2;
	[dreg:$0xc] =	wrdreg s0  }
0x21: {  	v0 =	vimm.f32 $0.0e+00;
	s26 =	sadd.s32 $0x10, s16;
	s28 =	sadd.s32 $0x7C0, s16;
	s0 =	simm.s32 $0x50  }
.LBB2_1:
0x22: {  	s10 =	rddreg [dreg:$0xc]  }
0x23: {  	[tilespmem:s4], [sflag:$0x3] =	stream.linear.gather [hbm4b:s10+s4], $0x3E80, $0x38;
	[tilespmem:$0x1D100] =	vst v63  }
0x24: {  	_ =	swait.ge [sflag:s29], $0x3E80  }
0x25: {  	[sflag:s29] =	ssyncset.done $0x0  }
0x26: {  	s11 =	simm.s32 $0x3C0;
	s10 =	simm.s32 $0x70;
	[sflag:s29] =	ssyncadd.s32 $0xFFFFC180  }
.LBB2_2:
0x27: {  	p0 =	sne.s32 s11, $0x9FC0;
	[tilespmem:s10+$0x4100] =	vst v0  }
0x28: {  	[tilespmem:s10+$0x4090] =	vst v0  }
0x29: {  	[tilespmem:s10+$0x40A0] =	vst v0  }
.Ltmp0:
0x2a: {  	[tilespmem:s10+$0x40B0] =	vst v0;
	(pc) =	sbr.rel @p0 .LBB2_2-.Ltmp0, $4  }
0x2b: {  	[tilespmem:s10+$0x40C0] =	vst v0  }
0x2c: {  	[tilespmem:s10+$0x40D0] =	vst v0  }
0x2d: {  	[tilespmem:s10+$0x40E0] =	vst v0  }
0x2e: {  	[tilespmem:s10+$0x40F0] =	vst v0;
	s10 =	sshra.s32 s11, $0x2;
	s11 =	sadd.s32 $0x200, s11  }
0x2f: {  	[tilespmem:s10+$0x4100] =	vst v0  }
0x30: {  	[tilespmem:s10+$0x4090] =	vst v0  }
0x31: {  	[tilespmem:s10+$0x40A0] =	vst v0  }
0x32: {  	[tilespmem:s10+$0x40B0] =	vst v0  }
0x33: {  	[tilespmem:s10+$0x40C0] =	vst v0  }
0x34: {  	[tilespmem:s10+$0x40D0] =	vst v0  }
0x35: {  	[tilespmem:s10+$0x40E0] =	vst v0  }
0x36: {  	[tilespmem:s10+$0x40F0] =	vst v0  }
0x37: {  	[spmem:s17] =	stream.linear.scatter [tilespmem:s30], [sflag:$0x3], $0x2800, $0x38;
	[tilespmem:$0x1D100] =	vst v63  }
0x38: {  	_ =	swait.ge [sflag:s29], $0x2800  }
0x39: {  	[sflag:s29] =	ssyncset.done $0x0  }
0x3a: {  	[sflag:s29] =	ssyncadd.s32 $0xFFFFD800  }
0x3b: {  	[spmem:s19] =	stream.linear.scatter [tilespmem:s30], [sflag:$0x3], $0x2800, $0x38;
	[tilespmem:$0x1D100] =	vst v63  }
0x3c: {  	_ =	swait.ge [sflag:s29], $0x2800  }
0x3d: {  	[sflag:s29] =	ssyncset.done $0x0  }
0x3e: {  	[sflag:s29] =	ssyncadd.s32 $0xFFFFD800  }
0x3f: {  	[spmem:s20] =	stream.linear.scatter [tilespmem:s30], [sflag:$0x3], $0x2800, $0x38;
	[tilespmem:$0x1D100] =	vst v63  }
0x40: {  	_ =	swait.ge [sflag:s29], $0x2800  }
0x41: {  	[sflag:s29] =	ssyncset.done $0x0  }
0x42: {  	[sflag:s29] =	ssyncadd.s32 $0xFFFFD800  }
0x43: {  	[spmem:s21] =	stream.linear.scatter [tilespmem:s30], [sflag:$0x3], $0x2800, $0x38;
	[tilespmem:$0x1D100] =	vst v63  }
0x44: {  	_ =	swait.ge [sflag:s29], $0x2800  }
0x45: {  	[sflag:s29] =	ssyncset.done $0x0  }
0x46: {  	[sflag:s29] =	ssyncadd.s32 $0xFFFFD800  }
0x47: {  	[spmem:s22] =	stream.linear.scatter [tilespmem:s30], [sflag:$0x3], $0x2800, $0x38;
	[tilespmem:$0x1D100] =	vst v63  }
0x48: {  	_ =	swait.ge [sflag:s29], $0x2800  }
0x49: {  	[sflag:s29] =	ssyncset.done $0x0  }
0x4a: {  	[sflag:s29] =	ssyncadd.s32 $0xFFFFD800  }
0x4b: {  	[spmem:s23] =	stream.linear.scatter [tilespmem:s30], [sflag:$0x3], $0x2800, $0x38;
	[tilespmem:$0x1D100] =	vst v63  }
0x4c: {  	_ =	swait.ge [sflag:s29], $0x2800  }
0x4d: {  	[sflag:s29] =	ssyncset.done $0x0  }
0x4e: {  	[sflag:s29] =	ssyncadd.s32 $0xFFFFD800  }
0x4f: {  	[spmem:s24] =	stream.linear.scatter [tilespmem:s30], [sflag:$0x3], $0x2800, $0x38;
	[tilespmem:$0x1D100] =	vst v63  }
0x50: {  	_ =	swait.ge [sflag:s29], $0x2800  }
0x51: {  	[sflag:s29] =	ssyncset.done $0x0  }
0x52: {  	[sflag:s29] =	ssyncadd.s32 $0xFFFFD800  }
0x53: {  	[spmem:s25] =	stream.linear.scatter [tilespmem:s30], [sflag:$0x3], $0x2800, $0x38;
	[tilespmem:$0x1D100] =	vst v63  }
0x54: {  	_ =	swait.ge [sflag:s29], $0x2800  }
0x55: {  	[sflag:s29] =	ssyncset.done $0x0  }
0x56: {  	[sflag:s29] =	ssyncadd.s32 $0xFFFFD800  }
0x57: {  	[bflag:$0x0] =	sbarrier.arrive $0xFFFF  }
0x58: {  	[tilespmem:s31], [sflag:$0x3] =	stream.linear.gather [hbm4b:s16+s4], $0x80, $0x38;
	[tilespmem:$0x1D100] =	vst v63  }
0x59: {  	_ =	swait.ge [sflag:s29], $0x80  }
0x5a: {  	[sflag:s29] =	ssyncset.done $0x0  }
0x5b: {  	[sflag:s29] =	ssyncadd.s32 $0xFFFFFF80  }
0x5c: {  	[tilespmem:s30], [sflag:$0x1] =	stream.indirect.gather [hbm4b:s1+s0], $0x80, s31, s0, $0xb8;
	[tilespmem:$0x1D100] =	vst v63  }
0x5d: {  	_ = 	snop  }
0x5e: {  	[tilespmem:s3], [sflag:$0x3] =	stream.linear.gather [hbm4b:s26+s4], $0x80, $0x38;
	[tilespmem:$0x1D100] =	vst v63  }
0x5f: {  	_ =	swait.ge [sflag:s29], $0x80  }
0x60: {  	[sflag:s29] =	ssyncset.done $0x0  }
0x61: {  	[sflag:s29] =	ssyncadd.s32 $0xFFFFFF80  }
0x62: {  	[tilespmem:s6], [sflag:$0x2] =	stream.indirect.gather [hbm4b:s1+s0], $0x80, s3, s0, $0xb8;
	[tilespmem:$0x1D100] =	vst v63  }
0x63: {  	s13 =	simm.s32 $0x100;
	_ =	swait.ge [sflag:s7], $0x2800  }
0x64: {  	s11 =	simm.s32 $0x0;
	s12 =	sand.u32 $0x7C00, s13;
	[sflag:s7] =	ssyncset.done $0x0  }
0x65: {  	s10 =	sand.u32 $0x300, s13;
	s12 =	sadd.s32 s5, s12;
	[sflag:s7] =	ssyncadd.s32 $0xFFFFD800  }
0x66: {  	[spmem:s2] =	stream.indirect.scatter.add.f32 [tilespmem:s30], [sflag:$0x3], $0x80, s11, s0, $0xb8;
	[tilespmem:$0x1D100] =	vst v63  }
0x67: {  	s10 =	sor.u32 s10, s12;
	_ =	swait.ge [sflag:s29], $0x2800  }
0x68: {  	s10 =	sshrl.u32 s10, $0x3;
	[sflag:s29] =	ssyncset.done $0x0  }
0x69: {  	s10 =	sadd.s32 s14, s10;
	[sflag:s29] =	ssyncadd.s32 $0xFFFFD800  }
0x6a: {  	[tilespmem:s31], [sflag:$0x3] =	stream.linear.gather [hbm4b:s10+s4], $0x80, $0x38;
	[tilespmem:$0x1D100] =	vst v63  }
0x6b: {  	_ =	swait.ge [sflag:s29], $0x80  }
0x6c: {  	[sflag:s29] =	ssyncset.done $0x0  }
0x6d: {  	s15 =	simm.s32 $0x180;
	[sflag:s29] =	ssyncadd.s32 $0xFFFFFF80  }
0x6e: {  	[tilespmem:s30], [sflag:$0x1] =	stream.indirect.gather [hbm4b:s1+s0], $0x80, s31, s0, $0xb8;
	[tilespmem:$0x1D100] =	vst v63  }
0x6f: {  	s18 =	sand.u32 $0x7C00, s15;
	_ =	swait.ge [sflag:s8], $0x2800  }
0x70: {  	s12 =	sadd.s32 s5, s18;
	[sflag:s8] =	ssyncset.done $0x0  }
0x71: {  	s11 =	sand.u32 $0x380, s15;
	s10 =	simm.s32 $0x80;
	[sflag:s8] =	ssyncadd.s32 $0xFFFFD800  }
0x72: {  	[spmem:s2] =	stream.indirect.scatter.add.f32 [tilespmem:s6], [sflag:$0x3], $0x80, s10, s0, $0xb8;
	[tilespmem:$0x1D100] =	vst v63  }
0x73: {  	s11 =	sor.u32 s11, s12;
	_ =	swait.ge [sflag:s29], $0x2800  }
0x74: {  	s11 =	sshrl.u32 s11, $0x3;
	[sflag:s29] =	ssyncset.done $0x0  }
0x75: {  	s11 =	sadd.s32 s14, s11;
	[sflag:s29] =	ssyncadd.s32 $0xFFFFD800  }
0x76: {  	[tilespmem:s3], [sflag:$0x3] =	stream.linear.gather [hbm4b:s11+s4], $0x80, $0x38;
	[tilespmem:$0x1D100] =	vst v63  }
0x77: {  	_ =	swait.ge [sflag:s29], $0x80  }
0x78: {  	s11 =	simm.s32 $0x280;
	[sflag:s29] =	ssyncset.done $0x0  }
.LBB2_4:
0x79: {  	p0 =	sne.s32 s11, $0x3D80  }
0x7a: {  	[sflag:s29] =	ssyncadd.s32 $0xFFFFFF80;
	s10 =	sadd.s32 $0x100, s10;
	s12 =	smov.u32 s11  }
0x7b: {  	[tilespmem:s6], [sflag:$0x2] =	stream.indirect.gather [hbm4b:s1+s0], $0x80, s3, s0, $0xb8;
	[tilespmem:$0x1D100] =	vst v63  }
0x7c: {  	s15 =	sadd.s32 $0xFFFFFF80, s11;
	s13 =	sadd.s32 $0xFFFFFF80, s10;
	_ =	swait.ge [sflag:s7], $0x2800  }
0x7d: {  	s18 =	sand.u32 $0x7C00, s15;
	s15 =	sand.u32 $0x300, s15;
	[sflag:s7] =	ssyncset.done $0x0  }
0x7e: {  	s11 =	sadd.s32 $0x100, s11;
	s18 =	sadd.s32 s5, s18;
	[sflag:s7] =	ssyncadd.s32 $0xFFFFD800  }
0x7f: {  	[spmem:s2] =	stream.indirect.scatter.add.f32 [tilespmem:s30], [sflag:$0x3], $0x80, s13, s0, $0xb8;
	[tilespmem:$0x1D100] =	vst v63  }
0x80: {  	s13 =	sor.u32 s15, s18;
	_ =	swait.ge [sflag:s29], $0x2800  }
0x81: {  	s13 =	sshrl.u32 s13, $0x3;
	[sflag:s29] =	ssyncset.done $0x0  }
0x82: {  	s13 =	sadd.s32 s14, s13;
	[sflag:s29] =	ssyncadd.s32 $0xFFFFD800  }
0x83: {  	[tilespmem:s31], [sflag:$0x3] =	stream.linear.gather [hbm4b:s13+s4], $0x80, $0x38;
	[tilespmem:$0x1D100] =	vst v63  }
0x84: {  	_ =	swait.ge [sflag:s29], $0x80  }
0x85: {  	[sflag:s29] =	ssyncset.done $0x0  }
0x86: {  	[sflag:s29] =	ssyncadd.s32 $0xFFFFFF80  }
0x87: {  	[tilespmem:s30], [sflag:$0x1] =	stream.indirect.gather [hbm4b:s1+s0], $0x80, s31, s0, $0xb8;
	[tilespmem:$0x1D100] =	vst v63  }
0x88: {  	_ =	swait.ge [sflag:s8], $0x2800  }
0x89: {  	s13 =	sand.u32 $0x7C00, s12;
	[sflag:s8] =	ssyncset.done $0x0  }
0x8a: {  	s12 =	sand.u32 $0x380, s12;
	s13 =	sadd.s32 s5, s13;
	[sflag:s8] =	ssyncadd.s32 $0xFFFFD800  }
0x8b: {  	[spmem:s2] =	stream.indirect.scatter.add.f32 [tilespmem:s6], [sflag:$0x3], $0x80, s10, s0, $0xb8;
	[tilespmem:$0x1D100] =	vst v63  }
0x8c: {  	s12 =	sor.u32 s12, s13;
	_ =	swait.ge [sflag:s29], $0x2800  }
.Ltmp1:
0x8d: {  	s12 =	sshrl.u32 s12, $0x3;
	[sflag:s29] =	ssyncset.done $0x0;
	(pc) =	sbr.rel @p0 .LBB2_4-.Ltmp1, $4  }
0x8e: {  	s12 =	sadd.s32 s14, s12;
	[sflag:s29] =	ssyncadd.s32 $0xFFFFD800  }
0x8f: {  	[tilespmem:s3], [sflag:$0x3] =	stream.linear.gather [hbm4b:s12+s4], $0x80, $0x38;
	[tilespmem:$0x1D100] =	vst v63  }
0x90: {  	_ =	swait.ge [sflag:s29], $0x80  }
0x91: {  	[sflag:s29] =	ssyncset.done $0x0  }
0x92: {  	[sflag:s29] =	ssyncadd.s32 $0xFFFFFF80  }
0x93: {  	[tilespmem:s6], [sflag:$0x2] =	stream.indirect.gather [hbm4b:s1+s0], $0x80, s3, s0, $0xb8;
	[tilespmem:$0x1D100] =	vst v63  }
0x94: {  	_ =	swait.ge [sflag:s7], $0x2800  }
0x95: {  	[sflag:s7] =	ssyncset.done $0x0  }
0x96: {  	s10 =	simm.s32 $0x3D00;
	[sflag:s7] =	ssyncadd.s32 $0xFFFFD800  }
0x97: {  	[spmem:s2] =	stream.indirect.scatter.add.f32 [tilespmem:s30], [sflag:$0x3], $0x80, s10, s0, $0xb8;
	[tilespmem:$0x1D100] =	vst v63  }
0x98: {  	_ =	swait.ge [sflag:s29], $0x2800  }
0x99: {  	[sflag:s29] =	ssyncset.done $0x0  }
0x9a: {  	[sflag:s29] =	ssyncadd.s32 $0xFFFFD800  }
0x9b: {  	[tilespmem:s31], [sflag:$0x3] =	stream.linear.gather [hbm4b:s28+s4], $0x80, $0x38;
	[tilespmem:$0x1D100] =	vst v63  }
0x9c: {  	_ =	swait.ge [sflag:s29], $0x80  }
0x9d: {  	[sflag:s29] =	ssyncset.done $0x0  }
0x9e: {  	[sflag:s29] =	ssyncadd.s32 $0xFFFFFF80  }
0x9f: {  	[tilespmem:s30], [sflag:$0x1] =	stream.indirect.gather [hbm4b:s1+s0], $0x80, s31, s0, $0xb8;
	[tilespmem:$0x1D100] =	vst v63  }
0xa0: {  	_ =	swait.ge [sflag:s8], $0x2800  }
0xa1: {  	[sflag:s8] =	ssyncset.done $0x0  }
0xa2: {  	s18 =	simm.s32 $0x3D80;
	[sflag:s8] =	ssyncadd.s32 $0xFFFFD800  }
0xa3: {  	[spmem:s2] =	stream.indirect.scatter.add.f32 [tilespmem:s6], [sflag:$0x3], $0x80, s18, s0, $0xb8;
	[tilespmem:$0x1D100] =	vst v63  }
0xa4: {  	_ =	swait.ge [sflag:s29], $0x2800  }
0xa5: {  	[sflag:s29] =	ssyncset.done $0x0  }
0xa6: {  	[sflag:s29] =	ssyncadd.s32 $0xFFFFD800  }
0xa7: {  	_ =	swait.ge [sflag:s7], $0x2800  }
0xa8: {  	[sflag:s7] =	ssyncset.done $0x0  }
0xa9: {  	s11 =	simm.s32 $0x3E00;
	[sflag:s7] =	ssyncadd.s32 $0xFFFFD800  }
0xaa: {  	[spmem:s2] =	stream.indirect.scatter.add.f32 [tilespmem:s30], [sflag:$0x3], $0x80, s11, s0, $0xb8;
	[tilespmem:$0x1D100] =	vst v63  }
0xab: {  	_ =	swait.ge [sflag:s29], $0x2800  }
0xac: {  	[sflag:s29] =	ssyncset.done $0x0  }
0xad: {  	[sflag:s29] =	ssyncadd.s32 $0xFFFFD800  }
0xae: {  	[bflag:$0x0] =	sbarrier.arrive $0xFFFF  }
0xaf: {  	[tilespmem:s30], [sflag:$0x3] =	stream.linear.gather [spmem:s17], $0x2800, $0x38;
	[tilespmem:$0x1D100] =	vst v63  }
0xb0: {  	_ =	swait.ge [sflag:s29], $0x2800  }
0xb1: {  	[sflag:s29] =	ssyncset.done $0x0  }
0xb2: {  	s12 =	rddreg [dreg:$0x4];
	[sflag:s29] =	ssyncadd.s32 $0xFFFFD800  }
0xb3: {  	[hbm4b:s12+s4] =	stream.linear.scatter [tilespmem:s30], [sflag:$0x3], $0x2800, $0x38;
	[tilespmem:$0x1D100] =	vst v63  }
0xb4: {  	_ =	swait.ge [sflag:s29], $0x2800  }
0xb5: {  	[sflag:s29] =	ssyncset.done $0x0  }
0xb6: {  	[sflag:s29] =	ssyncadd.s32 $0xFFFFD800  }
0xb7: {  	[tilespmem:s30], [sflag:$0x3] =	stream.linear.gather [spmem:s19], $0x2800, $0x38;
	[tilespmem:$0x1D100] =	vst v63  }
0xb8: {  	_ =	swait.ge [sflag:s29], $0x2800  }
0xb9: {  	[sflag:s29] =	ssyncset.done $0x0  }
0xba: {  	s13 =	rddreg [dreg:$0x5];
	[sflag:s29] =	ssyncadd.s32 $0xFFFFD800  }
0xbb: {  	[hbm4b:s13+s4] =	stream.linear.scatter [tilespmem:s30], [sflag:$0x3], $0x2800, $0x38;
	[tilespmem:$0x1D100] =	vst v63  }
0xbc: {  	_ =	swait.ge [sflag:s29], $0x2800  }
0xbd: {  	[sflag:s29] =	ssyncset.done $0x0  }
0xbe: {  	[sflag:s29] =	ssyncadd.s32 $0xFFFFD800  }
0xbf: {  	[tilespmem:s30], [sflag:$0x3] =	stream.linear.gather [spmem:s20], $0x2800, $0x38;
	[tilespmem:$0x1D100] =	vst v63  }
0xc0: {  	_ =	swait.ge [sflag:s29], $0x2800  }
0xc1: {  	[sflag:s29] =	ssyncset.done $0x0  }
0xc2: {  	s15 =	rddreg [dreg:$0x6];
	[sflag:s29] =	ssyncadd.s32 $0xFFFFD800  }
0xc3: {  	[hbm4b:s15+s4] =	stream.linear.scatter [tilespmem:s30], [sflag:$0x3], $0x2800, $0x38;
	[tilespmem:$0x1D100] =	vst v63  }
0xc4: {  	_ =	swait.ge [sflag:s29], $0x2800  }
0xc5: {  	[sflag:s29] =	ssyncset.done $0x0  }
0xc6: {  	[sflag:s29] =	ssyncadd.s32 $0xFFFFD800  }
0xc7: {  	[tilespmem:s30], [sflag:$0x3] =	stream.linear.gather [spmem:s21], $0x2800, $0x38;
	[tilespmem:$0x1D100] =	vst v63  }
0xc8: {  	_ =	swait.ge [sflag:s29], $0x2800  }
0xc9: {  	[sflag:s29] =	ssyncset.done $0x0  }
0xca: {  	s18 =	rddreg [dreg:$0x7];
	[sflag:s29] =	ssyncadd.s32 $0xFFFFD800  }
0xcb: {  	[hbm4b:s18+s4] =	stream.linear.scatter [tilespmem:s30], [sflag:$0x3], $0x2800, $0x38;
	[tilespmem:$0x1D100] =	vst v63  }
0xcc: {  	_ =	swait.ge [sflag:s29], $0x2800  }
0xcd: {  	[sflag:s29] =	ssyncset.done $0x0  }
0xce: {  	[sflag:s29] =	ssyncadd.s32 $0xFFFFD800  }
0xcf: {  	[tilespmem:s30], [sflag:$0x3] =	stream.linear.gather [spmem:s22], $0x2800, $0x38;
	[tilespmem:$0x1D100] =	vst v63  }
0xd0: {  	_ =	swait.ge [sflag:s29], $0x2800  }
0xd1: {  	[sflag:s29] =	ssyncset.done $0x0  }
0xd2: {  	s11 =	rddreg [dreg:$0x8];
	[sflag:s29] =	ssyncadd.s32 $0xFFFFD800  }
0xd3: {  	[hbm4b:s11+s4] =	stream.linear.scatter [tilespmem:s30], [sflag:$0x3], $0x2800, $0x38;
	[tilespmem:$0x1D100] =	vst v63  }
0xd4: {  	_ =	swait.ge [sflag:s29], $0x2800  }
0xd5: {  	[sflag:s29] =	ssyncset.done $0x0  }
0xd6: {  	[sflag:s29] =	ssyncadd.s32 $0xFFFFD800  }
0xd7: {  	[tilespmem:s30], [sflag:$0x3] =	stream.linear.gather [spmem:s23], $0x2800, $0x38;
	[tilespmem:$0x1D100] =	vst v63  }
0xd8: {  	_ =	swait.ge [sflag:s29], $0x2800  }
0xd9: {  	[sflag:s29] =	ssyncset.done $0x0  }
0xda: {  	s12 =	rddreg [dreg:$0x9];
	[sflag:s29] =	ssyncadd.s32 $0xFFFFD800  }
0xdb: {  	[hbm4b:s12+s4] =	stream.linear.scatter [tilespmem:s30], [sflag:$0x3], $0x2800, $0x38;
	[tilespmem:$0x1D100] =	vst v63  }
0xdc: {  	_ =	swait.ge [sflag:s29], $0x2800  }
0xdd: {  	[sflag:s29] =	ssyncset.done $0x0  }
0xde: {  	[sflag:s29] =	ssyncadd.s32 $0xFFFFD800  }
0xdf: {  	[tilespmem:s30], [sflag:$0x3] =	stream.linear.gather [spmem:s24], $0x2800, $0x38;
	[tilespmem:$0x1D100] =	vst v63  }
0xe0: {  	_ =	swait.ge [sflag:s29], $0x2800  }
0xe1: {  	[sflag:s29] =	ssyncset.done $0x0  }
0xe2: {  	s13 =	rddreg [dreg:$0xa];
	[sflag:s29] =	ssyncadd.s32 $0xFFFFD800  }
0xe3: {  	[hbm4b:s13+s4] =	stream.linear.scatter [tilespmem:s30], [sflag:$0x3], $0x2800, $0x38;
	[tilespmem:$0x1D100] =	vst v63  }
0xe4: {  	_ =	swait.ge [sflag:s29], $0x2800  }
0xe5: {  	[sflag:s29] =	ssyncset.done $0x0  }
0xe6: {  	[sflag:s29] =	ssyncadd.s32 $0xFFFFD800  }
0xe7: {  	[tilespmem:s30], [sflag:$0x3] =	stream.linear.gather [spmem:s25], $0x2800, $0x38;
	[tilespmem:$0x1D100] =	vst v63  }
0xe8: {  	_ =	swait.ge [sflag:s29], $0x2800  }
0xe9: {  	[sflag:s29] =	ssyncset.done $0x0  }
0xea: {  	s15 =	rddreg [dreg:$0xb];
	[sflag:s29] =	ssyncadd.s32 $0xFFFFD800  }
0xeb: {  	[hbm4b:s15+s4] =	stream.linear.scatter [tilespmem:s30], [sflag:$0x3], $0x2800, $0x38;
	[tilespmem:$0x1D100] =	vst v63  }
0xec: {  	_ =	swait.ge [sflag:s29], $0x2800  }
0xed: {  	s9 =	sadd.s32 $0x1, s9;
	s18 =	rddreg [dreg:$0xd]  }
0xee: {  	p0 =	sne.s32 s9, s18  }
.Ltmp2:
0xef: {  	_ = 	snop;
	(pc) =	sbr.rel @p0 .LBB2_1-.Ltmp2, $3  }
0xf0: {  	_ =	sdelay $0x1  }
0xf1: {  	[sflag:s29] =	ssyncset.done $0x0  }
0xf2: {  	[sflag:s29] =	ssyncadd.s32 $0xFFFFD800  }
0xf3: {  	_ =	sfence.sel $0x180000  }
0xf4: {  	[bflag:$0x0] =	sbarrier.arrive $0xFFFF  }
0xf5: {  	_ =	strace $0x90000050  }
0xf6: {  	s0 =	stileid.u32;
	[bflag:$0x2] =	sbarrier.arrive $0xFFFF  }
0xf7: {  	p0 =	sne.s32 s0, $0x0;
	s0 =	rddreg [dreg:$0x3]  }
0xf8: {  	s0 =	sadd.s32 @!p0 $0x100000, s0  }
0xf9: {  	[sflag:s0] =	ssyncadd.tile.s32 @!p0 $0x1;
	_ =	shalt  }
.Lfunc_end2:
_tile_overlayer_lowered:
.L_overlay_start_2:
0xfa: {  	(tag) =	ssettag $0x2  }
0xfb: {  	s0 =	rddreg [dreg:$0x0];
	s2 =	stileid.u32  }
0xfc: {  	s1 =	rddreg [dreg:$0x1];
	p0 =	sne.s32 s2, $0x0  }
0xfd: {  	s3 =	rddreg [dreg:$0x2];
	[bflag:$0x3] =	sbarrier.arrive $0xFFFF;
	s2 =	simm.s32 @!p0 $0x1C03  }
0xfe: {  	[timem:s3], [sflag:s2] =	dma.local @!p0 [hbm:s0], s1  }
0xff: {  	s0 =	simm.s32 @!p0 $0x3  }
0x100: {  	_ =	swait.ge @!p0 [sflag:s0], s1  }
0x101: {  	s1 =	ssub.s32 @!p0 $0x0, s1;
	[sflag:s0] =	ssyncset.done @!p0 $0x0  }
0x102: {  	[sflag:s0] =	ssyncadd.s32 @!p0 s1  }
0x103: {  	[bflag:$0x3] =	sbarrier.arrive $0xFFFF  }
0x104: {  	_ =	shalt  }

</sc_bundles>
